<compile_context>
chip_gen: v7x
topology: tpu7x:2x2x1
jax: 0.10.2.dev20260603
libtpu: 0.0.44.dev20260713+nightly
codegen_flags: <defaults>
</compile_context>

<pallas_src>
import functools
import math

import jax
import jax.numpy as jnp
from jax import lax
from jax.experimental import pallas as pl
from jax.experimental.pallas import tpu as pltpu
from jax.experimental.pallas import tpu_sc as plsc

N0 = 10000
D_IN = 128
HID = 128
OUT = 10
NUM_LAYERS = 3
RATIO = 0.5
START_K = 6
K_INC = 2

_KNN_R = 128


_NTILES = 32
_NSUB = 16


def _sc_edge_agg_body(table, src, dst, zer, out,
                      srcb0, srcb1, dstb0, dstb1, rows0, rows1, acc,
                      si0, si1, sd0, sd1, sg0, sg1, ss0, ss1,
                      *, n_pad, e_tile, c_sz, w):
    cc = lax.axis_index("c")
    ss = lax.axis_index("s")
    wid = ss * 2 + cc
    ebase = wid * e_tile
    g_cnt = e_tile // c_sz
    nrows = n_pad // _NSUB
    srcb_ = (srcb0, srcb1)
    dstb_ = (dstb0, dstb1)
    rows_ = (rows0, rows1)
    si_ = (si0, si1)
    sd_ = (sd0, sd1)
    sg_ = (sg0, sg1)
    ss_ = (ss0, ss1)

    pltpu.sync_copy(zer, acc.at[pl.ds(ss * nrows, nrows)])
    plsc.subcore_barrier()

    def issue_idx(g, par):
        pltpu.async_copy(src.at[pl.ds(ebase + g * c_sz, c_sz)], srcb_[par], si_[par])
        pltpu.async_copy(dst.at[pl.ds(ebase + g * c_sz, c_sz)], dstb_[par], sd_[par])

    def wait_idx(par):
        pltpu.make_async_copy(src.at[pl.ds(0, c_sz)], srcb_[par], si_[par]).wait()
        pltpu.make_async_copy(dst.at[pl.ds(0, c_sz)], dstb_[par], sd_[par]).wait()

    issue_idx(0, 0)
    if g_cnt > 1:
        issue_idx(1, 1)
    g_even = g_cnt - (g_cnt % 2)

    @pl.loop(0, g_even, step=2)
    def _(g):
        for par in (0, 1):
            gg = g + par
            wait_idx(par)
            pltpu.sync_copy(table.at[srcb_[par]], rows_[par])
            pltpu.sync_copy(rows_[par], acc.at[dstb_[par]], add=True)

            @pl.when(gg + 2 < g_cnt)
            def _():
                issue_idx(gg + 2, par)

    if g_cnt % 2:
        wait_idx(0)
        pltpu.sync_copy(table.at[srcb_[0]], rows_[0])
        pltpu.sync_copy(rows_[0], acc.at[dstb_[0]], add=True)

    plsc.subcore_barrier()
    pltpu.sync_copy(acc.at[pl.ds(ss * nrows, nrows)],
                    out.at[pl.ds(cc * n_pad + ss * nrows, nrows)])


def _sc_edge_agg(table, src, dst, *, c_sz):
    n, w = table.shape
    n_pad = ((n + 8 * _NSUB - 1) // (8 * _NSUB)) * (8 * _NSUB)
    e = src.shape[0]
    e_tile = e // _NTILES
    mesh = plsc.VectorSubcoreMesh(core_axis_name="c", subcore_axis_name="s")
    zer = jnp.zeros((n_pad // _NSUB, w), jnp.float32)
    body = functools.partial(_sc_edge_agg_body, n_pad=n_pad, e_tile=e_tile,
                             c_sz=c_sz, w=w)
    return pl.kernel(
        body,
        out_type=jax.ShapeDtypeStruct((2 * n_pad, w), jnp.float32),
        mesh=mesh,
        compiler_params=pltpu.CompilerParams(use_tc_tiling_on_sc=False),
        scratch_types=[
            pltpu.VMEM((c_sz,), jnp.int32), pltpu.VMEM((c_sz,), jnp.int32),
            pltpu.VMEM((c_sz,), jnp.int32), pltpu.VMEM((c_sz,), jnp.int32),
            pltpu.VMEM((c_sz, w), jnp.float32), pltpu.VMEM((c_sz, w), jnp.float32),
            pltpu.VMEM_SHARED((n_pad, w), jnp.float32),
        ] + [pltpu.SemaphoreType.DMA] * 8,
    )(table, src, dst, zer), n_pad



def _knn_body(posT_blk_ref, posT_all_ref, out_ref, *, k, n_valid, n_pad):
    blk = pl.program_id(0)
    pr = posT_blk_ref[...]
    pa = posT_all_ref[...]
    sqr = jnp.sum(pr * pr, axis=0)
    sqc = jnp.sum(pa * pa, axis=0, keepdims=True)
    dots = jax.lax.dot_general(pr, pa, (((0,), (0,)), ((), ())),
                               preferred_element_type=jnp.float32)
    d2 = sqr[:, None] + sqc - 2.0 * dots
    col = jax.lax.broadcasted_iota(jnp.int32, (_KNN_R, n_pad), 1)
    row = jax.lax.broadcasted_iota(jnp.int32, (_KNN_R, n_pad), 0) + blk * _KNN_R
    inf = jnp.float32(jnp.inf)
    d2 = jnp.where((col >= n_valid) | (col == row), inf, d2)
    outs = []
    for _ in range(k):
        m = jnp.min(d2, axis=1, keepdims=True)
        idx = jnp.min(jnp.where(d2 == m, col, jnp.int32(2 * n_pad)),
                      axis=1, keepdims=True)
        outs.append(idx)
        d2 = jnp.where(col == idx, inf, d2)
    out = jnp.concatenate(outs + [jnp.zeros((_KNN_R, 128 - k), jnp.int32)], axis=1)
    out_ref[...] = out


def _knn_pallas(pos, k, n_valid):
    n_pad = ((n_valid + _KNN_R - 1) // _KNN_R) * _KNN_R
    posT = jnp.zeros((8, n_pad), jnp.float32).at[:3, :n_valid].set(pos.T)
    grid = (n_pad // _KNN_R,)
    out = pl.pallas_call(
        functools.partial(_knn_body, k=k, n_valid=n_valid, n_pad=n_pad),
        grid=grid,
        in_specs=[
            pl.BlockSpec((8, _KNN_R), lambda i: (0, i)),
            pl.BlockSpec((8, n_pad), lambda i: (0, 0)),
        ],
        out_specs=pl.BlockSpec((_KNN_R, 128), lambda i: (i, 0)),
        out_shape=jax.ShapeDtypeStruct((n_pad, 128), jnp.int32),
    )(posT, posT)
    return out[:n_valid, :k]



def _mlp_kernel(xs_ref, w1_ref, b1_ref, w2_ref, b2_ref, o_ref):
    xs = xs_ref[...]
    h = jnp.maximum(jax.lax.dot_general(xs, w1_ref[...],
                                        (((1,), (1,)), ((), ()))) + b1_ref[...], 0.0)
    o_ref[...] = jax.lax.dot_general(h, w2_ref[...], (((1,), (1,)), ((), ()))) + b2_ref[...]


def _final_mlp(xs_cat, lin1_W, lin1_b, lin2_W, lin2_b):
    xs_pad = jnp.zeros((8, HID * NUM_LAYERS), jnp.float32).at[0].set(xs_cat)
    out = pl.pallas_call(
        _mlp_kernel,
        out_shape=jax.ShapeDtypeStruct((8, OUT), jnp.float32),
    )(xs_pad, lin1_W, lin1_b[None, :], lin2_W, lin2_b[None, :])
    return out[:1]



def _graph_conv_vec_xla(x, src, dst, n):
    msg = jnp.take(x, src, axis=0)
    ssum = jax.ops.segment_sum(msg, dst, num_segments=n)
    cnt = jax.ops.segment_sum(jnp.ones((src.shape[0],), x.dtype), dst, num_segments=n)
    return ssum / jnp.maximum(cnt, 1.0)[:, None], cnt


def _scalar_mean_xla(r, src, dst, cnt, n):
    rsum = jax.ops.segment_sum(jnp.take(r, src), dst, num_segments=n)
    return rsum / jnp.maximum(cnt, 1.0)


def kernel(x, pos, edge_index, edge_attr, batch,
           conv_W_rel, conv_W_root, conv_b,
           pool_W_rel, pool_W_root, pool_b,
           lin1_W, lin1_b, lin2_W, lin2_b):
    src, dst = edge_index[0], edge_index[1]
    n = x.shape[0]
    xs = []
    c_sz = 80
    for i in range(NUM_LAYERS):
        x_aug = jnp.concatenate(
            [x, jnp.ones((n, 1), jnp.float32), jnp.zeros((n, 7), jnp.float32)],
            axis=1)
        part, npd = _sc_edge_agg(x_aug, src, dst, c_sz=c_sz)
        tot = part[:n] + part[npd:npd + n]
        cnt = tot[:, 128]
        agg = tot[:, :D_IN] / jnp.maximum(cnt, 1.0)[:, None]
        x = jax.nn.relu(agg @ conv_W_rel[i].T + conv_b[i] + x @ conv_W_root[i].T)
        r = x @ pool_W_rel[i][0]
        t = x @ pool_W_root[i][0]
        r_aug = jnp.concatenate(
            [r[:, None], jnp.zeros((n, 15), jnp.float32)], axis=1)
        part_r, npd = _sc_edge_agg(r_aug, src, dst, c_sz=c_sz)
        rmean = (part_r[:n, 0] + part_r[npd:npd + n, 0]) / jnp.maximum(cnt, 1.0)
        score = rmean + pool_b[i][0] + t
        kpool = int(math.ceil(RATIO * n))
        top_score, perm = jax.lax.top_k(score, kpool)
        x = jnp.take(x, perm, axis=0) * jnp.tanh(top_score)[:, None]
        pos = jnp.take(pos, perm, axis=0)
        xs.append(jnp.max(x, axis=0, keepdims=True))
        n = kpool
        if i + 1 < NUM_LAYERS:
            k = START_K + K_INC * i
            nbr = _knn_pallas(pos, k, n)
            src = nbr.reshape(-1)
            dst = jnp.repeat(jnp.arange(n, dtype=jnp.int32), k)
            e = n * k
            epad = ((e + 32 * c_sz - 1) // (32 * c_sz)) * (32 * c_sz)
            src = jnp.concatenate([src, jnp.zeros((epad - e,), jnp.int32)])
            dst = jnp.concatenate([dst, jnp.full((epad - e,), n, jnp.int32)])
    xs_cat = jnp.concatenate(xs, axis=1)[0]
    return _final_mlp(xs_cat, lin1_W, lin1_b, lin2_W, lin2_b)

# --- scband reference (transcript-rebuilt; emitter-appended) ---
"""Pipeline reference for scband-sagclassifer-79843442033168 (READ-ONLY COPY).

The authoritative reference and input builder live on the scoring server;
editing this copy changes nothing except your own understanding.
"""

import jax, jax.numpy as jnp
import numpy as np
import math

N0 = 10000
E0 = 320000
D_IN = 128
HID = 128
OUT = 10
NUM_LAYERS = 3
RATIO = 0.5
START_K = 6
K_INC = 2


def setup_inputs(seed: int = 0) -> dict:
    key = jax.random.key(seed)
    ks = jax.random.split(key, 16)
    x = jax.random.normal(ks[0], (N0, D_IN), dtype=jnp.float32)
    pos = jax.random.normal(ks[1], (N0, 3), dtype=jnp.float32)
    edge_index = jax.random.randint(ks[2], (2, E0), 0, N0, dtype=jnp.int32)
    edge_attr = jax.random.normal(ks[3], (E0, 4), dtype=jnp.float32)
    batch = jnp.zeros((N0,), dtype=jnp.int32)
    s = 1.0 / np.sqrt(HID)
    conv_W_rel = jax.random.uniform(ks[4], (NUM_LAYERS, HID, D_IN), minval=-s, maxval=s, dtype=jnp.float32)
    conv_W_root = jax.random.uniform(ks[5], (NUM_LAYERS, HID, D_IN), minval=-s, maxval=s, dtype=jnp.float32)
    conv_b = jax.random.uniform(ks[6], (NUM_LAYERS, HID), minval=-s, maxval=s, dtype=jnp.float32)
    pool_W_rel = jax.random.uniform(ks[7], (NUM_LAYERS, 1, HID), minval=-s, maxval=s, dtype=jnp.float32)
    pool_W_root = jax.random.uniform(ks[8], (NUM_LAYERS, 1, HID), minval=-s, maxval=s, dtype=jnp.float32)
    pool_b = jax.random.uniform(ks[9], (NUM_LAYERS, 1), minval=-s, maxval=s, dtype=jnp.float32)
    s1 = 1.0 / np.sqrt(HID * NUM_LAYERS)
    lin1_W = jax.random.uniform(ks[10], (HID, HID * NUM_LAYERS), minval=-s1, maxval=s1, dtype=jnp.float32)
    lin1_b = jax.random.uniform(ks[11], (HID,), minval=-s1, maxval=s1, dtype=jnp.float32)
    lin2_W = jax.random.uniform(ks[12], (OUT, HID), minval=-s, maxval=s, dtype=jnp.float32)
    lin2_b = jax.random.uniform(ks[13], (OUT,), minval=-s, maxval=s, dtype=jnp.float32)
    return {"x": x, "pos": pos, "edge_index": edge_index, "edge_attr": edge_attr, "batch": batch,
            "conv_W_rel": conv_W_rel, "conv_W_root": conv_W_root, "conv_b": conv_b,
            "pool_W_rel": pool_W_rel, "pool_W_root": pool_W_root, "pool_b": pool_b,
            "lin1_W": lin1_W, "lin1_b": lin1_b, "lin2_W": lin2_W, "lin2_b": lin2_b}


def _graph_conv(x, src, dst, W_rel, b_rel, W_root, n):
    # PyG GraphConv with aggr='mean': out = lin_rel(mean_j x_j) + lin_root(x)
    msg = jnp.take(x, src, axis=0)
    ssum = jax.ops.segment_sum(msg, dst, num_segments=n)
    cnt = jax.ops.segment_sum(jnp.ones((src.shape[0],), x.dtype), dst, num_segments=n)
    agg = ssum / jnp.maximum(cnt, 1.0)[:, None]
    return agg @ W_rel.T + b_rel + x @ W_root.T


def _knn_edges(pos, k):
    p = jax.lax.stop_gradient(pos)
    n = p.shape[0]
    sq = jnp.sum(p * p, axis=1)
    d2 = sq[:, None] + sq[None, :] - 2.0 * (p @ p.T)
    d2 = d2.at[jnp.arange(n), jnp.arange(n)].set(jnp.inf)
    nbr = jax.lax.top_k(-d2, k)[1]
    src = nbr.reshape(-1).astype(jnp.int32)
    dst = jnp.repeat(jnp.arange(n, dtype=jnp.int32), k)
    return src, dst


def reference(x, pos, edge_index, edge_attr, batch,
              conv_W_rel, conv_W_root, conv_b,
              pool_W_rel, pool_W_root, pool_b,
              lin1_W, lin1_b, lin2_W, lin2_b):
    src, dst = edge_index[0], edge_index[1]
    n = x.shape[0]
    xs = []
    for i in range(NUM_LAYERS):
        x = jax.nn.relu(_graph_conv(x, src, dst, conv_W_rel[i], conv_b[i], conv_W_root[i], n))
        # SAGPooling: score from a 1-channel GraphConv, top-k by ratio, gate with tanh
        score = _graph_conv(x, src, dst, pool_W_rel[i], pool_b[i], pool_W_root[i], n)[:, 0]
        kpool = int(math.ceil(RATIO * n))
        top_score, perm = jax.lax.top_k(score, kpool)
        x = jnp.take(x, perm, axis=0) * jnp.tanh(top_score)[:, None]
        batch = jnp.take(batch, perm)
        pos = jnp.take(pos, perm, axis=0)
        xs.append(jax.ops.segment_max(x, batch, num_segments=1))
        n = kpool
        # KnnEdges(start_k=6, k_increment=2): rebuild edges by knn on pooled pos
        src, dst = _knn_edges(pos, START_K + K_INC * i)
    x = jnp.concatenate(xs, axis=1)  # JumpingKnowledge(mode='cat')
    x = jax.nn.relu(x @ lin1_W.T + lin1_b)
    # dropout: identity in eval mode
    x = x @ lin2_W.T + lin2_b
    return x

if __name__ == "__main__":
    import jax
    _d = setup_inputs()
    print(jax.jit(kernel)(*tuple(_d.values())))

</pallas_src>

<mosaic_0001>
#map = affine_map<(d0, d1) -> (0, 0)>
#map1 = affine_map<(d0, d1) -> (0)>
module attributes {stable_mosaic.version = 14 : i64} {
  func.func @_sc_edge_agg_body(%arg0: i32, %arg1: i32, %arg2: memref<10000x136xf32, #tpu.memory_space<hbm>>, %arg3: memref<320000xi32, #tpu.memory_space<hbm>>, %arg4: memref<320000xi32, #tpu.memory_space<hbm>>, %arg5: memref<632x136xf32, #tpu.memory_space<hbm>>, %arg6: memref<20224x136xf32, #tpu.memory_space<hbm>>, %arg7: memref<80xi32, #tpu.memory_space<vmem>>, %arg8: memref<80xi32, #tpu.memory_space<vmem>>, %arg9: memref<80xi32, #tpu.memory_space<vmem>>, %arg10: memref<80xi32, #tpu.memory_space<vmem>>, %arg11: memref<80x136xf32, #tpu.memory_space<vmem>>, %arg12: memref<80x136xf32, #tpu.memory_space<vmem>>, %arg13: memref<10112x136xf32, #tpu.memory_space<vmem_shared>>, %arg14: memref<!tpu.dma_semaphore, #tpu.memory_space<semaphore_mem>>, %arg15: memref<!tpu.dma_semaphore, #tpu.memory_space<semaphore_mem>>, %arg16: memref<!tpu.dma_semaphore, #tpu.memory_space<semaphore_mem>>, %arg17: memref<!tpu.dma_semaphore, #tpu.memory_space<semaphore_mem>>, %arg18: memref<!tpu.dma_semaphore, #tpu.memory_space<semaphore_mem>>, %arg19: memref<!tpu.dma_semaphore, #tpu.memory_space<semaphore_mem>>, %arg20: memref<!tpu.dma_semaphore, #tpu.memory_space<semaphore_mem>>, %arg21: memref<!tpu.dma_semaphore, #tpu.memory_space<semaphore_mem>>) attributes {dimension_semantics = [#tpu.dimension_semantics<core_parallel>, #tpu.dimension_semantics<subcore_parallel>], iteration_bounds = array<i64: 2, 16>, scalar_prefetch = 0 : i64, scratch_operands = 15 : i64, tpu.core_type = #tpu.core_type<sc_vector_subcore>, window_params = [{transform_indices = #map}, {transform_indices = #map1}, {transform_indices = #map1}, {transform_indices = #map}, {transform_indices = #map}]} {
    %mul3A = arith.constant 2 : i32
    %mul3A_0 = arith.muli %arg1, %mul3A : i32
    %add3A = arith.addi %mul3A_0, %arg0 : i32
    %mul3A_1 = arith.constant 10000 : i32
    %mul3A_2 = arith.muli %add3A, %mul3A_1 : i32
    %mul3A_3 = arith.constant 632 : i32
    %mul3A_4 = arith.muli %arg1, %mul3A_3 : i32
    "tpu.region"() ({
      %run_scoped3A = tpu.sem_alloc : memref<!tpu.dma_semaphore, #tpu.memory_space<semaphore_mem>>
      %dma_start3A_39 = arith.constant 0 : i32
      %dma_start3A_40 = tpu.memref_slice %arg13[%mul3A_4, %dma_start3A_39] : memref<10112x136xf32, #tpu.memory_space<vmem_shared>> -> memref<632x136xf32, #tpu.memory_space<vmem_shared>>
      tpu.enqueue_dma source(%arg5 : memref<632x136xf32, #tpu.memory_space<hbm>>) target(%dma_start3A_40 : memref<632x136xf32, #tpu.memory_space<vmem_shared>>) target_semaphore(%run_scoped3A : memref<!tpu.dma_semaphore, #tpu.memory_space<semaphore_mem>>)
      %dma_wait3A_41 = arith.constant 0 : i32
      %dma_wait3A_42 = tpu.memref_slice %arg13[%mul3A_4, %dma_wait3A_41] : memref<10112x136xf32, #tpu.memory_space<vmem_shared>> -> memref<632x136xf32, #tpu.memory_space<vmem_shared>>
      tpu.wait_dma2 semaphore(%run_scoped3A : memref<!tpu.dma_semaphore, #tpu.memory_space<semaphore_mem>>) src(%arg5 : memref<632x136xf32, #tpu.memory_space<hbm>>) dst(%dma_wait3A_42 : memref<632x136xf32, #tpu.memory_space<vmem_shared>>)
      tpu.yield
    }) : () -> ()
    %barrier3A = arith.constant 0 : index
    tpu.barrier barrier_id(%barrier3A)
    %add3A_5 = arith.constant 0 : i32
    %add3A_6 = arith.addi %mul3A_2, %add3A_5 : i32
    %dma_start3A = tpu.memref_slice %arg3[%add3A_6] : memref<320000xi32, #tpu.memory_space<hbm>> -> memref<80xi32, #tpu.memory_space<hbm>>
    %dma_start3A_7 = tpu.memref_slice %arg3[%add3A_6] : memref<320000xi32, #tpu.memory_space<hbm>> -> memref<80xi32, #tpu.memory_space<hbm>>
    tpu.enqueue_dma source(%dma_start3A_7 : memref<80xi32, #tpu.memory_space<hbm>>) target(%arg7 : memref<80xi32, #tpu.memory_space<vmem>>) target_semaphore(%arg14 : memref<!tpu.dma_semaphore, #tpu.memory_space<semaphore_mem>>)
    %add3A_8 = arith.constant 0 : i32
    %add3A_9 = arith.addi %mul3A_2, %add3A_8 : i32
    %dma_start3A_10 = tpu.memref_slice %arg4[%add3A_9] : memref<320000xi32, #tpu.memory_space<hbm>> -> memref<80xi32, #tpu.memory_space<hbm>>
    %dma_start3A_11 = tpu.memref_slice %arg4[%add3A_9] : memref<320000xi32, #tpu.memory_space<hbm>> -> memref<80xi32, #tpu.memory_space<hbm>>
    tpu.enqueue_dma source(%dma_start3A_11 : memref<80xi32, #tpu.memory_space<hbm>>) target(%arg9 : memref<80xi32, #tpu.memory_space<vmem>>) target_semaphore(%arg16 : memref<!tpu.dma_semaphore, #tpu.memory_space<semaphore_mem>>)
    %add3A_12 = arith.constant 80 : i32
    %add3A_13 = arith.addi %mul3A_2, %add3A_12 : i32
    %dma_start3A_14 = tpu.memref_slice %arg3[%add3A_13] : memref<320000xi32, #tpu.memory_space<hbm>> -> memref<80xi32, #tpu.memory_space<hbm>>
    %dma_start3A_15 = tpu.memref_slice %arg3[%add3A_13] : memref<320000xi32, #tpu.memory_space<hbm>> -> memref<80xi32, #tpu.memory_space<hbm>>
    tpu.enqueue_dma source(%dma_start3A_15 : memref<80xi32, #tpu.memory_space<hbm>>) target(%arg8 : memref<80xi32, #tpu.memory_space<vmem>>) target_semaphore(%arg15 : memref<!tpu.dma_semaphore, #tpu.memory_space<semaphore_mem>>)
    %add3A_16 = arith.constant 80 : i32
    %add3A_17 = arith.addi %mul3A_2, %add3A_16 : i32
    %dma_start3A_18 = tpu.memref_slice %arg4[%add3A_17] : memref<320000xi32, #tpu.memory_space<hbm>> -> memref<80xi32, #tpu.memory_space<hbm>>
    %dma_start3A_19 = tpu.memref_slice %arg4[%add3A_17] : memref<320000xi32, #tpu.memory_space<hbm>> -> memref<80xi32, #tpu.memory_space<hbm>>
    tpu.enqueue_dma source(%dma_start3A_19 : memref<80xi32, #tpu.memory_space<hbm>>) target(%arg10 : memref<80xi32, #tpu.memory_space<vmem>>) target_semaphore(%arg17 : memref<!tpu.dma_semaphore, #tpu.memory_space<semaphore_mem>>)
    %scan3A = arith.constant 0 : i32
    %scan3A_20 = arith.constant 62 : i32
    %scan3A_21 = arith.addi %scan3A, %scan3A_20 : i32
    %scan3A_22 = arith.constant 1 : i32
    scf.for %scan3A_39 = %scan3A to %scan3A_21 step %scan3A_22  : i32 {
      %mul3A_40 = arith.constant 2 : i32
      %mul3A_41 = arith.muli %scan3A_39, %mul3A_40 : i32
      %add3A_42 = arith.constant 0 : i32
      %add3A_43 = arith.addi %add3A_42, %mul3A_41 : i32
      %add3A_44 = arith.constant 0 : i32
      %add3A_45 = arith.addi %add3A_43, %add3A_44 : i32
      %dma_wait3A_46 = arith.constant 0 : i32
      %dma_wait3A_47 = tpu.memref_slice %arg3[%dma_wait3A_46] : memref<320000xi32, #tpu.memory_space<hbm>> -> memref<80xi32, #tpu.memory_space<hbm>>
      %dma_wait3A_48 = arith.constant 0 : i32
      %dma_wait3A_49 = tpu.memref_slice %arg3[%dma_wait3A_48] : memref<320000xi32, #tpu.memory_space<hbm>> -> memref<80xi32, #tpu.memory_space<hbm>>
      tpu.wait_dma2 semaphore(%arg14 : memref<!tpu.dma_semaphore, #tpu.memory_space<semaphore_mem>>) src(%dma_wait3A_49 : memref<80xi32, #tpu.memory_space<hbm>>) dst(%arg7 : memref<80xi32, #tpu.memory_space<vmem>>)
      %dma_wait3A_50 = arith.constant 0 : i32
      %dma_wait3A_51 = tpu.memref_slice %arg4[%dma_wait3A_50] : memref<320000xi32, #tpu.memory_space<hbm>> -> memref<80xi32, #tpu.memory_space<hbm>>
      %dma_wait3A_52 = arith.constant 0 : i32
      %dma_wait3A_53 = tpu.memref_slice %arg4[%dma_wait3A_52] : memref<320000xi32, #tpu.memory_space<hbm>> -> memref<80xi32, #tpu.memory_space<hbm>>
      tpu.wait_dma2 semaphore(%arg16 : memref<!tpu.dma_semaphore, #tpu.memory_space<semaphore_mem>>) src(%dma_wait3A_53 : memref<80xi32, #tpu.memory_space<hbm>>) dst(%arg9 : memref<80xi32, #tpu.memory_space<vmem>>)
      "tpu.region"() ({
        %run_scoped3A = tpu.sem_alloc : memref<!tpu.dma_semaphore, #tpu.memory_space<semaphore_mem>>
        %dma_start3A_75 = arith.constant 0 : i32
        %dma_start3A_76 = arith.constant 0 : i32
        %dma_start3A_77 = tpu.memref_slice %arg2[%dma_start3A_75, %dma_start3A_76] : memref<10000x136xf32, #tpu.memory_space<hbm>> -> memref<10000x136xf32, #tpu.memory_space<hbm>>
        tpu.enqueue_indirect_dma source(%dma_start3A_77 : memref<10000x136xf32, #tpu.memory_space<hbm>>) target(%arg11 : memref<80x136xf32, #tpu.memory_space<vmem>>) offsets(%arg7 : memref<80xi32, #tpu.memory_space<vmem>>) semaphore(%run_scoped3A : memref<!tpu.dma_semaphore, #tpu.memory_space<semaphore_mem>>)
        %dma_wait3A_78 = arith.constant 0 : i32
        %dma_wait3A_79 = arith.constant 0 : i32
        %dma_wait3A_80 = tpu.memref_slice %arg2[%dma_wait3A_78, %dma_wait3A_79] : memref<10000x136xf32, #tpu.memory_space<hbm>> -> memref<10000x136xf32, #tpu.memory_space<hbm>>
        tpu.wait_indirect_dma semaphore(%run_scoped3A : memref<!tpu.dma_semaphore, #tpu.memory_space<semaphore_mem>>) src(%dma_wait3A_80 : memref<10000x136xf32, #tpu.memory_space<hbm>>) dst(%arg11 : memref<80x136xf32, #tpu.memory_space<vmem>>)
        tpu.yield
      }) : () -> ()
      "tpu.region"() ({
        %run_scoped3A = tpu.sem_alloc : memref<!tpu.dma_semaphore, #tpu.memory_space<semaphore_mem>>
        %dma_start3A_75 = arith.constant 0 : i32
        %dma_start3A_76 = arith.constant 0 : i32
        %dma_start3A_77 = tpu.memref_slice %arg13[%dma_start3A_75, %dma_start3A_76] : memref<10112x136xf32, #tpu.memory_space<vmem_shared>> -> memref<10112x136xf32, #tpu.memory_space<vmem_shared>>
        tpu.enqueue_indirect_dma source(%arg11 : memref<80x136xf32, #tpu.memory_space<vmem>>) target(%dma_start3A_77 : memref<10112x136xf32, #tpu.memory_space<vmem_shared>>) offsets(%arg9 : memref<80xi32, #tpu.memory_space<vmem>>) semaphore(%run_scoped3A : memref<!tpu.dma_semaphore, #tpu.memory_space<semaphore_mem>>) {add = true}
        %dma_wait3A_78 = arith.constant 0 : i32
        %dma_wait3A_79 = arith.constant 0 : i32
        %dma_wait3A_80 = tpu.memref_slice %arg13[%dma_wait3A_78, %dma_wait3A_79] : memref<10112x136xf32, #tpu.memory_space<vmem_shared>> -> memref<10112x136xf32, #tpu.memory_space<vmem_shared>>
        tpu.wait_indirect_dma semaphore(%run_scoped3A : memref<!tpu.dma_semaphore, #tpu.memory_space<semaphore_mem>>) src(%arg11 : memref<80x136xf32, #tpu.memory_space<vmem>>) dst(%dma_wait3A_80 : memref<10112x136xf32, #tpu.memory_space<vmem_shared>>)
        tpu.yield
      }) : () -> ()
      %add3A_54 = arith.constant 2 : i32
      %add3A_55 = arith.addi %add3A_45, %add3A_54 : i32
      %lt3A = arith.constant 125 : i32
      %lt3A_56 = arith.cmpi slt, %add3A_55, %lt3A : i32
      %convert_element_type3A = arith.extui %lt3A_56 : i1 to i32
      %cond3A = arith.constant 0 : i32
      %cond3A_57 = arith.cmpi ne, %convert_element_type3A, %cond3A : i32
      scf.if %cond3A_57 {
        %add3A_75 = arith.constant 2 : i32
        %add3A_76 = arith.addi %add3A_45, %add3A_75 : i32
        %mul3A_77 = arith.constant 80 : i32
        %mul3A_78 = arith.muli %add3A_76, %mul3A_77 : i32
        %add3A_79 = arith.addi %mul3A_2, %mul3A_78 : i32
        %dma_start3A_80 = tpu.memref_slice %arg3[%add3A_79] : memref<320000xi32, #tpu.memory_space<hbm>> -> memref<80xi32, #tpu.memory_space<hbm>>
        %dma_start3A_81 = tpu.memref_slice %arg3[%add3A_79] : memref<320000xi32, #tpu.memory_space<hbm>> -> memref<80xi32, #tpu.memory_space<hbm>>
        tpu.enqueue_dma source(%dma_start3A_81 : memref<80xi32, #tpu.memory_space<hbm>>) target(%arg7 : memref<80xi32, #tpu.memory_space<vmem>>) target_semaphore(%arg14 : memref<!tpu.dma_semaphore, #tpu.memory_space<semaphore_mem>>)
        %mul3A_82 = arith.constant 80 : i32
        %mul3A_83 = arith.muli %add3A_76, %mul3A_82 : i32
        %add3A_84 = arith.addi %mul3A_2, %mul3A_83 : i32
        %dma_start3A_85 = tpu.memref_slice %arg4[%add3A_84] : memref<320000xi32, #tpu.memory_space<hbm>> -> memref<80xi32, #tpu.memory_space<hbm>>
        %dma_start3A_86 = tpu.memref_slice %arg4[%add3A_84] : memref<320000xi32, #tpu.memory_space<hbm>> -> memref<80xi32, #tpu.memory_space<hbm>>
        tpu.enqueue_dma source(%dma_start3A_86 : memref<80xi32, #tpu.memory_space<hbm>>) target(%arg9 : memref<80xi32, #tpu.memory_space<vmem>>) target_semaphore(%arg16 : memref<!tpu.dma_semaphore, #tpu.memory_space<semaphore_mem>>)
      } else {
      }
      %add3A_58 = arith.constant 1 : i32
      %add3A_59 = arith.addi %add3A_43, %add3A_58 : i32
      %dma_wait3A_60 = arith.constant 0 : i32
      %dma_wait3A_61 = tpu.memref_slice %arg3[%dma_wait3A_60] : memref<320000xi32, #tpu.memory_space<hbm>> -> memref<80xi32, #tpu.memory_space<hbm>>
      %dma_wait3A_62 = arith.constant 0 : i32
      %dma_wait3A_63 = tpu.memref_slice %arg3[%dma_wait3A_62] : memref<320000xi32, #tpu.memory_space<hbm>> -> memref<80xi32, #tpu.memory_space<hbm>>
      tpu.wait_dma2 semaphore(%arg15 : memref<!tpu.dma_semaphore, #tpu.memory_space<semaphore_mem>>) src(%dma_wait3A_63 : memref<80xi32, #tpu.memory_space<hbm>>) dst(%arg8 : memref<80xi32, #tpu.memory_space<vmem>>)
      %dma_wait3A_64 = arith.constant 0 : i32
      %dma_wait3A_65 = tpu.memref_slice %arg4[%dma_wait3A_64] : memref<320000xi32, #tpu.memory_space<hbm>> -> memref<80xi32, #tpu.memory_space<hbm>>
      %dma_wait3A_66 = arith.constant 0 : i32
      %dma_wait3A_67 = tpu.memref_slice %arg4[%dma_wait3A_66] : memref<320000xi32, #tpu.memory_space<hbm>> -> memref<80xi32, #tpu.memory_space<hbm>>
      tpu.wait_dma2 semaphore(%arg17 : memref<!tpu.dma_semaphore, #tpu.memory_space<semaphore_mem>>) src(%dma_wait3A_67 : memref<80xi32, #tpu.memory_space<hbm>>) dst(%arg10 : memref<80xi32, #tpu.memory_space<vmem>>)
      "tpu.region"() ({
        %run_scoped3A = tpu.sem_alloc : memref<!tpu.dma_semaphore, #tpu.memory_space<semaphore_mem>>
        %dma_start3A_75 = arith.constant 0 : i32
        %dma_start3A_76 = arith.constant 0 : i32
        %dma_start3A_77 = tpu.memref_slice %arg2[%dma_start3A_75, %dma_start3A_76] : memref<10000x136xf32, #tpu.memory_space<hbm>> -> memref<10000x136xf32, #tpu.memory_space<hbm>>
        tpu.enqueue_indirect_dma source(%dma_start3A_77 : memref<10000x136xf32, #tpu.memory_space<hbm>>) target(%arg12 : memref<80x136xf32, #tpu.memory_space<vmem>>) offsets(%arg8 : memref<80xi32, #tpu.memory_space<vmem>>) semaphore(%run_scoped3A : memref<!tpu.dma_semaphore, #tpu.memory_space<semaphore_mem>>)
        %dma_wait3A_78 = arith.constant 0 : i32
        %dma_wait3A_79 = arith.constant 0 : i32
        %dma_wait3A_80 = tpu.memref_slice %arg2[%dma_wait3A_78, %dma_wait3A_79] : memref<10000x136xf32, #tpu.memory_space<hbm>> -> memref<10000x136xf32, #tpu.memory_space<hbm>>
        tpu.wait_indirect_dma semaphore(%run_scoped3A : memref<!tpu.dma_semaphore, #tpu.memory_space<semaphore_mem>>) src(%dma_wait3A_80 : memref<10000x136xf32, #tpu.memory_space<hbm>>) dst(%arg12 : memref<80x136xf32, #tpu.memory_space<vmem>>)
        tpu.yield
      }) : () -> ()
      "tpu.region"() ({
        %run_scoped3A = tpu.sem_alloc : memref<!tpu.dma_semaphore, #tpu.memory_space<semaphore_mem>>
        %dma_start3A_75 = arith.constant 0 : i32
        %dma_start3A_76 = arith.constant 0 : i32
        %dma_start3A_77 = tpu.memref_slice %arg13[%dma_start3A_75, %dma_start3A_76] : memref<10112x136xf32, #tpu.memory_space<vmem_shared>> -> memref<10112x136xf32, #tpu.memory_space<vmem_shared>>
        tpu.enqueue_indirect_dma source(%arg12 : memref<80x136xf32, #tpu.memory_space<vmem>>) target(%dma_start3A_77 : memref<10112x136xf32, #tpu.memory_space<vmem_shared>>) offsets(%arg10 : memref<80xi32, #tpu.memory_space<vmem>>) semaphore(%run_scoped3A : memref<!tpu.dma_semaphore, #tpu.memory_space<semaphore_mem>>) {add = true}
        %dma_wait3A_78 = arith.constant 0 : i32
        %dma_wait3A_79 = arith.constant 0 : i32
        %dma_wait3A_80 = tpu.memref_slice %arg13[%dma_wait3A_78, %dma_wait3A_79] : memref<10112x136xf32, #tpu.memory_space<vmem_shared>> -> memref<10112x136xf32, #tpu.memory_space<vmem_shared>>
        tpu.wait_indirect_dma semaphore(%run_scoped3A : memref<!tpu.dma_semaphore, #tpu.memory_space<semaphore_mem>>) src(%arg12 : memref<80x136xf32, #tpu.memory_space<vmem>>) dst(%dma_wait3A_80 : memref<10112x136xf32, #tpu.memory_space<vmem_shared>>)
        tpu.yield
      }) : () -> ()
      %add3A_68 = arith.constant 2 : i32
      %add3A_69 = arith.addi %add3A_59, %add3A_68 : i32
      %lt3A_70 = arith.constant 125 : i32
      %lt3A_71 = arith.cmpi slt, %add3A_69, %lt3A_70 : i32
      %convert_element_type3A_72 = arith.extui %lt3A_71 : i1 to i32
      %cond3A_73 = arith.constant 0 : i32
      %cond3A_74 = arith.cmpi ne, %convert_element_type3A_72, %cond3A_73 : i32
      scf.if %cond3A_74 {
        %add3A_75 = arith.constant 2 : i32
        %add3A_76 = arith.addi %add3A_59, %add3A_75 : i32
        %mul3A_77 = arith.constant 80 : i32
        %mul3A_78 = arith.muli %add3A_76, %mul3A_77 : i32
        %add3A_79 = arith.addi %mul3A_2, %mul3A_78 : i32
        %dma_start3A_80 = tpu.memref_slice %arg3[%add3A_79] : memref<320000xi32, #tpu.memory_space<hbm>> -> memref<80xi32, #tpu.memory_space<hbm>>
        %dma_start3A_81 = tpu.memref_slice %arg3[%add3A_79] : memref<320000xi32, #tpu.memory_space<hbm>> -> memref<80xi32, #tpu.memory_space<hbm>>
        tpu.enqueue_dma source(%dma_start3A_81 : memref<80xi32, #tpu.memory_space<hbm>>) target(%arg8 : memref<80xi32, #tpu.memory_space<vmem>>) target_semaphore(%arg15 : memref<!tpu.dma_semaphore, #tpu.memory_space<semaphore_mem>>)
        %mul3A_82 = arith.constant 80 : i32
        %mul3A_83 = arith.muli %add3A_76, %mul3A_82 : i32
        %add3A_84 = arith.addi %mul3A_2, %mul3A_83 : i32
        %dma_start3A_85 = tpu.memref_slice %arg4[%add3A_84] : memref<320000xi32, #tpu.memory_space<hbm>> -> memref<80xi32, #tpu.memory_space<hbm>>
        %dma_start3A_86 = tpu.memref_slice %arg4[%add3A_84] : memref<320000xi32, #tpu.memory_space<hbm>> -> memref<80xi32, #tpu.memory_space<hbm>>
        tpu.enqueue_dma source(%dma_start3A_86 : memref<80xi32, #tpu.memory_space<hbm>>) target(%arg10 : memref<80xi32, #tpu.memory_space<vmem>>) target_semaphore(%arg17 : memref<!tpu.dma_semaphore, #tpu.memory_space<semaphore_mem>>)
      } else {
      }
    }
    %scan3A_23 = arith.constant 62 : i32
    %dma_wait3A = arith.constant 0 : i32
    %dma_wait3A_24 = tpu.memref_slice %arg3[%dma_wait3A] : memref<320000xi32, #tpu.memory_space<hbm>> -> memref<80xi32, #tpu.memory_space<hbm>>
    %dma_wait3A_25 = arith.constant 0 : i32
    %dma_wait3A_26 = tpu.memref_slice %arg3[%dma_wait3A_25] : memref<320000xi32, #tpu.memory_space<hbm>> -> memref<80xi32, #tpu.memory_space<hbm>>
    tpu.wait_dma2 semaphore(%arg14 : memref<!tpu.dma_semaphore, #tpu.memory_space<semaphore_mem>>) src(%dma_wait3A_26 : memref<80xi32, #tpu.memory_space<hbm>>) dst(%arg7 : memref<80xi32, #tpu.memory_space<vmem>>)
    %dma_wait3A_27 = arith.constant 0 : i32
    %dma_wait3A_28 = tpu.memref_slice %arg4[%dma_wait3A_27] : memref<320000xi32, #tpu.memory_space<hbm>> -> memref<80xi32, #tpu.memory_space<hbm>>
    %dma_wait3A_29 = arith.constant 0 : i32
    %dma_wait3A_30 = tpu.memref_slice %arg4[%dma_wait3A_29] : memref<320000xi32, #tpu.memory_space<hbm>> -> memref<80xi32, #tpu.memory_space<hbm>>
    tpu.wait_dma2 semaphore(%arg16 : memref<!tpu.dma_semaphore, #tpu.memory_space<semaphore_mem>>) src(%dma_wait3A_30 : memref<80xi32, #tpu.memory_space<hbm>>) dst(%arg9 : memref<80xi32, #tpu.memory_space<vmem>>)
    "tpu.region"() ({
      %run_scoped3A = tpu.sem_alloc : memref<!tpu.dma_semaphore, #tpu.memory_space<semaphore_mem>>
      %dma_start3A_39 = arith.constant 0 : i32
      %dma_start3A_40 = arith.constant 0 : i32
      %dma_start3A_41 = tpu.memref_slice %arg2[%dma_start3A_39, %dma_start3A_40] : memref<10000x136xf32, #tpu.memory_space<hbm>> -> memref<10000x136xf32, #tpu.memory_space<hbm>>
      tpu.enqueue_indirect_dma source(%dma_start3A_41 : memref<10000x136xf32, #tpu.memory_space<hbm>>) target(%arg11 : memref<80x136xf32, #tpu.memory_space<vmem>>) offsets(%arg7 : memref<80xi32, #tpu.memory_space<vmem>>) semaphore(%run_scoped3A : memref<!tpu.dma_semaphore, #tpu.memory_space<semaphore_mem>>)
      %dma_wait3A_42 = arith.constant 0 : i32
      %dma_wait3A_43 = arith.constant 0 : i32
      %dma_wait3A_44 = tpu.memref_slice %arg2[%dma_wait3A_42, %dma_wait3A_43] : memref<10000x136xf32, #tpu.memory_space<hbm>> -> memref<10000x136xf32, #tpu.memory_space<hbm>>
      tpu.wait_indirect_dma semaphore(%run_scoped3A : memref<!tpu.dma_semaphore, #tpu.memory_space<semaphore_mem>>) src(%dma_wait3A_44 : memref<10000x136xf32, #tpu.memory_space<hbm>>) dst(%arg11 : memref<80x136xf32, #tpu.memory_space<vmem>>)
      tpu.yield
    }) : () -> ()
    "tpu.region"() ({
      %run_scoped3A = tpu.sem_alloc : memref<!tpu.dma_semaphore, #tpu.memory_space<semaphore_mem>>
      %dma_start3A_39 = arith.constant 0 : i32
      %dma_start3A_40 = arith.constant 0 : i32
      %dma_start3A_41 = tpu.memref_slice %arg13[%dma_start3A_39, %dma_start3A_40] : memref<10112x136xf32, #tpu.memory_space<vmem_shared>> -> memref<10112x136xf32, #tpu.memory_space<vmem_shared>>
      tpu.enqueue_indirect_dma source(%arg11 : memref<80x136xf32, #tpu.memory_space<vmem>>) target(%dma_start3A_41 : memref<10112x136xf32, #tpu.memory_space<vmem_shared>>) offsets(%arg9 : memref<80xi32, #tpu.memory_space<vmem>>) semaphore(%run_scoped3A : memref<!tpu.dma_semaphore, #tpu.memory_space<semaphore_mem>>) {add = true}
      %dma_wait3A_42 = arith.constant 0 : i32
      %dma_wait3A_43 = arith.constant 0 : i32
      %dma_wait3A_44 = tpu.memref_slice %arg13[%dma_wait3A_42, %dma_wait3A_43] : memref<10112x136xf32, #tpu.memory_space<vmem_shared>> -> memref<10112x136xf32, #tpu.memory_space<vmem_shared>>
      tpu.wait_indirect_dma semaphore(%run_scoped3A : memref<!tpu.dma_semaphore, #tpu.memory_space<semaphore_mem>>) src(%arg11 : memref<80x136xf32, #tpu.memory_space<vmem>>) dst(%dma_wait3A_44 : memref<10112x136xf32, #tpu.memory_space<vmem_shared>>)
      tpu.yield
    }) : () -> ()
    %barrier3A_31 = arith.constant 0 : index
    tpu.barrier barrier_id(%barrier3A_31)
    %mul3A_32 = arith.constant 632 : i32
    %mul3A_33 = arith.muli %arg1, %mul3A_32 : i32
    %mul3A_34 = arith.constant 10112 : i32
    %mul3A_35 = arith.muli %arg0, %mul3A_34 : i32
    %mul3A_36 = arith.constant 632 : i32
    %mul3A_37 = arith.muli %arg1, %mul3A_36 : i32
    %add3A_38 = arith.addi %mul3A_35, %mul3A_37 : i32
    "tpu.region"() ({
      %run_scoped3A = tpu.sem_alloc : memref<!tpu.dma_semaphore, #tpu.memory_space<semaphore_mem>>
      %dma_start3A_39 = arith.constant 0 : i32
      %dma_start3A_40 = tpu.memref_slice %arg6[%add3A_38, %dma_start3A_39] : memref<20224x136xf32, #tpu.memory_space<hbm>> -> memref<632x136xf32, #tpu.memory_space<hbm>>
      %dma_start3A_41 = arith.constant 0 : i32
      %dma_start3A_42 = tpu.memref_slice %arg13[%mul3A_33, %dma_start3A_41] : memref<10112x136xf32, #tpu.memory_space<vmem_shared>> -> memref<632x136xf32, #tpu.memory_space<vmem_shared>>
      tpu.enqueue_dma source(%dma_start3A_42 : memref<632x136xf32, #tpu.memory_space<vmem_shared>>) target(%dma_start3A_40 : memref<632x136xf32, #tpu.memory_space<hbm>>) target_semaphore(%run_scoped3A : memref<!tpu.dma_semaphore, #tpu.memory_space<semaphore_mem>>)
      %dma_wait3A_43 = arith.constant 0 : i32
      %dma_wait3A_44 = tpu.memref_slice %arg6[%add3A_38, %dma_wait3A_43] : memref<20224x136xf32, #tpu.memory_space<hbm>> -> memref<632x136xf32, #tpu.memory_space<hbm>>
      %dma_wait3A_45 = arith.constant 0 : i32
      %dma_wait3A_46 = tpu.memref_slice %arg13[%mul3A_33, %dma_wait3A_45] : memref<10112x136xf32, #tpu.memory_space<vmem_shared>> -> memref<632x136xf32, #tpu.memory_space<vmem_shared>>
      tpu.wait_dma2 semaphore(%run_scoped3A : memref<!tpu.dma_semaphore, #tpu.memory_space<semaphore_mem>>) src(%dma_wait3A_46 : memref<632x136xf32, #tpu.memory_space<vmem_shared>>) dst(%dma_wait3A_44 : memref<632x136xf32, #tpu.memory_space<hbm>>)
      tpu.yield
    }) : () -> ()
    return
  }
}

#map = affine_map<(d0, d1) -> (0, 0)>
#map1 = affine_map<(d0, d1) -> (0)>
module attributes {stable_mosaic.version = 14 : i64} {
  func.func @_sc_edge_agg_body(%arg0: i32, %arg1: i32, %arg2: memref<5000x136xf32, #tpu.memory_space<hbm>>, %arg3: memref<30720xi32, #tpu.memory_space<hbm>>, %arg4: memref<30720xi32, #tpu.memory_space<hbm>>, %arg5: memref<320x136xf32, #tpu.memory_space<hbm>>, %arg6: memref<10240x136xf32, #tpu.memory_space<hbm>>, %arg7: memref<80xi32, #tpu.memory_space<vmem>>, %arg8: memref<80xi32, #tpu.memory_space<vmem>>, %arg9: memref<80xi32, #tpu.memory_space<vmem>>, %arg10: memref<80xi32, #tpu.memory_space<vmem>>, %arg11: memref<80x136xf32, #tpu.memory_space<vmem>>, %arg12: memref<80x136xf32, #tpu.memory_space<vmem>>, %arg13: memref<5120x136xf32, #tpu.memory_space<vmem_shared>>, %arg14: memref<!tpu.dma_semaphore, #tpu.memory_space<semaphore_mem>>, %arg15: memref<!tpu.dma_semaphore, #tpu.memory_space<semaphore_mem>>, %arg16: memref<!tpu.dma_semaphore, #tpu.memory_space<semaphore_mem>>, %arg17: memref<!tpu.dma_semaphore, #tpu.memory_space<semaphore_mem>>, %arg18: memref<!tpu.dma_semaphore, #tpu.memory_space<semaphore_mem>>, %arg19: memref<!tpu.dma_semaphore, #tpu.memory_space<semaphore_mem>>, %arg20: memref<!tpu.dma_semaphore, #tpu.memory_space<semaphore_mem>>, %arg21: memref<!tpu.dma_semaphore, #tpu.memory_space<semaphore_mem>>) attributes {dimension_semantics = [#tpu.dimension_semantics<core_parallel>, #tpu.dimension_semantics<subcore_parallel>], iteration_bounds = array<i64: 2, 16>, scalar_prefetch = 0 : i64, scratch_operands = 15 : i64, tpu.core_type = #tpu.core_type<sc_vector_subcore>, window_params = [{transform_indices = #map}, {transform_indices = #map1}, {transform_indices = #map1}, {transform_indices = #map}, {transform_indices = #map}]} {
    %mul3A = arith.constant 2 : i32
    %mul3A_0 = arith.muli %arg1, %mul3A : i32
    %add3A = arith.addi %mul3A_0, %arg0 : i32
    %mul3A_1 = arith.constant 960 : i32
    %mul3A_2 = arith.muli %add3A, %mul3A_1 : i32
    %mul3A_3 = arith.constant 320 : i32
    %mul3A_4 = arith.muli %arg1, %mul3A_3 : i32
    "tpu.region"() ({
      %run_scoped3A = tpu.sem_alloc : memref<!tpu.dma_semaphore, #tpu.memory_space<semaphore_mem>>
      %dma_start3A_32 = arith.constant 0 : i32
      %dma_start3A_33 = tpu.memref_slice %arg13[%mul3A_4, %dma_start3A_32] : memref<5120x136xf32, #tpu.memory_space<vmem_shared>> -> memref<320x136xf32, #tpu.memory_space<vmem_shared>>
      tpu.enqueue_dma source(%arg5 : memref<320x136xf32, #tpu.memory_space<hbm>>) target(%dma_start3A_33 : memref<320x136xf32, #tpu.memory_space<vmem_shared>>) target_semaphore(%run_scoped3A : memref<!tpu.dma_semaphore, #tpu.memory_space<semaphore_mem>>)
      %dma_wait3A = arith.constant 0 : i32
      %dma_wait3A_34 = tpu.memref_slice %arg13[%mul3A_4, %dma_wait3A] : memref<5120x136xf32, #tpu.memory_space<vmem_shared>> -> memref<320x136xf32, #tpu.memory_space<vmem_shared>>
      tpu.wait_dma2 semaphore(%run_scoped3A : memref<!tpu.dma_semaphore, #tpu.memory_space<semaphore_mem>>) src(%arg5 : memref<320x136xf32, #tpu.memory_space<hbm>>) dst(%dma_wait3A_34 : memref<320x136xf32, #tpu.memory_space<vmem_shared>>)
      tpu.yield
    }) : () -> ()
    %barrier3A = arith.constant 0 : index
    tpu.barrier barrier_id(%barrier3A)
    %add3A_5 = arith.constant 0 : i32
    %add3A_6 = arith.addi %mul3A_2, %add3A_5 : i32
    %dma_start3A = tpu.memref_slice %arg3[%add3A_6] : memref<30720xi32, #tpu.memory_space<hbm>> -> memref<80xi32, #tpu.memory_space<hbm>>
    %dma_start3A_7 = tpu.memref_slice %arg3[%add3A_6] : memref<30720xi32, #tpu.memory_space<hbm>> -> memref<80xi32, #tpu.memory_space<hbm>>
    tpu.enqueue_dma source(%dma_start3A_7 : memref<80xi32, #tpu.memory_space<hbm>>) target(%arg7 : memref<80xi32, #tpu.memory_space<vmem>>) target_semaphore(%arg14 : memref<!tpu.dma_semaphore, #tpu.memory_space<semaphore_mem>>)
    %add3A_8 = arith.constant 0 : i32
    %add3A_9 = arith.addi %mul3A_2, %add3A_8 : i32
    %dma_start3A_10 = tpu.memref_slice %arg4[%add3A_9] : memref<30720xi32, #tpu.memory_space<hbm>> -> memref<80xi32, #tpu.memory_space<hbm>>
    %dma_start3A_11 = tpu.memref_slice %arg4[%add3A_9] : memref<30720xi32, #tpu.memory_space<hbm>> -> memref<80xi32, #tpu.memory_space<hbm>>
    tpu.enqueue_dma source(%dma_start3A_11 : memref<80xi32, #tpu.memory_space<hbm>>) target(%arg9 : memref<80xi32, #tpu.memory_space<vmem>>) target_semaphore(%arg16 : memref<!tpu.dma_semaphore, #tpu.memory_space<semaphore_mem>>)
    %add3A_12 = arith.constant 80 : i32
    %add3A_13 = arith.addi %mul3A_2, %add3A_12 : i32
    %dma_start3A_14 = tpu.memref_slice %arg3[%add3A_13] : memref<30720xi32, #tpu.memory_space<hbm>> -> memref<80xi32, #tpu.memory_space<hbm>>
    %dma_start3A_15 = tpu.memref_slice %arg3[%add3A_13] : memref<30720xi32, #tpu.memory_space<hbm>> -> memref<80xi32, #tpu.memory_space<hbm>>
    tpu.enqueue_dma source(%dma_start3A_15 : memref<80xi32, #tpu.memory_space<hbm>>) target(%arg8 : memref<80xi32, #tpu.memory_space<vmem>>) target_semaphore(%arg15 : memref<!tpu.dma_semaphore, #tpu.memory_space<semaphore_mem>>)
    %add3A_16 = arith.constant 80 : i32
    %add3A_17 = arith.addi %mul3A_2, %add3A_16 : i32
    %dma_start3A_18 = tpu.memref_slice %arg4[%add3A_17] : memref<30720xi32, #tpu.memory_space<hbm>> -> memref<80xi32, #tpu.memory_space<hbm>>
    %dma_start3A_19 = tpu.memref_slice %arg4[%add3A_17] : memref<30720xi32, #tpu.memory_space<hbm>> -> memref<80xi32, #tpu.memory_space<hbm>>
    tpu.enqueue_dma source(%dma_start3A_19 : memref<80xi32, #tpu.memory_space<hbm>>) target(%arg10 : memref<80xi32, #tpu.memory_space<vmem>>) target_semaphore(%arg17 : memref<!tpu.dma_semaphore, #tpu.memory_space<semaphore_mem>>)
    %scan3A = arith.constant 0 : i32
    %scan3A_20 = arith.constant 6 : i32
    %scan3A_21 = arith.addi %scan3A, %scan3A_20 : i32
    %scan3A_22 = arith.constant 1 : i32
    scf.for %scan3A_32 = %scan3A to %scan3A_21 step %scan3A_22  : i32 {
      %mul3A_33 = arith.constant 2 : i32
      %mul3A_34 = arith.muli %scan3A_32, %mul3A_33 : i32
      %add3A_35 = arith.constant 0 : i32
      %add3A_36 = arith.addi %add3A_35, %mul3A_34 : i32
      %add3A_37 = arith.constant 0 : i32
      %add3A_38 = arith.addi %add3A_36, %add3A_37 : i32
      %dma_wait3A = arith.constant 0 : i32
      %dma_wait3A_39 = tpu.memref_slice %arg3[%dma_wait3A] : memref<30720xi32, #tpu.memory_space<hbm>> -> memref<80xi32, #tpu.memory_space<hbm>>
      %dma_wait3A_40 = arith.constant 0 : i32
      %dma_wait3A_41 = tpu.memref_slice %arg3[%dma_wait3A_40] : memref<30720xi32, #tpu.memory_space<hbm>> -> memref<80xi32, #tpu.memory_space<hbm>>
      tpu.wait_dma2 semaphore(%arg14 : memref<!tpu.dma_semaphore, #tpu.memory_space<semaphore_mem>>) src(%dma_wait3A_41 : memref<80xi32, #tpu.memory_space<hbm>>) dst(%arg7 : memref<80xi32, #tpu.memory_space<vmem>>)
      %dma_wait3A_42 = arith.constant 0 : i32
      %dma_wait3A_43 = tpu.memref_slice %arg4[%dma_wait3A_42] : memref<30720xi32, #tpu.memory_space<hbm>> -> memref<80xi32, #tpu.memory_space<hbm>>
      %dma_wait3A_44 = arith.constant 0 : i32
      %dma_wait3A_45 = tpu.memref_slice %arg4[%dma_wait3A_44] : memref<30720xi32, #tpu.memory_space<hbm>> -> memref<80xi32, #tpu.memory_space<hbm>>
      tpu.wait_dma2 semaphore(%arg16 : memref<!tpu.dma_semaphore, #tpu.memory_space<semaphore_mem>>) src(%dma_wait3A_45 : memref<80xi32, #tpu.memory_space<hbm>>) dst(%arg9 : memref<80xi32, #tpu.memory_space<vmem>>)
      "tpu.region"() ({
        %run_scoped3A = tpu.sem_alloc : memref<!tpu.dma_semaphore, #tpu.memory_space<semaphore_mem>>
        %dma_start3A_67 = arith.constant 0 : i32
        %dma_start3A_68 = arith.constant 0 : i32
        %dma_start3A_69 = tpu.memref_slice %arg2[%dma_start3A_67, %dma_start3A_68] : memref<5000x136xf32, #tpu.memory_space<hbm>> -> memref<5000x136xf32, #tpu.memory_space<hbm>>
        tpu.enqueue_indirect_dma source(%dma_start3A_69 : memref<5000x136xf32, #tpu.memory_space<hbm>>) target(%arg11 : memref<80x136xf32, #tpu.memory_space<vmem>>) offsets(%arg7 : memref<80xi32, #tpu.memory_space<vmem>>) semaphore(%run_scoped3A : memref<!tpu.dma_semaphore, #tpu.memory_space<semaphore_mem>>)
        %dma_wait3A_70 = arith.constant 0 : i32
        %dma_wait3A_71 = arith.constant 0 : i32
        %dma_wait3A_72 = tpu.memref_slice %arg2[%dma_wait3A_70, %dma_wait3A_71] : memref<5000x136xf32, #tpu.memory_space<hbm>> -> memref<5000x136xf32, #tpu.memory_space<hbm>>
        tpu.wait_indirect_dma semaphore(%run_scoped3A : memref<!tpu.dma_semaphore, #tpu.memory_space<semaphore_mem>>) src(%dma_wait3A_72 : memref<5000x136xf32, #tpu.memory_space<hbm>>) dst(%arg11 : memref<80x136xf32, #tpu.memory_space<vmem>>)
        tpu.yield
      }) : () -> ()
      "tpu.region"() ({
        %run_scoped3A = tpu.sem_alloc : memref<!tpu.dma_semaphore, #tpu.memory_space<semaphore_mem>>
        %dma_start3A_67 = arith.constant 0 : i32
        %dma_start3A_68 = arith.constant 0 : i32
        %dma_start3A_69 = tpu.memref_slice %arg13[%dma_start3A_67, %dma_start3A_68] : memref<5120x136xf32, #tpu.memory_space<vmem_shared>> -> memref<5120x136xf32, #tpu.memory_space<vmem_shared>>
        tpu.enqueue_indirect_dma source(%arg11 : memref<80x136xf32, #tpu.memory_space<vmem>>) target(%dma_start3A_69 : memref<5120x136xf32, #tpu.memory_space<vmem_shared>>) offsets(%arg9 : memref<80xi32, #tpu.memory_space<vmem>>) semaphore(%run_scoped3A : memref<!tpu.dma_semaphore, #tpu.memory_space<semaphore_mem>>) {add = true}
        %dma_wait3A_70 = arith.constant 0 : i32
        %dma_wait3A_71 = arith.constant 0 : i32
        %dma_wait3A_72 = tpu.memref_slice %arg13[%dma_wait3A_70, %dma_wait3A_71] : memref<5120x136xf32, #tpu.memory_space<vmem_shared>> -> memref<5120x136xf32, #tpu.memory_space<vmem_shared>>
        tpu.wait_indirect_dma semaphore(%run_scoped3A : memref<!tpu.dma_semaphore, #tpu.memory_space<semaphore_mem>>) src(%arg11 : memref<80x136xf32, #tpu.memory_space<vmem>>) dst(%dma_wait3A_72 : memref<5120x136xf32, #tpu.memory_space<vmem_shared>>)
        tpu.yield
      }) : () -> ()
      %add3A_46 = arith.constant 2 : i32
      %add3A_47 = arith.addi %add3A_38, %add3A_46 : i32
      %lt3A = arith.constant 12 : i32
      %lt3A_48 = arith.cmpi slt, %add3A_47, %lt3A : i32
      %convert_element_type3A = arith.extui %lt3A_48 : i1 to i32
      %cond3A = arith.constant 0 : i32
      %cond3A_49 = arith.cmpi ne, %convert_element_type3A, %cond3A : i32
      scf.if %cond3A_49 {
        %add3A_67 = arith.constant 2 : i32
        %add3A_68 = arith.addi %add3A_38, %add3A_67 : i32
        %mul3A_69 = arith.constant 80 : i32
        %mul3A_70 = arith.muli %add3A_68, %mul3A_69 : i32
        %add3A_71 = arith.addi %mul3A_2, %mul3A_70 : i32
        %dma_start3A_72 = tpu.memref_slice %arg3[%add3A_71] : memref<30720xi32, #tpu.memory_space<hbm>> -> memref<80xi32, #tpu.memory_space<hbm>>
        %dma_start3A_73 = tpu.memref_slice %arg3[%add3A_71] : memref<30720xi32, #tpu.memory_space<hbm>> -> memref<80xi32, #tpu.memory_space<hbm>>
        tpu.enqueue_dma source(%dma_start3A_73 : memref<80xi32, #tpu.memory_space<hbm>>) target(%arg7 : memref<80xi32, #tpu.memory_space<vmem>>) target_semaphore(%arg14 : memref<!tpu.dma_semaphore, #tpu.memory_space<semaphore_mem>>)
        %mul3A_74 = arith.constant 80 : i32
        %mul3A_75 = arith.muli %add3A_68, %mul3A_74 : i32
        %add3A_76 = arith.addi %mul3A_2, %mul3A_75 : i32
        %dma_start3A_77 = tpu.memref_slice %arg4[%add3A_76] : memref<30720xi32, #tpu.memory_space<hbm>> -> memref<80xi32, #tpu.memory_space<hbm>>
        %dma_start3A_78 = tpu.memref_slice %arg4[%add3A_76] : memref<30720xi32, #tpu.memory_space<hbm>> -> memref<80xi32, #tpu.memory_space<hbm>>
        tpu.enqueue_dma source(%dma_start3A_78 : memref<80xi32, #tpu.memory_space<hbm>>) target(%arg9 : memref<80xi32, #tpu.memory_space<vmem>>) target_semaphore(%arg16 : memref<!tpu.dma_semaphore, #tpu.memory_space<semaphore_mem>>)
      } else {
      }
      %add3A_50 = arith.constant 1 : i32
      %add3A_51 = arith.addi %add3A_36, %add3A_50 : i32
      %dma_wait3A_52 = arith.constant 0 : i32
      %dma_wait3A_53 = tpu.memref_slice %arg3[%dma_wait3A_52] : memref<30720xi32, #tpu.memory_space<hbm>> -> memref<80xi32, #tpu.memory_space<hbm>>
      %dma_wait3A_54 = arith.constant 0 : i32
      %dma_wait3A_55 = tpu.memref_slice %arg3[%dma_wait3A_54] : memref<30720xi32, #tpu.memory_space<hbm>> -> memref<80xi32, #tpu.memory_space<hbm>>
      tpu.wait_dma2 semaphore(%arg15 : memref<!tpu.dma_semaphore, #tpu.memory_space<semaphore_mem>>) src(%dma_wait3A_55 : memref<80xi32, #tpu.memory_space<hbm>>) dst(%arg8 : memref<80xi32, #tpu.memory_space<vmem>>)
      %dma_wait3A_56 = arith.constant 0 : i32
      %dma_wait3A_57 = tpu.memref_slice %arg4[%dma_wait3A_56] : memref<30720xi32, #tpu.memory_space<hbm>> -> memref<80xi32, #tpu.memory_space<hbm>>
      %dma_wait3A_58 = arith.constant 0 : i32
      %dma_wait3A_59 = tpu.memref_slice %arg4[%dma_wait3A_58] : memref<30720xi32, #tpu.memory_space<hbm>> -> memref<80xi32, #tpu.memory_space<hbm>>
      tpu.wait_dma2 semaphore(%arg17 : memref<!tpu.dma_semaphore, #tpu.memory_space<semaphore_mem>>) src(%dma_wait3A_59 : memref<80xi32, #tpu.memory_space<hbm>>) dst(%arg10 : memref<80xi32, #tpu.memory_space<vmem>>)
      "tpu.region"() ({
        %run_scoped3A = tpu.sem_alloc : memref<!tpu.dma_semaphore, #tpu.memory_space<semaphore_mem>>
        %dma_start3A_67 = arith.constant 0 : i32
        %dma_start3A_68 = arith.constant 0 : i32
        %dma_start3A_69 = tpu.memref_slice %arg2[%dma_start3A_67, %dma_start3A_68] : memref<5000x136xf32, #tpu.memory_space<hbm>> -> memref<5000x136xf32, #tpu.memory_space<hbm>>
        tpu.enqueue_indirect_dma source(%dma_start3A_69 : memref<5000x136xf32, #tpu.memory_space<hbm>>) target(%arg12 : memref<80x136xf32, #tpu.memory_space<vmem>>) offsets(%arg8 : memref<80xi32, #tpu.memory_space<vmem>>) semaphore(%run_scoped3A : memref<!tpu.dma_semaphore, #tpu.memory_space<semaphore_mem>>)
        %dma_wait3A_70 = arith.constant 0 : i32
        %dma_wait3A_71 = arith.constant 0 : i32
        %dma_wait3A_72 = tpu.memref_slice %arg2[%dma_wait3A_70, %dma_wait3A_71] : memref<5000x136xf32, #tpu.memory_space<hbm>> -> memref<5000x136xf32, #tpu.memory_space<hbm>>
        tpu.wait_indirect_dma semaphore(%run_scoped3A : memref<!tpu.dma_semaphore, #tpu.memory_space<semaphore_mem>>) src(%dma_wait3A_72 : memref<5000x136xf32, #tpu.memory_space<hbm>>) dst(%arg12 : memref<80x136xf32, #tpu.memory_space<vmem>>)
        tpu.yield
      }) : () -> ()
      "tpu.region"() ({
        %run_scoped3A = tpu.sem_alloc : memref<!tpu.dma_semaphore, #tpu.memory_space<semaphore_mem>>
        %dma_start3A_67 = arith.constant 0 : i32
        %dma_start3A_68 = arith.constant 0 : i32
        %dma_start3A_69 = tpu.memref_slice %arg13[%dma_start3A_67, %dma_start3A_68] : memref<5120x136xf32, #tpu.memory_space<vmem_shared>> -> memref<5120x136xf32, #tpu.memory_space<vmem_shared>>
        tpu.enqueue_indirect_dma source(%arg12 : memref<80x136xf32, #tpu.memory_space<vmem>>) target(%dma_start3A_69 : memref<5120x136xf32, #tpu.memory_space<vmem_shared>>) offsets(%arg10 : memref<80xi32, #tpu.memory_space<vmem>>) semaphore(%run_scoped3A : memref<!tpu.dma_semaphore, #tpu.memory_space<semaphore_mem>>) {add = true}
        %dma_wait3A_70 = arith.constant 0 : i32
        %dma_wait3A_71 = arith.constant 0 : i32
        %dma_wait3A_72 = tpu.memref_slice %arg13[%dma_wait3A_70, %dma_wait3A_71] : memref<5120x136xf32, #tpu.memory_space<vmem_shared>> -> memref<5120x136xf32, #tpu.memory_space<vmem_shared>>
        tpu.wait_indirect_dma semaphore(%run_scoped3A : memref<!tpu.dma_semaphore, #tpu.memory_space<semaphore_mem>>) src(%arg12 : memref<80x136xf32, #tpu.memory_space<vmem>>) dst(%dma_wait3A_72 : memref<5120x136xf32, #tpu.memory_space<vmem_shared>>)
        tpu.yield
      }) : () -> ()
      %add3A_60 = arith.constant 2 : i32
      %add3A_61 = arith.addi %add3A_51, %add3A_60 : i32
      %lt3A_62 = arith.constant 12 : i32
      %lt3A_63 = arith.cmpi slt, %add3A_61, %lt3A_62 : i32
      %convert_element_type3A_64 = arith.extui %lt3A_63 : i1 to i32
      %cond3A_65 = arith.constant 0 : i32
      %cond3A_66 = arith.cmpi ne, %convert_element_type3A_64, %cond3A_65 : i32
      scf.if %cond3A_66 {
        %add3A_67 = arith.constant 2 : i32
        %add3A_68 = arith.addi %add3A_51, %add3A_67 : i32
        %mul3A_69 = arith.constant 80 : i32
        %mul3A_70 = arith.muli %add3A_68, %mul3A_69 : i32
        %add3A_71 = arith.addi %mul3A_2, %mul3A_70 : i32
        %dma_start3A_72 = tpu.memref_slice %arg3[%add3A_71] : memref<30720xi32, #tpu.memory_space<hbm>> -> memref<80xi32, #tpu.memory_space<hbm>>
        %dma_start3A_73 = tpu.memref_slice %arg3[%add3A_71] : memref<30720xi32, #tpu.memory_space<hbm>> -> memref<80xi32, #tpu.memory_space<hbm>>
        tpu.enqueue_dma source(%dma_start3A_73 : memref<80xi32, #tpu.memory_space<hbm>>) target(%arg8 : memref<80xi32, #tpu.memory_space<vmem>>) target_semaphore(%arg15 : memref<!tpu.dma_semaphore, #tpu.memory_space<semaphore_mem>>)
        %mul3A_74 = arith.constant 80 : i32
        %mul3A_75 = arith.muli %add3A_68, %mul3A_74 : i32
        %add3A_76 = arith.addi %mul3A_2, %mul3A_75 : i32
        %dma_start3A_77 = tpu.memref_slice %arg4[%add3A_76] : memref<30720xi32, #tpu.memory_space<hbm>> -> memref<80xi32, #tpu.memory_space<hbm>>
        %dma_start3A_78 = tpu.memref_slice %arg4[%add3A_76] : memref<30720xi32, #tpu.memory_space<hbm>> -> memref<80xi32, #tpu.memory_space<hbm>>
        tpu.enqueue_dma source(%dma_start3A_78 : memref<80xi32, #tpu.memory_space<hbm>>) target(%arg10 : memref<80xi32, #tpu.memory_space<vmem>>) target_semaphore(%arg17 : memref<!tpu.dma_semaphore, #tpu.memory_space<semaphore_mem>>)
      } else {
      }
    }
    %scan3A_23 = arith.constant 6 : i32
    %barrier3A_24 = arith.constant 0 : index
    tpu.barrier barrier_id(%barrier3A_24)
    %mul3A_25 = arith.constant 320 : i32
    %mul3A_26 = arith.muli %arg1, %mul3A_25 : i32
    %mul3A_27 = arith.constant 5120 : i32
    %mul3A_28 = arith.muli %arg0, %mul3A_27 : i32
    %mul3A_29 = arith.constant 320 : i32
    %mul3A_30 = arith.muli %arg1, %mul3A_29 : i32
    %add3A_31 = arith.addi %mul3A_28, %mul3A_30 : i32
    "tpu.region"() ({
      %run_scoped3A = tpu.sem_alloc : memref<!tpu.dma_semaphore, #tpu.memory_space<semaphore_mem>>
      %dma_start3A_32 = arith.constant 0 : i32
      %dma_start3A_33 = tpu.memref_slice %arg6[%add3A_31, %dma_start3A_32] : memref<10240x136xf32, #tpu.memory_space<hbm>> -> memref<320x136xf32, #tpu.memory_space<hbm>>
      %dma_start3A_34 = arith.constant 0 : i32
      %dma_start3A_35 = tpu.memref_slice %arg13[%mul3A_26, %dma_start3A_34] : memref<5120x136xf32, #tpu.memory_space<vmem_shared>> -> memref<320x136xf32, #tpu.memory_space<vmem_shared>>
      tpu.enqueue_dma source(%dma_start3A_35 : memref<320x136xf32, #tpu.memory_space<vmem_shared>>) target(%dma_start3A_33 : memref<320x136xf32, #tpu.memory_space<hbm>>) target_semaphore(%run_scoped3A : memref<!tpu.dma_semaphore, #tpu.memory_space<semaphore_mem>>)
      %dma_wait3A = arith.constant 0 : i32
      %dma_wait3A_36 = tpu.memref_slice %arg6[%add3A_31, %dma_wait3A] : memref<10240x136xf32, #tpu.memory_space<hbm>> -> memref<320x136xf32, #tpu.memory_space<hbm>>
      %dma_wait3A_37 = arith.constant 0 : i32
      %dma_wait3A_38 = tpu.memref_slice %arg13[%mul3A_26, %dma_wait3A_37] : memref<5120x136xf32, #tpu.memory_space<vmem_shared>> -> memref<320x136xf32, #tpu.memory_space<vmem_shared>>
      tpu.wait_dma2 semaphore(%run_scoped3A : memref<!tpu.dma_semaphore, #tpu.memory_space<semaphore_mem>>) src(%dma_wait3A_38 : memref<320x136xf32, #tpu.memory_space<vmem_shared>>) dst(%dma_wait3A_36 : memref<320x136xf32, #tpu.memory_space<hbm>>)
      tpu.yield
    }) : () -> ()
    return
  }
}

#map = affine_map<(d0, d1) -> (0, 0)>
#map1 = affine_map<(d0, d1) -> (0)>
module attributes {stable_mosaic.version = 14 : i64} {
  func.func @_sc_edge_agg_body(%arg0: i32, %arg1: i32, %arg2: memref<10000x16xf32, #tpu.memory_space<hbm>>, %arg3: memref<320000xi32, #tpu.memory_space<hbm>>, %arg4: memref<320000xi32, #tpu.memory_space<hbm>>, %arg5: memref<632x16xf32, #tpu.memory_space<hbm>>, %arg6: memref<20224x16xf32, #tpu.memory_space<hbm>>, %arg7: memref<80xi32, #tpu.memory_space<vmem>>, %arg8: memref<80xi32, #tpu.memory_space<vmem>>, %arg9: memref<80xi32, #tpu.memory_space<vmem>>, %arg10: memref<80xi32, #tpu.memory_space<vmem>>, %arg11: memref<80x16xf32, #tpu.memory_space<vmem>>, %arg12: memref<80x16xf32, #tpu.memory_space<vmem>>, %arg13: memref<10112x16xf32, #tpu.memory_space<vmem_shared>>, %arg14: memref<!tpu.dma_semaphore, #tpu.memory_space<semaphore_mem>>, %arg15: memref<!tpu.dma_semaphore, #tpu.memory_space<semaphore_mem>>, %arg16: memref<!tpu.dma_semaphore, #tpu.memory_space<semaphore_mem>>, %arg17: memref<!tpu.dma_semaphore, #tpu.memory_space<semaphore_mem>>, %arg18: memref<!tpu.dma_semaphore, #tpu.memory_space<semaphore_mem>>, %arg19: memref<!tpu.dma_semaphore, #tpu.memory_space<semaphore_mem>>, %arg20: memref<!tpu.dma_semaphore, #tpu.memory_space<semaphore_mem>>, %arg21: memref<!tpu.dma_semaphore, #tpu.memory_space<semaphore_mem>>) attributes {dimension_semantics = [#tpu.dimension_semantics<core_parallel>, #tpu.dimension_semantics<subcore_parallel>], iteration_bounds = array<i64: 2, 16>, scalar_prefetch = 0 : i64, scratch_operands = 15 : i64, tpu.core_type = #tpu.core_type<sc_vector_subcore>, window_params = [{transform_indices = #map}, {transform_indices = #map1}, {transform_indices = #map1}, {transform_indices = #map}, {transform_indices = #map}]} {
    %mul3A = arith.constant 2 : i32
    %mul3A_0 = arith.muli %arg1, %mul3A : i32
    %add3A = arith.addi %mul3A_0, %arg0 : i32
    %mul3A_1 = arith.constant 10000 : i32
    %mul3A_2 = arith.muli %add3A, %mul3A_1 : i32
    %mul3A_3 = arith.constant 632 : i32
    %mul3A_4 = arith.muli %arg1, %mul3A_3 : i32
    "tpu.region"() ({
      %run_scoped3A = tpu.sem_alloc : memref<!tpu.dma_semaphore, #tpu.memory_space<semaphore_mem>>
      %dma_start3A_39 = arith.constant 0 : i32
      %dma_start3A_40 = tpu.memref_slice %arg13[%mul3A_4, %dma_start3A_39] : memref<10112x16xf32, #tpu.memory_space<vmem_shared>> -> memref<632x16xf32, #tpu.memory_space<vmem_shared>>
      tpu.enqueue_dma source(%arg5 : memref<632x16xf32, #tpu.memory_space<hbm>>) target(%dma_start3A_40 : memref<632x16xf32, #tpu.memory_space<vmem_shared>>) target_semaphore(%run_scoped3A : memref<!tpu.dma_semaphore, #tpu.memory_space<semaphore_mem>>)
      %dma_wait3A_41 = arith.constant 0 : i32
      %dma_wait3A_42 = tpu.memref_slice %arg13[%mul3A_4, %dma_wait3A_41] : memref<10112x16xf32, #tpu.memory_space<vmem_shared>> -> memref<632x16xf32, #tpu.memory_space<vmem_shared>>
      tpu.wait_dma2 semaphore(%run_scoped3A : memref<!tpu.dma_semaphore, #tpu.memory_space<semaphore_mem>>) src(%arg5 : memref<632x16xf32, #tpu.memory_space<hbm>>) dst(%dma_wait3A_42 : memref<632x16xf32, #tpu.memory_space<vmem_shared>>)
      tpu.yield
    }) : () -> ()
    %barrier3A = arith.constant 0 : index
    tpu.barrier barrier_id(%barrier3A)
    %add3A_5 = arith.constant 0 : i32
    %add3A_6 = arith.addi %mul3A_2, %add3A_5 : i32
    %dma_start3A = tpu.memref_slice %arg3[%add3A_6] : memref<320000xi32, #tpu.memory_space<hbm>> -> memref<80xi32, #tpu.memory_space<hbm>>
    %dma_start3A_7 = tpu.memref_slice %arg3[%add3A_6] : memref<320000xi32, #tpu.memory_space<hbm>> -> memref<80xi32, #tpu.memory_space<hbm>>
    tpu.enqueue_dma source(%dma_start3A_7 : memref<80xi32, #tpu.memory_space<hbm>>) target(%arg7 : memref<80xi32, #tpu.memory_space<vmem>>) target_semaphore(%arg14 : memref<!tpu.dma_semaphore, #tpu.memory_space<semaphore_mem>>)
    %add3A_8 = arith.constant 0 : i32
    %add3A_9 = arith.addi %mul3A_2, %add3A_8 : i32
    %dma_start3A_10 = tpu.memref_slice %arg4[%add3A_9] : memref<320000xi32, #tpu.memory_space<hbm>> -> memref<80xi32, #tpu.memory_space<hbm>>
    %dma_start3A_11 = tpu.memref_slice %arg4[%add3A_9] : memref<320000xi32, #tpu.memory_space<hbm>> -> memref<80xi32, #tpu.memory_space<hbm>>
    tpu.enqueue_dma source(%dma_start3A_11 : memref<80xi32, #tpu.memory_space<hbm>>) target(%arg9 : memref<80xi32, #tpu.memory_space<vmem>>) target_semaphore(%arg16 : memref<!tpu.dma_semaphore, #tpu.memory_space<semaphore_mem>>)
    %add3A_12 = arith.constant 80 : i32
    %add3A_13 = arith.addi %mul3A_2, %add3A_12 : i32
    %dma_start3A_14 = tpu.memref_slice %arg3[%add3A_13] : memref<320000xi32, #tpu.memory_space<hbm>> -> memref<80xi32, #tpu.memory_space<hbm>>
    %dma_start3A_15 = tpu.memref_slice %arg3[%add3A_13] : memref<320000xi32, #tpu.memory_space<hbm>> -> memref<80xi32, #tpu.memory_space<hbm>>
    tpu.enqueue_dma source(%dma_start3A_15 : memref<80xi32, #tpu.memory_space<hbm>>) target(%arg8 : memref<80xi32, #tpu.memory_space<vmem>>) target_semaphore(%arg15 : memref<!tpu.dma_semaphore, #tpu.memory_space<semaphore_mem>>)
    %add3A_16 = arith.constant 80 : i32
    %add3A_17 = arith.addi %mul3A_2, %add3A_16 : i32
    %dma_start3A_18 = tpu.memref_slice %arg4[%add3A_17] : memref<320000xi32, #tpu.memory_space<hbm>> -> memref<80xi32, #tpu.memory_space<hbm>>
    %dma_start3A_19 = tpu.memref_slice %arg4[%add3A_17] : memref<320000xi32, #tpu.memory_space<hbm>> -> memref<80xi32, #tpu.memory_space<hbm>>
    tpu.enqueue_dma source(%dma_start3A_19 : memref<80xi32, #tpu.memory_space<hbm>>) target(%arg10 : memref<80xi32, #tpu.memory_space<vmem>>) target_semaphore(%arg17 : memref<!tpu.dma_semaphore, #tpu.memory_space<semaphore_mem>>)
    %scan3A = arith.constant 0 : i32
    %scan3A_20 = arith.constant 62 : i32
    %scan3A_21 = arith.addi %scan3A, %scan3A_20 : i32
    %scan3A_22 = arith.constant 1 : i32
    scf.for %scan3A_39 = %scan3A to %scan3A_21 step %scan3A_22  : i32 {
      %mul3A_40 = arith.constant 2 : i32
      %mul3A_41 = arith.muli %scan3A_39, %mul3A_40 : i32
      %add3A_42 = arith.constant 0 : i32
      %add3A_43 = arith.addi %add3A_42, %mul3A_41 : i32
      %add3A_44 = arith.constant 0 : i32
      %add3A_45 = arith.addi %add3A_43, %add3A_44 : i32
      %dma_wait3A_46 = arith.constant 0 : i32
      %dma_wait3A_47 = tpu.memref_slice %arg3[%dma_wait3A_46] : memref<320000xi32, #tpu.memory_space<hbm>> -> memref<80xi32, #tpu.memory_space<hbm>>
      %dma_wait3A_48 = arith.constant 0 : i32
      %dma_wait3A_49 = tpu.memref_slice %arg3[%dma_wait3A_48] : memref<320000xi32, #tpu.memory_space<hbm>> -> memref<80xi32, #tpu.memory_space<hbm>>
      tpu.wait_dma2 semaphore(%arg14 : memref<!tpu.dma_semaphore, #tpu.memory_space<semaphore_mem>>) src(%dma_wait3A_49 : memref<80xi32, #tpu.memory_space<hbm>>) dst(%arg7 : memref<80xi32, #tpu.memory_space<vmem>>)
      %dma_wait3A_50 = arith.constant 0 : i32
      %dma_wait3A_51 = tpu.memref_slice %arg4[%dma_wait3A_50] : memref<320000xi32, #tpu.memory_space<hbm>> -> memref<80xi32, #tpu.memory_space<hbm>>
      %dma_wait3A_52 = arith.constant 0 : i32
      %dma_wait3A_53 = tpu.memref_slice %arg4[%dma_wait3A_52] : memref<320000xi32, #tpu.memory_space<hbm>> -> memref<80xi32, #tpu.memory_space<hbm>>
      tpu.wait_dma2 semaphore(%arg16 : memref<!tpu.dma_semaphore, #tpu.memory_space<semaphore_mem>>) src(%dma_wait3A_53 : memref<80xi32, #tpu.memory_space<hbm>>) dst(%arg9 : memref<80xi32, #tpu.memory_space<vmem>>)
      "tpu.region"() ({
        %run_scoped3A = tpu.sem_alloc : memref<!tpu.dma_semaphore, #tpu.memory_space<semaphore_mem>>
        %dma_start3A_75 = arith.constant 0 : i32
        %dma_start3A_76 = arith.constant 0 : i32
        %dma_start3A_77 = tpu.memref_slice %arg2[%dma_start3A_75, %dma_start3A_76] : memref<10000x16xf32, #tpu.memory_space<hbm>> -> memref<10000x16xf32, #tpu.memory_space<hbm>>
        tpu.enqueue_indirect_dma source(%dma_start3A_77 : memref<10000x16xf32, #tpu.memory_space<hbm>>) target(%arg11 : memref<80x16xf32, #tpu.memory_space<vmem>>) offsets(%arg7 : memref<80xi32, #tpu.memory_space<vmem>>) semaphore(%run_scoped3A : memref<!tpu.dma_semaphore, #tpu.memory_space<semaphore_mem>>)
        %dma_wait3A_78 = arith.constant 0 : i32
        %dma_wait3A_79 = arith.constant 0 : i32
        %dma_wait3A_80 = tpu.memref_slice %arg2[%dma_wait3A_78, %dma_wait3A_79] : memref<10000x16xf32, #tpu.memory_space<hbm>> -> memref<10000x16xf32, #tpu.memory_space<hbm>>
        tpu.wait_indirect_dma semaphore(%run_scoped3A : memref<!tpu.dma_semaphore, #tpu.memory_space<semaphore_mem>>) src(%dma_wait3A_80 : memref<10000x16xf32, #tpu.memory_space<hbm>>) dst(%arg11 : memref<80x16xf32, #tpu.memory_space<vmem>>)
        tpu.yield
      }) : () -> ()
      "tpu.region"() ({
        %run_scoped3A = tpu.sem_alloc : memref<!tpu.dma_semaphore, #tpu.memory_space<semaphore_mem>>
        %dma_start3A_75 = arith.constant 0 : i32
        %dma_start3A_76 = arith.constant 0 : i32
        %dma_start3A_77 = tpu.memref_slice %arg13[%dma_start3A_75, %dma_start3A_76] : memref<10112x16xf32, #tpu.memory_space<vmem_shared>> -> memref<10112x16xf32, #tpu.memory_space<vmem_shared>>
        tpu.enqueue_indirect_dma source(%arg11 : memref<80x16xf32, #tpu.memory_space<vmem>>) target(%dma_start3A_77 : memref<10112x16xf32, #tpu.memory_space<vmem_shared>>) offsets(%arg9 : memref<80xi32, #tpu.memory_space<vmem>>) semaphore(%run_scoped3A : memref<!tpu.dma_semaphore, #tpu.memory_space<semaphore_mem>>) {add = true}
        %dma_wait3A_78 = arith.constant 0 : i32
        %dma_wait3A_79 = arith.constant 0 : i32
        %dma_wait3A_80 = tpu.memref_slice %arg13[%dma_wait3A_78, %dma_wait3A_79] : memref<10112x16xf32, #tpu.memory_space<vmem_shared>> -> memref<10112x16xf32, #tpu.memory_space<vmem_shared>>
        tpu.wait_indirect_dma semaphore(%run_scoped3A : memref<!tpu.dma_semaphore, #tpu.memory_space<semaphore_mem>>) src(%arg11 : memref<80x16xf32, #tpu.memory_space<vmem>>) dst(%dma_wait3A_80 : memref<10112x16xf32, #tpu.memory_space<vmem_shared>>)
        tpu.yield
      }) : () -> ()
      %add3A_54 = arith.constant 2 : i32
      %add3A_55 = arith.addi %add3A_45, %add3A_54 : i32
      %lt3A = arith.constant 125 : i32
      %lt3A_56 = arith.cmpi slt, %add3A_55, %lt3A : i32
      %convert_element_type3A = arith.extui %lt3A_56 : i1 to i32
      %cond3A = arith.constant 0 : i32
      %cond3A_57 = arith.cmpi ne, %convert_element_type3A, %cond3A : i32
      scf.if %cond3A_57 {
        %add3A_75 = arith.constant 2 : i32
        %add3A_76 = arith.addi %add3A_45, %add3A_75 : i32
        %mul3A_77 = arith.constant 80 : i32
        %mul3A_78 = arith.muli %add3A_76, %mul3A_77 : i32
        %add3A_79 = arith.addi %mul3A_2, %mul3A_78 : i32
        %dma_start3A_80 = tpu.memref_slice %arg3[%add3A_79] : memref<320000xi32, #tpu.memory_space<hbm>> -> memref<80xi32, #tpu.memory_space<hbm>>
        %dma_start3A_81 = tpu.memref_slice %arg3[%add3A_79] : memref<320000xi32, #tpu.memory_space<hbm>> -> memref<80xi32, #tpu.memory_space<hbm>>
        tpu.enqueue_dma source(%dma_start3A_81 : memref<80xi32, #tpu.memory_space<hbm>>) target(%arg7 : memref<80xi32, #tpu.memory_space<vmem>>) target_semaphore(%arg14 : memref<!tpu.dma_semaphore, #tpu.memory_space<semaphore_mem>>)
        %mul3A_82 = arith.constant 80 : i32
        %mul3A_83 = arith.muli %add3A_76, %mul3A_82 : i32
        %add3A_84 = arith.addi %mul3A_2, %mul3A_83 : i32
        %dma_start3A_85 = tpu.memref_slice %arg4[%add3A_84] : memref<320000xi32, #tpu.memory_space<hbm>> -> memref<80xi32, #tpu.memory_space<hbm>>
        %dma_start3A_86 = tpu.memref_slice %arg4[%add3A_84] : memref<320000xi32, #tpu.memory_space<hbm>> -> memref<80xi32, #tpu.memory_space<hbm>>
        tpu.enqueue_dma source(%dma_start3A_86 : memref<80xi32, #tpu.memory_space<hbm>>) target(%arg9 : memref<80xi32, #tpu.memory_space<vmem>>) target_semaphore(%arg16 : memref<!tpu.dma_semaphore, #tpu.memory_space<semaphore_mem>>)
      } else {
      }
      %add3A_58 = arith.constant 1 : i32
      %add3A_59 = arith.addi %add3A_43, %add3A_58 : i32
      %dma_wait3A_60 = arith.constant 0 : i32
      %dma_wait3A_61 = tpu.memref_slice %arg3[%dma_wait3A_60] : memref<320000xi32, #tpu.memory_space<hbm>> -> memref<80xi32, #tpu.memory_space<hbm>>
      %dma_wait3A_62 = arith.constant 0 : i32
      %dma_wait3A_63 = tpu.memref_slice %arg3[%dma_wait3A_62] : memref<320000xi32, #tpu.memory_space<hbm>> -> memref<80xi32, #tpu.memory_space<hbm>>
      tpu.wait_dma2 semaphore(%arg15 : memref<!tpu.dma_semaphore, #tpu.memory_space<semaphore_mem>>) src(%dma_wait3A_63 : memref<80xi32, #tpu.memory_space<hbm>>) dst(%arg8 : memref<80xi32, #tpu.memory_space<vmem>>)
      %dma_wait3A_64 = arith.constant 0 : i32
      %dma_wait3A_65 = tpu.memref_slice %arg4[%dma_wait3A_64] : memref<320000xi32, #tpu.memory_space<hbm>> -> memref<80xi32, #tpu.memory_space<hbm>>
      %dma_wait3A_66 = arith.constant 0 : i32
      %dma_wait3A_67 = tpu.memref_slice %arg4[%dma_wait3A_66] : memref<320000xi32, #tpu.memory_space<hbm>> -> memref<80xi32, #tpu.memory_space<hbm>>
      tpu.wait_dma2 semaphore(%arg17 : memref<!tpu.dma_semaphore, #tpu.memory_space<semaphore_mem>>) src(%dma_wait3A_67 : memref<80xi32, #tpu.memory_space<hbm>>) dst(%arg10 : memref<80xi32, #tpu.memory_space<vmem>>)
      "tpu.region"() ({
        %run_scoped3A = tpu.sem_alloc : memref<!tpu.dma_semaphore, #tpu.memory_space<semaphore_mem>>
        %dma_start3A_75 = arith.constant 0 : i32
        %dma_start3A_76 = arith.constant 0 : i32
        %dma_start3A_77 = tpu.memref_slice %arg2[%dma_start3A_75, %dma_start3A_76] : memref<10000x16xf32, #tpu.memory_space<hbm>> -> memref<10000x16xf32, #tpu.memory_space<hbm>>
        tpu.enqueue_indirect_dma source(%dma_start3A_77 : memref<10000x16xf32, #tpu.memory_space<hbm>>) target(%arg12 : memref<80x16xf32, #tpu.memory_space<vmem>>) offsets(%arg8 : memref<80xi32, #tpu.memory_space<vmem>>) semaphore(%run_scoped3A : memref<!tpu.dma_semaphore, #tpu.memory_space<semaphore_mem>>)
        %dma_wait3A_78 = arith.constant 0 : i32
        %dma_wait3A_79 = arith.constant 0 : i32
        %dma_wait3A_80 = tpu.memref_slice %arg2[%dma_wait3A_78, %dma_wait3A_79] : memref<10000x16xf32, #tpu.memory_space<hbm>> -> memref<10000x16xf32, #tpu.memory_space<hbm>>
        tpu.wait_indirect_dma semaphore(%run_scoped3A : memref<!tpu.dma_semaphore, #tpu.memory_space<semaphore_mem>>) src(%dma_wait3A_80 : memref<10000x16xf32, #tpu.memory_space<hbm>>) dst(%arg12 : memref<80x16xf32, #tpu.memory_space<vmem>>)
        tpu.yield
      }) : () -> ()
      "tpu.region"() ({
        %run_scoped3A = tpu.sem_alloc : memref<!tpu.dma_semaphore, #tpu.memory_space<semaphore_mem>>
        %dma_start3A_75 = arith.constant 0 : i32
        %dma_start3A_76 = arith.constant 0 : i32
        %dma_start3A_77 = tpu.memref_slice %arg13[%dma_start3A_75, %dma_start3A_76] : memref<10112x16xf32, #tpu.memory_space<vmem_shared>> -> memref<10112x16xf32, #tpu.memory_space<vmem_shared>>
        tpu.enqueue_indirect_dma source(%arg12 : memref<80x16xf32, #tpu.memory_space<vmem>>) target(%dma_start3A_77 : memref<10112x16xf32, #tpu.memory_space<vmem_shared>>) offsets(%arg10 : memref<80xi32, #tpu.memory_space<vmem>>) semaphore(%run_scoped3A : memref<!tpu.dma_semaphore, #tpu.memory_space<semaphore_mem>>) {add = true}
        %dma_wait3A_78 = arith.constant 0 : i32
        %dma_wait3A_79 = arith.constant 0 : i32
        %dma_wait3A_80 = tpu.memref_slice %arg13[%dma_wait3A_78, %dma_wait3A_79] : memref<10112x16xf32, #tpu.memory_space<vmem_shared>> -> memref<10112x16xf32, #tpu.memory_space<vmem_shared>>
        tpu.wait_indirect_dma semaphore(%run_scoped3A : memref<!tpu.dma_semaphore, #tpu.memory_space<semaphore_mem>>) src(%arg12 : memref<80x16xf32, #tpu.memory_space<vmem>>) dst(%dma_wait3A_80 : memref<10112x16xf32, #tpu.memory_space<vmem_shared>>)
        tpu.yield
      }) : () -> ()
      %add3A_68 = arith.constant 2 : i32
      %add3A_69 = arith.addi %add3A_59, %add3A_68 : i32
      %lt3A_70 = arith.constant 125 : i32
      %lt3A_71 = arith.cmpi slt, %add3A_69, %lt3A_70 : i32
      %convert_element_type3A_72 = arith.extui %lt3A_71 : i1 to i32
      %cond3A_73 = arith.constant 0 : i32
      %cond3A_74 = arith.cmpi ne, %convert_element_type3A_72, %cond3A_73 : i32
      scf.if %cond3A_74 {
        %add3A_75 = arith.constant 2 : i32
        %add3A_76 = arith.addi %add3A_59, %add3A_75 : i32
        %mul3A_77 = arith.constant 80 : i32
        %mul3A_78 = arith.muli %add3A_76, %mul3A_77 : i32
        %add3A_79 = arith.addi %mul3A_2, %mul3A_78 : i32
        %dma_start3A_80 = tpu.memref_slice %arg3[%add3A_79] : memref<320000xi32, #tpu.memory_space<hbm>> -> memref<80xi32, #tpu.memory_space<hbm>>
        %dma_start3A_81 = tpu.memref_slice %arg3[%add3A_79] : memref<320000xi32, #tpu.memory_space<hbm>> -> memref<80xi32, #tpu.memory_space<hbm>>
        tpu.enqueue_dma source(%dma_start3A_81 : memref<80xi32, #tpu.memory_space<hbm>>) target(%arg8 : memref<80xi32, #tpu.memory_space<vmem>>) target_semaphore(%arg15 : memref<!tpu.dma_semaphore, #tpu.memory_space<semaphore_mem>>)
        %mul3A_82 = arith.constant 80 : i32
        %mul3A_83 = arith.muli %add3A_76, %mul3A_82 : i32
        %add3A_84 = arith.addi %mul3A_2, %mul3A_83 : i32
        %dma_start3A_85 = tpu.memref_slice %arg4[%add3A_84] : memref<320000xi32, #tpu.memory_space<hbm>> -> memref<80xi32, #tpu.memory_space<hbm>>
        %dma_start3A_86 = tpu.memref_slice %arg4[%add3A_84] : memref<320000xi32, #tpu.memory_space<hbm>> -> memref<80xi32, #tpu.memory_space<hbm>>
        tpu.enqueue_dma source(%dma_start3A_86 : memref<80xi32, #tpu.memory_space<hbm>>) target(%arg10 : memref<80xi32, #tpu.memory_space<vmem>>) target_semaphore(%arg17 : memref<!tpu.dma_semaphore, #tpu.memory_space<semaphore_mem>>)
      } else {
      }
    }
    %scan3A_23 = arith.constant 62 : i32
    %dma_wait3A = arith.constant 0 : i32
    %dma_wait3A_24 = tpu.memref_slice %arg3[%dma_wait3A] : memref<320000xi32, #tpu.memory_space<hbm>> -> memref<80xi32, #tpu.memory_space<hbm>>
    %dma_wait3A_25 = arith.constant 0 : i32
    %dma_wait3A_26 = tpu.memref_slice %arg3[%dma_wait3A_25] : memref<320000xi32, #tpu.memory_space<hbm>> -> memref<80xi32, #tpu.memory_space<hbm>>
    tpu.wait_dma2 semaphore(%arg14 : memref<!tpu.dma_semaphore, #tpu.memory_space<semaphore_mem>>) src(%dma_wait3A_26 : memref<80xi32, #tpu.memory_space<hbm>>) dst(%arg7 : memref<80xi32, #tpu.memory_space<vmem>>)
    %dma_wait3A_27 = arith.constant 0 : i32
    %dma_wait3A_28 = tpu.memref_slice %arg4[%dma_wait3A_27] : memref<320000xi32, #tpu.memory_space<hbm>> -> memref<80xi32, #tpu.memory_space<hbm>>
    %dma_wait3A_29 = arith.constant 0 : i32
    %dma_wait3A_30 = tpu.memref_slice %arg4[%dma_wait3A_29] : memref<320000xi32, #tpu.memory_space<hbm>> -> memref<80xi32, #tpu.memory_space<hbm>>
    tpu.wait_dma2 semaphore(%arg16 : memref<!tpu.dma_semaphore, #tpu.memory_space<semaphore_mem>>) src(%dma_wait3A_30 : memref<80xi32, #tpu.memory_space<hbm>>) dst(%arg9 : memref<80xi32, #tpu.memory_space<vmem>>)
    "tpu.region"() ({
      %run_scoped3A = tpu.sem_alloc : memref<!tpu.dma_semaphore, #tpu.memory_space<semaphore_mem>>
      %dma_start3A_39 = arith.constant 0 : i32
      %dma_start3A_40 = arith.constant 0 : i32
      %dma_start3A_41 = tpu.memref_slice %arg2[%dma_start3A_39, %dma_start3A_40] : memref<10000x16xf32, #tpu.memory_space<hbm>> -> memref<10000x16xf32, #tpu.memory_space<hbm>>
      tpu.enqueue_indirect_dma source(%dma_start3A_41 : memref<10000x16xf32, #tpu.memory_space<hbm>>) target(%arg11 : memref<80x16xf32, #tpu.memory_space<vmem>>) offsets(%arg7 : memref<80xi32, #tpu.memory_space<vmem>>) semaphore(%run_scoped3A : memref<!tpu.dma_semaphore, #tpu.memory_space<semaphore_mem>>)
      %dma_wait3A_42 = arith.constant 0 : i32
      %dma_wait3A_43 = arith.constant 0 : i32
      %dma_wait3A_44 = tpu.memref_slice %arg2[%dma_wait3A_42, %dma_wait3A_43] : memref<10000x16xf32, #tpu.memory_space<hbm>> -> memref<10000x16xf32, #tpu.memory_space<hbm>>
      tpu.wait_indirect_dma semaphore(%run_scoped3A : memref<!tpu.dma_semaphore, #tpu.memory_space<semaphore_mem>>) src(%dma_wait3A_44 : memref<10000x16xf32, #tpu.memory_space<hbm>>) dst(%arg11 : memref<80x16xf32, #tpu.memory_space<vmem>>)
      tpu.yield
    }) : () -> ()
    "tpu.region"() ({
      %run_scoped3A = tpu.sem_alloc : memref<!tpu.dma_semaphore, #tpu.memory_space<semaphore_mem>>
      %dma_start3A_39 = arith.constant 0 : i32
      %dma_start3A_40 = arith.constant 0 : i32
      %dma_start3A_41 = tpu.memref_slice %arg13[%dma_start3A_39, %dma_start3A_40] : memref<10112x16xf32, #tpu.memory_space<vmem_shared>> -> memref<10112x16xf32, #tpu.memory_space<vmem_shared>>
      tpu.enqueue_indirect_dma source(%arg11 : memref<80x16xf32, #tpu.memory_space<vmem>>) target(%dma_start3A_41 : memref<10112x16xf32, #tpu.memory_space<vmem_shared>>) offsets(%arg9 : memref<80xi32, #tpu.memory_space<vmem>>) semaphore(%run_scoped3A : memref<!tpu.dma_semaphore, #tpu.memory_space<semaphore_mem>>) {add = true}
      %dma_wait3A_42 = arith.constant 0 : i32
      %dma_wait3A_43 = arith.constant 0 : i32
      %dma_wait3A_44 = tpu.memref_slice %arg13[%dma_wait3A_42, %dma_wait3A_43] : memref<10112x16xf32, #tpu.memory_space<vmem_shared>> -> memref<10112x16xf32, #tpu.memory_space<vmem_shared>>
      tpu.wait_indirect_dma semaphore(%run_scoped3A : memref<!tpu.dma_semaphore, #tpu.memory_space<semaphore_mem>>) src(%arg11 : memref<80x16xf32, #tpu.memory_space<vmem>>) dst(%dma_wait3A_44 : memref<10112x16xf32, #tpu.memory_space<vmem_shared>>)
      tpu.yield
    }) : () -> ()
    %barrier3A_31 = arith.constant 0 : index
    tpu.barrier barrier_id(%barrier3A_31)
    %mul3A_32 = arith.constant 632 : i32
    %mul3A_33 = arith.muli %arg1, %mul3A_32 : i32
    %mul3A_34 = arith.constant 10112 : i32
    %mul3A_35 = arith.muli %arg0, %mul3A_34 : i32
    %mul3A_36 = arith.constant 632 : i32
    %mul3A_37 = arith.muli %arg1, %mul3A_36 : i32
    %add3A_38 = arith.addi %mul3A_35, %mul3A_37 : i32
    "tpu.region"() ({
      %run_scoped3A = tpu.sem_alloc : memref<!tpu.dma_semaphore, #tpu.memory_space<semaphore_mem>>
      %dma_start3A_39 = arith.constant 0 : i32
      %dma_start3A_40 = tpu.memref_slice %arg6[%add3A_38, %dma_start3A_39] : memref<20224x16xf32, #tpu.memory_space<hbm>> -> memref<632x16xf32, #tpu.memory_space<hbm>>
      %dma_start3A_41 = arith.constant 0 : i32
      %dma_start3A_42 = tpu.memref_slice %arg13[%mul3A_33, %dma_start3A_41] : memref<10112x16xf32, #tpu.memory_space<vmem_shared>> -> memref<632x16xf32, #tpu.memory_space<vmem_shared>>
      tpu.enqueue_dma source(%dma_start3A_42 : memref<632x16xf32, #tpu.memory_space<vmem_shared>>) target(%dma_start3A_40 : memref<632x16xf32, #tpu.memory_space<hbm>>) target_semaphore(%run_scoped3A : memref<!tpu.dma_semaphore, #tpu.memory_space<semaphore_mem>>)
      %dma_wait3A_43 = arith.constant 0 : i32
      %dma_wait3A_44 = tpu.memref_slice %arg6[%add3A_38, %dma_wait3A_43] : memref<20224x16xf32, #tpu.memory_space<hbm>> -> memref<632x16xf32, #tpu.memory_space<hbm>>
      %dma_wait3A_45 = arith.constant 0 : i32
      %dma_wait3A_46 = tpu.memref_slice %arg13[%mul3A_33, %dma_wait3A_45] : memref<10112x16xf32, #tpu.memory_space<vmem_shared>> -> memref<632x16xf32, #tpu.memory_space<vmem_shared>>
      tpu.wait_dma2 semaphore(%run_scoped3A : memref<!tpu.dma_semaphore, #tpu.memory_space<semaphore_mem>>) src(%dma_wait3A_46 : memref<632x16xf32, #tpu.memory_space<vmem_shared>>) dst(%dma_wait3A_44 : memref<632x16xf32, #tpu.memory_space<hbm>>)
      tpu.yield
    }) : () -> ()
    return
  }
}

#map = affine_map<(d0, d1) -> (0, 0)>
#map1 = affine_map<(d0, d1) -> (0)>
module attributes {stable_mosaic.version = 14 : i64} {
  func.func @_sc_edge_agg_body(%arg0: i32, %arg1: i32, %arg2: memref<5000x16xf32, #tpu.memory_space<hbm>>, %arg3: memref<30720xi32, #tpu.memory_space<hbm>>, %arg4: memref<30720xi32, #tpu.memory_space<hbm>>, %arg5: memref<320x16xf32, #tpu.memory_space<hbm>>, %arg6: memref<10240x16xf32, #tpu.memory_space<hbm>>, %arg7: memref<80xi32, #tpu.memory_space<vmem>>, %arg8: memref<80xi32, #tpu.memory_space<vmem>>, %arg9: memref<80xi32, #tpu.memory_space<vmem>>, %arg10: memref<80xi32, #tpu.memory_space<vmem>>, %arg11: memref<80x16xf32, #tpu.memory_space<vmem>>, %arg12: memref<80x16xf32, #tpu.memory_space<vmem>>, %arg13: memref<5120x16xf32, #tpu.memory_space<vmem_shared>>, %arg14: memref<!tpu.dma_semaphore, #tpu.memory_space<semaphore_mem>>, %arg15: memref<!tpu.dma_semaphore, #tpu.memory_space<semaphore_mem>>, %arg16: memref<!tpu.dma_semaphore, #tpu.memory_space<semaphore_mem>>, %arg17: memref<!tpu.dma_semaphore, #tpu.memory_space<semaphore_mem>>, %arg18: memref<!tpu.dma_semaphore, #tpu.memory_space<semaphore_mem>>, %arg19: memref<!tpu.dma_semaphore, #tpu.memory_space<semaphore_mem>>, %arg20: memref<!tpu.dma_semaphore, #tpu.memory_space<semaphore_mem>>, %arg21: memref<!tpu.dma_semaphore, #tpu.memory_space<semaphore_mem>>) attributes {dimension_semantics = [#tpu.dimension_semantics<core_parallel>, #tpu.dimension_semantics<subcore_parallel>], iteration_bounds = array<i64: 2, 16>, scalar_prefetch = 0 : i64, scratch_operands = 15 : i64, tpu.core_type = #tpu.core_type<sc_vector_subcore>, window_params = [{transform_indices = #map}, {transform_indices = #map1}, {transform_indices = #map1}, {transform_indices = #map}, {transform_indices = #map}]} {
    %mul3A = arith.constant 2 : i32
    %mul3A_0 = arith.muli %arg1, %mul3A : i32
    %add3A = arith.addi %mul3A_0, %arg0 : i32
    %mul3A_1 = arith.constant 960 : i32
    %mul3A_2 = arith.muli %add3A, %mul3A_1 : i32
    %mul3A_3 = arith.constant 320 : i32
    %mul3A_4 = arith.muli %arg1, %mul3A_3 : i32
    "tpu.region"() ({
      %run_scoped3A = tpu.sem_alloc : memref<!tpu.dma_semaphore, #tpu.memory_space<semaphore_mem>>
      %dma_start3A_32 = arith.constant 0 : i32
      %dma_start3A_33 = tpu.memref_slice %arg13[%mul3A_4, %dma_start3A_32] : memref<5120x16xf32, #tpu.memory_space<vmem_shared>> -> memref<320x16xf32, #tpu.memory_space<vmem_shared>>
      tpu.enqueue_dma source(%arg5 : memref<320x16xf32, #tpu.memory_space<hbm>>) target(%dma_start3A_33 : memref<320x16xf32, #tpu.memory_space<vmem_shared>>) target_semaphore(%run_scoped3A : memref<!tpu.dma_semaphore, #tpu.memory_space<semaphore_mem>>)
      %dma_wait3A = arith.constant 0 : i32
      %dma_wait3A_34 = tpu.memref_slice %arg13[%mul3A_4, %dma_wait3A] : memref<5120x16xf32, #tpu.memory_space<vmem_shared>> -> memref<320x16xf32, #tpu.memory_space<vmem_shared>>
      tpu.wait_dma2 semaphore(%run_scoped3A : memref<!tpu.dma_semaphore, #tpu.memory_space<semaphore_mem>>) src(%arg5 : memref<320x16xf32, #tpu.memory_space<hbm>>) dst(%dma_wait3A_34 : memref<320x16xf32, #tpu.memory_space<vmem_shared>>)
      tpu.yield
    }) : () -> ()
    %barrier3A = arith.constant 0 : index
    tpu.barrier barrier_id(%barrier3A)
    %add3A_5 = arith.constant 0 : i32
    %add3A_6 = arith.addi %mul3A_2, %add3A_5 : i32
    %dma_start3A = tpu.memref_slice %arg3[%add3A_6] : memref<30720xi32, #tpu.memory_space<hbm>> -> memref<80xi32, #tpu.memory_space<hbm>>
    %dma_start3A_7 = tpu.memref_slice %arg3[%add3A_6] : memref<30720xi32, #tpu.memory_space<hbm>> -> memref<80xi32, #tpu.memory_space<hbm>>
    tpu.enqueue_dma source(%dma_start3A_7 : memref<80xi32, #tpu.memory_space<hbm>>) target(%arg7 : memref<80xi32, #tpu.memory_space<vmem>>) target_semaphore(%arg14 : memref<!tpu.dma_semaphore, #tpu.memory_space<semaphore_mem>>)
    %add3A_8 = arith.constant 0 : i32
    %add3A_9 = arith.addi %mul3A_2, %add3A_8 : i32
    %dma_start3A_10 = tpu.memref_slice %arg4[%add3A_9] : memref<30720xi32, #tpu.memory_space<hbm>> -> memref<80xi32, #tpu.memory_space<hbm>>
    %dma_start3A_11 = tpu.memref_slice %arg4[%add3A_9] : memref<30720xi32, #tpu.memory_space<hbm>> -> memref<80xi32, #tpu.memory_space<hbm>>
    tpu.enqueue_dma source(%dma_start3A_11 : memref<80xi32, #tpu.memory_space<hbm>>) target(%arg9 : memref<80xi32, #tpu.memory_space<vmem>>) target_semaphore(%arg16 : memref<!tpu.dma_semaphore, #tpu.memory_space<semaphore_mem>>)
    %add3A_12 = arith.constant 80 : i32
    %add3A_13 = arith.addi %mul3A_2, %add3A_12 : i32
    %dma_start3A_14 = tpu.memref_slice %arg3[%add3A_13] : memref<30720xi32, #tpu.memory_space<hbm>> -> memref<80xi32, #tpu.memory_space<hbm>>
    %dma_start3A_15 = tpu.memref_slice %arg3[%add3A_13] : memref<30720xi32, #tpu.memory_space<hbm>> -> memref<80xi32, #tpu.memory_space<hbm>>
    tpu.enqueue_dma source(%dma_start3A_15 : memref<80xi32, #tpu.memory_space<hbm>>) target(%arg8 : memref<80xi32, #tpu.memory_space<vmem>>) target_semaphore(%arg15 : memref<!tpu.dma_semaphore, #tpu.memory_space<semaphore_mem>>)
    %add3A_16 = arith.constant 80 : i32
    %add3A_17 = arith.addi %mul3A_2, %add3A_16 : i32
    %dma_start3A_18 = tpu.memref_slice %arg4[%add3A_17] : memref<30720xi32, #tpu.memory_space<hbm>> -> memref<80xi32, #tpu.memory_space<hbm>>
    %dma_start3A_19 = tpu.memref_slice %arg4[%add3A_17] : memref<30720xi32, #tpu.memory_space<hbm>> -> memref<80xi32, #tpu.memory_space<hbm>>
    tpu.enqueue_dma source(%dma_start3A_19 : memref<80xi32, #tpu.memory_space<hbm>>) target(%arg10 : memref<80xi32, #tpu.memory_space<vmem>>) target_semaphore(%arg17 : memref<!tpu.dma_semaphore, #tpu.memory_space<semaphore_mem>>)
    %scan3A = arith.constant 0 : i32
    %scan3A_20 = arith.constant 6 : i32
    %scan3A_21 = arith.addi %scan3A, %scan3A_20 : i32
    %scan3A_22 = arith.constant 1 : i32
    scf.for %scan3A_32 = %scan3A to %scan3A_21 step %scan3A_22  : i32 {
      %mul3A_33 = arith.constant 2 : i32
      %mul3A_34 = arith.muli %scan3A_32, %mul3A_33 : i32
      %add3A_35 = arith.constant 0 : i32
      %add3A_36 = arith.addi %add3A_35, %mul3A_34 : i32
      %add3A_37 = arith.constant 0 : i32
      %add3A_38 = arith.addi %add3A_36, %add3A_37 : i32
      %dma_wait3A = arith.constant 0 : i32
      %dma_wait3A_39 = tpu.memref_slice %arg3[%dma_wait3A] : memref<30720xi32, #tpu.memory_space<hbm>> -> memref<80xi32, #tpu.memory_space<hbm>>
      %dma_wait3A_40 = arith.constant 0 : i32
      %dma_wait3A_41 = tpu.memref_slice %arg3[%dma_wait3A_40] : memref<30720xi32, #tpu.memory_space<hbm>> -> memref<80xi32, #tpu.memory_space<hbm>>
      tpu.wait_dma2 semaphore(%arg14 : memref<!tpu.dma_semaphore, #tpu.memory_space<semaphore_mem>>) src(%dma_wait3A_41 : memref<80xi32, #tpu.memory_space<hbm>>) dst(%arg7 : memref<80xi32, #tpu.memory_space<vmem>>)
      %dma_wait3A_42 = arith.constant 0 : i32
      %dma_wait3A_43 = tpu.memref_slice %arg4[%dma_wait3A_42] : memref<30720xi32, #tpu.memory_space<hbm>> -> memref<80xi32, #tpu.memory_space<hbm>>
      %dma_wait3A_44 = arith.constant 0 : i32
      %dma_wait3A_45 = tpu.memref_slice %arg4[%dma_wait3A_44] : memref<30720xi32, #tpu.memory_space<hbm>> -> memref<80xi32, #tpu.memory_space<hbm>>
      tpu.wait_dma2 semaphore(%arg16 : memref<!tpu.dma_semaphore, #tpu.memory_space<semaphore_mem>>) src(%dma_wait3A_45 : memref<80xi32, #tpu.memory_space<hbm>>) dst(%arg9 : memref<80xi32, #tpu.memory_space<vmem>>)
      "tpu.region"() ({
        %run_scoped3A = tpu.sem_alloc : memref<!tpu.dma_semaphore, #tpu.memory_space<semaphore_mem>>
        %dma_start3A_67 = arith.constant 0 : i32
        %dma_start3A_68 = arith.constant 0 : i32
        %dma_start3A_69 = tpu.memref_slice %arg2[%dma_start3A_67, %dma_start3A_68] : memref<5000x16xf32, #tpu.memory_space<hbm>> -> memref<5000x16xf32, #tpu.memory_space<hbm>>
        tpu.enqueue_indirect_dma source(%dma_start3A_69 : memref<5000x16xf32, #tpu.memory_space<hbm>>) target(%arg11 : memref<80x16xf32, #tpu.memory_space<vmem>>) offsets(%arg7 : memref<80xi32, #tpu.memory_space<vmem>>) semaphore(%run_scoped3A : memref<!tpu.dma_semaphore, #tpu.memory_space<semaphore_mem>>)
        %dma_wait3A_70 = arith.constant 0 : i32
        %dma_wait3A_71 = arith.constant 0 : i32
        %dma_wait3A_72 = tpu.memref_slice %arg2[%dma_wait3A_70, %dma_wait3A_71] : memref<5000x16xf32, #tpu.memory_space<hbm>> -> memref<5000x16xf32, #tpu.memory_space<hbm>>
        tpu.wait_indirect_dma semaphore(%run_scoped3A : memref<!tpu.dma_semaphore, #tpu.memory_space<semaphore_mem>>) src(%dma_wait3A_72 : memref<5000x16xf32, #tpu.memory_space<hbm>>) dst(%arg11 : memref<80x16xf32, #tpu.memory_space<vmem>>)
        tpu.yield
      }) : () -> ()
      "tpu.region"() ({
        %run_scoped3A = tpu.sem_alloc : memref<!tpu.dma_semaphore, #tpu.memory_space<semaphore_mem>>
        %dma_start3A_67 = arith.constant 0 : i32
        %dma_start3A_68 = arith.constant 0 : i32
        %dma_start3A_69 = tpu.memref_slice %arg13[%dma_start3A_67, %dma_start3A_68] : memref<5120x16xf32, #tpu.memory_space<vmem_shared>> -> memref<5120x16xf32, #tpu.memory_space<vmem_shared>>
        tpu.enqueue_indirect_dma source(%arg11 : memref<80x16xf32, #tpu.memory_space<vmem>>) target(%dma_start3A_69 : memref<5120x16xf32, #tpu.memory_space<vmem_shared>>) offsets(%arg9 : memref<80xi32, #tpu.memory_space<vmem>>) semaphore(%run_scoped3A : memref<!tpu.dma_semaphore, #tpu.memory_space<semaphore_mem>>) {add = true}
        %dma_wait3A_70 = arith.constant 0 : i32
        %dma_wait3A_71 = arith.constant 0 : i32
        %dma_wait3A_72 = tpu.memref_slice %arg13[%dma_wait3A_70, %dma_wait3A_71] : memref<5120x16xf32, #tpu.memory_space<vmem_shared>> -> memref<5120x16xf32, #tpu.memory_space<vmem_shared>>
        tpu.wait_indirect_dma semaphore(%run_scoped3A : memref<!tpu.dma_semaphore, #tpu.memory_space<semaphore_mem>>) src(%arg11 : memref<80x16xf32, #tpu.memory_space<vmem>>) dst(%dma_wait3A_72 : memref<5120x16xf32, #tpu.memory_space<vmem_shared>>)
        tpu.yield
      }) : () -> ()
      %add3A_46 = arith.constant 2 : i32
      %add3A_47 = arith.addi %add3A_38, %add3A_46 : i32
      %lt3A = arith.constant 12 : i32
      %lt3A_48 = arith.cmpi slt, %add3A_47, %lt3A : i32
      %convert_element_type3A = arith.extui %lt3A_48 : i1 to i32
      %cond3A = arith.constant 0 : i32
      %cond3A_49 = arith.cmpi ne, %convert_element_type3A, %cond3A : i32
      scf.if %cond3A_49 {
        %add3A_67 = arith.constant 2 : i32
        %add3A_68 = arith.addi %add3A_38, %add3A_67 : i32
        %mul3A_69 = arith.constant 80 : i32
        %mul3A_70 = arith.muli %add3A_68, %mul3A_69 : i32
        %add3A_71 = arith.addi %mul3A_2, %mul3A_70 : i32
        %dma_start3A_72 = tpu.memref_slice %arg3[%add3A_71] : memref<30720xi32, #tpu.memory_space<hbm>> -> memref<80xi32, #tpu.memory_space<hbm>>
        %dma_start3A_73 = tpu.memref_slice %arg3[%add3A_71] : memref<30720xi32, #tpu.memory_space<hbm>> -> memref<80xi32, #tpu.memory_space<hbm>>
        tpu.enqueue_dma source(%dma_start3A_73 : memref<80xi32, #tpu.memory_space<hbm>>) target(%arg7 : memref<80xi32, #tpu.memory_space<vmem>>) target_semaphore(%arg14 : memref<!tpu.dma_semaphore, #tpu.memory_space<semaphore_mem>>)
        %mul3A_74 = arith.constant 80 : i32
        %mul3A_75 = arith.muli %add3A_68, %mul3A_74 : i32
        %add3A_76 = arith.addi %mul3A_2, %mul3A_75 : i32
        %dma_start3A_77 = tpu.memref_slice %arg4[%add3A_76] : memref<30720xi32, #tpu.memory_space<hbm>> -> memref<80xi32, #tpu.memory_space<hbm>>
        %dma_start3A_78 = tpu.memref_slice %arg4[%add3A_76] : memref<30720xi32, #tpu.memory_space<hbm>> -> memref<80xi32, #tpu.memory_space<hbm>>
        tpu.enqueue_dma source(%dma_start3A_78 : memref<80xi32, #tpu.memory_space<hbm>>) target(%arg9 : memref<80xi32, #tpu.memory_space<vmem>>) target_semaphore(%arg16 : memref<!tpu.dma_semaphore, #tpu.memory_space<semaphore_mem>>)
      } else {
      }
      %add3A_50 = arith.constant 1 : i32
      %add3A_51 = arith.addi %add3A_36, %add3A_50 : i32
      %dma_wait3A_52 = arith.constant 0 : i32
      %dma_wait3A_53 = tpu.memref_slice %arg3[%dma_wait3A_52] : memref<30720xi32, #tpu.memory_space<hbm>> -> memref<80xi32, #tpu.memory_space<hbm>>
      %dma_wait3A_54 = arith.constant 0 : i32
      %dma_wait3A_55 = tpu.memref_slice %arg3[%dma_wait3A_54] : memref<30720xi32, #tpu.memory_space<hbm>> -> memref<80xi32, #tpu.memory_space<hbm>>
      tpu.wait_dma2 semaphore(%arg15 : memref<!tpu.dma_semaphore, #tpu.memory_space<semaphore_mem>>) src(%dma_wait3A_55 : memref<80xi32, #tpu.memory_space<hbm>>) dst(%arg8 : memref<80xi32, #tpu.memory_space<vmem>>)
      %dma_wait3A_56 = arith.constant 0 : i32
      %dma_wait3A_57 = tpu.memref_slice %arg4[%dma_wait3A_56] : memref<30720xi32, #tpu.memory_space<hbm>> -> memref<80xi32, #tpu.memory_space<hbm>>
      %dma_wait3A_58 = arith.constant 0 : i32
      %dma_wait3A_59 = tpu.memref_slice %arg4[%dma_wait3A_58] : memref<30720xi32, #tpu.memory_space<hbm>> -> memref<80xi32, #tpu.memory_space<hbm>>
      tpu.wait_dma2 semaphore(%arg17 : memref<!tpu.dma_semaphore, #tpu.memory_space<semaphore_mem>>) src(%dma_wait3A_59 : memref<80xi32, #tpu.memory_space<hbm>>) dst(%arg10 : memref<80xi32, #tpu.memory_space<vmem>>)
      "tpu.region"() ({
        %run_scoped3A = tpu.sem_alloc : memref<!tpu.dma_semaphore, #tpu.memory_space<semaphore_mem>>
        %dma_start3A_67 = arith.constant 0 : i32
        %dma_start3A_68 = arith.constant 0 : i32
        %dma_start3A_69 = tpu.memref_slice %arg2[%dma_start3A_67, %dma_start3A_68] : memref<5000x16xf32, #tpu.memory_space<hbm>> -> memref<5000x16xf32, #tpu.memory_space<hbm>>
        tpu.enqueue_indirect_dma source(%dma_start3A_69 : memref<5000x16xf32, #tpu.memory_space<hbm>>) target(%arg12 : memref<80x16xf32, #tpu.memory_space<vmem>>) offsets(%arg8 : memref<80xi32, #tpu.memory_space<vmem>>) semaphore(%run_scoped3A : memref<!tpu.dma_semaphore, #tpu.memory_space<semaphore_mem>>)
        %dma_wait3A_70 = arith.constant 0 : i32
        %dma_wait3A_71 = arith.constant 0 : i32
        %dma_wait3A_72 = tpu.memref_slice %arg2[%dma_wait3A_70, %dma_wait3A_71] : memref<5000x16xf32, #tpu.memory_space<hbm>> -> memref<5000x16xf32, #tpu.memory_space<hbm>>
        tpu.wait_indirect_dma semaphore(%run_scoped3A : memref<!tpu.dma_semaphore, #tpu.memory_space<semaphore_mem>>) src(%dma_wait3A_72 : memref<5000x16xf32, #tpu.memory_space<hbm>>) dst(%arg12 : memref<80x16xf32, #tpu.memory_space<vmem>>)
        tpu.yield
      }) : () -> ()
      "tpu.region"() ({
        %run_scoped3A = tpu.sem_alloc : memref<!tpu.dma_semaphore, #tpu.memory_space<semaphore_mem>>
        %dma_start3A_67 = arith.constant 0 : i32
        %dma_start3A_68 = arith.constant 0 : i32
        %dma_start3A_69 = tpu.memref_slice %arg13[%dma_start3A_67, %dma_start3A_68] : memref<5120x16xf32, #tpu.memory_space<vmem_shared>> -> memref<5120x16xf32, #tpu.memory_space<vmem_shared>>
        tpu.enqueue_indirect_dma source(%arg12 : memref<80x16xf32, #tpu.memory_space<vmem>>) target(%dma_start3A_69 : memref<5120x16xf32, #tpu.memory_space<vmem_shared>>) offsets(%arg10 : memref<80xi32, #tpu.memory_space<vmem>>) semaphore(%run_scoped3A : memref<!tpu.dma_semaphore, #tpu.memory_space<semaphore_mem>>) {add = true}
        %dma_wait3A_70 = arith.constant 0 : i32
        %dma_wait3A_71 = arith.constant 0 : i32
        %dma_wait3A_72 = tpu.memref_slice %arg13[%dma_wait3A_70, %dma_wait3A_71] : memref<5120x16xf32, #tpu.memory_space<vmem_shared>> -> memref<5120x16xf32, #tpu.memory_space<vmem_shared>>
        tpu.wait_indirect_dma semaphore(%run_scoped3A : memref<!tpu.dma_semaphore, #tpu.memory_space<semaphore_mem>>) src(%arg12 : memref<80x16xf32, #tpu.memory_space<vmem>>) dst(%dma_wait3A_72 : memref<5120x16xf32, #tpu.memory_space<vmem_shared>>)
        tpu.yield
      }) : () -> ()
      %add3A_60 = arith.constant 2 : i32
      %add3A_61 = arith.addi %add3A_51, %add3A_60 : i32
      %lt3A_62 = arith.constant 12 : i32
      %lt3A_63 = arith.cmpi slt, %add3A_61, %lt3A_62 : i32
      %convert_element_type3A_64 = arith.extui %lt3A_63 : i1 to i32
      %cond3A_65 = arith.constant 0 : i32
      %cond3A_66 = arith.cmpi ne, %convert_element_type3A_64, %cond3A_65 : i32
      scf.if %cond3A_66 {
        %add3A_67 = arith.constant 2 : i32
        %add3A_68 = arith.addi %add3A_51, %add3A_67 : i32
        %mul3A_69 = arith.constant 80 : i32
        %mul3A_70 = arith.muli %add3A_68, %mul3A_69 : i32
        %add3A_71 = arith.addi %mul3A_2, %mul3A_70 : i32
        %dma_start3A_72 = tpu.memref_slice %arg3[%add3A_71] : memref<30720xi32, #tpu.memory_space<hbm>> -> memref<80xi32, #tpu.memory_space<hbm>>
        %dma_start3A_73 = tpu.memref_slice %arg3[%add3A_71] : memref<30720xi32, #tpu.memory_space<hbm>> -> memref<80xi32, #tpu.memory_space<hbm>>
        tpu.enqueue_dma source(%dma_start3A_73 : memref<80xi32, #tpu.memory_space<hbm>>) target(%arg8 : memref<80xi32, #tpu.memory_space<vmem>>) target_semaphore(%arg15 : memref<!tpu.dma_semaphore, #tpu.memory_space<semaphore_mem>>)
        %mul3A_74 = arith.constant 80 : i32
        %mul3A_75 = arith.muli %add3A_68, %mul3A_74 : i32
        %add3A_76 = arith.addi %mul3A_2, %mul3A_75 : i32
        %dma_start3A_77 = tpu.memref_slice %arg4[%add3A_76] : memref<30720xi32, #tpu.memory_space<hbm>> -> memref<80xi32, #tpu.memory_space<hbm>>
        %dma_start3A_78 = tpu.memref_slice %arg4[%add3A_76] : memref<30720xi32, #tpu.memory_space<hbm>> -> memref<80xi32, #tpu.memory_space<hbm>>
        tpu.enqueue_dma source(%dma_start3A_78 : memref<80xi32, #tpu.memory_space<hbm>>) target(%arg10 : memref<80xi32, #tpu.memory_space<vmem>>) target_semaphore(%arg17 : memref<!tpu.dma_semaphore, #tpu.memory_space<semaphore_mem>>)
      } else {
      }
    }
    %scan3A_23 = arith.constant 6 : i32
    %barrier3A_24 = arith.constant 0 : index
    tpu.barrier barrier_id(%barrier3A_24)
    %mul3A_25 = arith.constant 320 : i32
    %mul3A_26 = arith.muli %arg1, %mul3A_25 : i32
    %mul3A_27 = arith.constant 5120 : i32
    %mul3A_28 = arith.muli %arg0, %mul3A_27 : i32
    %mul3A_29 = arith.constant 320 : i32
    %mul3A_30 = arith.muli %arg1, %mul3A_29 : i32
    %add3A_31 = arith.addi %mul3A_28, %mul3A_30 : i32
    "tpu.region"() ({
      %run_scoped3A = tpu.sem_alloc : memref<!tpu.dma_semaphore, #tpu.memory_space<semaphore_mem>>
      %dma_start3A_32 = arith.constant 0 : i32
      %dma_start3A_33 = tpu.memref_slice %arg6[%add3A_31, %dma_start3A_32] : memref<10240x16xf32, #tpu.memory_space<hbm>> -> memref<320x16xf32, #tpu.memory_space<hbm>>
      %dma_start3A_34 = arith.constant 0 : i32
      %dma_start3A_35 = tpu.memref_slice %arg13[%mul3A_26, %dma_start3A_34] : memref<5120x16xf32, #tpu.memory_space<vmem_shared>> -> memref<320x16xf32, #tpu.memory_space<vmem_shared>>
      tpu.enqueue_dma source(%dma_start3A_35 : memref<320x16xf32, #tpu.memory_space<vmem_shared>>) target(%dma_start3A_33 : memref<320x16xf32, #tpu.memory_space<hbm>>) target_semaphore(%run_scoped3A : memref<!tpu.dma_semaphore, #tpu.memory_space<semaphore_mem>>)
      %dma_wait3A = arith.constant 0 : i32
      %dma_wait3A_36 = tpu.memref_slice %arg6[%add3A_31, %dma_wait3A] : memref<10240x16xf32, #tpu.memory_space<hbm>> -> memref<320x16xf32, #tpu.memory_space<hbm>>
      %dma_wait3A_37 = arith.constant 0 : i32
      %dma_wait3A_38 = tpu.memref_slice %arg13[%mul3A_26, %dma_wait3A_37] : memref<5120x16xf32, #tpu.memory_space<vmem_shared>> -> memref<320x16xf32, #tpu.memory_space<vmem_shared>>
      tpu.wait_dma2 semaphore(%run_scoped3A : memref<!tpu.dma_semaphore, #tpu.memory_space<semaphore_mem>>) src(%dma_wait3A_38 : memref<320x16xf32, #tpu.memory_space<vmem_shared>>) dst(%dma_wait3A_36 : memref<320x16xf32, #tpu.memory_space<hbm>>)
      tpu.yield
    }) : () -> ()
    return
  }
}

#map = affine_map<(d0, d1) -> (0, 0)>
#map1 = affine_map<(d0, d1) -> (0)>
module attributes {stable_mosaic.version = 14 : i64} {
  func.func @_sc_edge_agg_body(%arg0: i32, %arg1: i32, %arg2: memref<2500x136xf32, #tpu.memory_space<hbm>>, %arg3: memref<20480xi32, #tpu.memory_space<hbm>>, %arg4: memref<20480xi32, #tpu.memory_space<hbm>>, %arg5: memref<160x136xf32, #tpu.memory_space<hbm>>, %arg6: memref<5120x136xf32, #tpu.memory_space<hbm>>, %arg7: memref<80xi32, #tpu.memory_space<vmem>>, %arg8: memref<80xi32, #tpu.memory_space<vmem>>, %arg9: memref<80xi32, #tpu.memory_space<vmem>>, %arg10: memref<80xi32, #tpu.memory_space<vmem>>, %arg11: memref<80x136xf32, #tpu.memory_space<vmem>>, %arg12: memref<80x136xf32, #tpu.memory_space<vmem>>, %arg13: memref<2560x136xf32, #tpu.memory_space<vmem_shared>>, %arg14: memref<!tpu.dma_semaphore, #tpu.memory_space<semaphore_mem>>, %arg15: memref<!tpu.dma_semaphore, #tpu.memory_space<semaphore_mem>>, %arg16: memref<!tpu.dma_semaphore, #tpu.memory_space<semaphore_mem>>, %arg17: memref<!tpu.dma_semaphore, #tpu.memory_space<semaphore_mem>>, %arg18: memref<!tpu.dma_semaphore, #tpu.memory_space<semaphore_mem>>, %arg19: memref<!tpu.dma_semaphore, #tpu.memory_space<semaphore_mem>>, %arg20: memref<!tpu.dma_semaphore, #tpu.memory_space<semaphore_mem>>, %arg21: memref<!tpu.dma_semaphore, #tpu.memory_space<semaphore_mem>>) attributes {dimension_semantics = [#tpu.dimension_semantics<core_parallel>, #tpu.dimension_semantics<subcore_parallel>], iteration_bounds = array<i64: 2, 16>, scalar_prefetch = 0 : i64, scratch_operands = 15 : i64, tpu.core_type = #tpu.core_type<sc_vector_subcore>, window_params = [{transform_indices = #map}, {transform_indices = #map1}, {transform_indices = #map1}, {transform_indices = #map}, {transform_indices = #map}]} {
    %mul3A = arith.constant 2 : i32
    %mul3A_0 = arith.muli %arg1, %mul3A : i32
    %add3A = arith.addi %mul3A_0, %arg0 : i32
    %mul3A_1 = arith.constant 640 : i32
    %mul3A_2 = arith.muli %add3A, %mul3A_1 : i32
    %mul3A_3 = arith.constant 160 : i32
    %mul3A_4 = arith.muli %arg1, %mul3A_3 : i32
    "tpu.region"() ({
      %run_scoped3A = tpu.sem_alloc : memref<!tpu.dma_semaphore, #tpu.memory_space<semaphore_mem>>
      %dma_start3A_32 = arith.constant 0 : i32
      %dma_start3A_33 = tpu.memref_slice %arg13[%mul3A_4, %dma_start3A_32] : memref<2560x136xf32, #tpu.memory_space<vmem_shared>> -> memref<160x136xf32, #tpu.memory_space<vmem_shared>>
      tpu.enqueue_dma source(%arg5 : memref<160x136xf32, #tpu.memory_space<hbm>>) target(%dma_start3A_33 : memref<160x136xf32, #tpu.memory_space<vmem_shared>>) target_semaphore(%run_scoped3A : memref<!tpu.dma_semaphore, #tpu.memory_space<semaphore_mem>>)
      %dma_wait3A = arith.constant 0 : i32
      %dma_wait3A_34 = tpu.memref_slice %arg13[%mul3A_4, %dma_wait3A] : memref<2560x136xf32, #tpu.memory_space<vmem_shared>> -> memref<160x136xf32, #tpu.memory_space<vmem_shared>>
      tpu.wait_dma2 semaphore(%run_scoped3A : memref<!tpu.dma_semaphore, #tpu.memory_space<semaphore_mem>>) src(%arg5 : memref<160x136xf32, #tpu.memory_space<hbm>>) dst(%dma_wait3A_34 : memref<160x136xf32, #tpu.memory_space<vmem_shared>>)
      tpu.yield
    }) : () -> ()
    %barrier3A = arith.constant 0 : index
    tpu.barrier barrier_id(%barrier3A)
    %add3A_5 = arith.constant 0 : i32
    %add3A_6 = arith.addi %mul3A_2, %add3A_5 : i32
    %dma_start3A = tpu.memref_slice %arg3[%add3A_6] : memref<20480xi32, #tpu.memory_space<hbm>> -> memref<80xi32, #tpu.memory_space<hbm>>
    %dma_start3A_7 = tpu.memref_slice %arg3[%add3A_6] : memref<20480xi32, #tpu.memory_space<hbm>> -> memref<80xi32, #tpu.memory_space<hbm>>
    tpu.enqueue_dma source(%dma_start3A_7 : memref<80xi32, #tpu.memory_space<hbm>>) target(%arg7 : memref<80xi32, #tpu.memory_space<vmem>>) target_semaphore(%arg14 : memref<!tpu.dma_semaphore, #tpu.memory_space<semaphore_mem>>)
    %add3A_8 = arith.constant 0 : i32
    %add3A_9 = arith.addi %mul3A_2, %add3A_8 : i32
    %dma_start3A_10 = tpu.memref_slice %arg4[%add3A_9] : memref<20480xi32, #tpu.memory_space<hbm>> -> memref<80xi32, #tpu.memory_space<hbm>>
    %dma_start3A_11 = tpu.memref_slice %arg4[%add3A_9] : memref<20480xi32, #tpu.memory_space<hbm>> -> memref<80xi32, #tpu.memory_space<hbm>>
    tpu.enqueue_dma source(%dma_start3A_11 : memref<80xi32, #tpu.memory_space<hbm>>) target(%arg9 : memref<80xi32, #tpu.memory_space<vmem>>) target_semaphore(%arg16 : memref<!tpu.dma_semaphore, #tpu.memory_space<semaphore_mem>>)
    %add3A_12 = arith.constant 80 : i32
    %add3A_13 = arith.addi %mul3A_2, %add3A_12 : i32
    %dma_start3A_14 = tpu.memref_slice %arg3[%add3A_13] : memref<20480xi32, #tpu.memory_space<hbm>> -> memref<80xi32, #tpu.memory_space<hbm>>
    %dma_start3A_15 = tpu.memref_slice %arg3[%add3A_13] : memref<20480xi32, #tpu.memory_space<hbm>> -> memref<80xi32, #tpu.memory_space<hbm>>
    tpu.enqueue_dma source(%dma_start3A_15 : memref<80xi32, #tpu.memory_space<hbm>>) target(%arg8 : memref<80xi32, #tpu.memory_space<vmem>>) target_semaphore(%arg15 : memref<!tpu.dma_semaphore, #tpu.memory_space<semaphore_mem>>)
    %add3A_16 = arith.constant 80 : i32
    %add3A_17 = arith.addi %mul3A_2, %add3A_16 : i32
    %dma_start3A_18 = tpu.memref_slice %arg4[%add3A_17] : memref<20480xi32, #tpu.memory_space<hbm>> -> memref<80xi32, #tpu.memory_space<hbm>>
    %dma_start3A_19 = tpu.memref_slice %arg4[%add3A_17] : memref<20480xi32, #tpu.memory_space<hbm>> -> memref<80xi32, #tpu.memory_space<hbm>>
    tpu.enqueue_dma source(%dma_start3A_19 : memref<80xi32, #tpu.memory_space<hbm>>) target(%arg10 : memref<80xi32, #tpu.memory_space<vmem>>) target_semaphore(%arg17 : memref<!tpu.dma_semaphore, #tpu.memory_space<semaphore_mem>>)
    %scan3A = arith.constant 0 : i32
    %scan3A_20 = arith.constant 4 : i32
    %scan3A_21 = arith.addi %scan3A, %scan3A_20 : i32
    %scan3A_22 = arith.constant 1 : i32
    scf.for %scan3A_32 = %scan3A to %scan3A_21 step %scan3A_22  : i32 {
      %mul3A_33 = arith.constant 2 : i32
      %mul3A_34 = arith.muli %scan3A_32, %mul3A_33 : i32
      %add3A_35 = arith.constant 0 : i32
      %add3A_36 = arith.addi %add3A_35, %mul3A_34 : i32
      %add3A_37 = arith.constant 0 : i32
      %add3A_38 = arith.addi %add3A_36, %add3A_37 : i32
      %dma_wait3A = arith.constant 0 : i32
      %dma_wait3A_39 = tpu.memref_slice %arg3[%dma_wait3A] : memref<20480xi32, #tpu.memory_space<hbm>> -> memref<80xi32, #tpu.memory_space<hbm>>
      %dma_wait3A_40 = arith.constant 0 : i32
      %dma_wait3A_41 = tpu.memref_slice %arg3[%dma_wait3A_40] : memref<20480xi32, #tpu.memory_space<hbm>> -> memref<80xi32, #tpu.memory_space<hbm>>
      tpu.wait_dma2 semaphore(%arg14 : memref<!tpu.dma_semaphore, #tpu.memory_space<semaphore_mem>>) src(%dma_wait3A_41 : memref<80xi32, #tpu.memory_space<hbm>>) dst(%arg7 : memref<80xi32, #tpu.memory_space<vmem>>)
      %dma_wait3A_42 = arith.constant 0 : i32
      %dma_wait3A_43 = tpu.memref_slice %arg4[%dma_wait3A_42] : memref<20480xi32, #tpu.memory_space<hbm>> -> memref<80xi32, #tpu.memory_space<hbm>>
      %dma_wait3A_44 = arith.constant 0 : i32
      %dma_wait3A_45 = tpu.memref_slice %arg4[%dma_wait3A_44] : memref<20480xi32, #tpu.memory_space<hbm>> -> memref<80xi32, #tpu.memory_space<hbm>>
      tpu.wait_dma2 semaphore(%arg16 : memref<!tpu.dma_semaphore, #tpu.memory_space<semaphore_mem>>) src(%dma_wait3A_45 : memref<80xi32, #tpu.memory_space<hbm>>) dst(%arg9 : memref<80xi32, #tpu.memory_space<vmem>>)
      "tpu.region"() ({
        %run_scoped3A = tpu.sem_alloc : memref<!tpu.dma_semaphore, #tpu.memory_space<semaphore_mem>>
        %dma_start3A_67 = arith.constant 0 : i32
        %dma_start3A_68 = arith.constant 0 : i32
        %dma_start3A_69 = tpu.memref_slice %arg2[%dma_start3A_67, %dma_start3A_68] : memref<2500x136xf32, #tpu.memory_space<hbm>> -> memref<2500x136xf32, #tpu.memory_space<hbm>>
        tpu.enqueue_indirect_dma source(%dma_start3A_69 : memref<2500x136xf32, #tpu.memory_space<hbm>>) target(%arg11 : memref<80x136xf32, #tpu.memory_space<vmem>>) offsets(%arg7 : memref<80xi32, #tpu.memory_space<vmem>>) semaphore(%run_scoped3A : memref<!tpu.dma_semaphore, #tpu.memory_space<semaphore_mem>>)
        %dma_wait3A_70 = arith.constant 0 : i32
        %dma_wait3A_71 = arith.constant 0 : i32
        %dma_wait3A_72 = tpu.memref_slice %arg2[%dma_wait3A_70, %dma_wait3A_71] : memref<2500x136xf32, #tpu.memory_space<hbm>> -> memref<2500x136xf32, #tpu.memory_space<hbm>>
        tpu.wait_indirect_dma semaphore(%run_scoped3A : memref<!tpu.dma_semaphore, #tpu.memory_space<semaphore_mem>>) src(%dma_wait3A_72 : memref<2500x136xf32, #tpu.memory_space<hbm>>) dst(%arg11 : memref<80x136xf32, #tpu.memory_space<vmem>>)
        tpu.yield
      }) : () -> ()
      "tpu.region"() ({
        %run_scoped3A = tpu.sem_alloc : memref<!tpu.dma_semaphore, #tpu.memory_space<semaphore_mem>>
        %dma_start3A_67 = arith.constant 0 : i32
        %dma_start3A_68 = arith.constant 0 : i32
        %dma_start3A_69 = tpu.memref_slice %arg13[%dma_start3A_67, %dma_start3A_68] : memref<2560x136xf32, #tpu.memory_space<vmem_shared>> -> memref<2560x136xf32, #tpu.memory_space<vmem_shared>>
        tpu.enqueue_indirect_dma source(%arg11 : memref<80x136xf32, #tpu.memory_space<vmem>>) target(%dma_start3A_69 : memref<2560x136xf32, #tpu.memory_space<vmem_shared>>) offsets(%arg9 : memref<80xi32, #tpu.memory_space<vmem>>) semaphore(%run_scoped3A : memref<!tpu.dma_semaphore, #tpu.memory_space<semaphore_mem>>) {add = true}
        %dma_wait3A_70 = arith.constant 0 : i32
        %dma_wait3A_71 = arith.constant 0 : i32
        %dma_wait3A_72 = tpu.memref_slice %arg13[%dma_wait3A_70, %dma_wait3A_71] : memref<2560x136xf32, #tpu.memory_space<vmem_shared>> -> memref<2560x136xf32, #tpu.memory_space<vmem_shared>>
        tpu.wait_indirect_dma semaphore(%run_scoped3A : memref<!tpu.dma_semaphore, #tpu.memory_space<semaphore_mem>>) src(%arg11 : memref<80x136xf32, #tpu.memory_space<vmem>>) dst(%dma_wait3A_72 : memref<2560x136xf32, #tpu.memory_space<vmem_shared>>)
        tpu.yield
      }) : () -> ()
      %add3A_46 = arith.constant 2 : i32
      %add3A_47 = arith.addi %add3A_38, %add3A_46 : i32
      %lt3A = arith.constant 8 : i32
      %lt3A_48 = arith.cmpi slt, %add3A_47, %lt3A : i32
      %convert_element_type3A = arith.extui %lt3A_48 : i1 to i32
      %cond3A = arith.constant 0 : i32
      %cond3A_49 = arith.cmpi ne, %convert_element_type3A, %cond3A : i32
      scf.if %cond3A_49 {
        %add3A_67 = arith.constant 2 : i32
        %add3A_68 = arith.addi %add3A_38, %add3A_67 : i32
        %mul3A_69 = arith.constant 80 : i32
        %mul3A_70 = arith.muli %add3A_68, %mul3A_69 : i32
        %add3A_71 = arith.addi %mul3A_2, %mul3A_70 : i32
        %dma_start3A_72 = tpu.memref_slice %arg3[%add3A_71] : memref<20480xi32, #tpu.memory_space<hbm>> -> memref<80xi32, #tpu.memory_space<hbm>>
        %dma_start3A_73 = tpu.memref_slice %arg3[%add3A_71] : memref<20480xi32, #tpu.memory_space<hbm>> -> memref<80xi32, #tpu.memory_space<hbm>>
        tpu.enqueue_dma source(%dma_start3A_73 : memref<80xi32, #tpu.memory_space<hbm>>) target(%arg7 : memref<80xi32, #tpu.memory_space<vmem>>) target_semaphore(%arg14 : memref<!tpu.dma_semaphore, #tpu.memory_space<semaphore_mem>>)
        %mul3A_74 = arith.constant 80 : i32
        %mul3A_75 = arith.muli %add3A_68, %mul3A_74 : i32
        %add3A_76 = arith.addi %mul3A_2, %mul3A_75 : i32
        %dma_start3A_77 = tpu.memref_slice %arg4[%add3A_76] : memref<20480xi32, #tpu.memory_space<hbm>> -> memref<80xi32, #tpu.memory_space<hbm>>
        %dma_start3A_78 = tpu.memref_slice %arg4[%add3A_76] : memref<20480xi32, #tpu.memory_space<hbm>> -> memref<80xi32, #tpu.memory_space<hbm>>
        tpu.enqueue_dma source(%dma_start3A_78 : memref<80xi32, #tpu.memory_space<hbm>>) target(%arg9 : memref<80xi32, #tpu.memory_space<vmem>>) target_semaphore(%arg16 : memref<!tpu.dma_semaphore, #tpu.memory_space<semaphore_mem>>)
      } else {
      }
      %add3A_50 = arith.constant 1 : i32
      %add3A_51 = arith.addi %add3A_36, %add3A_50 : i32
      %dma_wait3A_52 = arith.constant 0 : i32
      %dma_wait3A_53 = tpu.memref_slice %arg3[%dma_wait3A_52] : memref<20480xi32, #tpu.memory_space<hbm>> -> memref<80xi32, #tpu.memory_space<hbm>>
      %dma_wait3A_54 = arith.constant 0 : i32
      %dma_wait3A_55 = tpu.memref_slice %arg3[%dma_wait3A_54] : memref<20480xi32, #tpu.memory_space<hbm>> -> memref<80xi32, #tpu.memory_space<hbm>>
      tpu.wait_dma2 semaphore(%arg15 : memref<!tpu.dma_semaphore, #tpu.memory_space<semaphore_mem>>) src(%dma_wait3A_55 : memref<80xi32, #tpu.memory_space<hbm>>) dst(%arg8 : memref<80xi32, #tpu.memory_space<vmem>>)
      %dma_wait3A_56 = arith.constant 0 : i32
      %dma_wait3A_57 = tpu.memref_slice %arg4[%dma_wait3A_56] : memref<20480xi32, #tpu.memory_space<hbm>> -> memref<80xi32, #tpu.memory_space<hbm>>
      %dma_wait3A_58 = arith.constant 0 : i32
      %dma_wait3A_59 = tpu.memref_slice %arg4[%dma_wait3A_58] : memref<20480xi32, #tpu.memory_space<hbm>> -> memref<80xi32, #tpu.memory_space<hbm>>
      tpu.wait_dma2 semaphore(%arg17 : memref<!tpu.dma_semaphore, #tpu.memory_space<semaphore_mem>>) src(%dma_wait3A_59 : memref<80xi32, #tpu.memory_space<hbm>>) dst(%arg10 : memref<80xi32, #tpu.memory_space<vmem>>)
      "tpu.region"() ({
        %run_scoped3A = tpu.sem_alloc : memref<!tpu.dma_semaphore, #tpu.memory_space<semaphore_mem>>
        %dma_start3A_67 = arith.constant 0 : i32
        %dma_start3A_68 = arith.constant 0 : i32
        %dma_start3A_69 = tpu.memref_slice %arg2[%dma_start3A_67, %dma_start3A_68] : memref<2500x136xf32, #tpu.memory_space<hbm>> -> memref<2500x136xf32, #tpu.memory_space<hbm>>
        tpu.enqueue_indirect_dma source(%dma_start3A_69 : memref<2500x136xf32, #tpu.memory_space<hbm>>) target(%arg12 : memref<80x136xf32, #tpu.memory_space<vmem>>) offsets(%arg8 : memref<80xi32, #tpu.memory_space<vmem>>) semaphore(%run_scoped3A : memref<!tpu.dma_semaphore, #tpu.memory_space<semaphore_mem>>)
        %dma_wait3A_70 = arith.constant 0 : i32
        %dma_wait3A_71 = arith.constant 0 : i32
        %dma_wait3A_72 = tpu.memref_slice %arg2[%dma_wait3A_70, %dma_wait3A_71] : memref<2500x136xf32, #tpu.memory_space<hbm>> -> memref<2500x136xf32, #tpu.memory_space<hbm>>
        tpu.wait_indirect_dma semaphore(%run_scoped3A : memref<!tpu.dma_semaphore, #tpu.memory_space<semaphore_mem>>) src(%dma_wait3A_72 : memref<2500x136xf32, #tpu.memory_space<hbm>>) dst(%arg12 : memref<80x136xf32, #tpu.memory_space<vmem>>)
        tpu.yield
      }) : () -> ()
      "tpu.region"() ({
        %run_scoped3A = tpu.sem_alloc : memref<!tpu.dma_semaphore, #tpu.memory_space<semaphore_mem>>
        %dma_start3A_67 = arith.constant 0 : i32
        %dma_start3A_68 = arith.constant 0 : i32
        %dma_start3A_69 = tpu.memref_slice %arg13[%dma_start3A_67, %dma_start3A_68] : memref<2560x136xf32, #tpu.memory_space<vmem_shared>> -> memref<2560x136xf32, #tpu.memory_space<vmem_shared>>
        tpu.enqueue_indirect_dma source(%arg12 : memref<80x136xf32, #tpu.memory_space<vmem>>) target(%dma_start3A_69 : memref<2560x136xf32, #tpu.memory_space<vmem_shared>>) offsets(%arg10 : memref<80xi32, #tpu.memory_space<vmem>>) semaphore(%run_scoped3A : memref<!tpu.dma_semaphore, #tpu.memory_space<semaphore_mem>>) {add = true}
        %dma_wait3A_70 = arith.constant 0 : i32
        %dma_wait3A_71 = arith.constant 0 : i32
        %dma_wait3A_72 = tpu.memref_slice %arg13[%dma_wait3A_70, %dma_wait3A_71] : memref<2560x136xf32, #tpu.memory_space<vmem_shared>> -> memref<2560x136xf32, #tpu.memory_space<vmem_shared>>
        tpu.wait_indirect_dma semaphore(%run_scoped3A : memref<!tpu.dma_semaphore, #tpu.memory_space<semaphore_mem>>) src(%arg12 : memref<80x136xf32, #tpu.memory_space<vmem>>) dst(%dma_wait3A_72 : memref<2560x136xf32, #tpu.memory_space<vmem_shared>>)
        tpu.yield
      }) : () -> ()
      %add3A_60 = arith.constant 2 : i32
      %add3A_61 = arith.addi %add3A_51, %add3A_60 : i32
      %lt3A_62 = arith.constant 8 : i32
      %lt3A_63 = arith.cmpi slt, %add3A_61, %lt3A_62 : i32
      %convert_element_type3A_64 = arith.extui %lt3A_63 : i1 to i32
      %cond3A_65 = arith.constant 0 : i32
      %cond3A_66 = arith.cmpi ne, %convert_element_type3A_64, %cond3A_65 : i32
      scf.if %cond3A_66 {
        %add3A_67 = arith.constant 2 : i32
        %add3A_68 = arith.addi %add3A_51, %add3A_67 : i32
        %mul3A_69 = arith.constant 80 : i32
        %mul3A_70 = arith.muli %add3A_68, %mul3A_69 : i32
        %add3A_71 = arith.addi %mul3A_2, %mul3A_70 : i32
        %dma_start3A_72 = tpu.memref_slice %arg3[%add3A_71] : memref<20480xi32, #tpu.memory_space<hbm>> -> memref<80xi32, #tpu.memory_space<hbm>>
        %dma_start3A_73 = tpu.memref_slice %arg3[%add3A_71] : memref<20480xi32, #tpu.memory_space<hbm>> -> memref<80xi32, #tpu.memory_space<hbm>>
        tpu.enqueue_dma source(%dma_start3A_73 : memref<80xi32, #tpu.memory_space<hbm>>) target(%arg8 : memref<80xi32, #tpu.memory_space<vmem>>) target_semaphore(%arg15 : memref<!tpu.dma_semaphore, #tpu.memory_space<semaphore_mem>>)
        %mul3A_74 = arith.constant 80 : i32
        %mul3A_75 = arith.muli %add3A_68, %mul3A_74 : i32
        %add3A_76 = arith.addi %mul3A_2, %mul3A_75 : i32
        %dma_start3A_77 = tpu.memref_slice %arg4[%add3A_76] : memref<20480xi32, #tpu.memory_space<hbm>> -> memref<80xi32, #tpu.memory_space<hbm>>
        %dma_start3A_78 = tpu.memref_slice %arg4[%add3A_76] : memref<20480xi32, #tpu.memory_space<hbm>> -> memref<80xi32, #tpu.memory_space<hbm>>
        tpu.enqueue_dma source(%dma_start3A_78 : memref<80xi32, #tpu.memory_space<hbm>>) target(%arg10 : memref<80xi32, #tpu.memory_space<vmem>>) target_semaphore(%arg17 : memref<!tpu.dma_semaphore, #tpu.memory_space<semaphore_mem>>)
      } else {
      }
    }
    %scan3A_23 = arith.constant 4 : i32
    %barrier3A_24 = arith.constant 0 : index
    tpu.barrier barrier_id(%barrier3A_24)
    %mul3A_25 = arith.constant 160 : i32
    %mul3A_26 = arith.muli %arg1, %mul3A_25 : i32
    %mul3A_27 = arith.constant 2560 : i32
    %mul3A_28 = arith.muli %arg0, %mul3A_27 : i32
    %mul3A_29 = arith.constant 160 : i32
    %mul3A_30 = arith.muli %arg1, %mul3A_29 : i32
    %add3A_31 = arith.addi %mul3A_28, %mul3A_30 : i32
    "tpu.region"() ({
      %run_scoped3A = tpu.sem_alloc : memref<!tpu.dma_semaphore, #tpu.memory_space<semaphore_mem>>
      %dma_start3A_32 = arith.constant 0 : i32
      %dma_start3A_33 = tpu.memref_slice %arg6[%add3A_31, %dma_start3A_32] : memref<5120x136xf32, #tpu.memory_space<hbm>> -> memref<160x136xf32, #tpu.memory_space<hbm>>
      %dma_start3A_34 = arith.constant 0 : i32
      %dma_start3A_35 = tpu.memref_slice %arg13[%mul3A_26, %dma_start3A_34] : memref<2560x136xf32, #tpu.memory_space<vmem_shared>> -> memref<160x136xf32, #tpu.memory_space<vmem_shared>>
      tpu.enqueue_dma source(%dma_start3A_35 : memref<160x136xf32, #tpu.memory_space<vmem_shared>>) target(%dma_start3A_33 : memref<160x136xf32, #tpu.memory_space<hbm>>) target_semaphore(%run_scoped3A : memref<!tpu.dma_semaphore, #tpu.memory_space<semaphore_mem>>)
      %dma_wait3A = arith.constant 0 : i32
      %dma_wait3A_36 = tpu.memref_slice %arg6[%add3A_31, %dma_wait3A] : memref<5120x136xf32, #tpu.memory_space<hbm>> -> memref<160x136xf32, #tpu.memory_space<hbm>>
      %dma_wait3A_37 = arith.constant 0 : i32
      %dma_wait3A_38 = tpu.memref_slice %arg13[%mul3A_26, %dma_wait3A_37] : memref<2560x136xf32, #tpu.memory_space<vmem_shared>> -> memref<160x136xf32, #tpu.memory_space<vmem_shared>>
      tpu.wait_dma2 semaphore(%run_scoped3A : memref<!tpu.dma_semaphore, #tpu.memory_space<semaphore_mem>>) src(%dma_wait3A_38 : memref<160x136xf32, #tpu.memory_space<vmem_shared>>) dst(%dma_wait3A_36 : memref<160x136xf32, #tpu.memory_space<hbm>>)
      tpu.yield
    }) : () -> ()
    return
  }
}

#map = affine_map<(d0, d1) -> (0, 0)>
#map1 = affine_map<(d0, d1) -> (0)>
module attributes {stable_mosaic.version = 14 : i64} {
  func.func @_sc_edge_agg_body(%arg0: i32, %arg1: i32, %arg2: memref<2500x16xf32, #tpu.memory_space<hbm>>, %arg3: memref<20480xi32, #tpu.memory_space<hbm>>, %arg4: memref<20480xi32, #tpu.memory_space<hbm>>, %arg5: memref<160x16xf32, #tpu.memory_space<hbm>>, %arg6: memref<5120x16xf32, #tpu.memory_space<hbm>>, %arg7: memref<80xi32, #tpu.memory_space<vmem>>, %arg8: memref<80xi32, #tpu.memory_space<vmem>>, %arg9: memref<80xi32, #tpu.memory_space<vmem>>, %arg10: memref<80xi32, #tpu.memory_space<vmem>>, %arg11: memref<80x16xf32, #tpu.memory_space<vmem>>, %arg12: memref<80x16xf32, #tpu.memory_space<vmem>>, %arg13: memref<2560x16xf32, #tpu.memory_space<vmem_shared>>, %arg14: memref<!tpu.dma_semaphore, #tpu.memory_space<semaphore_mem>>, %arg15: memref<!tpu.dma_semaphore, #tpu.memory_space<semaphore_mem>>, %arg16: memref<!tpu.dma_semaphore, #tpu.memory_space<semaphore_mem>>, %arg17: memref<!tpu.dma_semaphore, #tpu.memory_space<semaphore_mem>>, %arg18: memref<!tpu.dma_semaphore, #tpu.memory_space<semaphore_mem>>, %arg19: memref<!tpu.dma_semaphore, #tpu.memory_space<semaphore_mem>>, %arg20: memref<!tpu.dma_semaphore, #tpu.memory_space<semaphore_mem>>, %arg21: memref<!tpu.dma_semaphore, #tpu.memory_space<semaphore_mem>>) attributes {dimension_semantics = [#tpu.dimension_semantics<core_parallel>, #tpu.dimension_semantics<subcore_parallel>], iteration_bounds = array<i64: 2, 16>, scalar_prefetch = 0 : i64, scratch_operands = 15 : i64, tpu.core_type = #tpu.core_type<sc_vector_subcore>, window_params = [{transform_indices = #map}, {transform_indices = #map1}, {transform_indices = #map1}, {transform_indices = #map}, {transform_indices = #map}]} {
    %mul3A = arith.constant 2 : i32
    %mul3A_0 = arith.muli %arg1, %mul3A : i32
    %add3A = arith.addi %mul3A_0, %arg0 : i32
    %mul3A_1 = arith.constant 640 : i32
    %mul3A_2 = arith.muli %add3A, %mul3A_1 : i32
    %mul3A_3 = arith.constant 160 : i32
    %mul3A_4 = arith.muli %arg1, %mul3A_3 : i32
    "tpu.region"() ({
      %run_scoped3A = tpu.sem_alloc : memref<!tpu.dma_semaphore, #tpu.memory_space<semaphore_mem>>
      %dma_start3A_32 = arith.constant 0 : i32
      %dma_start3A_33 = tpu.memref_slice %arg13[%mul3A_4, %dma_start3A_32] : memref<2560x16xf32, #tpu.memory_space<vmem_shared>> -> memref<160x16xf32, #tpu.memory_space<vmem_shared>>
      tpu.enqueue_dma source(%arg5 : memref<160x16xf32, #tpu.memory_space<hbm>>) target(%dma_start3A_33 : memref<160x16xf32, #tpu.memory_space<vmem_shared>>) target_semaphore(%run_scoped3A : memref<!tpu.dma_semaphore, #tpu.memory_space<semaphore_mem>>)
      %dma_wait3A = arith.constant 0 : i32
      %dma_wait3A_34 = tpu.memref_slice %arg13[%mul3A_4, %dma_wait3A] : memref<2560x16xf32, #tpu.memory_space<vmem_shared>> -> memref<160x16xf32, #tpu.memory_space<vmem_shared>>
      tpu.wait_dma2 semaphore(%run_scoped3A : memref<!tpu.dma_semaphore, #tpu.memory_space<semaphore_mem>>) src(%arg5 : memref<160x16xf32, #tpu.memory_space<hbm>>) dst(%dma_wait3A_34 : memref<160x16xf32, #tpu.memory_space<vmem_shared>>)
      tpu.yield
    }) : () -> ()
    %barrier3A = arith.constant 0 : index
    tpu.barrier barrier_id(%barrier3A)
    %add3A_5 = arith.constant 0 : i32
    %add3A_6 = arith.addi %mul3A_2, %add3A_5 : i32
    %dma_start3A = tpu.memref_slice %arg3[%add3A_6] : memref<20480xi32, #tpu.memory_space<hbm>> -> memref<80xi32, #tpu.memory_space<hbm>>
    %dma_start3A_7 = tpu.memref_slice %arg3[%add3A_6] : memref<20480xi32, #tpu.memory_space<hbm>> -> memref<80xi32, #tpu.memory_space<hbm>>
    tpu.enqueue_dma source(%dma_start3A_7 : memref<80xi32, #tpu.memory_space<hbm>>) target(%arg7 : memref<80xi32, #tpu.memory_space<vmem>>) target_semaphore(%arg14 : memref<!tpu.dma_semaphore, #tpu.memory_space<semaphore_mem>>)
    %add3A_8 = arith.constant 0 : i32
    %add3A_9 = arith.addi %mul3A_2, %add3A_8 : i32
    %dma_start3A_10 = tpu.memref_slice %arg4[%add3A_9] : memref<20480xi32, #tpu.memory_space<hbm>> -> memref<80xi32, #tpu.memory_space<hbm>>
    %dma_start3A_11 = tpu.memref_slice %arg4[%add3A_9] : memref<20480xi32, #tpu.memory_space<hbm>> -> memref<80xi32, #tpu.memory_space<hbm>>
    tpu.enqueue_dma source(%dma_start3A_11 : memref<80xi32, #tpu.memory_space<hbm>>) target(%arg9 : memref<80xi32, #tpu.memory_space<vmem>>) target_semaphore(%arg16 : memref<!tpu.dma_semaphore, #tpu.memory_space<semaphore_mem>>)
    %add3A_12 = arith.constant 80 : i32
    %add3A_13 = arith.addi %mul3A_2, %add3A_12 : i32
    %dma_start3A_14 = tpu.memref_slice %arg3[%add3A_13] : memref<20480xi32, #tpu.memory_space<hbm>> -> memref<80xi32, #tpu.memory_space<hbm>>
    %dma_start3A_15 = tpu.memref_slice %arg3[%add3A_13] : memref<20480xi32, #tpu.memory_space<hbm>> -> memref<80xi32, #tpu.memory_space<hbm>>
    tpu.enqueue_dma source(%dma_start3A_15 : memref<80xi32, #tpu.memory_space<hbm>>) target(%arg8 : memref<80xi32, #tpu.memory_space<vmem>>) target_semaphore(%arg15 : memref<!tpu.dma_semaphore, #tpu.memory_space<semaphore_mem>>)
    %add3A_16 = arith.constant 80 : i32
    %add3A_17 = arith.addi %mul3A_2, %add3A_16 : i32
    %dma_start3A_18 = tpu.memref_slice %arg4[%add3A_17] : memref<20480xi32, #tpu.memory_space<hbm>> -> memref<80xi32, #tpu.memory_space<hbm>>
    %dma_start3A_19 = tpu.memref_slice %arg4[%add3A_17] : memref<20480xi32, #tpu.memory_space<hbm>> -> memref<80xi32, #tpu.memory_space<hbm>>
    tpu.enqueue_dma source(%dma_start3A_19 : memref<80xi32, #tpu.memory_space<hbm>>) target(%arg10 : memref<80xi32, #tpu.memory_space<vmem>>) target_semaphore(%arg17 : memref<!tpu.dma_semaphore, #tpu.memory_space<semaphore_mem>>)
    %scan3A = arith.constant 0 : i32
    %scan3A_20 = arith.constant 4 : i32
    %scan3A_21 = arith.addi %scan3A, %scan3A_20 : i32
    %scan3A_22 = arith.constant 1 : i32
    scf.for %scan3A_32 = %scan3A to %scan3A_21 step %scan3A_22  : i32 {
      %mul3A_33 = arith.constant 2 : i32
      %mul3A_34 = arith.muli %scan3A_32, %mul3A_33 : i32
      %add3A_35 = arith.constant 0 : i32
      %add3A_36 = arith.addi %add3A_35, %mul3A_34 : i32
      %add3A_37 = arith.constant 0 : i32
      %add3A_38 = arith.addi %add3A_36, %add3A_37 : i32
      %dma_wait3A = arith.constant 0 : i32
      %dma_wait3A_39 = tpu.memref_slice %arg3[%dma_wait3A] : memref<20480xi32, #tpu.memory_space<hbm>> -> memref<80xi32, #tpu.memory_space<hbm>>
      %dma_wait3A_40 = arith.constant 0 : i32
      %dma_wait3A_41 = tpu.memref_slice %arg3[%dma_wait3A_40] : memref<20480xi32, #tpu.memory_space<hbm>> -> memref<80xi32, #tpu.memory_space<hbm>>
      tpu.wait_dma2 semaphore(%arg14 : memref<!tpu.dma_semaphore, #tpu.memory_space<semaphore_mem>>) src(%dma_wait3A_41 : memref<80xi32, #tpu.memory_space<hbm>>) dst(%arg7 : memref<80xi32, #tpu.memory_space<vmem>>)
      %dma_wait3A_42 = arith.constant 0 : i32
      %dma_wait3A_43 = tpu.memref_slice %arg4[%dma_wait3A_42] : memref<20480xi32, #tpu.memory_space<hbm>> -> memref<80xi32, #tpu.memory_space<hbm>>
      %dma_wait3A_44 = arith.constant 0 : i32
      %dma_wait3A_45 = tpu.memref_slice %arg4[%dma_wait3A_44] : memref<20480xi32, #tpu.memory_space<hbm>> -> memref<80xi32, #tpu.memory_space<hbm>>
      tpu.wait_dma2 semaphore(%arg16 : memref<!tpu.dma_semaphore, #tpu.memory_space<semaphore_mem>>) src(%dma_wait3A_45 : memref<80xi32, #tpu.memory_space<hbm>>) dst(%arg9 : memref<80xi32, #tpu.memory_space<vmem>>)
      "tpu.region"() ({
        %run_scoped3A = tpu.sem_alloc : memref<!tpu.dma_semaphore, #tpu.memory_space<semaphore_mem>>
        %dma_start3A_67 = arith.constant 0 : i32
        %dma_start3A_68 = arith.constant 0 : i32
        %dma_start3A_69 = tpu.memref_slice %arg2[%dma_start3A_67, %dma_start3A_68] : memref<2500x16xf32, #tpu.memory_space<hbm>> -> memref<2500x16xf32, #tpu.memory_space<hbm>>
        tpu.enqueue_indirect_dma source(%dma_start3A_69 : memref<2500x16xf32, #tpu.memory_space<hbm>>) target(%arg11 : memref<80x16xf32, #tpu.memory_space<vmem>>) offsets(%arg7 : memref<80xi32, #tpu.memory_space<vmem>>) semaphore(%run_scoped3A : memref<!tpu.dma_semaphore, #tpu.memory_space<semaphore_mem>>)
        %dma_wait3A_70 = arith.constant 0 : i32
        %dma_wait3A_71 = arith.constant 0 : i32
        %dma_wait3A_72 = tpu.memref_slice %arg2[%dma_wait3A_70, %dma_wait3A_71] : memref<2500x16xf32, #tpu.memory_space<hbm>> -> memref<2500x16xf32, #tpu.memory_space<hbm>>
        tpu.wait_indirect_dma semaphore(%run_scoped3A : memref<!tpu.dma_semaphore, #tpu.memory_space<semaphore_mem>>) src(%dma_wait3A_72 : memref<2500x16xf32, #tpu.memory_space<hbm>>) dst(%arg11 : memref<80x16xf32, #tpu.memory_space<vmem>>)
        tpu.yield
      }) : () -> ()
      "tpu.region"() ({
        %run_scoped3A = tpu.sem_alloc : memref<!tpu.dma_semaphore, #tpu.memory_space<semaphore_mem>>
        %dma_start3A_67 = arith.constant 0 : i32
        %dma_start3A_68 = arith.constant 0 : i32
        %dma_start3A_69 = tpu.memref_slice %arg13[%dma_start3A_67, %dma_start3A_68] : memref<2560x16xf32, #tpu.memory_space<vmem_shared>> -> memref<2560x16xf32, #tpu.memory_space<vmem_shared>>
        tpu.enqueue_indirect_dma source(%arg11 : memref<80x16xf32, #tpu.memory_space<vmem>>) target(%dma_start3A_69 : memref<2560x16xf32, #tpu.memory_space<vmem_shared>>) offsets(%arg9 : memref<80xi32, #tpu.memory_space<vmem>>) semaphore(%run_scoped3A : memref<!tpu.dma_semaphore, #tpu.memory_space<semaphore_mem>>) {add = true}
        %dma_wait3A_70 = arith.constant 0 : i32
        %dma_wait3A_71 = arith.constant 0 : i32
        %dma_wait3A_72 = tpu.memref_slice %arg13[%dma_wait3A_70, %dma_wait3A_71] : memref<2560x16xf32, #tpu.memory_space<vmem_shared>> -> memref<2560x16xf32, #tpu.memory_space<vmem_shared>>
        tpu.wait_indirect_dma semaphore(%run_scoped3A : memref<!tpu.dma_semaphore, #tpu.memory_space<semaphore_mem>>) src(%arg11 : memref<80x16xf32, #tpu.memory_space<vmem>>) dst(%dma_wait3A_72 : memref<2560x16xf32, #tpu.memory_space<vmem_shared>>)
        tpu.yield
      }) : () -> ()
      %add3A_46 = arith.constant 2 : i32
      %add3A_47 = arith.addi %add3A_38, %add3A_46 : i32
      %lt3A = arith.constant 8 : i32
      %lt3A_48 = arith.cmpi slt, %add3A_47, %lt3A : i32
      %convert_element_type3A = arith.extui %lt3A_48 : i1 to i32
      %cond3A = arith.constant 0 : i32
      %cond3A_49 = arith.cmpi ne, %convert_element_type3A, %cond3A : i32
      scf.if %cond3A_49 {
        %add3A_67 = arith.constant 2 : i32
        %add3A_68 = arith.addi %add3A_38, %add3A_67 : i32
        %mul3A_69 = arith.constant 80 : i32
        %mul3A_70 = arith.muli %add3A_68, %mul3A_69 : i32
        %add3A_71 = arith.addi %mul3A_2, %mul3A_70 : i32
        %dma_start3A_72 = tpu.memref_slice %arg3[%add3A_71] : memref<20480xi32, #tpu.memory_space<hbm>> -> memref<80xi32, #tpu.memory_space<hbm>>
        %dma_start3A_73 = tpu.memref_slice %arg3[%add3A_71] : memref<20480xi32, #tpu.memory_space<hbm>> -> memref<80xi32, #tpu.memory_space<hbm>>
        tpu.enqueue_dma source(%dma_start3A_73 : memref<80xi32, #tpu.memory_space<hbm>>) target(%arg7 : memref<80xi32, #tpu.memory_space<vmem>>) target_semaphore(%arg14 : memref<!tpu.dma_semaphore, #tpu.memory_space<semaphore_mem>>)
        %mul3A_74 = arith.constant 80 : i32
        %mul3A_75 = arith.muli %add3A_68, %mul3A_74 : i32
        %add3A_76 = arith.addi %mul3A_2, %mul3A_75 : i32
        %dma_start3A_77 = tpu.memref_slice %arg4[%add3A_76] : memref<20480xi32, #tpu.memory_space<hbm>> -> memref<80xi32, #tpu.memory_space<hbm>>
        %dma_start3A_78 = tpu.memref_slice %arg4[%add3A_76] : memref<20480xi32, #tpu.memory_space<hbm>> -> memref<80xi32, #tpu.memory_space<hbm>>
        tpu.enqueue_dma source(%dma_start3A_78 : memref<80xi32, #tpu.memory_space<hbm>>) target(%arg9 : memref<80xi32, #tpu.memory_space<vmem>>) target_semaphore(%arg16 : memref<!tpu.dma_semaphore, #tpu.memory_space<semaphore_mem>>)
      } else {
      }
      %add3A_50 = arith.constant 1 : i32
      %add3A_51 = arith.addi %add3A_36, %add3A_50 : i32
      %dma_wait3A_52 = arith.constant 0 : i32
      %dma_wait3A_53 = tpu.memref_slice %arg3[%dma_wait3A_52] : memref<20480xi32, #tpu.memory_space<hbm>> -> memref<80xi32, #tpu.memory_space<hbm>>
      %dma_wait3A_54 = arith.constant 0 : i32
      %dma_wait3A_55 = tpu.memref_slice %arg3[%dma_wait3A_54] : memref<20480xi32, #tpu.memory_space<hbm>> -> memref<80xi32, #tpu.memory_space<hbm>>
      tpu.wait_dma2 semaphore(%arg15 : memref<!tpu.dma_semaphore, #tpu.memory_space<semaphore_mem>>) src(%dma_wait3A_55 : memref<80xi32, #tpu.memory_space<hbm>>) dst(%arg8 : memref<80xi32, #tpu.memory_space<vmem>>)
      %dma_wait3A_56 = arith.constant 0 : i32
      %dma_wait3A_57 = tpu.memref_slice %arg4[%dma_wait3A_56] : memref<20480xi32, #tpu.memory_space<hbm>> -> memref<80xi32, #tpu.memory_space<hbm>>
      %dma_wait3A_58 = arith.constant 0 : i32
      %dma_wait3A_59 = tpu.memref_slice %arg4[%dma_wait3A_58] : memref<20480xi32, #tpu.memory_space<hbm>> -> memref<80xi32, #tpu.memory_space<hbm>>
      tpu.wait_dma2 semaphore(%arg17 : memref<!tpu.dma_semaphore, #tpu.memory_space<semaphore_mem>>) src(%dma_wait3A_59 : memref<80xi32, #tpu.memory_space<hbm>>) dst(%arg10 : memref<80xi32, #tpu.memory_space<vmem>>)
      "tpu.region"() ({
        %run_scoped3A = tpu.sem_alloc : memref<!tpu.dma_semaphore, #tpu.memory_space<semaphore_mem>>
        %dma_start3A_67 = arith.constant 0 : i32
        %dma_start3A_68 = arith.constant 0 : i32
        %dma_start3A_69 = tpu.memref_slice %arg2[%dma_start3A_67, %dma_start3A_68] : memref<2500x16xf32, #tpu.memory_space<hbm>> -> memref<2500x16xf32, #tpu.memory_space<hbm>>
        tpu.enqueue_indirect_dma source(%dma_start3A_69 : memref<2500x16xf32, #tpu.memory_space<hbm>>) target(%arg12 : memref<80x16xf32, #tpu.memory_space<vmem>>) offsets(%arg8 : memref<80xi32, #tpu.memory_space<vmem>>) semaphore(%run_scoped3A : memref<!tpu.dma_semaphore, #tpu.memory_space<semaphore_mem>>)
        %dma_wait3A_70 = arith.constant 0 : i32
        %dma_wait3A_71 = arith.constant 0 : i32
        %dma_wait3A_72 = tpu.memref_slice %arg2[%dma_wait3A_70, %dma_wait3A_71] : memref<2500x16xf32, #tpu.memory_space<hbm>> -> memref<2500x16xf32, #tpu.memory_space<hbm>>
        tpu.wait_indirect_dma semaphore(%run_scoped3A : memref<!tpu.dma_semaphore, #tpu.memory_space<semaphore_mem>>) src(%dma_wait3A_72 : memref<2500x16xf32, #tpu.memory_space<hbm>>) dst(%arg12 : memref<80x16xf32, #tpu.memory_space<vmem>>)
        tpu.yield
      }) : () -> ()
      "tpu.region"() ({
        %run_scoped3A = tpu.sem_alloc : memref<!tpu.dma_semaphore, #tpu.memory_space<semaphore_mem>>
        %dma_start3A_67 = arith.constant 0 : i32
        %dma_start3A_68 = arith.constant 0 : i32
        %dma_start3A_69 = tpu.memref_slice %arg13[%dma_start3A_67, %dma_start3A_68] : memref<2560x16xf32, #tpu.memory_space<vmem_shared>> -> memref<2560x16xf32, #tpu.memory_space<vmem_shared>>
        tpu.enqueue_indirect_dma source(%arg12 : memref<80x16xf32, #tpu.memory_space<vmem>>) target(%dma_start3A_69 : memref<2560x16xf32, #tpu.memory_space<vmem_shared>>) offsets(%arg10 : memref<80xi32, #tpu.memory_space<vmem>>) semaphore(%run_scoped3A : memref<!tpu.dma_semaphore, #tpu.memory_space<semaphore_mem>>) {add = true}
        %dma_wait3A_70 = arith.constant 0 : i32
        %dma_wait3A_71 = arith.constant 0 : i32
        %dma_wait3A_72 = tpu.memref_slice %arg13[%dma_wait3A_70, %dma_wait3A_71] : memref<2560x16xf32, #tpu.memory_space<vmem_shared>> -> memref<2560x16xf32, #tpu.memory_space<vmem_shared>>
        tpu.wait_indirect_dma semaphore(%run_scoped3A : memref<!tpu.dma_semaphore, #tpu.memory_space<semaphore_mem>>) src(%arg12 : memref<80x16xf32, #tpu.memory_space<vmem>>) dst(%dma_wait3A_72 : memref<2560x16xf32, #tpu.memory_space<vmem_shared>>)
        tpu.yield
      }) : () -> ()
      %add3A_60 = arith.constant 2 : i32
      %add3A_61 = arith.addi %add3A_51, %add3A_60 : i32
      %lt3A_62 = arith.constant 8 : i32
      %lt3A_63 = arith.cmpi slt, %add3A_61, %lt3A_62 : i32
      %convert_element_type3A_64 = arith.extui %lt3A_63 : i1 to i32
      %cond3A_65 = arith.constant 0 : i32
      %cond3A_66 = arith.cmpi ne, %convert_element_type3A_64, %cond3A_65 : i32
      scf.if %cond3A_66 {
        %add3A_67 = arith.constant 2 : i32
        %add3A_68 = arith.addi %add3A_51, %add3A_67 : i32
        %mul3A_69 = arith.constant 80 : i32
        %mul3A_70 = arith.muli %add3A_68, %mul3A_69 : i32
        %add3A_71 = arith.addi %mul3A_2, %mul3A_70 : i32
        %dma_start3A_72 = tpu.memref_slice %arg3[%add3A_71] : memref<20480xi32, #tpu.memory_space<hbm>> -> memref<80xi32, #tpu.memory_space<hbm>>
        %dma_start3A_73 = tpu.memref_slice %arg3[%add3A_71] : memref<20480xi32, #tpu.memory_space<hbm>> -> memref<80xi32, #tpu.memory_space<hbm>>
        tpu.enqueue_dma source(%dma_start3A_73 : memref<80xi32, #tpu.memory_space<hbm>>) target(%arg8 : memref<80xi32, #tpu.memory_space<vmem>>) target_semaphore(%arg15 : memref<!tpu.dma_semaphore, #tpu.memory_space<semaphore_mem>>)
        %mul3A_74 = arith.constant 80 : i32
        %mul3A_75 = arith.muli %add3A_68, %mul3A_74 : i32
        %add3A_76 = arith.addi %mul3A_2, %mul3A_75 : i32
        %dma_start3A_77 = tpu.memref_slice %arg4[%add3A_76] : memref<20480xi32, #tpu.memory_space<hbm>> -> memref<80xi32, #tpu.memory_space<hbm>>
        %dma_start3A_78 = tpu.memref_slice %arg4[%add3A_76] : memref<20480xi32, #tpu.memory_space<hbm>> -> memref<80xi32, #tpu.memory_space<hbm>>
        tpu.enqueue_dma source(%dma_start3A_78 : memref<80xi32, #tpu.memory_space<hbm>>) target(%arg10 : memref<80xi32, #tpu.memory_space<vmem>>) target_semaphore(%arg17 : memref<!tpu.dma_semaphore, #tpu.memory_space<semaphore_mem>>)
      } else {
      }
    }
    %scan3A_23 = arith.constant 4 : i32
    %barrier3A_24 = arith.constant 0 : index
    tpu.barrier barrier_id(%barrier3A_24)
    %mul3A_25 = arith.constant 160 : i32
    %mul3A_26 = arith.muli %arg1, %mul3A_25 : i32
    %mul3A_27 = arith.constant 2560 : i32
    %mul3A_28 = arith.muli %arg0, %mul3A_27 : i32
    %mul3A_29 = arith.constant 160 : i32
    %mul3A_30 = arith.muli %arg1, %mul3A_29 : i32
    %add3A_31 = arith.addi %mul3A_28, %mul3A_30 : i32
    "tpu.region"() ({
      %run_scoped3A = tpu.sem_alloc : memref<!tpu.dma_semaphore, #tpu.memory_space<semaphore_mem>>
      %dma_start3A_32 = arith.constant 0 : i32
      %dma_start3A_33 = tpu.memref_slice %arg6[%add3A_31, %dma_start3A_32] : memref<5120x16xf32, #tpu.memory_space<hbm>> -> memref<160x16xf32, #tpu.memory_space<hbm>>
      %dma_start3A_34 = arith.constant 0 : i32
      %dma_start3A_35 = tpu.memref_slice %arg13[%mul3A_26, %dma_start3A_34] : memref<2560x16xf32, #tpu.memory_space<vmem_shared>> -> memref<160x16xf32, #tpu.memory_space<vmem_shared>>
      tpu.enqueue_dma source(%dma_start3A_35 : memref<160x16xf32, #tpu.memory_space<vmem_shared>>) target(%dma_start3A_33 : memref<160x16xf32, #tpu.memory_space<hbm>>) target_semaphore(%run_scoped3A : memref<!tpu.dma_semaphore, #tpu.memory_space<semaphore_mem>>)
      %dma_wait3A = arith.constant 0 : i32
      %dma_wait3A_36 = tpu.memref_slice %arg6[%add3A_31, %dma_wait3A] : memref<5120x16xf32, #tpu.memory_space<hbm>> -> memref<160x16xf32, #tpu.memory_space<hbm>>
      %dma_wait3A_37 = arith.constant 0 : i32
      %dma_wait3A_38 = tpu.memref_slice %arg13[%mul3A_26, %dma_wait3A_37] : memref<2560x16xf32, #tpu.memory_space<vmem_shared>> -> memref<160x16xf32, #tpu.memory_space<vmem_shared>>
      tpu.wait_dma2 semaphore(%run_scoped3A : memref<!tpu.dma_semaphore, #tpu.memory_space<semaphore_mem>>) src(%dma_wait3A_38 : memref<160x16xf32, #tpu.memory_space<vmem_shared>>) dst(%dma_wait3A_36 : memref<160x16xf32, #tpu.memory_space<hbm>>)
      tpu.yield
    }) : () -> ()
    return
  }
}

module attributes {stable_mosaic.version = 14 : i64} {
  func.func @_knn_body(%arg0: i32, %arg1: memref<8x128xf32, #tpu.memory_space<vmem>>, %arg2: memref<8x5120xf32, #tpu.memory_space<vmem>>, %arg3: memref<128x128xi32, #tpu.memory_space<vmem>>) attributes {dimension_semantics = [#tpu.dimension_semantics<arbitrary>], iteration_bounds = array<i64: 40>, scalar_prefetch = 0 : i64, scratch_operands = 0 : i64, tpu.core_type = #tpu.core_type<tc>, window_params = [{transform_indices = @transform_0, window_bounds = array<i64: 8, 128>}, {pipeline_mode = #tpu.pipeline_mode<synchronous>, transform_indices = @transform_1, window_bounds = array<i64: 8, 5120>}, {transform_indices = @transform_2, window_bounds = array<i64: 128, 128>}]} {
    %get3A = arith.constant 0 : index
    %get3A_0 = arith.constant 0 : index
    %get3A_1 = vector.load %arg1[%get3A, %get3A_0] : memref<8x128xf32, #tpu.memory_space<vmem>>, vector<8x128xf32>
    %get3A_2 = arith.constant 0 : index
    %get3A_3 = arith.constant 0 : index
    %get3A_4 = vector.load %arg2[%get3A_2, %get3A_3] : memref<8x5120xf32, #tpu.memory_space<vmem>>, vector<8x5120xf32>
    %mul3A = arith.mulf %get3A_1, %get3A_1 : vector<8x128xf32>
    %reduce_sum3A = arith.constant dense<0.000000e+00> : vector<128xf32>
    %reduce_sum3A_5 = vector.multi_reduction <add>, %mul3A, %reduce_sum3A [0] : vector<8x128xf32> to vector<128xf32>
    %mul3A_6 = arith.mulf %get3A_4, %get3A_4 : vector<8x5120xf32>
    %reduce_sum3A_7 = arith.constant dense<0.000000e+00> : vector<5120xf32>
    %reduce_sum3A_8 = vector.multi_reduction <add>, %mul3A_6, %reduce_sum3A_7 [0] : vector<8x5120xf32> to vector<5120xf32>
    %broadcast_in_dim3A = vector.shape_cast %reduce_sum3A_8 : vector<5120xf32> to vector<1x5120xf32>
    %dot_general3A = arith.constant dense<0.000000e+00> : vector<128x5120xf32>
    %dot_general3A_9 = tpu.matmul %get3A_1, %get3A_4, %dot_general3A {dimension_numbers = #tpu.dot_dimension_numbers<[0], [0], [1], [1], [0, 1, 1, 1], [], []>, transpose_lhs_hint = false} : vector<8x128xf32>, vector<8x5120xf32>, vector<128x5120xf32> -> vector<128x5120xf32>
    %broadcast_in_dim3A_10 = vector.shape_cast %reduce_sum3A_5 : vector<128xf32> to vector<128x1xf32>
    %add3A = vector.broadcast %broadcast_in_dim3A_10 : vector<128x1xf32> to vector<128x5120xf32>
    %add3A_11 = vector.broadcast %broadcast_in_dim3A : vector<1x5120xf32> to vector<128x5120xf32>
    %add3A_12 = arith.addf %add3A, %add3A_11 : vector<128x5120xf32>
    %mul3A_13 = arith.constant 2.000000e+00 : f32
    %mul3A_14 = vector.broadcast %mul3A_13 : f32 to vector<128x5120xf32>
    %mul3A_15 = arith.mulf %mul3A_14, %dot_general3A_9 : vector<128x5120xf32>
    %sub3A = arith.subf %add3A_12, %mul3A_15 : vector<128x5120xf32>
    %iota3A = tpu.iota {dimensions = array<i32: 1>} : vector<128x5120xi32>
    %iota3A_16 = tpu.iota {dimensions = array<i32: 0>} : vector<128x5120xi32>
    %mul3A_17 = arith.constant 128 : i32
    %mul3A_18 = arith.muli %arg0, %mul3A_17 : i32
    %add3A_19 = vector.broadcast %mul3A_18 : i32 to vector<128x5120xi32>
    %add3A_20 = arith.addi %iota3A_16, %add3A_19 : vector<128x5120xi32>
    %ge3A = arith.constant 5000 : i32
    %ge3A_21 = vector.broadcast %ge3A : i32 to vector<128x5120xi32>
    %ge3A_22 = arith.cmpi sge, %iota3A, %ge3A_21 : vector<128x5120xi32>
    %eq3A = arith.cmpi eq, %iota3A, %add3A_20 : vector<128x5120xi32>
    %or3A = arith.ori %ge3A_22, %eq3A : vector<128x5120xi1>
    %jit3A = arith.constant 0x7F800000 : f32
    %broadcast_in_dim3A_23 = vector.broadcast %jit3A : f32 to vector<128x5120xf32>
    %select_n3A = arith.select %or3A, %broadcast_in_dim3A_23, %sub3A : vector<128x5120xi1>, vector<128x5120xf32>
    %reduce_min3A = arith.constant dense<0x7F800000> : vector<128xf32>
    %reduce_min3A_24 = vector.multi_reduction <minimumf>, %select_n3A, %reduce_min3A [1] : vector<128x5120xf32> to vector<128xf32>
    %broadcast_in_dim3A_25 = vector.shape_cast %reduce_min3A_24 : vector<128xf32> to vector<128x1xf32>
    %eq3A_26 = vector.broadcast %broadcast_in_dim3A_25 : vector<128x1xf32> to vector<128x5120xf32>
    %eq3A_27 = arith.cmpf oeq, %select_n3A, %eq3A_26 : vector<128x5120xf32>
    %jit3A_28 = arith.constant 10240 : i32
    %broadcast_in_dim3A_29 = vector.broadcast %jit3A_28 : i32 to vector<128x5120xi32>
    %select_n3A_30 = arith.select %eq3A_27, %iota3A, %broadcast_in_dim3A_29 : vector<128x5120xi1>, vector<128x5120xi32>
    %reduce_min3A_31 = arith.constant dense<2147483647> : vector<128xi32>
    %reduce_min3A_32 = vector.multi_reduction <minsi>, %select_n3A_30, %reduce_min3A_31 [1] : vector<128x5120xi32> to vector<128xi32>
    %broadcast_in_dim3A_33 = vector.shape_cast %reduce_min3A_32 : vector<128xi32> to vector<128x1xi32>
    %eq3A_34 = vector.broadcast %broadcast_in_dim3A_33 : vector<128x1xi32> to vector<128x5120xi32>
    %eq3A_35 = arith.cmpi eq, %iota3A, %eq3A_34 : vector<128x5120xi32>
    %jit3A_36 = arith.constant 0x7F800000 : f32
    %broadcast_in_dim3A_37 = vector.broadcast %jit3A_36 : f32 to vector<128x5120xf32>
    %select_n3A_38 = arith.select %eq3A_35, %broadcast_in_dim3A_37, %select_n3A : vector<128x5120xi1>, vector<128x5120xf32>
    %reduce_min3A_39 = arith.constant dense<0x7F800000> : vector<128xf32>
    %reduce_min3A_40 = vector.multi_reduction <minimumf>, %select_n3A_38, %reduce_min3A_39 [1] : vector<128x5120xf32> to vector<128xf32>
    %broadcast_in_dim3A_41 = vector.shape_cast %reduce_min3A_40 : vector<128xf32> to vector<128x1xf32>
    %eq3A_42 = vector.broadcast %broadcast_in_dim3A_41 : vector<128x1xf32> to vector<128x5120xf32>
    %eq3A_43 = arith.cmpf oeq, %select_n3A_38, %eq3A_42 : vector<128x5120xf32>
    %jit3A_44 = arith.constant 10240 : i32
    %broadcast_in_dim3A_45 = vector.broadcast %jit3A_44 : i32 to vector<128x5120xi32>
    %select_n3A_46 = arith.select %eq3A_43, %iota3A, %broadcast_in_dim3A_45 : vector<128x5120xi1>, vector<128x5120xi32>
    %reduce_min3A_47 = arith.constant dense<2147483647> : vector<128xi32>
    %reduce_min3A_48 = vector.multi_reduction <minsi>, %select_n3A_46, %reduce_min3A_47 [1] : vector<128x5120xi32> to vector<128xi32>
    %broadcast_in_dim3A_49 = vector.shape_cast %reduce_min3A_48 : vector<128xi32> to vector<128x1xi32>
    %eq3A_50 = vector.broadcast %broadcast_in_dim3A_49 : vector<128x1xi32> to vector<128x5120xi32>
    %eq3A_51 = arith.cmpi eq, %iota3A, %eq3A_50 : vector<128x5120xi32>
    %jit3A_52 = arith.constant 0x7F800000 : f32
    %broadcast_in_dim3A_53 = vector.broadcast %jit3A_52 : f32 to vector<128x5120xf32>
    %select_n3A_54 = arith.select %eq3A_51, %broadcast_in_dim3A_53, %select_n3A_38 : vector<128x5120xi1>, vector<128x5120xf32>
    %reduce_min3A_55 = arith.constant dense<0x7F800000> : vector<128xf32>
    %reduce_min3A_56 = vector.multi_reduction <minimumf>, %select_n3A_54, %reduce_min3A_55 [1] : vector<128x5120xf32> to vector<128xf32>
    %broadcast_in_dim3A_57 = vector.shape_cast %reduce_min3A_56 : vector<128xf32> to vector<128x1xf32>
    %eq3A_58 = vector.broadcast %broadcast_in_dim3A_57 : vector<128x1xf32> to vector<128x5120xf32>
    %eq3A_59 = arith.cmpf oeq, %select_n3A_54, %eq3A_58 : vector<128x5120xf32>
    %jit3A_60 = arith.constant 10240 : i32
    %broadcast_in_dim3A_61 = vector.broadcast %jit3A_60 : i32 to vector<128x5120xi32>
    %select_n3A_62 = arith.select %eq3A_59, %iota3A, %broadcast_in_dim3A_61 : vector<128x5120xi1>, vector<128x5120xi32>
    %reduce_min3A_63 = arith.constant dense<2147483647> : vector<128xi32>
    %reduce_min3A_64 = vector.multi_reduction <minsi>, %select_n3A_62, %reduce_min3A_63 [1] : vector<128x5120xi32> to vector<128xi32>
    %broadcast_in_dim3A_65 = vector.shape_cast %reduce_min3A_64 : vector<128xi32> to vector<128x1xi32>
    %eq3A_66 = vector.broadcast %broadcast_in_dim3A_65 : vector<128x1xi32> to vector<128x5120xi32>
    %eq3A_67 = arith.cmpi eq, %iota3A, %eq3A_66 : vector<128x5120xi32>
    %jit3A_68 = arith.constant 0x7F800000 : f32
    %broadcast_in_dim3A_69 = vector.broadcast %jit3A_68 : f32 to vector<128x5120xf32>
    %select_n3A_70 = arith.select %eq3A_67, %broadcast_in_dim3A_69, %select_n3A_54 : vector<128x5120xi1>, vector<128x5120xf32>
    %reduce_min3A_71 = arith.constant dense<0x7F800000> : vector<128xf32>
    %reduce_min3A_72 = vector.multi_reduction <minimumf>, %select_n3A_70, %reduce_min3A_71 [1] : vector<128x5120xf32> to vector<128xf32>
    %broadcast_in_dim3A_73 = vector.shape_cast %reduce_min3A_72 : vector<128xf32> to vector<128x1xf32>
    %eq3A_74 = vector.broadcast %broadcast_in_dim3A_73 : vector<128x1xf32> to vector<128x5120xf32>
    %eq3A_75 = arith.cmpf oeq, %select_n3A_70, %eq3A_74 : vector<128x5120xf32>
    %jit3A_76 = arith.constant 10240 : i32
    %broadcast_in_dim3A_77 = vector.broadcast %jit3A_76 : i32 to vector<128x5120xi32>
    %select_n3A_78 = arith.select %eq3A_75, %iota3A, %broadcast_in_dim3A_77 : vector<128x5120xi1>, vector<128x5120xi32>
    %reduce_min3A_79 = arith.constant dense<2147483647> : vector<128xi32>
    %reduce_min3A_80 = vector.multi_reduction <minsi>, %select_n3A_78, %reduce_min3A_79 [1] : vector<128x5120xi32> to vector<128xi32>
    %broadcast_in_dim3A_81 = vector.shape_cast %reduce_min3A_80 : vector<128xi32> to vector<128x1xi32>
    %eq3A_82 = vector.broadcast %broadcast_in_dim3A_81 : vector<128x1xi32> to vector<128x5120xi32>
    %eq3A_83 = arith.cmpi eq, %iota3A, %eq3A_82 : vector<128x5120xi32>
    %jit3A_84 = arith.constant 0x7F800000 : f32
    %broadcast_in_dim3A_85 = vector.broadcast %jit3A_84 : f32 to vector<128x5120xf32>
    %select_n3A_86 = arith.select %eq3A_83, %broadcast_in_dim3A_85, %select_n3A_70 : vector<128x5120xi1>, vector<128x5120xf32>
    %reduce_min3A_87 = arith.constant dense<0x7F800000> : vector<128xf32>
    %reduce_min3A_88 = vector.multi_reduction <minimumf>, %select_n3A_86, %reduce_min3A_87 [1] : vector<128x5120xf32> to vector<128xf32>
    %broadcast_in_dim3A_89 = vector.shape_cast %reduce_min3A_88 : vector<128xf32> to vector<128x1xf32>
    %eq3A_90 = vector.broadcast %broadcast_in_dim3A_89 : vector<128x1xf32> to vector<128x5120xf32>
    %eq3A_91 = arith.cmpf oeq, %select_n3A_86, %eq3A_90 : vector<128x5120xf32>
    %jit3A_92 = arith.constant 10240 : i32
    %broadcast_in_dim3A_93 = vector.broadcast %jit3A_92 : i32 to vector<128x5120xi32>
    %select_n3A_94 = arith.select %eq3A_91, %iota3A, %broadcast_in_dim3A_93 : vector<128x5120xi1>, vector<128x5120xi32>
    %reduce_min3A_95 = arith.constant dense<2147483647> : vector<128xi32>
    %reduce_min3A_96 = vector.multi_reduction <minsi>, %select_n3A_94, %reduce_min3A_95 [1] : vector<128x5120xi32> to vector<128xi32>
    %broadcast_in_dim3A_97 = vector.shape_cast %reduce_min3A_96 : vector<128xi32> to vector<128x1xi32>
    %eq3A_98 = vector.broadcast %broadcast_in_dim3A_97 : vector<128x1xi32> to vector<128x5120xi32>
    %eq3A_99 = arith.cmpi eq, %iota3A, %eq3A_98 : vector<128x5120xi32>
    %jit3A_100 = arith.constant 0x7F800000 : f32
    %broadcast_in_dim3A_101 = vector.broadcast %jit3A_100 : f32 to vector<128x5120xf32>
    %select_n3A_102 = arith.select %eq3A_99, %broadcast_in_dim3A_101, %select_n3A_86 : vector<128x5120xi1>, vector<128x5120xf32>
    %reduce_min3A_103 = arith.constant dense<0x7F800000> : vector<128xf32>
    %reduce_min3A_104 = vector.multi_reduction <minimumf>, %select_n3A_102, %reduce_min3A_103 [1] : vector<128x5120xf32> to vector<128xf32>
    %broadcast_in_dim3A_105 = vector.shape_cast %reduce_min3A_104 : vector<128xf32> to vector<128x1xf32>
    %eq3A_106 = vector.broadcast %broadcast_in_dim3A_105 : vector<128x1xf32> to vector<128x5120xf32>
    %eq3A_107 = arith.cmpf oeq, %select_n3A_102, %eq3A_106 : vector<128x5120xf32>
    %jit3A_108 = arith.constant 10240 : i32
    %broadcast_in_dim3A_109 = vector.broadcast %jit3A_108 : i32 to vector<128x5120xi32>
    %select_n3A_110 = arith.select %eq3A_107, %iota3A, %broadcast_in_dim3A_109 : vector<128x5120xi1>, vector<128x5120xi32>
    %reduce_min3A_111 = arith.constant dense<2147483647> : vector<128xi32>
    %reduce_min3A_112 = vector.multi_reduction <minsi>, %select_n3A_110, %reduce_min3A_111 [1] : vector<128x5120xi32> to vector<128xi32>
    %broadcast_in_dim3A_113 = vector.shape_cast %reduce_min3A_112 : vector<128xi32> to vector<128x1xi32>
    %broadcast_in_dim3A_114 = arith.constant 0 : i32
    %broadcast_in_dim3A_115 = vector.broadcast %broadcast_in_dim3A_114 : i32 to vector<128x122xi32>
    %concatenate3A = tpu.concatenate %broadcast_in_dim3A_33, %broadcast_in_dim3A_49, %broadcast_in_dim3A_65, %broadcast_in_dim3A_81, %broadcast_in_dim3A_97, %broadcast_in_dim3A_113, %broadcast_in_dim3A_115 in 1 : vector<128x1xi32>, vector<128x1xi32>, vector<128x1xi32>, vector<128x1xi32>, vector<128x1xi32>, vector<128x1xi32>, vector<128x122xi32> -> vector<128x128xi32>
    %swap3A = arith.constant 0 : index
    %swap3A_116 = arith.constant 0 : index
    %swap3A_117 = vector.load %arg3[%swap3A, %swap3A_116] : memref<128x128xi32, #tpu.memory_space<vmem>>, vector<128x128xi32>
    tpu.vector_store %arg3[%swap3A, %swap3A_116], %concatenate3A {strides = array<i32>} : memref<128x128xi32, #tpu.memory_space<vmem>>, vector<128x128xi32>,
    return
  }
  func.func @transform_0(%arg0: i32) -> (i32, i32) {
    %c0_i32 = arith.constant 0 : i32
    %c0_i32_0 = arith.constant 0 : i32
    return %c0_i32, %arg0 : i32, i32
  }
  func.func @transform_1(%arg0: i32) -> (i32, i32) {
    %c0_i32 = arith.constant 0 : i32
    %c0_i32_0 = arith.constant 0 : i32
    %c0_i32_1 = arith.constant 0 : i32
    return %c0_i32, %c0_i32_0 : i32, i32
  }
  func.func @transform_2(%arg0: i32) -> (i32, i32) {
    %c0_i32 = arith.constant 0 : i32
    %c0_i32_0 = arith.constant 0 : i32
    return %arg0, %c0_i32 : i32, i32
  }
}

module attributes {stable_mosaic.version = 14 : i64} {
  func.func @_knn_body(%arg0: i32, %arg1: memref<8x128xf32, #tpu.memory_space<vmem>>, %arg2: memref<8x2560xf32, #tpu.memory_space<vmem>>, %arg3: memref<128x128xi32, #tpu.memory_space<vmem>>) attributes {dimension_semantics = [#tpu.dimension_semantics<arbitrary>], iteration_bounds = array<i64: 20>, scalar_prefetch = 0 : i64, scratch_operands = 0 : i64, tpu.core_type = #tpu.core_type<tc>, window_params = [{transform_indices = @transform_0, window_bounds = array<i64: 8, 128>}, {pipeline_mode = #tpu.pipeline_mode<synchronous>, transform_indices = @transform_1, window_bounds = array<i64: 8, 2560>}, {transform_indices = @transform_2, window_bounds = array<i64: 128, 128>}]} {
    %get3A = arith.constant 0 : index
    %get3A_0 = arith.constant 0 : index
    %get3A_1 = vector.load %arg1[%get3A, %get3A_0] : memref<8x128xf32, #tpu.memory_space<vmem>>, vector<8x128xf32>
    %get3A_2 = arith.constant 0 : index
    %get3A_3 = arith.constant 0 : index
    %get3A_4 = vector.load %arg2[%get3A_2, %get3A_3] : memref<8x2560xf32, #tpu.memory_space<vmem>>, vector<8x2560xf32>
    %mul3A = arith.mulf %get3A_1, %get3A_1 : vector<8x128xf32>
    %reduce_sum3A = arith.constant dense<0.000000e+00> : vector<128xf32>
    %reduce_sum3A_5 = vector.multi_reduction <add>, %mul3A, %reduce_sum3A [0] : vector<8x128xf32> to vector<128xf32>
    %mul3A_6 = arith.mulf %get3A_4, %get3A_4 : vector<8x2560xf32>
    %reduce_sum3A_7 = arith.constant dense<0.000000e+00> : vector<2560xf32>
    %reduce_sum3A_8 = vector.multi_reduction <add>, %mul3A_6, %reduce_sum3A_7 [0] : vector<8x2560xf32> to vector<2560xf32>
    %broadcast_in_dim3A = vector.shape_cast %reduce_sum3A_8 : vector<2560xf32> to vector<1x2560xf32>
    %dot_general3A = arith.constant dense<0.000000e+00> : vector<128x2560xf32>
    %dot_general3A_9 = tpu.matmul %get3A_1, %get3A_4, %dot_general3A {dimension_numbers = #tpu.dot_dimension_numbers<[0], [0], [1], [1], [0, 1, 1, 1], [], []>, transpose_lhs_hint = false} : vector<8x128xf32>, vector<8x2560xf32>, vector<128x2560xf32> -> vector<128x2560xf32>
    %broadcast_in_dim3A_10 = vector.shape_cast %reduce_sum3A_5 : vector<128xf32> to vector<128x1xf32>
    %add3A = vector.broadcast %broadcast_in_dim3A_10 : vector<128x1xf32> to vector<128x2560xf32>
    %add3A_11 = vector.broadcast %broadcast_in_dim3A : vector<1x2560xf32> to vector<128x2560xf32>
    %add3A_12 = arith.addf %add3A, %add3A_11 : vector<128x2560xf32>
    %mul3A_13 = arith.constant 2.000000e+00 : f32
    %mul3A_14 = vector.broadcast %mul3A_13 : f32 to vector<128x2560xf32>
    %mul3A_15 = arith.mulf %mul3A_14, %dot_general3A_9 : vector<128x2560xf32>
    %sub3A = arith.subf %add3A_12, %mul3A_15 : vector<128x2560xf32>
    %iota3A = tpu.iota {dimensions = array<i32: 1>} : vector<128x2560xi32>
    %iota3A_16 = tpu.iota {dimensions = array<i32: 0>} : vector<128x2560xi32>
    %mul3A_17 = arith.constant 128 : i32
    %mul3A_18 = arith.muli %arg0, %mul3A_17 : i32
    %add3A_19 = vector.broadcast %mul3A_18 : i32 to vector<128x2560xi32>
    %add3A_20 = arith.addi %iota3A_16, %add3A_19 : vector<128x2560xi32>
    %ge3A = arith.constant 2500 : i32
    %ge3A_21 = vector.broadcast %ge3A : i32 to vector<128x2560xi32>
    %ge3A_22 = arith.cmpi sge, %iota3A, %ge3A_21 : vector<128x2560xi32>
    %eq3A = arith.cmpi eq, %iota3A, %add3A_20 : vector<128x2560xi32>
    %or3A = arith.ori %ge3A_22, %eq3A : vector<128x2560xi1>
    %jit3A = arith.constant 0x7F800000 : f32
    %broadcast_in_dim3A_23 = vector.broadcast %jit3A : f32 to vector<128x2560xf32>
    %select_n3A = arith.select %or3A, %broadcast_in_dim3A_23, %sub3A : vector<128x2560xi1>, vector<128x2560xf32>
    %reduce_min3A = arith.constant dense<0x7F800000> : vector<128xf32>
    %reduce_min3A_24 = vector.multi_reduction <minimumf>, %select_n3A, %reduce_min3A [1] : vector<128x2560xf32> to vector<128xf32>
    %broadcast_in_dim3A_25 = vector.shape_cast %reduce_min3A_24 : vector<128xf32> to vector<128x1xf32>
    %eq3A_26 = vector.broadcast %broadcast_in_dim3A_25 : vector<128x1xf32> to vector<128x2560xf32>
    %eq3A_27 = arith.cmpf oeq, %select_n3A, %eq3A_26 : vector<128x2560xf32>
    %jit3A_28 = arith.constant 5120 : i32
    %broadcast_in_dim3A_29 = vector.broadcast %jit3A_28 : i32 to vector<128x2560xi32>
    %select_n3A_30 = arith.select %eq3A_27, %iota3A, %broadcast_in_dim3A_29 : vector<128x2560xi1>, vector<128x2560xi32>
    %reduce_min3A_31 = arith.constant dense<2147483647> : vector<128xi32>
    %reduce_min3A_32 = vector.multi_reduction <minsi>, %select_n3A_30, %reduce_min3A_31 [1] : vector<128x2560xi32> to vector<128xi32>
    %broadcast_in_dim3A_33 = vector.shape_cast %reduce_min3A_32 : vector<128xi32> to vector<128x1xi32>
    %eq3A_34 = vector.broadcast %broadcast_in_dim3A_33 : vector<128x1xi32> to vector<128x2560xi32>
    %eq3A_35 = arith.cmpi eq, %iota3A, %eq3A_34 : vector<128x2560xi32>
    %jit3A_36 = arith.constant 0x7F800000 : f32
    %broadcast_in_dim3A_37 = vector.broadcast %jit3A_36 : f32 to vector<128x2560xf32>
    %select_n3A_38 = arith.select %eq3A_35, %broadcast_in_dim3A_37, %select_n3A : vector<128x2560xi1>, vector<128x2560xf32>
    %reduce_min3A_39 = arith.constant dense<0x7F800000> : vector<128xf32>
    %reduce_min3A_40 = vector.multi_reduction <minimumf>, %select_n3A_38, %reduce_min3A_39 [1] : vector<128x2560xf32> to vector<128xf32>
    %broadcast_in_dim3A_41 = vector.shape_cast %reduce_min3A_40 : vector<128xf32> to vector<128x1xf32>
    %eq3A_42 = vector.broadcast %broadcast_in_dim3A_41 : vector<128x1xf32> to vector<128x2560xf32>
    %eq3A_43 = arith.cmpf oeq, %select_n3A_38, %eq3A_42 : vector<128x2560xf32>
    %jit3A_44 = arith.constant 5120 : i32
    %broadcast_in_dim3A_45 = vector.broadcast %jit3A_44 : i32 to vector<128x2560xi32>
    %select_n3A_46 = arith.select %eq3A_43, %iota3A, %broadcast_in_dim3A_45 : vector<128x2560xi1>, vector<128x2560xi32>
    %reduce_min3A_47 = arith.constant dense<2147483647> : vector<128xi32>
    %reduce_min3A_48 = vector.multi_reduction <minsi>, %select_n3A_46, %reduce_min3A_47 [1] : vector<128x2560xi32> to vector<128xi32>
    %broadcast_in_dim3A_49 = vector.shape_cast %reduce_min3A_48 : vector<128xi32> to vector<128x1xi32>
    %eq3A_50 = vector.broadcast %broadcast_in_dim3A_49 : vector<128x1xi32> to vector<128x2560xi32>
    %eq3A_51 = arith.cmpi eq, %iota3A, %eq3A_50 : vector<128x2560xi32>
    %jit3A_52 = arith.constant 0x7F800000 : f32
    %broadcast_in_dim3A_53 = vector.broadcast %jit3A_52 : f32 to vector<128x2560xf32>
    %select_n3A_54 = arith.select %eq3A_51, %broadcast_in_dim3A_53, %select_n3A_38 : vector<128x2560xi1>, vector<128x2560xf32>
    %reduce_min3A_55 = arith.constant dense<0x7F800000> : vector<128xf32>
    %reduce_min3A_56 = vector.multi_reduction <minimumf>, %select_n3A_54, %reduce_min3A_55 [1] : vector<128x2560xf32> to vector<128xf32>
    %broadcast_in_dim3A_57 = vector.shape_cast %reduce_min3A_56 : vector<128xf32> to vector<128x1xf32>
    %eq3A_58 = vector.broadcast %broadcast_in_dim3A_57 : vector<128x1xf32> to vector<128x2560xf32>
    %eq3A_59 = arith.cmpf oeq, %select_n3A_54, %eq3A_58 : vector<128x2560xf32>
    %jit3A_60 = arith.constant 5120 : i32
    %broadcast_in_dim3A_61 = vector.broadcast %jit3A_60 : i32 to vector<128x2560xi32>
    %select_n3A_62 = arith.select %eq3A_59, %iota3A, %broadcast_in_dim3A_61 : vector<128x2560xi1>, vector<128x2560xi32>
    %reduce_min3A_63 = arith.constant dense<2147483647> : vector<128xi32>
    %reduce_min3A_64 = vector.multi_reduction <minsi>, %select_n3A_62, %reduce_min3A_63 [1] : vector<128x2560xi32> to vector<128xi32>
    %broadcast_in_dim3A_65 = vector.shape_cast %reduce_min3A_64 : vector<128xi32> to vector<128x1xi32>
    %eq3A_66 = vector.broadcast %broadcast_in_dim3A_65 : vector<128x1xi32> to vector<128x2560xi32>
    %eq3A_67 = arith.cmpi eq, %iota3A, %eq3A_66 : vector<128x2560xi32>
    %jit3A_68 = arith.constant 0x7F800000 : f32
    %broadcast_in_dim3A_69 = vector.broadcast %jit3A_68 : f32 to vector<128x2560xf32>
    %select_n3A_70 = arith.select %eq3A_67, %broadcast_in_dim3A_69, %select_n3A_54 : vector<128x2560xi1>, vector<128x2560xf32>
    %reduce_min3A_71 = arith.constant dense<0x7F800000> : vector<128xf32>
    %reduce_min3A_72 = vector.multi_reduction <minimumf>, %select_n3A_70, %reduce_min3A_71 [1] : vector<128x2560xf32> to vector<128xf32>
    %broadcast_in_dim3A_73 = vector.shape_cast %reduce_min3A_72 : vector<128xf32> to vector<128x1xf32>
    %eq3A_74 = vector.broadcast %broadcast_in_dim3A_73 : vector<128x1xf32> to vector<128x2560xf32>
    %eq3A_75 = arith.cmpf oeq, %select_n3A_70, %eq3A_74 : vector<128x2560xf32>
    %jit3A_76 = arith.constant 5120 : i32
    %broadcast_in_dim3A_77 = vector.broadcast %jit3A_76 : i32 to vector<128x2560xi32>
    %select_n3A_78 = arith.select %eq3A_75, %iota3A, %broadcast_in_dim3A_77 : vector<128x2560xi1>, vector<128x2560xi32>
    %reduce_min3A_79 = arith.constant dense<2147483647> : vector<128xi32>
    %reduce_min3A_80 = vector.multi_reduction <minsi>, %select_n3A_78, %reduce_min3A_79 [1] : vector<128x2560xi32> to vector<128xi32>
    %broadcast_in_dim3A_81 = vector.shape_cast %reduce_min3A_80 : vector<128xi32> to vector<128x1xi32>
    %eq3A_82 = vector.broadcast %broadcast_in_dim3A_81 : vector<128x1xi32> to vector<128x2560xi32>
    %eq3A_83 = arith.cmpi eq, %iota3A, %eq3A_82 : vector<128x2560xi32>
    %jit3A_84 = arith.constant 0x7F800000 : f32
    %broadcast_in_dim3A_85 = vector.broadcast %jit3A_84 : f32 to vector<128x2560xf32>
    %select_n3A_86 = arith.select %eq3A_83, %broadcast_in_dim3A_85, %select_n3A_70 : vector<128x2560xi1>, vector<128x2560xf32>
    %reduce_min3A_87 = arith.constant dense<0x7F800000> : vector<128xf32>
    %reduce_min3A_88 = vector.multi_reduction <minimumf>, %select_n3A_86, %reduce_min3A_87 [1] : vector<128x2560xf32> to vector<128xf32>
    %broadcast_in_dim3A_89 = vector.shape_cast %reduce_min3A_88 : vector<128xf32> to vector<128x1xf32>
    %eq3A_90 = vector.broadcast %broadcast_in_dim3A_89 : vector<128x1xf32> to vector<128x2560xf32>
    %eq3A_91 = arith.cmpf oeq, %select_n3A_86, %eq3A_90 : vector<128x2560xf32>
    %jit3A_92 = arith.constant 5120 : i32
    %broadcast_in_dim3A_93 = vector.broadcast %jit3A_92 : i32 to vector<128x2560xi32>
    %select_n3A_94 = arith.select %eq3A_91, %iota3A, %broadcast_in_dim3A_93 : vector<128x2560xi1>, vector<128x2560xi32>
    %reduce_min3A_95 = arith.constant dense<2147483647> : vector<128xi32>
    %reduce_min3A_96 = vector.multi_reduction <minsi>, %select_n3A_94, %reduce_min3A_95 [1] : vector<128x2560xi32> to vector<128xi32>
    %broadcast_in_dim3A_97 = vector.shape_cast %reduce_min3A_96 : vector<128xi32> to vector<128x1xi32>
    %eq3A_98 = vector.broadcast %broadcast_in_dim3A_97 : vector<128x1xi32> to vector<128x2560xi32>
    %eq3A_99 = arith.cmpi eq, %iota3A, %eq3A_98 : vector<128x2560xi32>
    %jit3A_100 = arith.constant 0x7F800000 : f32
    %broadcast_in_dim3A_101 = vector.broadcast %jit3A_100 : f32 to vector<128x2560xf32>
    %select_n3A_102 = arith.select %eq3A_99, %broadcast_in_dim3A_101, %select_n3A_86 : vector<128x2560xi1>, vector<128x2560xf32>
    %reduce_min3A_103 = arith.constant dense<0x7F800000> : vector<128xf32>
    %reduce_min3A_104 = vector.multi_reduction <minimumf>, %select_n3A_102, %reduce_min3A_103 [1] : vector<128x2560xf32> to vector<128xf32>
    %broadcast_in_dim3A_105 = vector.shape_cast %reduce_min3A_104 : vector<128xf32> to vector<128x1xf32>
    %eq3A_106 = vector.broadcast %broadcast_in_dim3A_105 : vector<128x1xf32> to vector<128x2560xf32>
    %eq3A_107 = arith.cmpf oeq, %select_n3A_102, %eq3A_106 : vector<128x2560xf32>
    %jit3A_108 = arith.constant 5120 : i32
    %broadcast_in_dim3A_109 = vector.broadcast %jit3A_108 : i32 to vector<128x2560xi32>
    %select_n3A_110 = arith.select %eq3A_107, %iota3A, %broadcast_in_dim3A_109 : vector<128x2560xi1>, vector<128x2560xi32>
    %reduce_min3A_111 = arith.constant dense<2147483647> : vector<128xi32>
    %reduce_min3A_112 = vector.multi_reduction <minsi>, %select_n3A_110, %reduce_min3A_111 [1] : vector<128x2560xi32> to vector<128xi32>
    %broadcast_in_dim3A_113 = vector.shape_cast %reduce_min3A_112 : vector<128xi32> to vector<128x1xi32>
    %eq3A_114 = vector.broadcast %broadcast_in_dim3A_113 : vector<128x1xi32> to vector<128x2560xi32>
    %eq3A_115 = arith.cmpi eq, %iota3A, %eq3A_114 : vector<128x2560xi32>
    %jit3A_116 = arith.constant 0x7F800000 : f32
    %broadcast_in_dim3A_117 = vector.broadcast %jit3A_116 : f32 to vector<128x2560xf32>
    %select_n3A_118 = arith.select %eq3A_115, %broadcast_in_dim3A_117, %select_n3A_102 : vector<128x2560xi1>, vector<128x2560xf32>
    %reduce_min3A_119 = arith.constant dense<0x7F800000> : vector<128xf32>
    %reduce_min3A_120 = vector.multi_reduction <minimumf>, %select_n3A_118, %reduce_min3A_119 [1] : vector<128x2560xf32> to vector<128xf32>
    %broadcast_in_dim3A_121 = vector.shape_cast %reduce_min3A_120 : vector<128xf32> to vector<128x1xf32>
    %eq3A_122 = vector.broadcast %broadcast_in_dim3A_121 : vector<128x1xf32> to vector<128x2560xf32>
    %eq3A_123 = arith.cmpf oeq, %select_n3A_118, %eq3A_122 : vector<128x2560xf32>
    %jit3A_124 = arith.constant 5120 : i32
    %broadcast_in_dim3A_125 = vector.broadcast %jit3A_124 : i32 to vector<128x2560xi32>
    %select_n3A_126 = arith.select %eq3A_123, %iota3A, %broadcast_in_dim3A_125 : vector<128x2560xi1>, vector<128x2560xi32>
    %reduce_min3A_127 = arith.constant dense<2147483647> : vector<128xi32>
    %reduce_min3A_128 = vector.multi_reduction <minsi>, %select_n3A_126, %reduce_min3A_127 [1] : vector<128x2560xi32> to vector<128xi32>
    %broadcast_in_dim3A_129 = vector.shape_cast %reduce_min3A_128 : vector<128xi32> to vector<128x1xi32>
    %eq3A_130 = vector.broadcast %broadcast_in_dim3A_129 : vector<128x1xi32> to vector<128x2560xi32>
    %eq3A_131 = arith.cmpi eq, %iota3A, %eq3A_130 : vector<128x2560xi32>
    %jit3A_132 = arith.constant 0x7F800000 : f32
    %broadcast_in_dim3A_133 = vector.broadcast %jit3A_132 : f32 to vector<128x2560xf32>
    %select_n3A_134 = arith.select %eq3A_131, %broadcast_in_dim3A_133, %select_n3A_118 : vector<128x2560xi1>, vector<128x2560xf32>
    %reduce_min3A_135 = arith.constant dense<0x7F800000> : vector<128xf32>
    %reduce_min3A_136 = vector.multi_reduction <minimumf>, %select_n3A_134, %reduce_min3A_135 [1] : vector<128x2560xf32> to vector<128xf32>
    %broadcast_in_dim3A_137 = vector.shape_cast %reduce_min3A_136 : vector<128xf32> to vector<128x1xf32>
    %eq3A_138 = vector.broadcast %broadcast_in_dim3A_137 : vector<128x1xf32> to vector<128x2560xf32>
    %eq3A_139 = arith.cmpf oeq, %select_n3A_134, %eq3A_138 : vector<128x2560xf32>
    %jit3A_140 = arith.constant 5120 : i32
    %broadcast_in_dim3A_141 = vector.broadcast %jit3A_140 : i32 to vector<128x2560xi32>
    %select_n3A_142 = arith.select %eq3A_139, %iota3A, %broadcast_in_dim3A_141 : vector<128x2560xi1>, vector<128x2560xi32>
    %reduce_min3A_143 = arith.constant dense<2147483647> : vector<128xi32>
    %reduce_min3A_144 = vector.multi_reduction <minsi>, %select_n3A_142, %reduce_min3A_143 [1] : vector<128x2560xi32> to vector<128xi32>
    %broadcast_in_dim3A_145 = vector.shape_cast %reduce_min3A_144 : vector<128xi32> to vector<128x1xi32>
    %broadcast_in_dim3A_146 = arith.constant 0 : i32
    %broadcast_in_dim3A_147 = vector.broadcast %broadcast_in_dim3A_146 : i32 to vector<128x120xi32>
    %concatenate3A = tpu.concatenate %broadcast_in_dim3A_33, %broadcast_in_dim3A_49, %broadcast_in_dim3A_65, %broadcast_in_dim3A_81, %broadcast_in_dim3A_97, %broadcast_in_dim3A_113, %broadcast_in_dim3A_129, %broadcast_in_dim3A_145, %broadcast_in_dim3A_147 in 1 : vector<128x1xi32>, vector<128x1xi32>, vector<128x1xi32>, vector<128x1xi32>, vector<128x1xi32>, vector<128x1xi32>, vector<128x1xi32>, vector<128x1xi32>, vector<128x120xi32> -> vector<128x128xi32>
    %swap3A = arith.constant 0 : index
    %swap3A_148 = arith.constant 0 : index
    %swap3A_149 = vector.load %arg3[%swap3A, %swap3A_148] : memref<128x128xi32, #tpu.memory_space<vmem>>, vector<128x128xi32>
    tpu.vector_store %arg3[%swap3A, %swap3A_148], %concatenate3A {strides = array<i32>} : memref<128x128xi32, #tpu.memory_space<vmem>>, vector<128x128xi32>,
    return
  }
  func.func @transform_0(%arg0: i32) -> (i32, i32) {
    %c0_i32 = arith.constant 0 : i32
    %c0_i32_0 = arith.constant 0 : i32
    return %c0_i32, %arg0 : i32, i32
  }
  func.func @transform_1(%arg0: i32) -> (i32, i32) {
    %c0_i32 = arith.constant 0 : i32
    %c0_i32_0 = arith.constant 0 : i32
    %c0_i32_1 = arith.constant 0 : i32
    return %c0_i32, %c0_i32_0 : i32, i32
  }
  func.func @transform_2(%arg0: i32) -> (i32, i32) {
    %c0_i32 = arith.constant 0 : i32
    %c0_i32_0 = arith.constant 0 : i32
    return %arg0, %c0_i32 : i32, i32
  }
}

module attributes {stable_mosaic.version = 14 : i64} {
  func.func @_mlp_kernel(%arg0: memref<8x384xf32, #tpu.memory_space<vmem>>, %arg1: memref<128x384xf32, #tpu.memory_space<vmem>>, %arg2: memref<1x128xf32, #tpu.memory_space<vmem>>, %arg3: memref<10x128xf32, #tpu.memory_space<vmem>>, %arg4: memref<1x10xf32, #tpu.memory_space<vmem>>, %arg5: memref<8x10xf32, #tpu.memory_space<vmem>>) attributes {dimension_semantics = [], scalar_prefetch = 0 : i64, scratch_operands = 0 : i64, tpu.core_type = #tpu.core_type<tc>} {
    %get3A = arith.constant 0 : index
    %get3A_0 = arith.constant 0 : index
    %get3A_1 = vector.load %arg0[%get3A, %get3A_0] : memref<8x384xf32, #tpu.memory_space<vmem>>, vector<8x384xf32>
    %get3A_2 = arith.constant 0 : index
    %get3A_3 = arith.constant 0 : index
    %get3A_4 = vector.load %arg1[%get3A_2, %get3A_3] : memref<128x384xf32, #tpu.memory_space<vmem>>, vector<128x384xf32>
    %dot_general3A = arith.constant dense<0.000000e+00> : vector<8x128xf32>
    %dot_general3A_5 = tpu.matmul %get3A_1, %get3A_4, %dot_general3A {dimension_numbers = #tpu.dot_dimension_numbers<[1], [1], [0], [0], [0, 0, 1, 0], [], []>, transpose_lhs_hint = false} : vector<8x384xf32>, vector<128x384xf32>, vector<8x128xf32> -> vector<8x128xf32>
    %get3A_6 = arith.constant 0 : index
    %get3A_7 = arith.constant 0 : index
    %get3A_8 = vector.load %arg2[%get3A_6, %get3A_7] : memref<1x128xf32, #tpu.memory_space<vmem>>, vector<1x128xf32>
    %add3A = vector.broadcast %get3A_8 : vector<1x128xf32> to vector<8x128xf32>
    %add3A_9 = arith.addf %dot_general3A_5, %add3A : vector<8x128xf32>
    %max3A = arith.constant 0.000000e+00 : f32
    %max3A_10 = vector.broadcast %max3A : f32 to vector<8x128xf32>
    %max3A_11 = arith.maximumf %add3A_9, %max3A_10 : vector<8x128xf32>
    %get3A_12 = arith.constant 0 : index
    %get3A_13 = arith.constant 0 : index
    %get3A_14 = vector.load %arg3[%get3A_12, %get3A_13] : memref<10x128xf32, #tpu.memory_space<vmem>>, vector<10x128xf32>
    %dot_general3A_15 = arith.constant dense<0.000000e+00> : vector<8x10xf32>
    %dot_general3A_16 = tpu.matmul %max3A_11, %get3A_14, %dot_general3A_15 {dimension_numbers = #tpu.dot_dimension_numbers<[1], [1], [0], [0], [0, 0, 1, 0], [], []>, transpose_lhs_hint = false} : vector<8x128xf32>, vector<10x128xf32>, vector<8x10xf32> -> vector<8x10xf32>
    %get3A_17 = arith.constant 0 : index
    %get3A_18 = arith.constant 0 : index
    %get3A_19 = vector.load %arg4[%get3A_17, %get3A_18] : memref<1x10xf32, #tpu.memory_space<vmem>>, vector<1x10xf32>
    %add3A_20 = vector.broadcast %get3A_19 : vector<1x10xf32> to vector<8x10xf32>
    %add3A_21 = arith.addf %dot_general3A_16, %add3A_20 : vector<8x10xf32>
    %swap3A = arith.constant 0 : index
    %swap3A_22 = arith.constant 0 : index
    %swap3A_23 = vector.load %arg5[%swap3A, %swap3A_22] : memref<8x10xf32, #tpu.memory_space<vmem>>, vector<8x10xf32>
    tpu.vector_store %arg5[%swap3A, %swap3A_22], %add3A_21 {strides = array<i32>} : memref<8x10xf32, #tpu.memory_space<vmem>>, vector<8x10xf32>,
    return
  }
}

</mosaic_0001>

<sc_bundles>
// kernel: gather_offload_async_start.1
scs
__scs_entry_jumppad:
0x0: {  	(pc) =	sbr.rel $0x88, $3  }
0x1: {  	(tag) =	ssettag $0x0;
	lr =	simm.s32 $0x1  }
0x2: {  	[smem:$0x3F94] =	sst lr;
	_ =	strace $0xD0000000  }
0x3: {  	_ = 	snop  }
0x4: {  	_ = 	snop  }
0x5: {  	_ = 	snop  }
0x6: {  	_ = 	snop  }
0x7: {  	_ = 	snop  }
__scs_overlays_trampoline_lowered:
0x8: {  	[smem:$0x3FA3] =	sst s0  }
0x9: {  	[smem:$0x3FA4] =	sst s1  }
0xa: {  	[smem:$0x3FA5] =	sst s2  }
0xb: {  	[smem:$0x3FA6] =	sst s3  }
0xc: {  	[smem:$0x3FA7] =	sst s4  }
0xd: {  	[smem:$0x3FA8] =	sst s5  }
0xe: {  	[smem:$0x3FA9] =	sst s6  }
0xf: {  	[smem:$0x3FAA] =	sst s7  }
0x10: {  	[smem:$0x3FAB] =	sst s8  }
0x11: {  	[smem:$0x3FAC] =	sst s9;
	s0 =	simm.s32 @!p0 $0x0  }
0x12: {  	s1 =	sld [smem:$0x3F92];
	s0 =	simm.s32 @p0 $0x1  }
0x13: {  	[smem:$0x3FAD] =	sst s0;
	s0 =	simm.s32 @!p1 $0x0  }
0x14: {  	s2 =	sld [smem:$0x3F91];
	s0 =	simm.s32 @p1 $0x1  }
0x15: {  	[smem:$0x3FAE] =	sst s0;
	s0 =	simm.s32 @!p2 $0x0  }
0x16: {  	s3 =	sld [smem:$0x3FDB];
	s0 =	simm.s32 @p2 $0x1  }
0x17: {  	s4 =	simm.s32 $0x1BF5;
	[smem:$0x3FB0] =	sst s0  }
0x18: {  	s0 =	sld [smem:$0x3F93];
	_ =	swait.ge [sflag:s4], $0x0  }
0x19: {  	s7 =	sld [smem:$0x3F94]  }
0x1a: {  	s8 =	sadd.s32 $0xFFFFE003, lr  }
0x1b: {  	s9 =	sadd.s32 $0xFFFFFEF7, lr;
	s5 =	simm.s32 $0xFFFFFFFF;
	p2 =	slt.u32 s8, $0xFFFFF086  }
0x1c: {  	p1 =	slt.u32 s9, $0xF7A;
	s5 =	simm.s32 @!p2 $0x0  }
0x1d: {  	s5 =	simm.s32 @p1 $0x1;
	p0 =	seq.s32 s7, s2  }
0x1e: {  	s7 =	smul.u32 @!p0 $0xF7A, s2;
	p2 =	seq.s32 @!p0 s5, $0x0  }
0x1f: {  	s9 =	smul.u32 $0xF7A, s1;
	s8 =	simm.s32 @!p0 $0x1BF5;
	p2 =	por !p2, p0  }
0x20: {  	[sflag:s8] =	ssyncset.s32 @!p0 $0xFFFFF086;
	s6 =	sadd.s32 @!p0 s3, s7;
	s7 =	simm.s32 @!p0 $0x108  }
0x21: {  	s3 =	sadd.s32 s3, s9;
	s6 =	sadd.s32 @!p0 $0x88, s6;
	s7 =	simm.s32 @p2 $0x1082  }
0x22: {  	[simem:s7], [sflag:s8] =	dma.local @!p0 [hbm:s6], $0xF7A  }
0x23: {  	s9 =	sor.u32 $0xD0000000, s2;
	s6 =	simm.s32 $0x108;
	_ =	swait.ge @!p0 [sflag:s8], $0x0  }
0x24: {  	s3 =	sadd.s32 $0x88, s3;
	s6 =	simm.s32 @!p1 $0x1082;
	[sflag:s4] =	ssyncset.s32 $0xFFFFF086  }
0x25: {  	[simem:s6], [sflag:s4] =	dma.local [hbm:s3], $0xF7A  }
0x26: {  	[smem:$0x3F94] =	sst s1;
	(tag) =	ssettag s2;
	_ =	strace s9  }
0x27: {  	s1 =	sld [smem:$0x3FA4]  }
0x28: {  	s2 =	sld [smem:$0x3FA5]  }
0x29: {  	s4 =	sld [smem:$0x3FA7]  }
0x2a: {  	p0 =	seq.s32 s5, $0x0;
	s5 =	sld [smem:$0x3FA8]  }
0x2b: {  	s6 =	sld [smem:$0x3FA9]  }
0x2c: {  	s7 =	sld [smem:$0x3FAA]  }
0x2d: {  	s3 =	simm.s32 $0x108;
	s8 =	sld [smem:$0x3FAB]  }
0x2e: {  	s3 =	simm.s32 @!p0 $0x1082;
	s9 =	sld [smem:$0x3FAC]  }
0x2f: {  	lr =	sadd.s32 s0, s3;
	s0 =	sld [smem:$0x3FA3]  }
0x30: {  	s3 =	sld [smem:$0x3FA6]  }
0x31: {  	[smem:$0x3FAF] =	sst s10  }
0x32: {  	s10 =	sld [smem:$0x3FAD];
	_ =	sdelay $0x3  }
0x33: {  	p0 =	seq.s32 s10, $0x1;
	s10 =	sld [smem:$0x3FAF];
	_ =	sdelay $0x3  }
0x34: {  	[smem:$0x3FAF] =	sst s10  }
0x35: {  	s10 =	sld [smem:$0x3FAE];
	_ =	sdelay $0x3  }
0x36: {  	p1 =	seq.s32 s10, $0x1;
	s10 =	sld [smem:$0x3FAF];
	_ =	sdelay $0x3  }
0x37: {  	[smem:$0x3FAF] =	sst s10  }
0x38: {  	s10 =	sld [smem:$0x3FB0]  }
0x39: {  	_ = 	snop;
	(pc) =	sbr.ind lr, $3  }
0x3a: {  	_ = 	snop  }
0x3b: {  	_ = 	snop  }
0x3c: {  	p2 =	seq.s32 s10, $0x1;
	s10 =	sld [smem:$0x3FAF]  }
0x3d: {  	_ =	shalt  }
0x3e: {  	_ =	shalt  }
0x3f: {  	_ =	shalt  }
0x40: {  	_ =	shalt  }
0x41: {  	_ =	shalt  }
0x42: {  	_ =	shalt  }
0x43: {  	_ =	shalt  }
0x44: {  	_ =	shalt  }
0x45: {  	_ =	shalt  }
0x46: {  	_ =	shalt  }
0x47: {  	_ =	shalt  }
0x48: {  	_ =	shalt  }
0x49: {  	_ =	shalt  }
0x4a: {  	_ =	shalt  }
0x4b: {  	_ =	shalt  }
0x4c: {  	_ =	shalt  }
0x4d: {  	_ =	shalt  }
0x4e: {  	_ =	shalt  }
0x4f: {  	_ =	shalt  }
0x50: {  	_ =	shalt  }
0x51: {  	_ =	shalt  }
0x52: {  	_ =	shalt  }
0x53: {  	_ =	shalt  }
0x54: {  	_ =	shalt  }
0x55: {  	_ =	shalt  }
0x56: {  	_ =	shalt  }
0x57: {  	_ =	shalt  }
0x58: {  	_ =	shalt  }
0x59: {  	_ =	shalt  }
0x5a: {  	_ =	shalt  }
0x5b: {  	_ =	shalt  }
0x5c: {  	_ =	shalt  }
0x5d: {  	_ =	shalt  }
0x5e: {  	_ =	shalt  }
0x5f: {  	_ =	shalt  }
0x60: {  	_ =	shalt  }
0x61: {  	_ =	shalt  }
0x62: {  	_ =	shalt  }
0x63: {  	_ =	shalt  }
0x64: {  	_ =	shalt  }
0x65: {  	_ =	shalt  }
0x66: {  	_ =	shalt  }
0x67: {  	_ =	shalt  }
0x68: {  	_ =	shalt  }
0x69: {  	_ =	shalt  }
0x6a: {  	_ =	shalt  }
0x6b: {  	_ =	shalt  }
0x6c: {  	_ =	shalt  }
0x6d: {  	_ =	shalt  }
0x6e: {  	_ =	shalt  }
0x6f: {  	_ =	shalt  }
0x70: {  	_ =	shalt  }
0x71: {  	_ =	shalt  }
0x72: {  	_ =	shalt  }
0x73: {  	_ =	shalt  }
0x74: {  	_ =	shalt  }
0x75: {  	_ =	shalt  }
0x76: {  	_ =	shalt  }
0x77: {  	_ =	shalt  }
0x78: {  	_ =	shalt  }
0x79: {  	_ =	shalt  }
0x7a: {  	_ =	shalt  }
0x7b: {  	_ =	shalt  }
0x7c: {  	_ =	shalt  }
0x7d: {  	_ =	shalt  }
0x7e: {  	_ =	shalt  }
0x7f: {  	_ =	shalt  }
0x80: {  	_ =	shalt  }
0x81: {  	_ =	shalt  }
0x82: {  	_ =	shalt  }
0x83: {  	_ =	shalt  }
0x84: {  	_ =	shalt  }
0x85: {  	_ =	shalt  }
0x86: {  	_ =	shalt  }
0x87: {  	_ =	shalt  }
.Lfunc_end0:
.L_simem_size_0:
called_computation.1_lowered:
.L_overlay_start_0:
0x88: {  	s0 =	sld [smem:$0x3FD9]  }
0x89: {  	s1 =	sld [smem:$0x3FFE];
	_ =	sdelay $0x3  }
0x8a: {  	s0 =	sadd.s32 s1, s0  }
0x8b: {  	[smem:$0x3FBB] =	sst s0  }
0x8c: {  	_ = 	snop  }
0x8d: {  	(tm) =	ssettm $0x1  }
0x8e: {  	s15 =	sld [smem:$0x3FFB];
	_ =	sdelay $0x3  }
0x8f: {  	_ =	strace s15  }
0x90: {  	s0 =	sld [smem:$0x3FFC];
	_ =	sdelay $0x3  }
0x91: {  	_ =	strace s0  }
0x92: {  	s0 =	sld [smem:$0x3FFD];
	_ =	sdelay $0x3  }
0x93: {  	_ =	strace s0  }
0x94: {  	_ =	strace $0x8FFFFFFF  }
0x95: {  	s16 =	sld [smem:$0x3FDB];
	_ =	sdelay $0x1  }
0x96: {  	s17 =	simm.s32 $_scs_section_size  }
0x97: {  	s2 =	simm.s32 $_size__tile_overlayer_lowered;
	s3 =	simm.s32 $_tile_overlayer_lowered  }
0x98: {  	s20 =	simm.s32 $0x1BFF;
	s19 =	sshll.u32 s3, $0x1;
	s0 =	sadd.s32 s17, s16  }
0x99: {  	s4 =	simm.s32 $0x0;
	s18 =	sshll.u32 s2, $0x1;
	s2 =	sadd.s32 s19, s0  }
0x9a: {  	[timem:s4], [sflag:s20] =	dma.local [hbm:s2], s18  }
0x9b: {  	_ =	swait.ge [sflag:s20], s18  }
0x9c: {  	s1 =	ssub.s32 $0x0, s18;
	[sflag:s20] =	ssyncset.done $0x0  }
0x9d: {  	[sflag:s20] =	ssyncadd.s32 s1;
	_ =	sdelay $0x1  }
0x9e: {  	s21 =	simm.s32 $0x1B8B  }
0x9f: {  	_ =	swait.ge [sflag:s21], $0x1  }
0xa0: {  	[sflag:s21] =	ssyncset.done $0x0  }
0xa1: {  	s23 =	simm.s32 $0x1B8E;
	s22 =	sld [smem:$0x3FFE];
	[sflag:s21] =	ssyncadd.s32 $0xFFFFFFFF  }
0xa2: {  	s24 =	simm.s32 $execute0_lowered;
	[smem:$0x3FD2] =	sst s23  }
0xa3: {  	s2 =	sshll.u32 s24, $0x1;
	_ =	strace $0x8000004F;
	[dreg:$0x1] =	wrdreg $0xFFFFFFFF  }
0xa4: {  	s25 =	simm.s32 $_size_execute0_lowered;
	s0 =	sadd.s32 s0, s2;
	[dreg:$0x0] =	wrdreg $0x0  }
0xa5: {  	s2 =	sshll.u32 s25, $0x1;
	[dreg:$0x2] =	wrdreg s0  }
0xa6: {  	[dreg:$0x3] =	wrdreg s2  }
0xa7: {  	[dreg:$0x4] =	wrdreg $0xC0  }
0xa8: {  	_ =	task [dreg:s4], $0x5FFFF  }
0xa9: {  	[dreg:$0x1] =	wrdreg $0xFFFFFFFF  }
0xaa: {  	[dreg:$0x0] =	wrdreg $0x60  }
0xab: {  	[dreg:$0x2] =	wrdreg s22  }
0xac: {  	[dreg:$0x3] =	wrdreg $0x9  }
0xad: {  	_ =	task.clear_ibuf [dreg:s4], $0x4FFFF;
	_ =	strace $0x9000004F  }
0xae: {  	s26 =	simm.s32 $0x9;
	_ =	strace $0x80000051  }
0xaf: {  	_ =	swait.ge [sflag:s26], $0x1  }
0xb0: {  	[sflag:s26] =	ssyncadd.s32 $0xFFFFFFFF  }
0xb1: {  	_ =	strace $0x90000051  }
0xb2: {  	_ =	sfence  }
0xb3: {  	s28 =	sld [smem:$0x0];
	_ =	sdelay $0x1  }
0xb4: {  	s29 =	srdreg.scid  }
0xb5: {  	s30 =	sshll.u32 s29, $0xD;
	s31 =	sshrl.u32 s29, $0x2  }
0xb6: {  	s1 =	sand.u32 $0x1, s29;
	s2 =	sand.u32 $0x4000, s30;
	s0 =	sadd.s32 s31, s28  }
0xb7: {  	s1 =	sor.u32 s2, s1;
	s0 =	sshll.u32 s0, $0x11  }
0xb8: {  	s0 =	sor.u32 s0, s1  }
0xb9: {  	s0 =	sadd.s32 $0x8F2B, s0  }
0xba: {  	[sflag:s0] =	ssyncadd.remote.s32 $0x1  }
0xbb: {  	_ =	sfence.sel $0xFFFF  }
0xbc: {  	[dreg:$0x0] =	wrdreg $0xFFFFFFFF;
	(pc) =	sbr.abs _section_cstart, $3  }
0xbd: {  	[dreg:$0x1] =	wrdreg $0xFFFFFFFF  }
0xbe: {  	_ =	task.clear_ibuf [dreg:s4], $0x2FFFF;
	_ =	strace $0x9FFFFFFF  }
0xbf: {  	(tm) =	ssettm $0x7FFFFFFF  }
tec
execute0_lowered:
.L_overlay_start_1:
0x0: {  	(tag) =	ssettag $0x1  }
0x1: {  	s0 =	stileid.u32  }
0x2: {  	s1 =	smin.u32 s0, $0x9  }
0x3: {  	s1 =	sadd.s32 s0, s1  }
0x4: {  	s2 =	simm.s32 $0x190;
	p0 =	slt.u32 s0, $0x9;
	s1 =	smul.u32 $0xC8, s1  }
0x5: {  	s2 =	simm.s32 @!p0 $0xC8  }
0x6: {  	s2 =	sadd.s32 s2, s1  }
0x7: {  	s3 =	smin.u32 s2, $0x1388  }
0x8: {  	s7 =	ssub.s32 s3, s1  }
0x9: {  	p0 =	sgt.s32 s7, $0x0  }
0xa: {  	s7 =	simm.s32 @!p0 $0x0  }
0xb: {  	s31 =	sand.u32 $0xFFF8, s7  }
0xc: {  	s2 =	sshrl.u32 s31, $0x3  }
0xd: {  	s2 =	smul.u32 $0x147B, s2  }
0xe: {  	s9 =	rddreg [dreg:$0x0];
	s6 =	simm.s32 $0x1;
	s11 =	simm.s32 $0x3  }
0xf: {  	s13 =	simm.s32 $0x0;
	s12 =	simm.s32 $0x0;
	s8 =	sshrl.u32 s2, $0x11  }
0x10: {  	s4 =	sadd.s32 $0x4C400, s9;
	s5 =	sadd.s32 $0x27200, s9;
	s10 =	smul.u32 $0xC8, s8  }
.Ltmp0:
0x11: {  	s9 =	sadd.s32 $0x28E00, s9;
	s2 =	rddreg [dreg:$0x1];
	(pc) =	sbr.rel .LBB2_1-.Ltmp0, $4  }
0x12: {  	_ =	strace $0x80000050;
	p0 =	sne.s32 s7, s10;
	s10 =	simm.s32 $0x1  }
0x13: {  	[sflag:s6] =	ssyncpa.u1 $0x0;
	s7 =	simm.s32 $0x2;
	s10 =	simm.s32 @!p0 $0x0  }
0x14: {  	[sflag:s7] =	ssyncpa.u1 $0x0;
	p0 =	por $0x0, $0x0;
	s8 =	sadd.s32 s8, s10  }
0x15: {  	vm0 =	vmmov $0xff;
	vm1 =	vcmask $0x3F20;
	[sflag:s11] =	ssyncpa.u1 $0x0;
	s11 =	smov.u32 s1;
	s10 =	sadd.s32 $0x1, s8  }
.LBB2_6:
0x16: {  	[hbm:s17] =	stream.linear.scatter [tilespmem:s14], [sflag:$0x3], $0x400, $0x38;
	[tilespmem:$0xC990] =	vst v63  }
.LBB2_7:
0x17: {  	s13 =	sadd.s32 $0xC8, s11  }
0x18: {  	s15 =	smov.u32 s1;
	p2 =	slt.s32 s13, s3  }
0x19: {  	s15 =	smov.u32 @p2 s13;
	p2 =	sne.s32 s12, s10  }
.Ltmp1:
0x1a: {  	p1 =	slt.u32 s12, $0x2;
	(pc) =	sbr.rel @!p2 .LBB2_8-.Ltmp1, $4  }
0x1b: {  	s14 =	simm.s32 @!p1 $0x3  }
0x1c: {  	s16 =	sadd.s32 $0x1, s12;
	_ =	swait.ge @!p1 [sflag:s14], $0x6400  }
0x1d: {  	p0 =	por !p0, !p0;
	s13 =	smov.u32 s11;
	[sflag:s14] =	ssyncset.done @!p1 $0x0  }
0x1e: {  	s12 =	smov.u32 s16;
	s11 =	smov.u32 s15;
	[sflag:s14] =	ssyncadd.s32 @!p1 $0xFFFF9C00  }
.LBB2_1:
0x1f: {  	p1 =	sge.u32 s12, s8  }
0x20: {  	s14 =	sxor.u32 @!p1 $0xFFFFFFFF, s12  }
0x21: {  	s14 =	sand.u32 @!p1 $0x1, s14  }
0x22: {  	s14 =	smul.u32 @!p1 $0x320, s14  }
0x23: {  	s31 =	sadd.s32 $0xFFFFFFFF, s12;
	s15 =	sshrl.u32 @!p1 s11, $0x3  }
0x24: {  	s16 =	sand.u32 @!p1 $0x7, s11;
	s15 =	sadd.s32 @!p1 s5, s15;
	s14 =	sshrl.u32 @!p1 s14, $0x2  }
0x25: {  	[tilespmem:s14], [sflag:$0x2] =	stream.linear.gather @!p1 [hbm4b:s15+s16], $0xC8, $0x38;
	[tilespmem:$0xC990] =	vst v63  }
0x26: {  	p1 =	sge.u32 s31, s8  }
.Ltmp2:
0x27: {  	_ = 	snop;
	(pc) =	sbr.rel @p1 .LBB2_7-.Ltmp2, $1  }
0x28: {  	_ =	sdelay $0x3  }
0x29: {  	s14 =	simm.s32 $0x1  }
0x2a: {  	s14 =	simm.s32 @!p0 $0x0  }
0x2b: {  	s15 =	smul.u32 $0x320, s14  }
0x2c: {  	_ =	swait.ge [sflag:s7], $0xC8  }
0x2d: {  	[sflag:s7] =	ssyncset.done $0x0;
	s16 =	sshrl.u32 s15, $0x2  }
0x2e: {  	[sflag:s7] =	ssyncadd.s32 $0xFFFFFF38;
	s15 =	sadd.s32 $0x0, s16  }
0x2f: {  	v0 =	vld.msk [tilespmem:s15+$0x0 ss:$0x1], $0xffff;
	_ =	sdelay $0x4  }
0x30: {  	vm2 =	vgt.s32 v0, $0x0  }
0x31: {  	v0 =	vnsel vm2, $0x0, v0  }
0x32: {  	v0 =	vmin.u32 v0, $0x270F  }
0x33: {  	v0 =	vshll.u32 v0, $0x4  }
0x34: {  	s14 =	smul.u32 $0x19000, s14  }
0x35: {  	s31 =	sand.u32 $0x1, s12  }
0x36: {  	s17 =	smul.u32 $0x320, s31;
	s14 =	sshrl.u32 s14, $0x2  }
0x37: {  	s19 =	smul.u32 $0x19000, s31;
	s14 =	sor.u32 $0x190, s14  }
0x38: {  	[tilespmem:s14], [sflag:$0x1] =	stream.indirect_vreg.gather [hbm:s4], $0x80, v0, vm0, $0x38;
	[tilespmem:$0xC990] =	vst v63  }
0x39: {  	s18 =	sshrl.u32 s17, $0x2;
	s20 =	sadd.s32 $0x10, s16;
	s15 =	sadd.s32 $0x400, s14  }
0x3a: {  	[tilespmem:s15], [sflag:$0x1] =	stream.indirect_vreg.gather [hbm:s4], $0x80, v0, vm1, $0x38;
	[tilespmem:$0xC990] =	vst v63  }
0x3b: {  	s17 =	sshrl.u32 s19, $0x2;
	s19 =	smov.u32 s14;
	v0 =	vld.msk [tilespmem:s20+$0x0 ss:$0x1], $0xffff;
	s20 =	simm.s32 $0x80  }
.LBB2_3:
0x3c: {  	p1 =	sne.s32 s20, $0x2C0;
	_ =	sdelay $0x4  }
0x3d: {  	vm2 =	vgt.s32 v0, $0x0  }
0x3e: {  	v0 =	vnsel vm2, $0x0, v0  }
0x3f: {  	v0 =	vmin.u32 v0, $0x270F  }
0x40: {  	v0 =	vshll.u32 v0, $0x4;
	_ =	sdelay $0x3  }
.Ltmp3:
0x41: {  	s21 =	sshra.s32 s20, $0x2;
	s19 =	sadd.s32 $0x800, s19;
	(pc) =	sbr.rel @p1 .LBB2_3-.Ltmp3, $4  }
0x42: {  	[tilespmem:s19], [sflag:$0x1] =	stream.indirect_vreg.gather [hbm:s4], $0x80, v0, vm0, $0x38;
	[tilespmem:$0xC990] =	vst v63  }
0x43: {  	s21 =	sadd.s32 s21, s16;
	s22 =	sadd.s32 $0x400, s19  }
0x44: {  	[tilespmem:s22], [sflag:$0x1] =	stream.indirect_vreg.gather [hbm:s4], $0x80, v0, vm1, $0x38;
	[tilespmem:$0xC990] =	vst v63  }
0x45: {  	s20 =	sadd.s32 $0x40, s20;
	v0 =	vld.msk [tilespmem:s21+$0x0 ss:$0x1], $0xffff  }
0x46: {  	_ =	sdelay $0x3  }
0x47: {  	vm2 =	vgt.s32 v0, $0x0  }
0x48: {  	v0 =	vnsel vm2, $0x0, v0  }
0x49: {  	v0 =	vmin.u32 v0, $0x270F  }
0x4a: {  	v0 =	vshll.u32 v0, $0x4;
	_ =	sdelay $0x3  }
0x4b: {  	s16 =	sadd.s32 $0x800, s19  }
0x4c: {  	[tilespmem:s16], [sflag:$0x1] =	stream.indirect_vreg.gather [hbm:s4], $0x80, v0, vm0, $0x38;
	[tilespmem:$0xC990] =	vst v63  }
0x4d: {  	s16 =	sadd.s32 $0x400, s16  }
0x4e: {  	[tilespmem:s16], [sflag:$0x1] =	stream.indirect_vreg.gather [hbm:s4], $0x80, v0, vm1, $0x38;
	[tilespmem:$0xC990] =	vst v63  }
0x4f: {  	v0 =	vld.msk [tilespmem:s18+$0xC0 ss:$0x1], $0xff;
	_ =	sdelay $0x4  }
0x50: {  	vm2 =	vgt.s32 v0, $0x0  }
0x51: {  	v0 =	vnsel vm2, $0x0, v0  }
0x52: {  	v0 =	vmin.u32 v0, $0x270F  }
0x53: {  	v0 =	vshll.u32 v0, $0x4;
	_ =	sdelay $0x3  }
0x54: {  	s31 =	sadd.s32 $0x6190, s17  }
0x55: {  	[tilespmem:s31], [sflag:$0x1] =	stream.indirect_vreg.gather [hbm:s4], $0x80, v0, vm0, $0x38;
	[tilespmem:$0xC990] =	vst v63  }
0x56: {  	s13 =	sshll.u32 s13, $0x4;
	_ =	swait.ge [sflag:s6], $0x6400  }
0x57: {  	s13 =	sadd.s32 s13, s9;
	[sflag:s6] =	ssyncset.done $0x0  }
0x58: {  	s17 =	sadd.s32 $0x0, s13;
	s16 =	simm.s32 $0x80;
	[sflag:s6] =	ssyncadd.s32 $0xFFFF9C00  }
.LBB2_5:
0x59: {  	[hbm:s17] =	stream.linear.scatter [tilespmem:s14], [sflag:$0x3], $0x400, $0x38;
	[tilespmem:$0xC990] =	vst v63  }
0x5a: {  	s17 =	smov.u32 s16;
	s14 =	smov.u32 s15;
	p1 =	sne.s32 s16, $0xC00  }
.Ltmp4:
0x5b: {  	s16 =	sadd.s32 $0x80, s16;
	(pc) =	sbr.rel @p1 .LBB2_5-.Ltmp4, $2  }
0x5c: {  	_ =	sdelay $0x2  }
0x5d: {  	s15 =	sadd.s32 $0x400, s15;
	s17 =	sadd.s32 s17, s13  }
.Ltmp5:
0x5e: {  	_ = 	snop;
	(pc) =	sbr.rel .LBB2_6-.Ltmp5, $1  }
0x5f: {  	_ =	sdelay $0x3  }
.LBB2_8:
0x60: {  	_ =	sfence.sel $0x180000  }
0x61: {  	s1 =	simm.s32 $0x2;
	[bflag:$0x0] =	sbarrier.arrive $0xFFFF  }
0x62: {  	s30 =	simm.s32 $0x3;
	[sflag:s1] =	ssyncpa.u1 $0x1  }
0x63: {  	s31 =	simm.s32 $0x1;
	[sflag:s30] =	ssyncpa.u1 $0x1  }
0x64: {  	[sflag:s31] =	ssyncpa.u1 $0x1  }
0x65: {  	p0 =	sne.s32 s0, $0x0;
	_ =	strace $0x90000050  }
0x66: {  	s0 =	sadd.s32 @!p0 $0x100000, s2;
	[bflag:$0x2] =	sbarrier.arrive $0xFFFF  }
0x67: {  	[sflag:s0] =	ssyncadd.tile.s32 @!p0 $0x1;
	_ =	shalt  }
.Lfunc_end2:
_tile_overlayer_lowered:
.L_overlay_start_2:
0x68: {  	(tag) =	ssettag $0x2  }
0x69: {  	s0 =	rddreg [dreg:$0x0];
	s2 =	stileid.u32  }
0x6a: {  	s1 =	rddreg [dreg:$0x1];
	p0 =	sne.s32 s2, $0x0  }
0x6b: {  	s3 =	rddreg [dreg:$0x2];
	[bflag:$0x3] =	sbarrier.arrive $0xFFFF;
	s2 =	simm.s32 @!p0 $0x1C01  }
0x6c: {  	[timem:s3], [sflag:s2] =	dma.local @!p0 [hbm:s0], s1  }
0x6d: {  	s0 =	simm.s32 @!p0 $0x1  }
0x6e: {  	_ =	swait.ge @!p0 [sflag:s0], s1  }
0x6f: {  	s1 =	ssub.s32 @!p0 $0x0, s1;
	[sflag:s0] =	ssyncset.done @!p0 $0x0  }
0x70: {  	[sflag:s0] =	ssyncadd.s32 @!p0 s1  }
0x71: {  	[bflag:$0x3] =	sbarrier.arrive $0xFFFF  }
0x72: {  	_ =	shalt  }

// kernel: gather_offload_async_start
scs
__scs_entry_jumppad:
0x0: {  	(pc) =	sbr.rel $0x88, $3  }
0x1: {  	(tag) =	ssettag $0x0;
	lr =	simm.s32 $0x1  }
0x2: {  	[smem:$0x3F94] =	sst lr;
	_ =	strace $0xD0000000  }
0x3: {  	_ = 	snop  }
0x4: {  	_ = 	snop  }
0x5: {  	_ = 	snop  }
0x6: {  	_ = 	snop  }
0x7: {  	_ = 	snop  }
__scs_overlays_trampoline_lowered:
0x8: {  	[smem:$0x3FA3] =	sst s0  }
0x9: {  	[smem:$0x3FA4] =	sst s1  }
0xa: {  	[smem:$0x3FA5] =	sst s2  }
0xb: {  	[smem:$0x3FA6] =	sst s3  }
0xc: {  	[smem:$0x3FA7] =	sst s4  }
0xd: {  	[smem:$0x3FA8] =	sst s5  }
0xe: {  	[smem:$0x3FA9] =	sst s6  }
0xf: {  	[smem:$0x3FAA] =	sst s7  }
0x10: {  	[smem:$0x3FAB] =	sst s8  }
0x11: {  	[smem:$0x3FAC] =	sst s9;
	s0 =	simm.s32 @!p0 $0x0  }
0x12: {  	s1 =	sld [smem:$0x3F92];
	s0 =	simm.s32 @p0 $0x1  }
0x13: {  	[smem:$0x3FAD] =	sst s0;
	s0 =	simm.s32 @!p1 $0x0  }
0x14: {  	s2 =	sld [smem:$0x3F91];
	s0 =	simm.s32 @p1 $0x1  }
0x15: {  	[smem:$0x3FAE] =	sst s0;
	s0 =	simm.s32 @!p2 $0x0  }
0x16: {  	s3 =	sld [smem:$0x3FDB];
	s0 =	simm.s32 @p2 $0x1  }
0x17: {  	s4 =	simm.s32 $0x1BF5;
	[smem:$0x3FB0] =	sst s0  }
0x18: {  	s0 =	sld [smem:$0x3F93];
	_ =	swait.ge [sflag:s4], $0x0  }
0x19: {  	s7 =	sld [smem:$0x3F94]  }
0x1a: {  	s8 =	sadd.s32 $0xFFFFE003, lr  }
0x1b: {  	s9 =	sadd.s32 $0xFFFFFEF7, lr;
	s5 =	simm.s32 $0xFFFFFFFF;
	p2 =	slt.u32 s8, $0xFFFFF086  }
0x1c: {  	p1 =	slt.u32 s9, $0xF7A;
	s5 =	simm.s32 @!p2 $0x0  }
0x1d: {  	s5 =	simm.s32 @p1 $0x1;
	p0 =	seq.s32 s7, s2  }
0x1e: {  	s7 =	smul.u32 @!p0 $0xF7A, s2;
	p2 =	seq.s32 @!p0 s5, $0x0  }
0x1f: {  	s9 =	smul.u32 $0xF7A, s1;
	s8 =	simm.s32 @!p0 $0x1BF5;
	p2 =	por !p2, p0  }
0x20: {  	[sflag:s8] =	ssyncset.s32 @!p0 $0xFFFFF086;
	s6 =	sadd.s32 @!p0 s3, s7;
	s7 =	simm.s32 @!p0 $0x108  }
0x21: {  	s3 =	sadd.s32 s3, s9;
	s6 =	sadd.s32 @!p0 $0x88, s6;
	s7 =	simm.s32 @p2 $0x1082  }
0x22: {  	[simem:s7], [sflag:s8] =	dma.local @!p0 [hbm:s6], $0xF7A  }
0x23: {  	s9 =	sor.u32 $0xD0000000, s2;
	s6 =	simm.s32 $0x108;
	_ =	swait.ge @!p0 [sflag:s8], $0x0  }
0x24: {  	s3 =	sadd.s32 $0x88, s3;
	s6 =	simm.s32 @!p1 $0x1082;
	[sflag:s4] =	ssyncset.s32 $0xFFFFF086  }
0x25: {  	[simem:s6], [sflag:s4] =	dma.local [hbm:s3], $0xF7A  }
0x26: {  	[smem:$0x3F94] =	sst s1;
	(tag) =	ssettag s2;
	_ =	strace s9  }
0x27: {  	s1 =	sld [smem:$0x3FA4]  }
0x28: {  	s2 =	sld [smem:$0x3FA5]  }
0x29: {  	s4 =	sld [smem:$0x3FA7]  }
0x2a: {  	p0 =	seq.s32 s5, $0x0;
	s5 =	sld [smem:$0x3FA8]  }
0x2b: {  	s6 =	sld [smem:$0x3FA9]  }
0x2c: {  	s7 =	sld [smem:$0x3FAA]  }
0x2d: {  	s3 =	simm.s32 $0x108;
	s8 =	sld [smem:$0x3FAB]  }
0x2e: {  	s3 =	simm.s32 @!p0 $0x1082;
	s9 =	sld [smem:$0x3FAC]  }
0x2f: {  	lr =	sadd.s32 s0, s3;
	s0 =	sld [smem:$0x3FA3]  }
0x30: {  	s3 =	sld [smem:$0x3FA6]  }
0x31: {  	[smem:$0x3FAF] =	sst s10  }
0x32: {  	s10 =	sld [smem:$0x3FAD];
	_ =	sdelay $0x3  }
0x33: {  	p0 =	seq.s32 s10, $0x1;
	s10 =	sld [smem:$0x3FAF];
	_ =	sdelay $0x3  }
0x34: {  	[smem:$0x3FAF] =	sst s10  }
0x35: {  	s10 =	sld [smem:$0x3FAE];
	_ =	sdelay $0x3  }
0x36: {  	p1 =	seq.s32 s10, $0x1;
	s10 =	sld [smem:$0x3FAF];
	_ =	sdelay $0x3  }
0x37: {  	[smem:$0x3FAF] =	sst s10  }
0x38: {  	s10 =	sld [smem:$0x3FB0]  }
0x39: {  	_ = 	snop;
	(pc) =	sbr.ind lr, $3  }
0x3a: {  	_ = 	snop  }
0x3b: {  	_ = 	snop  }
0x3c: {  	p2 =	seq.s32 s10, $0x1;
	s10 =	sld [smem:$0x3FAF]  }
0x3d: {  	_ =	shalt  }
0x3e: {  	_ =	shalt  }
0x3f: {  	_ =	shalt  }
0x40: {  	_ =	shalt  }
0x41: {  	_ =	shalt  }
0x42: {  	_ =	shalt  }
0x43: {  	_ =	shalt  }
0x44: {  	_ =	shalt  }
0x45: {  	_ =	shalt  }
0x46: {  	_ =	shalt  }
0x47: {  	_ =	shalt  }
0x48: {  	_ =	shalt  }
0x49: {  	_ =	shalt  }
0x4a: {  	_ =	shalt  }
0x4b: {  	_ =	shalt  }
0x4c: {  	_ =	shalt  }
0x4d: {  	_ =	shalt  }
0x4e: {  	_ =	shalt  }
0x4f: {  	_ =	shalt  }
0x50: {  	_ =	shalt  }
0x51: {  	_ =	shalt  }
0x52: {  	_ =	shalt  }
0x53: {  	_ =	shalt  }
0x54: {  	_ =	shalt  }
0x55: {  	_ =	shalt  }
0x56: {  	_ =	shalt  }
0x57: {  	_ =	shalt  }
0x58: {  	_ =	shalt  }
0x59: {  	_ =	shalt  }
0x5a: {  	_ =	shalt  }
0x5b: {  	_ =	shalt  }
0x5c: {  	_ =	shalt  }
0x5d: {  	_ =	shalt  }
0x5e: {  	_ =	shalt  }
0x5f: {  	_ =	shalt  }
0x60: {  	_ =	shalt  }
0x61: {  	_ =	shalt  }
0x62: {  	_ =	shalt  }
0x63: {  	_ =	shalt  }
0x64: {  	_ =	shalt  }
0x65: {  	_ =	shalt  }
0x66: {  	_ =	shalt  }
0x67: {  	_ =	shalt  }
0x68: {  	_ =	shalt  }
0x69: {  	_ =	shalt  }
0x6a: {  	_ =	shalt  }
0x6b: {  	_ =	shalt  }
0x6c: {  	_ =	shalt  }
0x6d: {  	_ =	shalt  }
0x6e: {  	_ =	shalt  }
0x6f: {  	_ =	shalt  }
0x70: {  	_ =	shalt  }
0x71: {  	_ =	shalt  }
0x72: {  	_ =	shalt  }
0x73: {  	_ =	shalt  }
0x74: {  	_ =	shalt  }
0x75: {  	_ =	shalt  }
0x76: {  	_ =	shalt  }
0x77: {  	_ =	shalt  }
0x78: {  	_ =	shalt  }
0x79: {  	_ =	shalt  }
0x7a: {  	_ =	shalt  }
0x7b: {  	_ =	shalt  }
0x7c: {  	_ =	shalt  }
0x7d: {  	_ =	shalt  }
0x7e: {  	_ =	shalt  }
0x7f: {  	_ =	shalt  }
0x80: {  	_ =	shalt  }
0x81: {  	_ =	shalt  }
0x82: {  	_ =	shalt  }
0x83: {  	_ =	shalt  }
0x84: {  	_ =	shalt  }
0x85: {  	_ =	shalt  }
0x86: {  	_ =	shalt  }
0x87: {  	_ =	shalt  }
.Lfunc_end0:
.L_simem_size_0:
called_computation_lowered:
.L_overlay_start_0:
0x88: {  	s0 =	sld [smem:$0x3FD9]  }
0x89: {  	s1 =	sld [smem:$0x3FFE];
	_ =	sdelay $0x3  }
0x8a: {  	s0 =	sadd.s32 s1, s0  }
0x8b: {  	[smem:$0x3FBB] =	sst s0  }
0x8c: {  	_ = 	snop  }
0x8d: {  	(tm) =	ssettm $0x1  }
0x8e: {  	s15 =	sld [smem:$0x3FFB];
	_ =	sdelay $0x3  }
0x8f: {  	_ =	strace s15  }
0x90: {  	s0 =	sld [smem:$0x3FFC];
	_ =	sdelay $0x3  }
0x91: {  	_ =	strace s0  }
0x92: {  	s0 =	sld [smem:$0x3FFD];
	_ =	sdelay $0x3  }
0x93: {  	_ =	strace s0  }
0x94: {  	_ =	strace $0x8FFFFFFF  }
0x95: {  	s16 =	sld [smem:$0x3FDB];
	_ =	sdelay $0x1  }
0x96: {  	s17 =	simm.s32 $_scs_section_size  }
0x97: {  	s2 =	simm.s32 $_size__tile_overlayer_lowered;
	s3 =	simm.s32 $_tile_overlayer_lowered  }
0x98: {  	s20 =	simm.s32 $0x1BFF;
	s19 =	sshll.u32 s3, $0x1;
	s0 =	sadd.s32 s17, s16  }
0x99: {  	s4 =	simm.s32 $0x0;
	s18 =	sshll.u32 s2, $0x1;
	s2 =	sadd.s32 s19, s0  }
0x9a: {  	[timem:s4], [sflag:s20] =	dma.local [hbm:s2], s18  }
0x9b: {  	_ =	swait.ge [sflag:s20], s18  }
0x9c: {  	s1 =	ssub.s32 $0x0, s18;
	[sflag:s20] =	ssyncset.done $0x0  }
0x9d: {  	[sflag:s20] =	ssyncadd.s32 s1;
	_ =	sdelay $0x1  }
0x9e: {  	s21 =	simm.s32 $0x1B8B  }
0x9f: {  	_ =	swait.ge [sflag:s21], $0x1  }
0xa0: {  	[sflag:s21] =	ssyncset.done $0x0  }
0xa1: {  	s23 =	simm.s32 $0x1B8E;
	s22 =	sld [smem:$0x3FFE];
	[sflag:s21] =	ssyncadd.s32 $0xFFFFFFFF  }
0xa2: {  	s24 =	simm.s32 $execute0_lowered;
	[smem:$0x3FD2] =	sst s23  }
0xa3: {  	s2 =	sshll.u32 s24, $0x1;
	_ =	strace $0x8000004C;
	[dreg:$0x1] =	wrdreg $0xFFFFFFFF  }
0xa4: {  	s25 =	simm.s32 $_size_execute0_lowered;
	s0 =	sadd.s32 s0, s2;
	[dreg:$0x0] =	wrdreg $0x0  }
0xa5: {  	s2 =	sshll.u32 s25, $0x1;
	[dreg:$0x2] =	wrdreg s0  }
0xa6: {  	[dreg:$0x3] =	wrdreg s2  }
0xa7: {  	[dreg:$0x4] =	wrdreg $0xC0  }
0xa8: {  	_ =	task [dreg:s4], $0x5FFFF  }
0xa9: {  	[dreg:$0x1] =	wrdreg $0xFFFFFFFF  }
0xaa: {  	[dreg:$0x0] =	wrdreg $0x60  }
0xab: {  	[dreg:$0x2] =	wrdreg s22  }
0xac: {  	[dreg:$0x3] =	wrdreg $0x9  }
0xad: {  	_ =	task.clear_ibuf [dreg:s4], $0x4FFFF;
	_ =	strace $0x9000004C  }
0xae: {  	s26 =	simm.s32 $0x9;
	_ =	strace $0x8000004E  }
0xaf: {  	_ =	swait.ge [sflag:s26], $0x1  }
0xb0: {  	[sflag:s26] =	ssyncadd.s32 $0xFFFFFFFF  }
0xb1: {  	_ =	strace $0x9000004E  }
0xb2: {  	_ =	sfence  }
0xb3: {  	s28 =	sld [smem:$0x0];
	_ =	sdelay $0x1  }
0xb4: {  	s29 =	srdreg.scid  }
0xb5: {  	s30 =	sshll.u32 s29, $0xD;
	s31 =	sshrl.u32 s29, $0x2  }
0xb6: {  	s1 =	sand.u32 $0x1, s29;
	s2 =	sand.u32 $0x4000, s30;
	s0 =	sadd.s32 s31, s28  }
0xb7: {  	s1 =	sor.u32 s2, s1;
	s0 =	sshll.u32 s0, $0x11  }
0xb8: {  	s0 =	sor.u32 s0, s1  }
0xb9: {  	s0 =	sadd.s32 $0x8F2B, s0  }
0xba: {  	[sflag:s0] =	ssyncadd.remote.s32 $0x1  }
0xbb: {  	_ =	sfence.sel $0xFFFF  }
0xbc: {  	[dreg:$0x0] =	wrdreg $0xFFFFFFFF;
	(pc) =	sbr.abs _section_cstart, $3  }
0xbd: {  	[dreg:$0x1] =	wrdreg $0xFFFFFFFF  }
0xbe: {  	_ =	task.clear_ibuf [dreg:s4], $0x2FFFF;
	_ =	strace $0x9FFFFFFF  }
0xbf: {  	(tm) =	ssettm $0x7FFFFFFF  }
tec
execute0_lowered:
.L_overlay_start_1:
0x0: {  	(tag) =	ssettag $0x1  }
0x1: {  	s0 =	stileid.u32  }
0x2: {  	s1 =	smin.u32 s0, $0x9  }
0x3: {  	s1 =	sadd.s32 s0, s1  }
0x4: {  	s2 =	simm.s32 $0x190;
	p0 =	slt.u32 s0, $0x9;
	s1 =	smul.u32 $0xC8, s1  }
0x5: {  	s2 =	simm.s32 @!p0 $0xC8  }
0x6: {  	s2 =	sadd.s32 s2, s1  }
0x7: {  	s3 =	smin.u32 s2, $0x1388  }
0x8: {  	s7 =	ssub.s32 s3, s1  }
0x9: {  	p0 =	sgt.s32 s7, $0x0  }
0xa: {  	s7 =	simm.s32 @!p0 $0x0  }
0xb: {  	s31 =	sand.u32 $0xFFF8, s7  }
0xc: {  	s2 =	sshrl.u32 s31, $0x3  }
0xd: {  	s2 =	smul.u32 $0x147B, s2  }
0xe: {  	s4 =	rddreg [dreg:$0x0];
	s6 =	simm.s32 $0x1  }
0xf: {  	s10 =	simm.s32 $0x3;
	s13 =	simm.s32 $0x0;
	s8 =	sshrl.u32 s2, $0x11  }
0x10: {  	s12 =	simm.s32 $0x0;
	s5 =	sadd.s32 $0x27200, s4;
	s9 =	smul.u32 $0xC8, s8  }
.Ltmp0:
0x11: {  	s11 =	smov.u32 s1;
	s2 =	rddreg [dreg:$0x1];
	(pc) =	sbr.rel .LBB2_1-.Ltmp0, $4  }
0x12: {  	_ =	strace $0x8000004D;
	p0 =	sne.s32 s7, s9;
	s9 =	simm.s32 $0x1  }
0x13: {  	[sflag:s6] =	ssyncpa.u1 $0x0;
	s7 =	simm.s32 $0x2;
	s9 =	simm.s32 @!p0 $0x0  }
0x14: {  	[sflag:s7] =	ssyncpa.u1 $0x0;
	p0 =	por $0x0, $0x0;
	s8 =	sadd.s32 s8, s9  }
0x15: {  	vm0 =	vmmov $0xff;
	vm1 =	vcmask $0x3F20;
	s9 =	sadd.s32 $0x28E00, s4;
	[sflag:s10] =	ssyncpa.u1 $0x0;
	s10 =	sadd.s32 $0x1, s8  }
.LBB2_6:
0x16: {  	[hbm:s17] =	stream.linear.scatter [tilespmem:s14], [sflag:$0x3], $0x400, $0x38;
	[tilespmem:$0xC990] =	vst v63  }
.LBB2_7:
0x17: {  	s13 =	sadd.s32 $0xC8, s11  }
0x18: {  	s15 =	smov.u32 s1;
	p2 =	slt.s32 s13, s3  }
0x19: {  	s15 =	smov.u32 @p2 s13;
	p2 =	sne.s32 s12, s10  }
.Ltmp1:
0x1a: {  	p1 =	slt.u32 s12, $0x2;
	(pc) =	sbr.rel @!p2 .LBB2_8-.Ltmp1, $4  }
0x1b: {  	s14 =	simm.s32 @!p1 $0x3  }
0x1c: {  	s16 =	sadd.s32 $0x1, s12;
	_ =	swait.ge @!p1 [sflag:s14], $0x6400  }
0x1d: {  	p0 =	por !p0, !p0;
	s13 =	smov.u32 s11;
	[sflag:s14] =	ssyncset.done @!p1 $0x0  }
0x1e: {  	s12 =	smov.u32 s16;
	s11 =	smov.u32 s15;
	[sflag:s14] =	ssyncadd.s32 @!p1 $0xFFFF9C00  }
.LBB2_1:
0x1f: {  	p1 =	sge.u32 s12, s8  }
0x20: {  	s14 =	sxor.u32 @!p1 $0xFFFFFFFF, s12  }
0x21: {  	s14 =	sand.u32 @!p1 $0x1, s14  }
0x22: {  	s14 =	smul.u32 @!p1 $0x320, s14  }
0x23: {  	s31 =	sadd.s32 $0xFFFFFFFF, s12;
	s15 =	sshrl.u32 @!p1 s11, $0x3  }
0x24: {  	s16 =	sand.u32 @!p1 $0x7, s11;
	s15 =	sadd.s32 @!p1 s5, s15;
	s14 =	sshrl.u32 @!p1 s14, $0x2  }
0x25: {  	[tilespmem:s14], [sflag:$0x2] =	stream.linear.gather @!p1 [hbm4b:s15+s16], $0xC8, $0x38;
	[tilespmem:$0xC990] =	vst v63  }
0x26: {  	p1 =	sge.u32 s31, s8  }
.Ltmp2:
0x27: {  	_ = 	snop;
	(pc) =	sbr.rel @p1 .LBB2_7-.Ltmp2, $1  }
0x28: {  	_ =	sdelay $0x3  }
0x29: {  	s14 =	simm.s32 $0x1  }
0x2a: {  	s14 =	simm.s32 @!p0 $0x0  }
0x2b: {  	s15 =	smul.u32 $0x320, s14  }
0x2c: {  	_ =	swait.ge [sflag:s7], $0xC8  }
0x2d: {  	[sflag:s7] =	ssyncset.done $0x0;
	s16 =	sshrl.u32 s15, $0x2  }
0x2e: {  	[sflag:s7] =	ssyncadd.s32 $0xFFFFFF38;
	s15 =	sadd.s32 $0x0, s16  }
0x2f: {  	v0 =	vld.msk [tilespmem:s15+$0x0 ss:$0x1], $0xffff;
	_ =	sdelay $0x4  }
0x30: {  	vm2 =	vgt.s32 v0, $0x0  }
0x31: {  	v0 =	vnsel vm2, $0x0, v0  }
0x32: {  	v0 =	vmin.u32 v0, $0x270F  }
0x33: {  	v0 =	vshll.u32 v0, $0x4  }
0x34: {  	s14 =	smul.u32 $0x19000, s14  }
0x35: {  	s31 =	sand.u32 $0x1, s12  }
0x36: {  	s17 =	smul.u32 $0x320, s31;
	s14 =	sshrl.u32 s14, $0x2  }
0x37: {  	s19 =	smul.u32 $0x19000, s31;
	s14 =	sor.u32 $0x190, s14  }
0x38: {  	[tilespmem:s14], [sflag:$0x1] =	stream.indirect_vreg.gather [hbm:s4], $0x80, v0, vm0, $0x38;
	[tilespmem:$0xC990] =	vst v63  }
0x39: {  	s18 =	sshrl.u32 s17, $0x2;
	s20 =	sadd.s32 $0x10, s16;
	s15 =	sadd.s32 $0x400, s14  }
0x3a: {  	[tilespmem:s15], [sflag:$0x1] =	stream.indirect_vreg.gather [hbm:s4], $0x80, v0, vm1, $0x38;
	[tilespmem:$0xC990] =	vst v63  }
0x3b: {  	s17 =	sshrl.u32 s19, $0x2;
	s19 =	smov.u32 s14;
	v0 =	vld.msk [tilespmem:s20+$0x0 ss:$0x1], $0xffff;
	s20 =	simm.s32 $0x80  }
.LBB2_3:
0x3c: {  	p1 =	sne.s32 s20, $0x2C0;
	_ =	sdelay $0x4  }
0x3d: {  	vm2 =	vgt.s32 v0, $0x0  }
0x3e: {  	v0 =	vnsel vm2, $0x0, v0  }
0x3f: {  	v0 =	vmin.u32 v0, $0x270F  }
0x40: {  	v0 =	vshll.u32 v0, $0x4;
	_ =	sdelay $0x3  }
.Ltmp3:
0x41: {  	s21 =	sshra.s32 s20, $0x2;
	s19 =	sadd.s32 $0x800, s19;
	(pc) =	sbr.rel @p1 .LBB2_3-.Ltmp3, $4  }
0x42: {  	[tilespmem:s19], [sflag:$0x1] =	stream.indirect_vreg.gather [hbm:s4], $0x80, v0, vm0, $0x38;
	[tilespmem:$0xC990] =	vst v63  }
0x43: {  	s21 =	sadd.s32 s21, s16;
	s22 =	sadd.s32 $0x400, s19  }
0x44: {  	[tilespmem:s22], [sflag:$0x1] =	stream.indirect_vreg.gather [hbm:s4], $0x80, v0, vm1, $0x38;
	[tilespmem:$0xC990] =	vst v63  }
0x45: {  	s20 =	sadd.s32 $0x40, s20;
	v0 =	vld.msk [tilespmem:s21+$0x0 ss:$0x1], $0xffff  }
0x46: {  	_ =	sdelay $0x3  }
0x47: {  	vm2 =	vgt.s32 v0, $0x0  }
0x48: {  	v0 =	vnsel vm2, $0x0, v0  }
0x49: {  	v0 =	vmin.u32 v0, $0x270F  }
0x4a: {  	v0 =	vshll.u32 v0, $0x4;
	_ =	sdelay $0x3  }
0x4b: {  	s16 =	sadd.s32 $0x800, s19  }
0x4c: {  	[tilespmem:s16], [sflag:$0x1] =	stream.indirect_vreg.gather [hbm:s4], $0x80, v0, vm0, $0x38;
	[tilespmem:$0xC990] =	vst v63  }
0x4d: {  	s16 =	sadd.s32 $0x400, s16  }
0x4e: {  	[tilespmem:s16], [sflag:$0x1] =	stream.indirect_vreg.gather [hbm:s4], $0x80, v0, vm1, $0x38;
	[tilespmem:$0xC990] =	vst v63  }
0x4f: {  	v0 =	vld.msk [tilespmem:s18+$0xC0 ss:$0x1], $0xff;
	_ =	sdelay $0x4  }
0x50: {  	vm2 =	vgt.s32 v0, $0x0  }
0x51: {  	v0 =	vnsel vm2, $0x0, v0  }
0x52: {  	v0 =	vmin.u32 v0, $0x270F  }
0x53: {  	v0 =	vshll.u32 v0, $0x4;
	_ =	sdelay $0x3  }
0x54: {  	s31 =	sadd.s32 $0x6190, s17  }
0x55: {  	[tilespmem:s31], [sflag:$0x1] =	stream.indirect_vreg.gather [hbm:s4], $0x80, v0, vm0, $0x38;
	[tilespmem:$0xC990] =	vst v63  }
0x56: {  	s13 =	sshll.u32 s13, $0x4;
	_ =	swait.ge [sflag:s6], $0x6400  }
0x57: {  	s13 =	sadd.s32 s13, s9;
	[sflag:s6] =	ssyncset.done $0x0  }
0x58: {  	s17 =	sadd.s32 $0x0, s13;
	s16 =	simm.s32 $0x80;
	[sflag:s6] =	ssyncadd.s32 $0xFFFF9C00  }
.LBB2_5:
0x59: {  	[hbm:s17] =	stream.linear.scatter [tilespmem:s14], [sflag:$0x3], $0x400, $0x38;
	[tilespmem:$0xC990] =	vst v63  }
0x5a: {  	s17 =	smov.u32 s16;
	s14 =	smov.u32 s15;
	p1 =	sne.s32 s16, $0xC00  }
.Ltmp4:
0x5b: {  	s16 =	sadd.s32 $0x80, s16;
	(pc) =	sbr.rel @p1 .LBB2_5-.Ltmp4, $2  }
0x5c: {  	_ =	sdelay $0x2  }
0x5d: {  	s15 =	sadd.s32 $0x400, s15;
	s17 =	sadd.s32 s17, s13  }
.Ltmp5:
0x5e: {  	_ = 	snop;
	(pc) =	sbr.rel .LBB2_6-.Ltmp5, $1  }
0x5f: {  	_ =	sdelay $0x3  }
.LBB2_8:
0x60: {  	_ =	sfence.sel $0x180000  }
0x61: {  	s1 =	simm.s32 $0x2;
	[bflag:$0x0] =	sbarrier.arrive $0xFFFF  }
0x62: {  	s30 =	simm.s32 $0x3;
	[sflag:s1] =	ssyncpa.u1 $0x1  }
0x63: {  	s31 =	simm.s32 $0x1;
	[sflag:s30] =	ssyncpa.u1 $0x1  }
0x64: {  	[sflag:s31] =	ssyncpa.u1 $0x1  }
0x65: {  	p0 =	sne.s32 s0, $0x0;
	_ =	strace $0x9000004D  }
0x66: {  	s0 =	sadd.s32 @!p0 $0x100000, s2;
	[bflag:$0x2] =	sbarrier.arrive $0xFFFF  }
0x67: {  	[sflag:s0] =	ssyncadd.tile.s32 @!p0 $0x1;
	_ =	shalt  }
.Lfunc_end2:
_tile_overlayer_lowered:
.L_overlay_start_2:
0x68: {  	(tag) =	ssettag $0x2  }
0x69: {  	s0 =	rddreg [dreg:$0x0];
	s2 =	stileid.u32  }
0x6a: {  	s1 =	rddreg [dreg:$0x1];
	p0 =	sne.s32 s2, $0x0  }
0x6b: {  	s3 =	rddreg [dreg:$0x2];
	[bflag:$0x3] =	sbarrier.arrive $0xFFFF;
	s2 =	simm.s32 @!p0 $0x1C01  }
0x6c: {  	[timem:s3], [sflag:s2] =	dma.local @!p0 [hbm:s0], s1  }
0x6d: {  	s0 =	simm.s32 @!p0 $0x1  }
0x6e: {  	_ =	swait.ge @!p0 [sflag:s0], s1  }
0x6f: {  	s1 =	ssub.s32 @!p0 $0x0, s1;
	[sflag:s0] =	ssyncset.done @!p0 $0x0  }
0x70: {  	[sflag:s0] =	ssyncadd.s32 @!p0 s1  }
0x71: {  	[bflag:$0x3] =	sbarrier.arrive $0xFFFF  }
0x72: {  	_ =	shalt  }

// kernel: kernel.11.cloned.1.call-start
scs
__scs_entry_jumppad:
0x0: {  	(pc) =	sbr.rel $0x88, $3  }
0x1: {  	(tag) =	ssettag $0x0;
	lr =	simm.s32 $0x1  }
0x2: {  	[smem:$0x3F94] =	sst lr;
	_ =	strace $0xD0000000  }
0x3: {  	_ = 	snop  }
0x4: {  	_ = 	snop  }
0x5: {  	_ = 	snop  }
0x6: {  	_ = 	snop  }
0x7: {  	_ = 	snop  }
__scs_overlays_trampoline_lowered:
0x8: {  	[smem:$0x3FA3] =	sst s0  }
0x9: {  	[smem:$0x3FA4] =	sst s1  }
0xa: {  	[smem:$0x3FA5] =	sst s2  }
0xb: {  	[smem:$0x3FA6] =	sst s3  }
0xc: {  	[smem:$0x3FA7] =	sst s4  }
0xd: {  	[smem:$0x3FA8] =	sst s5  }
0xe: {  	[smem:$0x3FA9] =	sst s6  }
0xf: {  	[smem:$0x3FAA] =	sst s7  }
0x10: {  	[smem:$0x3FAB] =	sst s8  }
0x11: {  	[smem:$0x3FAC] =	sst s9;
	s0 =	simm.s32 @!p0 $0x0  }
0x12: {  	s1 =	sld [smem:$0x3F92];
	s0 =	simm.s32 @p0 $0x1  }
0x13: {  	[smem:$0x3FAD] =	sst s0;
	s0 =	simm.s32 @!p1 $0x0  }
0x14: {  	s2 =	sld [smem:$0x3F91];
	s0 =	simm.s32 @p1 $0x1  }
0x15: {  	[smem:$0x3FAE] =	sst s0;
	s0 =	simm.s32 @!p2 $0x0  }
0x16: {  	s3 =	sld [smem:$0x3FDB];
	s0 =	simm.s32 @p2 $0x1  }
0x17: {  	s4 =	simm.s32 $0x1BF5;
	[smem:$0x3FB0] =	sst s0  }
0x18: {  	s0 =	sld [smem:$0x3F93];
	_ =	swait.ge [sflag:s4], $0x0  }
0x19: {  	s7 =	sld [smem:$0x3F94]  }
0x1a: {  	s8 =	sadd.s32 $0xFFFFE003, lr  }
0x1b: {  	s9 =	sadd.s32 $0xFFFFFEF7, lr;
	s5 =	simm.s32 $0xFFFFFFFF;
	p2 =	slt.u32 s8, $0xFFFFF086  }
0x1c: {  	p1 =	slt.u32 s9, $0xF7A;
	s5 =	simm.s32 @!p2 $0x0  }
0x1d: {  	s5 =	simm.s32 @p1 $0x1;
	p0 =	seq.s32 s7, s2  }
0x1e: {  	s7 =	smul.u32 @!p0 $0xF7A, s2;
	p2 =	seq.s32 @!p0 s5, $0x0  }
0x1f: {  	s9 =	smul.u32 $0xF7A, s1;
	s8 =	simm.s32 @!p0 $0x1BF5;
	p2 =	por !p2, p0  }
0x20: {  	[sflag:s8] =	ssyncset.s32 @!p0 $0xFFFFF086;
	s6 =	sadd.s32 @!p0 s3, s7;
	s7 =	simm.s32 @!p0 $0x108  }
0x21: {  	s3 =	sadd.s32 s3, s9;
	s6 =	sadd.s32 @!p0 $0x88, s6;
	s7 =	simm.s32 @p2 $0x1082  }
0x22: {  	[simem:s7], [sflag:s8] =	dma.local @!p0 [hbm:s6], $0xF7A  }
0x23: {  	s9 =	sor.u32 $0xD0000000, s2;
	s6 =	simm.s32 $0x108;
	_ =	swait.ge @!p0 [sflag:s8], $0x0  }
0x24: {  	s3 =	sadd.s32 $0x88, s3;
	s6 =	simm.s32 @!p1 $0x1082;
	[sflag:s4] =	ssyncset.s32 $0xFFFFF086  }
0x25: {  	[simem:s6], [sflag:s4] =	dma.local [hbm:s3], $0xF7A  }
0x26: {  	[smem:$0x3F94] =	sst s1;
	(tag) =	ssettag s2;
	_ =	strace s9  }
0x27: {  	s1 =	sld [smem:$0x3FA4]  }
0x28: {  	s2 =	sld [smem:$0x3FA5]  }
0x29: {  	s4 =	sld [smem:$0x3FA7]  }
0x2a: {  	p0 =	seq.s32 s5, $0x0;
	s5 =	sld [smem:$0x3FA8]  }
0x2b: {  	s6 =	sld [smem:$0x3FA9]  }
0x2c: {  	s7 =	sld [smem:$0x3FAA]  }
0x2d: {  	s3 =	simm.s32 $0x108;
	s8 =	sld [smem:$0x3FAB]  }
0x2e: {  	s3 =	simm.s32 @!p0 $0x1082;
	s9 =	sld [smem:$0x3FAC]  }
0x2f: {  	lr =	sadd.s32 s0, s3;
	s0 =	sld [smem:$0x3FA3]  }
0x30: {  	s3 =	sld [smem:$0x3FA6]  }
0x31: {  	[smem:$0x3FAF] =	sst s10  }
0x32: {  	s10 =	sld [smem:$0x3FAD];
	_ =	sdelay $0x3  }
0x33: {  	p0 =	seq.s32 s10, $0x1;
	s10 =	sld [smem:$0x3FAF];
	_ =	sdelay $0x3  }
0x34: {  	[smem:$0x3FAF] =	sst s10  }
0x35: {  	s10 =	sld [smem:$0x3FAE];
	_ =	sdelay $0x3  }
0x36: {  	p1 =	seq.s32 s10, $0x1;
	s10 =	sld [smem:$0x3FAF];
	_ =	sdelay $0x3  }
0x37: {  	[smem:$0x3FAF] =	sst s10  }
0x38: {  	s10 =	sld [smem:$0x3FB0]  }
0x39: {  	_ = 	snop;
	(pc) =	sbr.ind lr, $3  }
0x3a: {  	_ = 	snop  }
0x3b: {  	_ = 	snop  }
0x3c: {  	p2 =	seq.s32 s10, $0x1;
	s10 =	sld [smem:$0x3FAF]  }
0x3d: {  	_ =	shalt  }
0x3e: {  	_ =	shalt  }
0x3f: {  	_ =	shalt  }
0x40: {  	_ =	shalt  }
0x41: {  	_ =	shalt  }
0x42: {  	_ =	shalt  }
0x43: {  	_ =	shalt  }
0x44: {  	_ =	shalt  }
0x45: {  	_ =	shalt  }
0x46: {  	_ =	shalt  }
0x47: {  	_ =	shalt  }
0x48: {  	_ =	shalt  }
0x49: {  	_ =	shalt  }
0x4a: {  	_ =	shalt  }
0x4b: {  	_ =	shalt  }
0x4c: {  	_ =	shalt  }
0x4d: {  	_ =	shalt  }
0x4e: {  	_ =	shalt  }
0x4f: {  	_ =	shalt  }
0x50: {  	_ =	shalt  }
0x51: {  	_ =	shalt  }
0x52: {  	_ =	shalt  }
0x53: {  	_ =	shalt  }
0x54: {  	_ =	shalt  }
0x55: {  	_ =	shalt  }
0x56: {  	_ =	shalt  }
0x57: {  	_ =	shalt  }
0x58: {  	_ =	shalt  }
0x59: {  	_ =	shalt  }
0x5a: {  	_ =	shalt  }
0x5b: {  	_ =	shalt  }
0x5c: {  	_ =	shalt  }
0x5d: {  	_ =	shalt  }
0x5e: {  	_ =	shalt  }
0x5f: {  	_ =	shalt  }
0x60: {  	_ =	shalt  }
0x61: {  	_ =	shalt  }
0x62: {  	_ =	shalt  }
0x63: {  	_ =	shalt  }
0x64: {  	_ =	shalt  }
0x65: {  	_ =	shalt  }
0x66: {  	_ =	shalt  }
0x67: {  	_ =	shalt  }
0x68: {  	_ =	shalt  }
0x69: {  	_ =	shalt  }
0x6a: {  	_ =	shalt  }
0x6b: {  	_ =	shalt  }
0x6c: {  	_ =	shalt  }
0x6d: {  	_ =	shalt  }
0x6e: {  	_ =	shalt  }
0x6f: {  	_ =	shalt  }
0x70: {  	_ =	shalt  }
0x71: {  	_ =	shalt  }
0x72: {  	_ =	shalt  }
0x73: {  	_ =	shalt  }
0x74: {  	_ =	shalt  }
0x75: {  	_ =	shalt  }
0x76: {  	_ =	shalt  }
0x77: {  	_ =	shalt  }
0x78: {  	_ =	shalt  }
0x79: {  	_ =	shalt  }
0x7a: {  	_ =	shalt  }
0x7b: {  	_ =	shalt  }
0x7c: {  	_ =	shalt  }
0x7d: {  	_ =	shalt  }
0x7e: {  	_ =	shalt  }
0x7f: {  	_ =	shalt  }
0x80: {  	_ =	shalt  }
0x81: {  	_ =	shalt  }
0x82: {  	_ =	shalt  }
0x83: {  	_ =	shalt  }
0x84: {  	_ =	shalt  }
0x85: {  	_ =	shalt  }
0x86: {  	_ =	shalt  }
0x87: {  	_ =	shalt  }
.Lfunc_end0:
.L_simem_size_0:
called_computation.2_lowered:
.L_overlay_start_0:
0x88: {  	s2 =	sld [smem:$0x3FD9]  }
0x89: {  	s3 =	sld [smem:$0x3FFE];
	_ =	sdelay $0x1  }
0x8a: {  	s1 =	srdreg.scid  }
0x8b: {  	s0 =	sand.u32 $0x1, s1  }
0x8c: {  	s16 =	sshll.u32 s0, $0xA;
	s2 =	sadd.s32 s3, s2  }
0x8d: {  	s2 =	sadd.s32 s2, s16  }
0x8e: {  	[smem:$0x3FBB] =	sst s2  }
0x8f: {  	_ = 	snop  }
0x90: {  	(tm) =	ssettm $0x1  }
0x91: {  	s17 =	sld [smem:$0x3FFB];
	_ =	sdelay $0x3  }
0x92: {  	_ =	strace s17  }
0x93: {  	s2 =	sld [smem:$0x3FFC];
	_ =	sdelay $0x3  }
0x94: {  	_ =	strace s2  }
0x95: {  	s2 =	sld [smem:$0x3FFD];
	_ =	sdelay $0x3  }
0x96: {  	_ =	strace s2  }
0x97: {  	_ =	strace $0x8FFFFFFF  }
0x98: {  	s18 =	sld [smem:$0x3FDB];
	_ =	sdelay $0x1  }
0x99: {  	s19 =	simm.s32 $_scs_section_size  }
0x9a: {  	s4 =	simm.s32 $_size__tile_overlayer_lowered;
	s5 =	simm.s32 $_tile_overlayer_lowered  }
0x9b: {  	s22 =	simm.s32 $0x1BFF;
	s21 =	sshll.u32 s5, $0x1;
	s2 =	sadd.s32 s19, s18  }
0x9c: {  	s6 =	simm.s32 $0x0;
	s20 =	sshll.u32 s4, $0x1;
	s4 =	sadd.s32 s21, s2  }
0x9d: {  	[timem:s6], [sflag:s22] =	dma.local [hbm:s4], s20  }
0x9e: {  	_ =	swait.ge [sflag:s22], s20  }
0x9f: {  	s3 =	ssub.s32 $0x0, s20;
	[sflag:s22] =	ssyncset.done $0x0  }
0xa0: {  	[sflag:s22] =	ssyncadd.s32 s3;
	_ =	sdelay $0x1  }
0xa1: {  	s23 =	simm.s32 $0x1B8B  }
0xa2: {  	_ =	swait.ge [sflag:s23], $0x1  }
0xa3: {  	[sflag:s23] =	ssyncset.done $0x0  }
0xa4: {  	s25 =	simm.s32 $0x1B8E;
	s24 =	sld [smem:$0x3FFE];
	[sflag:s23] =	ssyncadd.s32 $0xFFFFFFFF  }
0xa5: {  	s26 =	simm.s32 $execute0_lowered;
	[smem:$0x3FD2] =	sst s25  }
0xa6: {  	s4 =	sshll.u32 s26, $0x1;
	_ =	strace $0x80000046;
	[dreg:$0x1] =	wrdreg $0xFFFFFFFF  }
0xa7: {  	s28 =	simm.s32 $_size_execute0_lowered;
	s2 =	sadd.s32 s2, s4;
	[dreg:$0x0] =	wrdreg $0x0  }
0xa8: {  	s4 =	sshll.u32 s28, $0x1;
	[dreg:$0x2] =	wrdreg s2  }
0xa9: {  	[dreg:$0x3] =	wrdreg s4  }
0xaa: {  	[dreg:$0x4] =	wrdreg $0xC0  }
0xab: {  	_ =	task [dreg:s6], $0x5FFFF  }
0xac: {  	[dreg:$0x1] =	wrdreg $0xFFFFFFFF  }
0xad: {  	[dreg:$0x0] =	wrdreg $0x60  }
0xae: {  	[dreg:$0x2] =	wrdreg s24  }
0xaf: {  	[dreg:$0x3] =	wrdreg $0x56400  }
0xb0: {  	[dreg:$0x4] =	wrdreg $0x9  }
0xb1: {  	_ =	task.clear_ibuf [dreg:s6], $0x5FFFF;
	_ =	strace $0x90000046  }
0xb2: {  	s29 =	simm.s32 $0x9;
	_ =	strace $0x80000048  }
0xb3: {  	_ =	swait.ge [sflag:s29], $0x1  }
0xb4: {  	[sflag:s29] =	ssyncadd.s32 $0xFFFFFFFF  }
0xb5: {  	_ =	strace $0x90000048  }
0xb6: {  	_ =	sfence  }
0xb7: {  	s30 =	sld [smem:$0x0];
	_ =	sdelay $0x2  }
0xb8: {  	s31 =	sshll.u32 s1, $0xD;
	s1 =	sshrl.u32 s1, $0x2  }
0xb9: {  	s3 =	sand.u32 $0x4000, s31;
	s1 =	sadd.s32 s1, s30  }
0xba: {  	s0 =	sor.u32 s3, s0;
	s1 =	sshll.u32 s1, $0x11  }
0xbb: {  	s0 =	sor.u32 s1, s0  }
0xbc: {  	s0 =	sadd.s32 $0x8F2B, s0  }
0xbd: {  	[sflag:s0] =	ssyncadd.remote.s32 $0x1  }
0xbe: {  	_ =	sfence.sel $0xFFFF  }
0xbf: {  	[dreg:$0x0] =	wrdreg $0xFFFFFFFF;
	(pc) =	sbr.abs _section_cstart, $3  }
0xc0: {  	[dreg:$0x1] =	wrdreg $0xFFFFFFFF  }
0xc1: {  	_ =	task.clear_ibuf [dreg:s6], $0x2FFFF;
	_ =	strace $0x9FFFFFFF  }
0xc2: {  	(tm) =	ssettm $0x7FFFFFFF  }
0xc3: {  	_ =	shalt  }
tec
execute0_lowered:
.L_overlay_start_1:
0x0: {  	(tag) =	ssettag $0x1  }
0x1: {  	s1 =	rddreg [dreg:$0x0]  }
0x2: {  	s2 =	rddreg [dreg:$0x1];
	s4 =	simm.s32 $0x0;
	s0 =	srdreg.scid  }
0x3: {  	s11 =	stileid.u32;
	s28 =	simm.s32 $0x140;
	s29 =	simm.s32 $0x2  }
0x4: {  	s30 =	simm.s32 $0x4;
	s31 =	simm.s32 $0x2BC0;
	[smem:$0x7FF] =	sst s4  }
0x5: {  	s0 =	sand.u32 $0x1, s0;
	s3 =	smul.u32 $0x29F8, s11;
	s5 =	sadd.s32 $0x33800, s1  }
0x6: {  	s6 =	sadd.s32 $0x29A00, s1;
	s8 =	sadd.s32 $0x3D600, s1;
	s9 =	smul.u32 $0x53F00, s11  }
0x7: {  	s18 =	sshll.u32 s11, $0x1;
	s20 =	sshll.u32 s11, $0x6;
	s14 =	smul.u32 $0x4E20, s11  }
0x8: {  	_ =	strace $0x80000047;
	s7 =	smul.u32 $0x29F80, s0;
	[dreg:$0x3] =	wrdreg s8  }
0x9: {  	s19 =	ssub.s32 $0x2, s0;
	s8 =	sor.u32 s0, s18;
	s0 =	smul.u32 $0x2710, s0  }
0xa: {  	s10 =	sshrl.u32 s19, $0x1;
	s8 =	smul.u32 $0x2710, s8;
	s9 =	sshrl.u32 s9, $0x2  }
0xb: {  	s3 =	sadd.s32 s3, s7;
	s7 =	ssub.s32 s19, s10;
	s9 =	sadd.s32 s9, s2  }
0xc: {  	s0 =	sadd.s32 s0, s14;
	s3 =	sadd.s32 s3, s1;
	s15 =	sshrl.u32 s8, $0x3  }
0xd: {  	s8 =	sor.u32 $0x1C05, s20;
	s14 =	smax.u32 s7, $0x1;
	s25 =	sadd.s32 $0xF0, s0  }
0xe: {  	s19 =	sadd.s32 $0xA0, s0;
	s20 =	sshrl.u32 s9, $0x3;
	s0 =	simm.s32 $0x0  }
0xf: {  	s12 =	sadd.s32 $0xA, s15;
	s21 =	sadd.s32 s5, s15;
	s22 =	sadd.s32 s6, s15  }
0x10: {  	s13 =	sadd.s32 $0x40000, s3;
	s24 =	sadd.s32 $0x4D8, s15;
	[dreg:$0x4] =	wrdreg s21  }
0x11: {  	s26 =	sshrl.u32 s25, $0x3;
	s25 =	simm.s32 $0x1;
	[dreg:$0x5] =	wrdreg s22  }
0x12: {  	s23 =	sadd.s32 s5, s12;
	s12 =	sadd.s32 s6, s12;
	s15 =	sadd.s32 s5, s24  }
0x13: {  	s16 =	sadd.s32 s6, s24;
	s17 =	sadd.s32 s26, s6;
	s18 =	sadd.s32 s26, s5  }
0x14: {  	s21 =	simm.s32 $0x5;
	s22 =	simm.s32 $0xA0;
	s24 =	simm.s32 $0xF0  }
0x15: {  	s26 =	simm.s32 $0x3;
	[dreg:$0x6] =	wrdreg s23;
	s23 =	simm.s32 $0x50  }
.LBB2_1:
0x16: {  	s3 =	rddreg [dreg:$0x3]  }
0x17: {  	[spmem:s20], [sflag:s8] =	dma.local [hbm:s3], $0x29F8  }
0x18: {  	_ =	swait.ge [sflag:s21], $0x29F8  }
0x19: {  	[sflag:s21] =	ssyncset.done $0x0  }
0x1a: {  	[sflag:s21] =	ssyncadd.s32 $0xFFFFD608  }
0x1b: {  	[bflag:$0x0] =	sbarrier.arrive $0xFFFF  }
0x1c: {  	s11 =	rddreg [dreg:$0x4]  }
0x1d: {  	[tilespmem:s4], [sflag:$0x1] =	stream.linear.gather [hbm4b:s11+s4], $0x50, $0x38;
	[tilespmem:$0x1A600] =	vst v63  }
0x1e: {  	s7 =	rddreg [dreg:$0x5]  }
0x1f: {  	[tilespmem:s22], [sflag:$0x3] =	stream.linear.gather [hbm4b:s7+s4], $0x50, $0x38;
	[tilespmem:$0x1A600] =	vst v63  }
0x20: {  	s9 =	rddreg [dreg:$0x6]  }
0x21: {  	[tilespmem:s23], [sflag:$0x2] =	stream.linear.gather [hbm4b:s9+s4], $0x50, $0x38;
	[tilespmem:$0x1A600] =	vst v63  }
0x22: {  	_ = 	snop  }
0x23: {  	[tilespmem:s24], [sflag:$0x4] =	stream.linear.gather [hbm4b:s12+s4], $0x50, $0x38;
	[tilespmem:$0x1A600] =	vst v63  }
0x24: {  	_ =	swait.ge [sflag:s25], $0x50  }
0x25: {  	[sflag:s25] =	ssyncset.done $0x0  }
0x26: {  	[sflag:s25] =	ssyncadd.s32 $0xFFFFFFB0  }
0x27: {  	_ =	swait.ge [sflag:s26], $0x50  }
0x28: {  	[sflag:s26] =	ssyncset.done $0x0  }
0x29: {  	[sflag:s26] =	ssyncadd.s32 $0xFFFFFFB0  }
0x2a: {  	[tilespmem:s28], [sflag:$0x5] =	stream.indirect.gather [hbm4b:s1+s23], $0x88, s4, s23, $0xb8;
	[tilespmem:$0x1A600] =	vst v63  }
0x2b: {  	_ =	swait.ge [sflag:s21], $0x2A80  }
0x2c: {  	[sflag:s21] =	ssyncset.done $0x0  }
0x2d: {  	[sflag:s21] =	ssyncadd.s32 $0xFFFFD580  }
0x2e: {  	[spmem:s2] =	stream.indirect.scatter.add.f32 [tilespmem:s28], [sflag:$0x5], $0x88, s22, s23, $0xb8;
	[tilespmem:$0x1A600] =	vst v63  }
0x2f: {  	_ =	swait.ge [sflag:s21], $0x2A80  }
0x30: {  	s10 =	sshrl.u32 s19, $0x3;
	[sflag:s21] =	ssyncset.done $0x0  }
0x31: {  	s7 =	sadd.s32 s5, s10;
	[sflag:s21] =	ssyncadd.s32 $0xFFFFD580  }
0x32: {  	[tilespmem:s4], [sflag:$0x1] =	stream.linear.gather [hbm4b:s7+s4], $0x50, $0x38;
	[tilespmem:$0x1A600] =	vst v63  }
0x33: {  	s3 =	sadd.s32 s6, s10  }
0x34: {  	[tilespmem:s22], [sflag:$0x3] =	stream.linear.gather [hbm4b:s3+s4], $0x50, $0x38;
	[tilespmem:$0x1A600] =	vst v63  }
0x35: {  	_ =	swait.ge [sflag:s29], $0x50  }
0x36: {  	[sflag:s29] =	ssyncset.done $0x0  }
0x37: {  	[sflag:s29] =	ssyncadd.s32 $0xFFFFFFB0  }
0x38: {  	_ =	swait.ge [sflag:s30], $0x50  }
0x39: {  	[sflag:s30] =	ssyncset.done $0x0  }
0x3a: {  	[sflag:s30] =	ssyncadd.s32 $0xFFFFFFB0  }
0x3b: {  	[tilespmem:s31], [sflag:$0x5] =	stream.indirect.gather [hbm4b:s1+s23], $0x88, s23, s23, $0xb8;
	[tilespmem:$0x1A600] =	vst v63  }
0x3c: {  	_ =	swait.ge [sflag:s21], $0x2A80  }
0x3d: {  	[sflag:s21] =	ssyncset.done $0x0  }
0x3e: {  	[sflag:s21] =	ssyncadd.s32 $0xFFFFD580  }
0x3f: {  	[spmem:s2] =	stream.indirect.scatter.add.f32 [tilespmem:s31], [sflag:$0x5], $0x88, s24, s23, $0xb8;
	[tilespmem:$0x1A600] =	vst v63  }
0x40: {  	_ =	swait.ge [sflag:s21], $0x2A80  }
0x41: {  	s11 =	sadd.s32 $0x0, s18;
	s9 =	sadd.s32 $0x0, s17;
	[sflag:s21] =	ssyncset.done $0x0  }
0x42: {  	s7 =	sadd.s32 $0xA0, s19;
	s3 =	simm.s32 $0x14;
	[sflag:s21] =	ssyncadd.s32 $0xFFFFD580  }
0x43: {  	[tilespmem:s23], [sflag:$0x2] =	stream.linear.gather [hbm4b:s11+s4], $0x50, $0x38;
	[tilespmem:$0x1A600] =	vst v63  }
.LBB2_2:
0x44: {  	[tilespmem:s24], [sflag:$0x4] =	stream.linear.gather [hbm4b:s9+s4], $0x50, $0x38;
	[tilespmem:$0x1A600] =	vst v63  }
0x45: {  	s9 =	smov.u32 s3  }
0x46: {  	p0 =	sne.s32 s3, $0x4B0;
	s3 =	sadd.s32 $0x14, s3;
	_ =	swait.ge [sflag:s25], $0x50  }
0x47: {  	[sflag:s25] =	ssyncset.done $0x0  }
0x48: {  	[sflag:s25] =	ssyncadd.s32 $0xFFFFFFB0  }
0x49: {  	_ =	swait.ge [sflag:s26], $0x50  }
0x4a: {  	[sflag:s26] =	ssyncset.done $0x0  }
0x4b: {  	[sflag:s26] =	ssyncadd.s32 $0xFFFFFFB0  }
0x4c: {  	[tilespmem:s28], [sflag:$0x5] =	stream.indirect.gather [hbm4b:s1+s23], $0x88, s4, s23, $0xb8;
	[tilespmem:$0x1A600] =	vst v63  }
0x4d: {  	_ =	swait.ge [sflag:s21], $0x2A80  }
0x4e: {  	[sflag:s21] =	ssyncset.done $0x0  }
0x4f: {  	[sflag:s21] =	ssyncadd.s32 $0xFFFFD580  }
0x50: {  	[spmem:s2] =	stream.indirect.scatter.add.f32 [tilespmem:s28], [sflag:$0x5], $0x88, s22, s23, $0xb8;
	[tilespmem:$0x1A600] =	vst v63  }
0x51: {  	_ =	swait.ge [sflag:s21], $0x2A80  }
0x52: {  	s10 =	sshrl.u32 s7, $0x3;
	[sflag:s21] =	ssyncset.done $0x0  }
0x53: {  	s11 =	sadd.s32 s5, s10;
	[sflag:s21] =	ssyncadd.s32 $0xFFFFD580  }
0x54: {  	[tilespmem:s4], [sflag:$0x1] =	stream.linear.gather [hbm4b:s11+s4], $0x50, $0x38;
	[tilespmem:$0x1A600] =	vst v63  }
0x55: {  	s10 =	sadd.s32 s6, s10  }
0x56: {  	[tilespmem:s22], [sflag:$0x3] =	stream.linear.gather [hbm4b:s10+s4], $0x50, $0x38;
	[tilespmem:$0x1A600] =	vst v63  }
0x57: {  	_ =	swait.ge [sflag:s29], $0x50  }
0x58: {  	[sflag:s29] =	ssyncset.done $0x0  }
0x59: {  	[sflag:s29] =	ssyncadd.s32 $0xFFFFFFB0  }
0x5a: {  	_ =	swait.ge [sflag:s30], $0x50  }
0x5b: {  	[sflag:s30] =	ssyncset.done $0x0  }
0x5c: {  	[sflag:s30] =	ssyncadd.s32 $0xFFFFFFB0  }
0x5d: {  	[tilespmem:s31], [sflag:$0x5] =	stream.indirect.gather [hbm4b:s1+s23], $0x88, s23, s23, $0xb8;
	[tilespmem:$0x1A600] =	vst v63  }
0x5e: {  	_ =	swait.ge [sflag:s21], $0x2A80  }
0x5f: {  	[sflag:s21] =	ssyncset.done $0x0  }
0x60: {  	[sflag:s21] =	ssyncadd.s32 $0xFFFFD580  }
0x61: {  	[spmem:s2] =	stream.indirect.scatter.add.f32 [tilespmem:s31], [sflag:$0x5], $0x88, s24, s23, $0xb8;
	[tilespmem:$0x1A600] =	vst v63  }
.Ltmp0:
0x62: {  	_ =	swait.ge [sflag:s21], $0x2A80;
	(pc) =	sbr.rel @p0 .LBB2_2-.Ltmp0, $4  }
0x63: {  	[sflag:s21] =	ssyncset.done $0x0  }
0x64: {  	s10 =	sadd.s32 s9, s18;
	[sflag:s21] =	ssyncadd.s32 $0xFFFFD580  }
0x65: {  	[tilespmem:s23], [sflag:$0x2] =	stream.linear.gather [hbm4b:s10+s4], $0x50, $0x38;
	[tilespmem:$0x1A600] =	vst v63  }
0x66: {  	s7 =	sadd.s32 $0xA0, s7;
	s9 =	sadd.s32 s9, s17  }
0x67: {  	[tilespmem:s24], [sflag:$0x4] =	stream.linear.gather [hbm4b:s9+s4], $0x50, $0x38;
	[tilespmem:$0x1A600] =	vst v63  }
0x68: {  	_ =	swait.ge [sflag:s25], $0x50  }
0x69: {  	[sflag:s25] =	ssyncset.done $0x0  }
0x6a: {  	[sflag:s25] =	ssyncadd.s32 $0xFFFFFFB0  }
0x6b: {  	_ =	swait.ge [sflag:s26], $0x50  }
0x6c: {  	[sflag:s26] =	ssyncset.done $0x0  }
0x6d: {  	[sflag:s26] =	ssyncadd.s32 $0xFFFFFFB0  }
0x6e: {  	[tilespmem:s28], [sflag:$0x5] =	stream.indirect.gather [hbm4b:s1+s23], $0x88, s4, s23, $0xb8;
	[tilespmem:$0x1A600] =	vst v63  }
0x6f: {  	_ =	swait.ge [sflag:s21], $0x2A80  }
0x70: {  	[sflag:s21] =	ssyncset.done $0x0  }
0x71: {  	[sflag:s21] =	ssyncadd.s32 $0xFFFFD580  }
0x72: {  	[spmem:s2] =	stream.indirect.scatter.add.f32 [tilespmem:s28], [sflag:$0x5], $0x88, s22, s23, $0xb8;
	[tilespmem:$0x1A600] =	vst v63  }
0x73: {  	_ =	swait.ge [sflag:s21], $0x2A80  }
0x74: {  	[sflag:s21] =	ssyncset.done $0x0  }
0x75: {  	[sflag:s21] =	ssyncadd.s32 $0xFFFFD580  }
0x76: {  	[tilespmem:s4], [sflag:$0x1] =	stream.linear.gather [hbm4b:s15+s4], $0x50, $0x38;
	[tilespmem:$0x1A600] =	vst v63  }
0x77: {  	_ = 	snop  }
0x78: {  	[tilespmem:s22], [sflag:$0x3] =	stream.linear.gather [hbm4b:s16+s4], $0x50, $0x38;
	[tilespmem:$0x1A600] =	vst v63  }
0x79: {  	_ =	swait.ge [sflag:s29], $0x50  }
0x7a: {  	[sflag:s29] =	ssyncset.done $0x0  }
0x7b: {  	[sflag:s29] =	ssyncadd.s32 $0xFFFFFFB0  }
0x7c: {  	_ =	swait.ge [sflag:s30], $0x50  }
0x7d: {  	[sflag:s30] =	ssyncset.done $0x0  }
0x7e: {  	[sflag:s30] =	ssyncadd.s32 $0xFFFFFFB0  }
0x7f: {  	[tilespmem:s31], [sflag:$0x5] =	stream.indirect.gather [hbm4b:s1+s23], $0x88, s23, s23, $0xb8;
	[tilespmem:$0x1A600] =	vst v63  }
0x80: {  	_ =	swait.ge [sflag:s21], $0x2A80  }
0x81: {  	[sflag:s21] =	ssyncset.done $0x0  }
0x82: {  	[sflag:s21] =	ssyncadd.s32 $0xFFFFD580  }
0x83: {  	[spmem:s2] =	stream.indirect.scatter.add.f32 [tilespmem:s31], [sflag:$0x5], $0x88, s24, s23, $0xb8;
	[tilespmem:$0x1A600] =	vst v63  }
0x84: {  	_ =	swait.ge [sflag:s21], $0x2A80  }
0x85: {  	[sflag:s21] =	ssyncset.done $0x0  }
0x86: {  	[sflag:s21] =	ssyncadd.s32 $0xFFFFD580  }
0x87: {  	_ =	swait.ge [sflag:s25], $0x50  }
0x88: {  	[sflag:s25] =	ssyncset.done $0x0  }
0x89: {  	[sflag:s25] =	ssyncadd.s32 $0xFFFFFFB0  }
0x8a: {  	_ =	swait.ge [sflag:s26], $0x50  }
0x8b: {  	[sflag:s26] =	ssyncset.done $0x0  }
0x8c: {  	[sflag:s26] =	ssyncadd.s32 $0xFFFFFFB0  }
0x8d: {  	[tilespmem:s28], [sflag:$0x5] =	stream.indirect.gather [hbm4b:s1+s23], $0x88, s4, s23, $0xb8;
	[tilespmem:$0x1A600] =	vst v63  }
0x8e: {  	_ =	swait.ge [sflag:s21], $0x2A80  }
0x8f: {  	[sflag:s21] =	ssyncset.done $0x0  }
0x90: {  	[sflag:s21] =	ssyncadd.s32 $0xFFFFD580  }
0x91: {  	[spmem:s2] =	stream.indirect.scatter.add.f32 [tilespmem:s28], [sflag:$0x5], $0x88, s22, s23, $0xb8;
	[tilespmem:$0x1A600] =	vst v63  }
0x92: {  	_ =	swait.ge [sflag:s21], $0x2A80  }
0x93: {  	s0 =	sadd.s32 $0x1, s0;
	[sflag:s21] =	ssyncset.done $0x0  }
0x94: {  	p0 =	sne.s32 s0, s14;
	[sflag:s21] =	ssyncadd.s32 $0xFFFFD580  }
.Ltmp1:
0x95: {  	[bflag:$0x0] =	sbarrier.arrive $0xFFFF;
	(pc) =	sbr.rel @p0 .LBB2_1-.Ltmp1, $4  }
0x96: {  	[hbm:s13], [sflag:s8] =	dma.local [spmem:s20], $0x29F8  }
0x97: {  	_ =	swait.ge [sflag:s21], $0x29F8  }
0x98: {  	[sflag:s21] =	ssyncset.done $0x0  }
0x99: {  	[sflag:s21] =	ssyncadd.s32 $0xFFFFD608  }
0x9a: {  	_ =	sfence.sel $0x180000  }
0x9b: {  	[bflag:$0x0] =	sbarrier.arrive $0xFFFF  }
0x9c: {  	_ =	strace $0x90000047  }
0x9d: {  	s0 =	stileid.u32;
	[bflag:$0x2] =	sbarrier.arrive $0xFFFF  }
0x9e: {  	p0 =	sne.s32 s0, $0x0;
	s0 =	rddreg [dreg:$0x2]  }
0x9f: {  	s0 =	sadd.s32 @!p0 $0x100000, s0  }
0xa0: {  	[sflag:s0] =	ssyncadd.tile.s32 @!p0 $0x1;
	_ =	shalt  }
.Lfunc_end2:
_tile_overlayer_lowered:
.L_overlay_start_2:
0xa1: {  	(tag) =	ssettag $0x2  }
0xa2: {  	s0 =	rddreg [dreg:$0x0];
	s2 =	stileid.u32  }
0xa3: {  	s1 =	rddreg [dreg:$0x1];
	p0 =	sne.s32 s2, $0x0  }
0xa4: {  	s3 =	rddreg [dreg:$0x2];
	[bflag:$0x3] =	sbarrier.arrive $0xFFFF;
	s2 =	simm.s32 @!p0 $0x1C05  }
0xa5: {  	[timem:s3], [sflag:s2] =	dma.local @!p0 [hbm:s0], s1  }
0xa6: {  	s0 =	simm.s32 @!p0 $0x5  }
0xa7: {  	_ =	swait.ge @!p0 [sflag:s0], s1  }
0xa8: {  	s1 =	ssub.s32 @!p0 $0x0, s1;
	[sflag:s0] =	ssyncset.done @!p0 $0x0  }
0xa9: {  	[sflag:s0] =	ssyncadd.s32 @!p0 s1  }
0xaa: {  	[bflag:$0x3] =	sbarrier.arrive $0xFFFF  }
0xab: {  	_ =	shalt  }

// kernel: kernel.14.cloned.1.call-start
scs
__scs_entry_jumppad:
0x0: {  	(pc) =	sbr.rel $0x88, $3  }
0x1: {  	(tag) =	ssettag $0x0;
	lr =	simm.s32 $0x1  }
0x2: {  	[smem:$0x3F94] =	sst lr;
	_ =	strace $0xD0000000  }
0x3: {  	_ = 	snop  }
0x4: {  	_ = 	snop  }
0x5: {  	_ = 	snop  }
0x6: {  	_ = 	snop  }
0x7: {  	_ = 	snop  }
__scs_overlays_trampoline_lowered:
0x8: {  	[smem:$0x3FA3] =	sst s0  }
0x9: {  	[smem:$0x3FA4] =	sst s1  }
0xa: {  	[smem:$0x3FA5] =	sst s2  }
0xb: {  	[smem:$0x3FA6] =	sst s3  }
0xc: {  	[smem:$0x3FA7] =	sst s4  }
0xd: {  	[smem:$0x3FA8] =	sst s5  }
0xe: {  	[smem:$0x3FA9] =	sst s6  }
0xf: {  	[smem:$0x3FAA] =	sst s7  }
0x10: {  	[smem:$0x3FAB] =	sst s8  }
0x11: {  	[smem:$0x3FAC] =	sst s9;
	s0 =	simm.s32 @!p0 $0x0  }
0x12: {  	s1 =	sld [smem:$0x3F92];
	s0 =	simm.s32 @p0 $0x1  }
0x13: {  	[smem:$0x3FAD] =	sst s0;
	s0 =	simm.s32 @!p1 $0x0  }
0x14: {  	s2 =	sld [smem:$0x3F91];
	s0 =	simm.s32 @p1 $0x1  }
0x15: {  	[smem:$0x3FAE] =	sst s0;
	s0 =	simm.s32 @!p2 $0x0  }
0x16: {  	s3 =	sld [smem:$0x3FDB];
	s0 =	simm.s32 @p2 $0x1  }
0x17: {  	s4 =	simm.s32 $0x1BF5;
	[smem:$0x3FB0] =	sst s0  }
0x18: {  	s0 =	sld [smem:$0x3F93];
	_ =	swait.ge [sflag:s4], $0x0  }
0x19: {  	s7 =	sld [smem:$0x3F94]  }
0x1a: {  	s8 =	sadd.s32 $0xFFFFE003, lr  }
0x1b: {  	s9 =	sadd.s32 $0xFFFFFEF7, lr;
	s5 =	simm.s32 $0xFFFFFFFF;
	p2 =	slt.u32 s8, $0xFFFFF086  }
0x1c: {  	p1 =	slt.u32 s9, $0xF7A;
	s5 =	simm.s32 @!p2 $0x0  }
0x1d: {  	s5 =	simm.s32 @p1 $0x1;
	p0 =	seq.s32 s7, s2  }
0x1e: {  	s7 =	smul.u32 @!p0 $0xF7A, s2;
	p2 =	seq.s32 @!p0 s5, $0x0  }
0x1f: {  	s9 =	smul.u32 $0xF7A, s1;
	s8 =	simm.s32 @!p0 $0x1BF5;
	p2 =	por !p2, p0  }
0x20: {  	[sflag:s8] =	ssyncset.s32 @!p0 $0xFFFFF086;
	s6 =	sadd.s32 @!p0 s3, s7;
	s7 =	simm.s32 @!p0 $0x108  }
0x21: {  	s3 =	sadd.s32 s3, s9;
	s6 =	sadd.s32 @!p0 $0x88, s6;
	s7 =	simm.s32 @p2 $0x1082  }
0x22: {  	[simem:s7], [sflag:s8] =	dma.local @!p0 [hbm:s6], $0xF7A  }
0x23: {  	s9 =	sor.u32 $0xD0000000, s2;
	s6 =	simm.s32 $0x108;
	_ =	swait.ge @!p0 [sflag:s8], $0x0  }
0x24: {  	s3 =	sadd.s32 $0x88, s3;
	s6 =	simm.s32 @!p1 $0x1082;
	[sflag:s4] =	ssyncset.s32 $0xFFFFF086  }
0x25: {  	[simem:s6], [sflag:s4] =	dma.local [hbm:s3], $0xF7A  }
0x26: {  	[smem:$0x3F94] =	sst s1;
	(tag) =	ssettag s2;
	_ =	strace s9  }
0x27: {  	s1 =	sld [smem:$0x3FA4]  }
0x28: {  	s2 =	sld [smem:$0x3FA5]  }
0x29: {  	s4 =	sld [smem:$0x3FA7]  }
0x2a: {  	p0 =	seq.s32 s5, $0x0;
	s5 =	sld [smem:$0x3FA8]  }
0x2b: {  	s6 =	sld [smem:$0x3FA9]  }
0x2c: {  	s7 =	sld [smem:$0x3FAA]  }
0x2d: {  	s3 =	simm.s32 $0x108;
	s8 =	sld [smem:$0x3FAB]  }
0x2e: {  	s3 =	simm.s32 @!p0 $0x1082;
	s9 =	sld [smem:$0x3FAC]  }
0x2f: {  	lr =	sadd.s32 s0, s3;
	s0 =	sld [smem:$0x3FA3]  }
0x30: {  	s3 =	sld [smem:$0x3FA6]  }
0x31: {  	[smem:$0x3FAF] =	sst s10  }
0x32: {  	s10 =	sld [smem:$0x3FAD];
	_ =	sdelay $0x3  }
0x33: {  	p0 =	seq.s32 s10, $0x1;
	s10 =	sld [smem:$0x3FAF];
	_ =	sdelay $0x3  }
0x34: {  	[smem:$0x3FAF] =	sst s10  }
0x35: {  	s10 =	sld [smem:$0x3FAE];
	_ =	sdelay $0x3  }
0x36: {  	p1 =	seq.s32 s10, $0x1;
	s10 =	sld [smem:$0x3FAF];
	_ =	sdelay $0x3  }
0x37: {  	[smem:$0x3FAF] =	sst s10  }
0x38: {  	s10 =	sld [smem:$0x3FB0]  }
0x39: {  	_ = 	snop;
	(pc) =	sbr.ind lr, $3  }
0x3a: {  	_ = 	snop  }
0x3b: {  	_ = 	snop  }
0x3c: {  	p2 =	seq.s32 s10, $0x1;
	s10 =	sld [smem:$0x3FAF]  }
0x3d: {  	_ =	shalt  }
0x3e: {  	_ =	shalt  }
0x3f: {  	_ =	shalt  }
0x40: {  	_ =	shalt  }
0x41: {  	_ =	shalt  }
0x42: {  	_ =	shalt  }
0x43: {  	_ =	shalt  }
0x44: {  	_ =	shalt  }
0x45: {  	_ =	shalt  }
0x46: {  	_ =	shalt  }
0x47: {  	_ =	shalt  }
0x48: {  	_ =	shalt  }
0x49: {  	_ =	shalt  }
0x4a: {  	_ =	shalt  }
0x4b: {  	_ =	shalt  }
0x4c: {  	_ =	shalt  }
0x4d: {  	_ =	shalt  }
0x4e: {  	_ =	shalt  }
0x4f: {  	_ =	shalt  }
0x50: {  	_ =	shalt  }
0x51: {  	_ =	shalt  }
0x52: {  	_ =	shalt  }
0x53: {  	_ =	shalt  }
0x54: {  	_ =	shalt  }
0x55: {  	_ =	shalt  }
0x56: {  	_ =	shalt  }
0x57: {  	_ =	shalt  }
0x58: {  	_ =	shalt  }
0x59: {  	_ =	shalt  }
0x5a: {  	_ =	shalt  }
0x5b: {  	_ =	shalt  }
0x5c: {  	_ =	shalt  }
0x5d: {  	_ =	shalt  }
0x5e: {  	_ =	shalt  }
0x5f: {  	_ =	shalt  }
0x60: {  	_ =	shalt  }
0x61: {  	_ =	shalt  }
0x62: {  	_ =	shalt  }
0x63: {  	_ =	shalt  }
0x64: {  	_ =	shalt  }
0x65: {  	_ =	shalt  }
0x66: {  	_ =	shalt  }
0x67: {  	_ =	shalt  }
0x68: {  	_ =	shalt  }
0x69: {  	_ =	shalt  }
0x6a: {  	_ =	shalt  }
0x6b: {  	_ =	shalt  }
0x6c: {  	_ =	shalt  }
0x6d: {  	_ =	shalt  }
0x6e: {  	_ =	shalt  }
0x6f: {  	_ =	shalt  }
0x70: {  	_ =	shalt  }
0x71: {  	_ =	shalt  }
0x72: {  	_ =	shalt  }
0x73: {  	_ =	shalt  }
0x74: {  	_ =	shalt  }
0x75: {  	_ =	shalt  }
0x76: {  	_ =	shalt  }
0x77: {  	_ =	shalt  }
0x78: {  	_ =	shalt  }
0x79: {  	_ =	shalt  }
0x7a: {  	_ =	shalt  }
0x7b: {  	_ =	shalt  }
0x7c: {  	_ =	shalt  }
0x7d: {  	_ =	shalt  }
0x7e: {  	_ =	shalt  }
0x7f: {  	_ =	shalt  }
0x80: {  	_ =	shalt  }
0x81: {  	_ =	shalt  }
0x82: {  	_ =	shalt  }
0x83: {  	_ =	shalt  }
0x84: {  	_ =	shalt  }
0x85: {  	_ =	shalt  }
0x86: {  	_ =	shalt  }
0x87: {  	_ =	shalt  }
.Lfunc_end0:
.L_simem_size_0:
called_computation.3_lowered:
.L_overlay_start_0:
0x88: {  	s2 =	sld [smem:$0x3FD9]  }
0x89: {  	s3 =	sld [smem:$0x3FFE];
	_ =	sdelay $0x1  }
0x8a: {  	s1 =	srdreg.scid  }
0x8b: {  	s0 =	sand.u32 $0x1, s1  }
0x8c: {  	s16 =	sshll.u32 s0, $0xA;
	s2 =	sadd.s32 s3, s2  }
0x8d: {  	s2 =	sadd.s32 s2, s16  }
0x8e: {  	[smem:$0x3FBB] =	sst s2  }
0x8f: {  	_ = 	snop  }
0x90: {  	(tm) =	ssettm $0x1  }
0x91: {  	s17 =	sld [smem:$0x3FFB];
	_ =	sdelay $0x3  }
0x92: {  	_ =	strace s17  }
0x93: {  	s2 =	sld [smem:$0x3FFC];
	_ =	sdelay $0x3  }
0x94: {  	_ =	strace s2  }
0x95: {  	s2 =	sld [smem:$0x3FFD];
	_ =	sdelay $0x3  }
0x96: {  	_ =	strace s2  }
0x97: {  	_ =	strace $0x8FFFFFFF  }
0x98: {  	s18 =	sld [smem:$0x3FDB];
	_ =	sdelay $0x1  }
0x99: {  	s19 =	simm.s32 $_scs_section_size  }
0x9a: {  	s4 =	simm.s32 $_size__tile_overlayer_lowered;
	s5 =	simm.s32 $_tile_overlayer_lowered  }
0x9b: {  	s22 =	simm.s32 $0x1BFF;
	s21 =	sshll.u32 s5, $0x1;
	s2 =	sadd.s32 s19, s18  }
0x9c: {  	s6 =	simm.s32 $0x0;
	s20 =	sshll.u32 s4, $0x1;
	s4 =	sadd.s32 s21, s2  }
0x9d: {  	[timem:s6], [sflag:s22] =	dma.local [hbm:s4], s20  }
0x9e: {  	_ =	swait.ge [sflag:s22], s20  }
0x9f: {  	s3 =	ssub.s32 $0x0, s20;
	[sflag:s22] =	ssyncset.done $0x0  }
0xa0: {  	[sflag:s22] =	ssyncadd.s32 s3;
	_ =	sdelay $0x1  }
0xa1: {  	s23 =	simm.s32 $0x1B8B  }
0xa2: {  	_ =	swait.ge [sflag:s23], $0x1  }
0xa3: {  	[sflag:s23] =	ssyncset.done $0x0  }
0xa4: {  	s25 =	simm.s32 $0x1B8E;
	s24 =	sld [smem:$0x3FFE];
	[sflag:s23] =	ssyncadd.s32 $0xFFFFFFFF  }
0xa5: {  	s26 =	simm.s32 $execute0_lowered;
	[smem:$0x3FD2] =	sst s25  }
0xa6: {  	s4 =	sshll.u32 s26, $0x1;
	_ =	strace $0x80000049;
	[dreg:$0x1] =	wrdreg $0xFFFFFFFF  }
0xa7: {  	s28 =	simm.s32 $_size_execute0_lowered;
	s2 =	sadd.s32 s2, s4;
	[dreg:$0x0] =	wrdreg $0x0  }
0xa8: {  	s4 =	sshll.u32 s28, $0x1;
	[dreg:$0x2] =	wrdreg s2  }
0xa9: {  	[dreg:$0x3] =	wrdreg s4  }
0xaa: {  	[dreg:$0x4] =	wrdreg $0xC0  }
0xab: {  	_ =	task [dreg:s6], $0x5FFFF  }
0xac: {  	[dreg:$0x1] =	wrdreg $0xFFFFFFFF  }
0xad: {  	[dreg:$0x0] =	wrdreg $0x60  }
0xae: {  	[dreg:$0x2] =	wrdreg s24  }
0xaf: {  	[dreg:$0x3] =	wrdreg $0xB400  }
0xb0: {  	[dreg:$0x4] =	wrdreg $0x9  }
0xb1: {  	_ =	task.clear_ibuf [dreg:s6], $0x5FFFF;
	_ =	strace $0x90000049  }
0xb2: {  	s29 =	simm.s32 $0x9;
	_ =	strace $0x8000004B  }
0xb3: {  	_ =	swait.ge [sflag:s29], $0x1  }
0xb4: {  	[sflag:s29] =	ssyncadd.s32 $0xFFFFFFFF  }
0xb5: {  	_ =	strace $0x9000004B  }
0xb6: {  	_ =	sfence  }
0xb7: {  	s30 =	sld [smem:$0x0];
	_ =	sdelay $0x2  }
0xb8: {  	s31 =	sshll.u32 s1, $0xD;
	s1 =	sshrl.u32 s1, $0x2  }
0xb9: {  	s3 =	sand.u32 $0x4000, s31;
	s1 =	sadd.s32 s1, s30  }
0xba: {  	s0 =	sor.u32 s3, s0;
	s1 =	sshll.u32 s1, $0x11  }
0xbb: {  	s0 =	sor.u32 s1, s0  }
0xbc: {  	s0 =	sadd.s32 $0x8F2B, s0  }
0xbd: {  	[sflag:s0] =	ssyncadd.remote.s32 $0x1  }
0xbe: {  	_ =	sfence.sel $0xFFFF  }
0xbf: {  	[dreg:$0x0] =	wrdreg $0xFFFFFFFF;
	(pc) =	sbr.abs _section_cstart, $3  }
0xc0: {  	[dreg:$0x1] =	wrdreg $0xFFFFFFFF  }
0xc1: {  	_ =	task.clear_ibuf [dreg:s6], $0x2FFFF;
	_ =	strace $0x9FFFFFFF  }
0xc2: {  	(tm) =	ssettm $0x7FFFFFFF  }
0xc3: {  	_ =	shalt  }
tec
execute0_lowered:
.L_overlay_start_1:
0x0: {  	(tag) =	ssettag $0x1  }
0x1: {  	s0 =	rddreg [dreg:$0x0]  }
0x2: {  	s1 =	rddreg [dreg:$0x1]  }
0x3: {  	s3 =	simm.s32 $0x0;
	s2 =	srdreg.scid;
	s12 =	stileid.u32  }
0x4: {  	s28 =	simm.s32 $0x140;
	s29 =	simm.s32 $0x2;
	s30 =	simm.s32 $0x4  }
0x5: {  	s31 =	simm.s32 $0x640;
	[smem:$0x7FF] =	sst s3;
	s4 =	sadd.s32 $0x3D600, s0  }
0x6: {  	s2 =	sand.u32 $0x1, s2;
	s7 =	smul.u32 $0x4F0, s12;
	s5 =	sadd.s32 $0x33800, s0  }
0x7: {  	s6 =	sadd.s32 $0x29A00, s0;
	s9 =	sadd.s32 $0x27200, s0;
	s10 =	smul.u32 $0x9E00, s12  }
0x8: {  	s14 =	sshll.u32 s12, $0x1;
	_ =	strace $0x8000004A;
	s8 =	smul.u32 $0x4F00, s2  }
0x9: {  	[dreg:$0x3] =	wrdreg s9;
	s9 =	sor.u32 s2, s14;
	s14 =	smul.u32 $0x4E20, s12  }
0xa: {  	s17 =	sshll.u32 s12, $0x6;
	s15 =	ssub.s32 $0x2, s2;
	s2 =	smul.u32 $0x2710, s2  }
0xb: {  	s11 =	sshrl.u32 s15, $0x1;
	s9 =	smul.u32 $0x2710, s9;
	s10 =	sshrl.u32 s10, $0x2  }
0xc: {  	s7 =	sadd.s32 s7, s8;
	s16 =	ssub.s32 s15, s11;
	s20 =	sadd.s32 s10, s1  }
0xd: {  	s8 =	sor.u32 $0x1C05, s17;
	s23 =	sadd.s32 s2, s14;
	s0 =	sadd.s32 s7, s0  }
0xe: {  	s9 =	sshrl.u32 s9, $0x3;
	s14 =	smax.u32 s16, $0x1;
	s25 =	sadd.s32 $0xF0, s23  }
0xf: {  	s20 =	sshrl.u32 s20, $0x3;
	s18 =	sadd.s32 $0xA, s9;
	s19 =	sadd.s32 s5, s9  }
0x10: {  	s21 =	sadd.s32 s6, s9;
	s13 =	sadd.s32 $0x42600, s0;
	s24 =	sadd.s32 $0x4D8, s9  }
0x11: {  	s26 =	sshrl.u32 s25, $0x3;
	s25 =	simm.s32 $0x1;
	[dreg:$0x4] =	wrdreg s19  }
0x12: {  	s0 =	simm.s32 $0x0;
	[dreg:$0x5] =	wrdreg s21;
	s22 =	sadd.s32 s5, s18  }
0x13: {  	s12 =	sadd.s32 s6, s18;
	s15 =	sadd.s32 s5, s24;
	s16 =	sadd.s32 s6, s24  }
0x14: {  	s17 =	sadd.s32 s26, s6;
	s18 =	sadd.s32 s26, s5;
	s19 =	sadd.s32 $0xA0, s23  }
0x15: {  	s21 =	simm.s32 $0x5;
	s23 =	simm.s32 $0x50;
	s24 =	simm.s32 $0xF0  }
0x16: {  	s26 =	simm.s32 $0x3;
	[dreg:$0x6] =	wrdreg s22;
	s22 =	simm.s32 $0xA0  }
.LBB2_1:
0x17: {  	s2 =	rddreg [dreg:$0x3]  }
0x18: {  	[spmem:s20], [sflag:s8] =	dma.local [hbm:s2], $0x4F0  }
0x19: {  	_ =	swait.ge [sflag:s21], $0x4F0  }
0x1a: {  	[sflag:s21] =	ssyncset.done $0x0  }
0x1b: {  	[sflag:s21] =	ssyncadd.s32 $0xFFFFFB10  }
0x1c: {  	[bflag:$0x0] =	sbarrier.arrive $0xFFFF  }
0x1d: {  	s11 =	rddreg [dreg:$0x4]  }
0x1e: {  	[tilespmem:s3], [sflag:$0x1] =	stream.linear.gather [hbm4b:s11+s3], $0x50, $0x38;
	[tilespmem:$0x32C0] =	vst v63  }
0x1f: {  	s7 =	rddreg [dreg:$0x5]  }
0x20: {  	[tilespmem:s22], [sflag:$0x3] =	stream.linear.gather [hbm4b:s7+s3], $0x50, $0x38;
	[tilespmem:$0x32C0] =	vst v63  }
0x21: {  	s9 =	rddreg [dreg:$0x6]  }
0x22: {  	[tilespmem:s23], [sflag:$0x2] =	stream.linear.gather [hbm4b:s9+s3], $0x50, $0x38;
	[tilespmem:$0x32C0] =	vst v63  }
0x23: {  	_ = 	snop  }
0x24: {  	[tilespmem:s24], [sflag:$0x4] =	stream.linear.gather [hbm4b:s12+s3], $0x50, $0x38;
	[tilespmem:$0x32C0] =	vst v63  }
0x25: {  	_ =	swait.ge [sflag:s25], $0x50  }
0x26: {  	[sflag:s25] =	ssyncset.done $0x0  }
0x27: {  	[sflag:s25] =	ssyncadd.s32 $0xFFFFFFB0  }
0x28: {  	_ =	swait.ge [sflag:s26], $0x50  }
0x29: {  	[sflag:s26] =	ssyncset.done $0x0  }
0x2a: {  	[sflag:s26] =	ssyncadd.s32 $0xFFFFFFB0  }
0x2b: {  	[tilespmem:s28], [sflag:$0x5] =	stream.indirect.gather [hbm4b:s4+s23], $0x10, s3, s23, $0xb8;
	[tilespmem:$0x32C0] =	vst v63  }
0x2c: {  	_ =	swait.ge [sflag:s21], $0x500  }
0x2d: {  	[sflag:s21] =	ssyncset.done $0x0  }
0x2e: {  	[sflag:s21] =	ssyncadd.s32 $0xFFFFFB00  }
0x2f: {  	[spmem:s1] =	stream.indirect.scatter.add.f32 [tilespmem:s28], [sflag:$0x5], $0x10, s22, s23, $0xb8;
	[tilespmem:$0x32C0] =	vst v63  }
0x30: {  	_ =	swait.ge [sflag:s21], $0x500  }
0x31: {  	s10 =	sshrl.u32 s19, $0x3;
	[sflag:s21] =	ssyncset.done $0x0  }
0x32: {  	s7 =	sadd.s32 s5, s10;
	[sflag:s21] =	ssyncadd.s32 $0xFFFFFB00  }
0x33: {  	[tilespmem:s3], [sflag:$0x1] =	stream.linear.gather [hbm4b:s7+s3], $0x50, $0x38;
	[tilespmem:$0x32C0] =	vst v63  }
0x34: {  	s2 =	sadd.s32 s6, s10  }
0x35: {  	[tilespmem:s22], [sflag:$0x3] =	stream.linear.gather [hbm4b:s2+s3], $0x50, $0x38;
	[tilespmem:$0x32C0] =	vst v63  }
0x36: {  	_ =	swait.ge [sflag:s29], $0x50  }
0x37: {  	[sflag:s29] =	ssyncset.done $0x0  }
0x38: {  	[sflag:s29] =	ssyncadd.s32 $0xFFFFFFB0  }
0x39: {  	_ =	swait.ge [sflag:s30], $0x50  }
0x3a: {  	[sflag:s30] =	ssyncset.done $0x0  }
0x3b: {  	[sflag:s30] =	ssyncadd.s32 $0xFFFFFFB0  }
0x3c: {  	[tilespmem:s31], [sflag:$0x5] =	stream.indirect.gather [hbm4b:s4+s23], $0x10, s23, s23, $0xb8;
	[tilespmem:$0x32C0] =	vst v63  }
0x3d: {  	_ =	swait.ge [sflag:s21], $0x500  }
0x3e: {  	[sflag:s21] =	ssyncset.done $0x0  }
0x3f: {  	[sflag:s21] =	ssyncadd.s32 $0xFFFFFB00  }
0x40: {  	[spmem:s1] =	stream.indirect.scatter.add.f32 [tilespmem:s31], [sflag:$0x5], $0x10, s24, s23, $0xb8;
	[tilespmem:$0x32C0] =	vst v63  }
0x41: {  	_ =	swait.ge [sflag:s21], $0x500  }
0x42: {  	s11 =	sadd.s32 $0x0, s18;
	s9 =	sadd.s32 $0x0, s17;
	[sflag:s21] =	ssyncset.done $0x0  }
0x43: {  	s7 =	sadd.s32 $0xA0, s19;
	s2 =	simm.s32 $0x14;
	[sflag:s21] =	ssyncadd.s32 $0xFFFFFB00  }
0x44: {  	[tilespmem:s23], [sflag:$0x2] =	stream.linear.gather [hbm4b:s11+s3], $0x50, $0x38;
	[tilespmem:$0x32C0] =	vst v63  }
.LBB2_2:
0x45: {  	[tilespmem:s24], [sflag:$0x4] =	stream.linear.gather [hbm4b:s9+s3], $0x50, $0x38;
	[tilespmem:$0x32C0] =	vst v63  }
0x46: {  	s9 =	smov.u32 s2  }
0x47: {  	p0 =	sne.s32 s2, $0x4B0;
	s2 =	sadd.s32 $0x14, s2;
	_ =	swait.ge [sflag:s25], $0x50  }
0x48: {  	[sflag:s25] =	ssyncset.done $0x0  }
0x49: {  	[sflag:s25] =	ssyncadd.s32 $0xFFFFFFB0  }
0x4a: {  	_ =	swait.ge [sflag:s26], $0x50  }
0x4b: {  	[sflag:s26] =	ssyncset.done $0x0  }
0x4c: {  	[sflag:s26] =	ssyncadd.s32 $0xFFFFFFB0  }
0x4d: {  	[tilespmem:s28], [sflag:$0x5] =	stream.indirect.gather [hbm4b:s4+s23], $0x10, s3, s23, $0xb8;
	[tilespmem:$0x32C0] =	vst v63  }
0x4e: {  	_ =	swait.ge [sflag:s21], $0x500  }
0x4f: {  	[sflag:s21] =	ssyncset.done $0x0  }
0x50: {  	[sflag:s21] =	ssyncadd.s32 $0xFFFFFB00  }
0x51: {  	[spmem:s1] =	stream.indirect.scatter.add.f32 [tilespmem:s28], [sflag:$0x5], $0x10, s22, s23, $0xb8;
	[tilespmem:$0x32C0] =	vst v63  }
0x52: {  	_ =	swait.ge [sflag:s21], $0x500  }
0x53: {  	s10 =	sshrl.u32 s7, $0x3;
	[sflag:s21] =	ssyncset.done $0x0  }
0x54: {  	s11 =	sadd.s32 s5, s10;
	[sflag:s21] =	ssyncadd.s32 $0xFFFFFB00  }
0x55: {  	[tilespmem:s3], [sflag:$0x1] =	stream.linear.gather [hbm4b:s11+s3], $0x50, $0x38;
	[tilespmem:$0x32C0] =	vst v63  }
0x56: {  	s10 =	sadd.s32 s6, s10  }
0x57: {  	[tilespmem:s22], [sflag:$0x3] =	stream.linear.gather [hbm4b:s10+s3], $0x50, $0x38;
	[tilespmem:$0x32C0] =	vst v63  }
0x58: {  	_ =	swait.ge [sflag:s29], $0x50  }
0x59: {  	[sflag:s29] =	ssyncset.done $0x0  }
0x5a: {  	[sflag:s29] =	ssyncadd.s32 $0xFFFFFFB0  }
0x5b: {  	_ =	swait.ge [sflag:s30], $0x50  }
0x5c: {  	[sflag:s30] =	ssyncset.done $0x0  }
0x5d: {  	[sflag:s30] =	ssyncadd.s32 $0xFFFFFFB0  }
0x5e: {  	[tilespmem:s31], [sflag:$0x5] =	stream.indirect.gather [hbm4b:s4+s23], $0x10, s23, s23, $0xb8;
	[tilespmem:$0x32C0] =	vst v63  }
0x5f: {  	_ =	swait.ge [sflag:s21], $0x500  }
0x60: {  	[sflag:s21] =	ssyncset.done $0x0  }
0x61: {  	[sflag:s21] =	ssyncadd.s32 $0xFFFFFB00  }
0x62: {  	[spmem:s1] =	stream.indirect.scatter.add.f32 [tilespmem:s31], [sflag:$0x5], $0x10, s24, s23, $0xb8;
	[tilespmem:$0x32C0] =	vst v63  }
.Ltmp0:
0x63: {  	_ =	swait.ge [sflag:s21], $0x500;
	(pc) =	sbr.rel @p0 .LBB2_2-.Ltmp0, $4  }
0x64: {  	[sflag:s21] =	ssyncset.done $0x0  }
0x65: {  	s10 =	sadd.s32 s9, s18;
	[sflag:s21] =	ssyncadd.s32 $0xFFFFFB00  }
0x66: {  	[tilespmem:s23], [sflag:$0x2] =	stream.linear.gather [hbm4b:s10+s3], $0x50, $0x38;
	[tilespmem:$0x32C0] =	vst v63  }
0x67: {  	s7 =	sadd.s32 $0xA0, s7;
	s9 =	sadd.s32 s9, s17  }
0x68: {  	[tilespmem:s24], [sflag:$0x4] =	stream.linear.gather [hbm4b:s9+s3], $0x50, $0x38;
	[tilespmem:$0x32C0] =	vst v63  }
0x69: {  	_ =	swait.ge [sflag:s25], $0x50  }
0x6a: {  	[sflag:s25] =	ssyncset.done $0x0  }
0x6b: {  	[sflag:s25] =	ssyncadd.s32 $0xFFFFFFB0  }
0x6c: {  	_ =	swait.ge [sflag:s26], $0x50  }
0x6d: {  	[sflag:s26] =	ssyncset.done $0x0  }
0x6e: {  	[sflag:s26] =	ssyncadd.s32 $0xFFFFFFB0  }
0x6f: {  	[tilespmem:s28], [sflag:$0x5] =	stream.indirect.gather [hbm4b:s4+s23], $0x10, s3, s23, $0xb8;
	[tilespmem:$0x32C0] =	vst v63  }
0x70: {  	_ =	swait.ge [sflag:s21], $0x500  }
0x71: {  	[sflag:s21] =	ssyncset.done $0x0  }
0x72: {  	[sflag:s21] =	ssyncadd.s32 $0xFFFFFB00  }
0x73: {  	[spmem:s1] =	stream.indirect.scatter.add.f32 [tilespmem:s28], [sflag:$0x5], $0x10, s22, s23, $0xb8;
	[tilespmem:$0x32C0] =	vst v63  }
0x74: {  	_ =	swait.ge [sflag:s21], $0x500  }
0x75: {  	[sflag:s21] =	ssyncset.done $0x0  }
0x76: {  	[sflag:s21] =	ssyncadd.s32 $0xFFFFFB00  }
0x77: {  	[tilespmem:s3], [sflag:$0x1] =	stream.linear.gather [hbm4b:s15+s3], $0x50, $0x38;
	[tilespmem:$0x32C0] =	vst v63  }
0x78: {  	_ = 	snop  }
0x79: {  	[tilespmem:s22], [sflag:$0x3] =	stream.linear.gather [hbm4b:s16+s3], $0x50, $0x38;
	[tilespmem:$0x32C0] =	vst v63  }
0x7a: {  	_ =	swait.ge [sflag:s29], $0x50  }
0x7b: {  	[sflag:s29] =	ssyncset.done $0x0  }
0x7c: {  	[sflag:s29] =	ssyncadd.s32 $0xFFFFFFB0  }
0x7d: {  	_ =	swait.ge [sflag:s30], $0x50  }
0x7e: {  	[sflag:s30] =	ssyncset.done $0x0  }
0x7f: {  	[sflag:s30] =	ssyncadd.s32 $0xFFFFFFB0  }
0x80: {  	[tilespmem:s31], [sflag:$0x5] =	stream.indirect.gather [hbm4b:s4+s23], $0x10, s23, s23, $0xb8;
	[tilespmem:$0x32C0] =	vst v63  }
0x81: {  	_ =	swait.ge [sflag:s21], $0x500  }
0x82: {  	[sflag:s21] =	ssyncset.done $0x0  }
0x83: {  	[sflag:s21] =	ssyncadd.s32 $0xFFFFFB00  }
0x84: {  	[spmem:s1] =	stream.indirect.scatter.add.f32 [tilespmem:s31], [sflag:$0x5], $0x10, s24, s23, $0xb8;
	[tilespmem:$0x32C0] =	vst v63  }
0x85: {  	_ =	swait.ge [sflag:s21], $0x500  }
0x86: {  	[sflag:s21] =	ssyncset.done $0x0  }
0x87: {  	[sflag:s21] =	ssyncadd.s32 $0xFFFFFB00  }
0x88: {  	_ =	swait.ge [sflag:s25], $0x50  }
0x89: {  	[sflag:s25] =	ssyncset.done $0x0  }
0x8a: {  	[sflag:s25] =	ssyncadd.s32 $0xFFFFFFB0  }
0x8b: {  	_ =	swait.ge [sflag:s26], $0x50  }
0x8c: {  	[sflag:s26] =	ssyncset.done $0x0  }
0x8d: {  	[sflag:s26] =	ssyncadd.s32 $0xFFFFFFB0  }
0x8e: {  	[tilespmem:s28], [sflag:$0x5] =	stream.indirect.gather [hbm4b:s4+s23], $0x10, s3, s23, $0xb8;
	[tilespmem:$0x32C0] =	vst v63  }
0x8f: {  	_ =	swait.ge [sflag:s21], $0x500  }
0x90: {  	[sflag:s21] =	ssyncset.done $0x0  }
0x91: {  	[sflag:s21] =	ssyncadd.s32 $0xFFFFFB00  }
0x92: {  	[spmem:s1] =	stream.indirect.scatter.add.f32 [tilespmem:s28], [sflag:$0x5], $0x10, s22, s23, $0xb8;
	[tilespmem:$0x32C0] =	vst v63  }
0x93: {  	_ =	swait.ge [sflag:s21], $0x500  }
0x94: {  	s0 =	sadd.s32 $0x1, s0;
	[sflag:s21] =	ssyncset.done $0x0  }
0x95: {  	p0 =	sne.s32 s0, s14;
	[sflag:s21] =	ssyncadd.s32 $0xFFFFFB00  }
.Ltmp1:
0x96: {  	[bflag:$0x0] =	sbarrier.arrive $0xFFFF;
	(pc) =	sbr.rel @p0 .LBB2_1-.Ltmp1, $4  }
0x97: {  	[hbm:s13], [sflag:s8] =	dma.local [spmem:s20], $0x4F0  }
0x98: {  	_ =	swait.ge [sflag:s21], $0x4F0  }
0x99: {  	[sflag:s21] =	ssyncset.done $0x0  }
0x9a: {  	[sflag:s21] =	ssyncadd.s32 $0xFFFFFB10  }
0x9b: {  	_ =	sfence.sel $0x180000  }
0x9c: {  	[bflag:$0x0] =	sbarrier.arrive $0xFFFF  }
0x9d: {  	_ =	strace $0x9000004A  }
0x9e: {  	s0 =	stileid.u32;
	[bflag:$0x2] =	sbarrier.arrive $0xFFFF  }
0x9f: {  	p0 =	sne.s32 s0, $0x0;
	s0 =	rddreg [dreg:$0x2]  }
0xa0: {  	s0 =	sadd.s32 @!p0 $0x100000, s0  }
0xa1: {  	[sflag:s0] =	ssyncadd.tile.s32 @!p0 $0x1;
	_ =	shalt  }
.Lfunc_end2:
_tile_overlayer_lowered:
.L_overlay_start_2:
0xa2: {  	(tag) =	ssettag $0x2  }
0xa3: {  	s0 =	rddreg [dreg:$0x0];
	s2 =	stileid.u32  }
0xa4: {  	s1 =	rddreg [dreg:$0x1];
	p0 =	sne.s32 s2, $0x0  }
0xa5: {  	s3 =	rddreg [dreg:$0x2];
	[bflag:$0x3] =	sbarrier.arrive $0xFFFF;
	s2 =	simm.s32 @!p0 $0x1C05  }
0xa6: {  	[timem:s3], [sflag:s2] =	dma.local @!p0 [hbm:s0], s1  }
0xa7: {  	s0 =	simm.s32 @!p0 $0x5  }
0xa8: {  	_ =	swait.ge @!p0 [sflag:s0], s1  }
0xa9: {  	s1 =	ssub.s32 @!p0 $0x0, s1;
	[sflag:s0] =	ssyncset.done @!p0 $0x0  }
0xaa: {  	[sflag:s0] =	ssyncadd.s32 @!p0 s1  }
0xab: {  	[bflag:$0x3] =	sbarrier.arrive $0xFFFF  }
0xac: {  	_ =	shalt  }

// kernel: kernel.17.cloned.1.call-start
scs
__scs_entry_jumppad:
0x0: {  	(pc) =	sbr.rel $0x88, $3  }
0x1: {  	(tag) =	ssettag $0x0;
	lr =	simm.s32 $0x1  }
0x2: {  	[smem:$0x3F94] =	sst lr;
	_ =	strace $0xD0000000  }
0x3: {  	_ = 	snop  }
0x4: {  	_ = 	snop  }
0x5: {  	_ = 	snop  }
0x6: {  	_ = 	snop  }
0x7: {  	_ = 	snop  }
__scs_overlays_trampoline_lowered:
0x8: {  	[smem:$0x3FA3] =	sst s0  }
0x9: {  	[smem:$0x3FA4] =	sst s1  }
0xa: {  	[smem:$0x3FA5] =	sst s2  }
0xb: {  	[smem:$0x3FA6] =	sst s3  }
0xc: {  	[smem:$0x3FA7] =	sst s4  }
0xd: {  	[smem:$0x3FA8] =	sst s5  }
0xe: {  	[smem:$0x3FA9] =	sst s6  }
0xf: {  	[smem:$0x3FAA] =	sst s7  }
0x10: {  	[smem:$0x3FAB] =	sst s8  }
0x11: {  	[smem:$0x3FAC] =	sst s9;
	s0 =	simm.s32 @!p0 $0x0  }
0x12: {  	s1 =	sld [smem:$0x3F92];
	s0 =	simm.s32 @p0 $0x1  }
0x13: {  	[smem:$0x3FAD] =	sst s0;
	s0 =	simm.s32 @!p1 $0x0  }
0x14: {  	s2 =	sld [smem:$0x3F91];
	s0 =	simm.s32 @p1 $0x1  }
0x15: {  	[smem:$0x3FAE] =	sst s0;
	s0 =	simm.s32 @!p2 $0x0  }
0x16: {  	s3 =	sld [smem:$0x3FDB];
	s0 =	simm.s32 @p2 $0x1  }
0x17: {  	s4 =	simm.s32 $0x1BF5;
	[smem:$0x3FB0] =	sst s0  }
0x18: {  	s0 =	sld [smem:$0x3F93];
	_ =	swait.ge [sflag:s4], $0x0  }
0x19: {  	s7 =	sld [smem:$0x3F94]  }
0x1a: {  	s8 =	sadd.s32 $0xFFFFE003, lr  }
0x1b: {  	s9 =	sadd.s32 $0xFFFFFEF7, lr;
	s5 =	simm.s32 $0xFFFFFFFF;
	p2 =	slt.u32 s8, $0xFFFFF086  }
0x1c: {  	p1 =	slt.u32 s9, $0xF7A;
	s5 =	simm.s32 @!p2 $0x0  }
0x1d: {  	s5 =	simm.s32 @p1 $0x1;
	p0 =	seq.s32 s7, s2  }
0x1e: {  	s7 =	smul.u32 @!p0 $0xF7A, s2;
	p2 =	seq.s32 @!p0 s5, $0x0  }
0x1f: {  	s9 =	smul.u32 $0xF7A, s1;
	s8 =	simm.s32 @!p0 $0x1BF5;
	p2 =	por !p2, p0  }
0x20: {  	[sflag:s8] =	ssyncset.s32 @!p0 $0xFFFFF086;
	s6 =	sadd.s32 @!p0 s3, s7;
	s7 =	simm.s32 @!p0 $0x108  }
0x21: {  	s3 =	sadd.s32 s3, s9;
	s6 =	sadd.s32 @!p0 $0x88, s6;
	s7 =	simm.s32 @p2 $0x1082  }
0x22: {  	[simem:s7], [sflag:s8] =	dma.local @!p0 [hbm:s6], $0xF7A  }
0x23: {  	s9 =	sor.u32 $0xD0000000, s2;
	s6 =	simm.s32 $0x108;
	_ =	swait.ge @!p0 [sflag:s8], $0x0  }
0x24: {  	s3 =	sadd.s32 $0x88, s3;
	s6 =	simm.s32 @!p1 $0x1082;
	[sflag:s4] =	ssyncset.s32 $0xFFFFF086  }
0x25: {  	[simem:s6], [sflag:s4] =	dma.local [hbm:s3], $0xF7A  }
0x26: {  	[smem:$0x3F94] =	sst s1;
	(tag) =	ssettag s2;
	_ =	strace s9  }
0x27: {  	s1 =	sld [smem:$0x3FA4]  }
0x28: {  	s2 =	sld [smem:$0x3FA5]  }
0x29: {  	s4 =	sld [smem:$0x3FA7]  }
0x2a: {  	p0 =	seq.s32 s5, $0x0;
	s5 =	sld [smem:$0x3FA8]  }
0x2b: {  	s6 =	sld [smem:$0x3FA9]  }
0x2c: {  	s7 =	sld [smem:$0x3FAA]  }
0x2d: {  	s3 =	simm.s32 $0x108;
	s8 =	sld [smem:$0x3FAB]  }
0x2e: {  	s3 =	simm.s32 @!p0 $0x1082;
	s9 =	sld [smem:$0x3FAC]  }
0x2f: {  	lr =	sadd.s32 s0, s3;
	s0 =	sld [smem:$0x3FA3]  }
0x30: {  	s3 =	sld [smem:$0x3FA6]  }
0x31: {  	[smem:$0x3FAF] =	sst s10  }
0x32: {  	s10 =	sld [smem:$0x3FAD];
	_ =	sdelay $0x3  }
0x33: {  	p0 =	seq.s32 s10, $0x1;
	s10 =	sld [smem:$0x3FAF];
	_ =	sdelay $0x3  }
0x34: {  	[smem:$0x3FAF] =	sst s10  }
0x35: {  	s10 =	sld [smem:$0x3FAE];
	_ =	sdelay $0x3  }
0x36: {  	p1 =	seq.s32 s10, $0x1;
	s10 =	sld [smem:$0x3FAF];
	_ =	sdelay $0x3  }
0x37: {  	[smem:$0x3FAF] =	sst s10  }
0x38: {  	s10 =	sld [smem:$0x3FB0]  }
0x39: {  	_ = 	snop;
	(pc) =	sbr.ind lr, $3  }
0x3a: {  	_ = 	snop  }
0x3b: {  	_ = 	snop  }
0x3c: {  	p2 =	seq.s32 s10, $0x1;
	s10 =	sld [smem:$0x3FAF]  }
0x3d: {  	_ =	shalt  }
0x3e: {  	_ =	shalt  }
0x3f: {  	_ =	shalt  }
0x40: {  	_ =	shalt  }
0x41: {  	_ =	shalt  }
0x42: {  	_ =	shalt  }
0x43: {  	_ =	shalt  }
0x44: {  	_ =	shalt  }
0x45: {  	_ =	shalt  }
0x46: {  	_ =	shalt  }
0x47: {  	_ =	shalt  }
0x48: {  	_ =	shalt  }
0x49: {  	_ =	shalt  }
0x4a: {  	_ =	shalt  }
0x4b: {  	_ =	shalt  }
0x4c: {  	_ =	shalt  }
0x4d: {  	_ =	shalt  }
0x4e: {  	_ =	shalt  }
0x4f: {  	_ =	shalt  }
0x50: {  	_ =	shalt  }
0x51: {  	_ =	shalt  }
0x52: {  	_ =	shalt  }
0x53: {  	_ =	shalt  }
0x54: {  	_ =	shalt  }
0x55: {  	_ =	shalt  }
0x56: {  	_ =	shalt  }
0x57: {  	_ =	shalt  }
0x58: {  	_ =	shalt  }
0x59: {  	_ =	shalt  }
0x5a: {  	_ =	shalt  }
0x5b: {  	_ =	shalt  }
0x5c: {  	_ =	shalt  }
0x5d: {  	_ =	shalt  }
0x5e: {  	_ =	shalt  }
0x5f: {  	_ =	shalt  }
0x60: {  	_ =	shalt  }
0x61: {  	_ =	shalt  }
0x62: {  	_ =	shalt  }
0x63: {  	_ =	shalt  }
0x64: {  	_ =	shalt  }
0x65: {  	_ =	shalt  }
0x66: {  	_ =	shalt  }
0x67: {  	_ =	shalt  }
0x68: {  	_ =	shalt  }
0x69: {  	_ =	shalt  }
0x6a: {  	_ =	shalt  }
0x6b: {  	_ =	shalt  }
0x6c: {  	_ =	shalt  }
0x6d: {  	_ =	shalt  }
0x6e: {  	_ =	shalt  }
0x6f: {  	_ =	shalt  }
0x70: {  	_ =	shalt  }
0x71: {  	_ =	shalt  }
0x72: {  	_ =	shalt  }
0x73: {  	_ =	shalt  }
0x74: {  	_ =	shalt  }
0x75: {  	_ =	shalt  }
0x76: {  	_ =	shalt  }
0x77: {  	_ =	shalt  }
0x78: {  	_ =	shalt  }
0x79: {  	_ =	shalt  }
0x7a: {  	_ =	shalt  }
0x7b: {  	_ =	shalt  }
0x7c: {  	_ =	shalt  }
0x7d: {  	_ =	shalt  }
0x7e: {  	_ =	shalt  }
0x7f: {  	_ =	shalt  }
0x80: {  	_ =	shalt  }
0x81: {  	_ =	shalt  }
0x82: {  	_ =	shalt  }
0x83: {  	_ =	shalt  }
0x84: {  	_ =	shalt  }
0x85: {  	_ =	shalt  }
0x86: {  	_ =	shalt  }
0x87: {  	_ =	shalt  }
.Lfunc_end0:
.L_simem_size_0:
called_computation.4_lowered:
.L_overlay_start_0:
0x88: {  	s2 =	sld [smem:$0x3FD9]  }
0x89: {  	s3 =	sld [smem:$0x3FFE];
	_ =	sdelay $0x1  }
0x8a: {  	s1 =	srdreg.scid  }
0x8b: {  	s0 =	sand.u32 $0x1, s1  }
0x8c: {  	s16 =	sshll.u32 s0, $0xA;
	s2 =	sadd.s32 s3, s2  }
0x8d: {  	s2 =	sadd.s32 s2, s16  }
0x8e: {  	[smem:$0x3FBB] =	sst s2  }
0x8f: {  	_ = 	snop  }
0x90: {  	(tm) =	ssettm $0x1  }
0x91: {  	s17 =	sld [smem:$0x3FFB];
	_ =	sdelay $0x3  }
0x92: {  	_ =	strace s17  }
0x93: {  	s2 =	sld [smem:$0x3FFC];
	_ =	sdelay $0x3  }
0x94: {  	_ =	strace s2  }
0x95: {  	s2 =	sld [smem:$0x3FFD];
	_ =	sdelay $0x3  }
0x96: {  	_ =	strace s2  }
0x97: {  	_ =	strace $0x8FFFFFFF  }
0x98: {  	s18 =	sld [smem:$0x3FDB];
	_ =	sdelay $0x1  }
0x99: {  	s19 =	simm.s32 $_scs_section_size  }
0x9a: {  	s4 =	simm.s32 $_size__tile_overlayer_lowered;
	s5 =	simm.s32 $_tile_overlayer_lowered  }
0x9b: {  	s22 =	simm.s32 $0x1BFF;
	s21 =	sshll.u32 s5, $0x1;
	s2 =	sadd.s32 s19, s18  }
0x9c: {  	s6 =	simm.s32 $0x0;
	s20 =	sshll.u32 s4, $0x1;
	s4 =	sadd.s32 s21, s2  }
0x9d: {  	[timem:s6], [sflag:s22] =	dma.local [hbm:s4], s20  }
0x9e: {  	_ =	swait.ge [sflag:s22], s20  }
0x9f: {  	s3 =	ssub.s32 $0x0, s20;
	[sflag:s22] =	ssyncset.done $0x0  }
0xa0: {  	[sflag:s22] =	ssyncadd.s32 s3;
	_ =	sdelay $0x1  }
0xa1: {  	s23 =	simm.s32 $0x1B8B  }
0xa2: {  	_ =	swait.ge [sflag:s23], $0x1  }
0xa3: {  	[sflag:s23] =	ssyncset.done $0x0  }
0xa4: {  	s25 =	simm.s32 $0x1B8E;
	s24 =	sld [smem:$0x3FFE];
	[sflag:s23] =	ssyncadd.s32 $0xFFFFFFFF  }
0xa5: {  	s26 =	simm.s32 $execute0_lowered;
	[smem:$0x3FD2] =	sst s25  }
0xa6: {  	s4 =	sshll.u32 s26, $0x1;
	_ =	strace $0x80000052;
	[dreg:$0x1] =	wrdreg $0xFFFFFFFF  }
0xa7: {  	s28 =	simm.s32 $_size_execute0_lowered;
	s2 =	sadd.s32 s2, s4;
	[dreg:$0x0] =	wrdreg $0x0  }
0xa8: {  	s4 =	sshll.u32 s28, $0x1;
	[dreg:$0x2] =	wrdreg s2  }
0xa9: {  	[dreg:$0x3] =	wrdreg s4  }
0xaa: {  	[dreg:$0x4] =	wrdreg $0xC0  }
0xab: {  	_ =	task [dreg:s6], $0x5FFFF  }
0xac: {  	[dreg:$0x1] =	wrdreg $0xFFFFFFFF  }
0xad: {  	[dreg:$0x0] =	wrdreg $0x60  }
0xae: {  	[dreg:$0x2] =	wrdreg s24  }
0xaf: {  	[dreg:$0x3] =	wrdreg $0x56400  }
0xb0: {  	[dreg:$0x4] =	wrdreg $0x9  }
0xb1: {  	_ =	task.clear_ibuf [dreg:s6], $0x5FFFF;
	_ =	strace $0x90000052  }
0xb2: {  	s29 =	simm.s32 $0x9;
	_ =	strace $0x80000054  }
0xb3: {  	_ =	swait.ge [sflag:s29], $0x1  }
0xb4: {  	[sflag:s29] =	ssyncadd.s32 $0xFFFFFFFF  }
0xb5: {  	_ =	strace $0x90000054  }
0xb6: {  	_ =	sfence  }
0xb7: {  	s30 =	sld [smem:$0x0];
	_ =	sdelay $0x2  }
0xb8: {  	s31 =	sshll.u32 s1, $0xD;
	s1 =	sshrl.u32 s1, $0x2  }
0xb9: {  	s3 =	sand.u32 $0x4000, s31;
	s1 =	sadd.s32 s1, s30  }
0xba: {  	s0 =	sor.u32 s3, s0;
	s1 =	sshll.u32 s1, $0x11  }
0xbb: {  	s0 =	sor.u32 s1, s0  }
0xbc: {  	s0 =	sadd.s32 $0x8F2B, s0  }
0xbd: {  	[sflag:s0] =	ssyncadd.remote.s32 $0x1  }
0xbe: {  	_ =	sfence.sel $0xFFFF  }
0xbf: {  	[dreg:$0x0] =	wrdreg $0xFFFFFFFF;
	(pc) =	sbr.abs _section_cstart, $3  }
0xc0: {  	[dreg:$0x1] =	wrdreg $0xFFFFFFFF  }
0xc1: {  	_ =	task.clear_ibuf [dreg:s6], $0x2FFFF;
	_ =	strace $0x9FFFFFFF  }
0xc2: {  	(tm) =	ssettm $0x7FFFFFFF  }
0xc3: {  	_ =	shalt  }
tec
execute0_lowered:
.L_overlay_start_1:
0x0: {  	(tag) =	ssettag $0x1  }
0x1: {  	s2 =	rddreg [dreg:$0x0]  }
0x2: {  	s3 =	rddreg [dreg:$0x1]  }
0x3: {  	s0 =	srdreg.scid;
	s7 =	stileid.u32;
	s4 =	simm.s32 $0x0  }
0x4: {  	s19 =	simm.s32 $0x5;
	s20 =	simm.s32 $0xA0;
	s28 =	simm.s32 $0x4  }
0x5: {  	s29 =	simm.s32 $0x2BC0;
	s30 =	simm.s32 $0x0;
	s0 =	sand.u32 $0x1, s0  }
0x6: {  	s1 =	smul.u32 $0x1540, s7;
	[smem:$0x7FF] =	sst s4;
	s5 =	sadd.s32 $0x3C800, s2  }
0x7: {  	s6 =	sadd.s32 $0x27800, s2;
	s9 =	sadd.s32 $0x14E00, s2;
	s10 =	smul.u32 $0x2A800, s7  }
0x8: {  	s21 =	sshll.u32 s7, $0x1;
	s24 =	smul.u32 $0x780, s7;
	s25 =	sshll.u32 s7, $0x6  }
0x9: {  	s8 =	smul.u32 $0x15400, s0;
	_ =	strace $0x80000053;
	s22 =	ssub.s32 $0x2, s0  }
0xa: {  	[dreg:$0x3] =	wrdreg s9;
	s11 =	sshrl.u32 s22, $0x1;
	s23 =	sshrl.u32 s10, $0x2  }
0xb: {  	s1 =	sadd.s32 s1, s8;
	s8 =	sor.u32 s0, s21;
	s14 =	ssub.s32 s22, s11  }
0xc: {  	s0 =	smul.u32 $0x3C0, s0;
	s18 =	sadd.s32 s23, s3;
	s21 =	simm.s32 $0x50  }
0xd: {  	s22 =	simm.s32 $0xF0;
	s23 =	simm.s32 $0x1;
	s1 =	sadd.s32 s1, s2  }
0xe: {  	s8 =	smul.u32 $0x3C0, s8;
	s14 =	smax.u32 s14, $0x1;
	s18 =	sshrl.u32 s18, $0x3  }
0xf: {  	s0 =	sadd.s32 s0, s24;
	s13 =	sadd.s32 $0x3D800, s1;
	s24 =	simm.s32 $0x3  }
0x10: {  	s12 =	sshrl.u32 s8, $0x3;
	s8 =	sor.u32 $0x1C05, s25;
	s15 =	sadd.s32 $0xF0, s0  }
0x11: {  	s17 =	sadd.s32 $0xA0, s0;
	s25 =	simm.s32 $0x140;
	s26 =	sadd.s32 s5, s12  }
0x12: {  	s10 =	sadd.s32 s6, s12;
	s12 =	sadd.s32 $0xA, s12;
	s31 =	sshrl.u32 s15, $0x3  }
0x13: {  	[dreg:$0x4] =	wrdreg s26;
	s11 =	sadd.s32 s5, s12;
	s12 =	sadd.s32 s6, s12  }
0x14: {  	s15 =	sadd.s32 s31, s6;
	s16 =	sadd.s32 s31, s5;
	s26 =	simm.s32 $0x2  }
.LBB2_1:
0x15: {  	s0 =	rddreg [dreg:$0x3]  }
0x16: {  	[spmem:s18], [sflag:s8] =	dma.local [hbm:s0], $0x1540  }
0x17: {  	_ =	swait.ge [sflag:s19], $0x1540  }
0x18: {  	[sflag:s19] =	ssyncset.done $0x0  }
0x19: {  	[sflag:s19] =	ssyncadd.s32 $0xFFFFEAC0  }
0x1a: {  	[bflag:$0x0] =	sbarrier.arrive $0xFFFF  }
0x1b: {  	s1 =	rddreg [dreg:$0x4]  }
0x1c: {  	[tilespmem:s4], [sflag:$0x1] =	stream.linear.gather [hbm4b:s1+s4], $0x50, $0x38;
	[tilespmem:$0x10040] =	vst v63  }
0x1d: {  	_ = 	snop  }
0x1e: {  	[tilespmem:s20], [sflag:$0x3] =	stream.linear.gather [hbm4b:s10+s4], $0x50, $0x38;
	[tilespmem:$0x10040] =	vst v63  }
0x1f: {  	_ = 	snop  }
0x20: {  	[tilespmem:s21], [sflag:$0x2] =	stream.linear.gather [hbm4b:s11+s4], $0x50, $0x38;
	[tilespmem:$0x10040] =	vst v63  }
0x21: {  	_ = 	snop  }
0x22: {  	[tilespmem:s22], [sflag:$0x4] =	stream.linear.gather [hbm4b:s12+s4], $0x50, $0x38;
	[tilespmem:$0x10040] =	vst v63  }
0x23: {  	_ =	swait.ge [sflag:s23], $0x50  }
0x24: {  	[sflag:s23] =	ssyncset.done $0x0  }
0x25: {  	[sflag:s23] =	ssyncadd.s32 $0xFFFFFFB0  }
0x26: {  	_ =	swait.ge [sflag:s24], $0x50  }
0x27: {  	[sflag:s24] =	ssyncset.done $0x0  }
0x28: {  	[sflag:s24] =	ssyncadd.s32 $0xFFFFFFB0  }
0x29: {  	[tilespmem:s25], [sflag:$0x5] =	stream.indirect.gather [hbm4b:s2+s21], $0x88, s4, s21, $0xb8;
	[tilespmem:$0x10040] =	vst v63  }
0x2a: {  	_ =	swait.ge [sflag:s19], $0x2A80  }
0x2b: {  	[sflag:s19] =	ssyncset.done $0x0  }
0x2c: {  	[sflag:s19] =	ssyncadd.s32 $0xFFFFD580  }
0x2d: {  	[spmem:s3] =	stream.indirect.scatter.add.f32 [tilespmem:s25], [sflag:$0x5], $0x88, s20, s21, $0xb8;
	[tilespmem:$0x10040] =	vst v63  }
0x2e: {  	_ =	swait.ge [sflag:s19], $0x2A80  }
0x2f: {  	s7 =	sshrl.u32 s17, $0x3;
	[sflag:s19] =	ssyncset.done $0x0  }
0x30: {  	s1 =	sadd.s32 s5, s7;
	[sflag:s19] =	ssyncadd.s32 $0xFFFFD580  }
0x31: {  	[tilespmem:s4], [sflag:$0x1] =	stream.linear.gather [hbm4b:s1+s4], $0x50, $0x38;
	[tilespmem:$0x10040] =	vst v63  }
0x32: {  	s0 =	sadd.s32 s6, s7  }
0x33: {  	[tilespmem:s20], [sflag:$0x3] =	stream.linear.gather [hbm4b:s0+s4], $0x50, $0x38;
	[tilespmem:$0x10040] =	vst v63  }
0x34: {  	_ =	swait.ge [sflag:s26], $0x50  }
0x35: {  	[sflag:s26] =	ssyncset.done $0x0  }
0x36: {  	[sflag:s26] =	ssyncadd.s32 $0xFFFFFFB0  }
0x37: {  	_ =	swait.ge [sflag:s28], $0x50  }
0x38: {  	[sflag:s28] =	ssyncset.done $0x0  }
0x39: {  	[sflag:s28] =	ssyncadd.s32 $0xFFFFFFB0  }
0x3a: {  	[tilespmem:s29], [sflag:$0x5] =	stream.indirect.gather [hbm4b:s2+s21], $0x88, s21, s21, $0xb8;
	[tilespmem:$0x10040] =	vst v63  }
0x3b: {  	_ =	swait.ge [sflag:s19], $0x2A80  }
0x3c: {  	[sflag:s19] =	ssyncset.done $0x0  }
0x3d: {  	[sflag:s19] =	ssyncadd.s32 $0xFFFFD580  }
0x3e: {  	[spmem:s3] =	stream.indirect.scatter.add.f32 [tilespmem:s29], [sflag:$0x5], $0x88, s22, s21, $0xb8;
	[tilespmem:$0x10040] =	vst v63  }
0x3f: {  	_ =	swait.ge [sflag:s19], $0x2A80  }
0x40: {  	s9 =	sadd.s32 $0x0, s16;
	s31 =	simm.s32 $0x14;
	[sflag:s19] =	ssyncset.done $0x0  }
0x41: {  	s1 =	sadd.s32 $0x0, s15;
	s0 =	sadd.s32 $0xA0, s17;
	[sflag:s19] =	ssyncadd.s32 $0xFFFFD580  }
0x42: {  	[tilespmem:s21], [sflag:$0x2] =	stream.linear.gather [hbm4b:s9+s4], $0x50, $0x38;
	[tilespmem:$0x10040] =	vst v63  }
.LBB2_2:
0x43: {  	[tilespmem:s22], [sflag:$0x4] =	stream.linear.gather [hbm4b:s1+s4], $0x50, $0x38;
	[tilespmem:$0x10040] =	vst v63  }
0x44: {  	s1 =	smov.u32 s31  }
0x45: {  	p0 =	sne.s32 s31, $0x50;
	s31 =	sadd.s32 $0x14, s31;
	_ =	swait.ge [sflag:s23], $0x50  }
0x46: {  	[sflag:s23] =	ssyncset.done $0x0  }
0x47: {  	[sflag:s23] =	ssyncadd.s32 $0xFFFFFFB0  }
0x48: {  	_ =	swait.ge [sflag:s24], $0x50  }
0x49: {  	[sflag:s24] =	ssyncset.done $0x0  }
0x4a: {  	[sflag:s24] =	ssyncadd.s32 $0xFFFFFFB0  }
0x4b: {  	[tilespmem:s25], [sflag:$0x5] =	stream.indirect.gather [hbm4b:s2+s21], $0x88, s4, s21, $0xb8;
	[tilespmem:$0x10040] =	vst v63  }
0x4c: {  	_ =	swait.ge [sflag:s19], $0x2A80  }
0x4d: {  	[sflag:s19] =	ssyncset.done $0x0  }
0x4e: {  	[sflag:s19] =	ssyncadd.s32 $0xFFFFD580  }
0x4f: {  	[spmem:s3] =	stream.indirect.scatter.add.f32 [tilespmem:s25], [sflag:$0x5], $0x88, s20, s21, $0xb8;
	[tilespmem:$0x10040] =	vst v63  }
0x50: {  	_ =	swait.ge [sflag:s19], $0x2A80  }
0x51: {  	s7 =	sshrl.u32 s0, $0x3;
	[sflag:s19] =	ssyncset.done $0x0  }
0x52: {  	s9 =	sadd.s32 s5, s7;
	[sflag:s19] =	ssyncadd.s32 $0xFFFFD580  }
0x53: {  	[tilespmem:s4], [sflag:$0x1] =	stream.linear.gather [hbm4b:s9+s4], $0x50, $0x38;
	[tilespmem:$0x10040] =	vst v63  }
0x54: {  	s7 =	sadd.s32 s6, s7  }
0x55: {  	[tilespmem:s20], [sflag:$0x3] =	stream.linear.gather [hbm4b:s7+s4], $0x50, $0x38;
	[tilespmem:$0x10040] =	vst v63  }
0x56: {  	_ =	swait.ge [sflag:s26], $0x50  }
0x57: {  	[sflag:s26] =	ssyncset.done $0x0  }
0x58: {  	[sflag:s26] =	ssyncadd.s32 $0xFFFFFFB0  }
0x59: {  	_ =	swait.ge [sflag:s28], $0x50  }
0x5a: {  	[sflag:s28] =	ssyncset.done $0x0  }
0x5b: {  	[sflag:s28] =	ssyncadd.s32 $0xFFFFFFB0  }
0x5c: {  	[tilespmem:s29], [sflag:$0x5] =	stream.indirect.gather [hbm4b:s2+s21], $0x88, s21, s21, $0xb8;
	[tilespmem:$0x10040] =	vst v63  }
0x5d: {  	_ =	swait.ge [sflag:s19], $0x2A80  }
0x5e: {  	[sflag:s19] =	ssyncset.done $0x0  }
0x5f: {  	[sflag:s19] =	ssyncadd.s32 $0xFFFFD580  }
0x60: {  	[spmem:s3] =	stream.indirect.scatter.add.f32 [tilespmem:s29], [sflag:$0x5], $0x88, s22, s21, $0xb8;
	[tilespmem:$0x10040] =	vst v63  }
.Ltmp0:
0x61: {  	_ =	swait.ge [sflag:s19], $0x2A80;
	(pc) =	sbr.rel @p0 .LBB2_2-.Ltmp0, $4  }
0x62: {  	[sflag:s19] =	ssyncset.done $0x0  }
0x63: {  	s7 =	sadd.s32 s1, s16;
	[sflag:s19] =	ssyncadd.s32 $0xFFFFD580  }
0x64: {  	[tilespmem:s21], [sflag:$0x2] =	stream.linear.gather [hbm4b:s7+s4], $0x50, $0x38;
	[tilespmem:$0x10040] =	vst v63  }
0x65: {  	s0 =	sadd.s32 $0xA0, s0;
	s1 =	sadd.s32 s1, s15  }
0x66: {  	[tilespmem:s22], [sflag:$0x4] =	stream.linear.gather [hbm4b:s1+s4], $0x50, $0x38;
	[tilespmem:$0x10040] =	vst v63  }
0x67: {  	_ =	swait.ge [sflag:s23], $0x50  }
0x68: {  	[sflag:s23] =	ssyncset.done $0x0  }
0x69: {  	[sflag:s23] =	ssyncadd.s32 $0xFFFFFFB0  }
0x6a: {  	_ =	swait.ge [sflag:s24], $0x50  }
0x6b: {  	[sflag:s24] =	ssyncset.done $0x0  }
0x6c: {  	[sflag:s24] =	ssyncadd.s32 $0xFFFFFFB0  }
0x6d: {  	[tilespmem:s25], [sflag:$0x5] =	stream.indirect.gather [hbm4b:s2+s21], $0x88, s4, s21, $0xb8;
	[tilespmem:$0x10040] =	vst v63  }
0x6e: {  	_ =	swait.ge [sflag:s19], $0x2A80  }
0x6f: {  	[sflag:s19] =	ssyncset.done $0x0  }
0x70: {  	[sflag:s19] =	ssyncadd.s32 $0xFFFFD580  }
0x71: {  	[spmem:s3] =	stream.indirect.scatter.add.f32 [tilespmem:s25], [sflag:$0x5], $0x88, s20, s21, $0xb8;
	[tilespmem:$0x10040] =	vst v63  }
0x72: {  	_ =	swait.ge [sflag:s19], $0x2A80  }
0x73: {  	[sflag:s19] =	ssyncset.done $0x0  }
0x74: {  	[sflag:s19] =	ssyncadd.s32 $0xFFFFD580  }
0x75: {  	_ =	swait.ge [sflag:s26], $0x50  }
0x76: {  	[sflag:s26] =	ssyncset.done $0x0  }
0x77: {  	[sflag:s26] =	ssyncadd.s32 $0xFFFFFFB0  }
0x78: {  	_ =	swait.ge [sflag:s28], $0x50  }
0x79: {  	[sflag:s28] =	ssyncset.done $0x0  }
0x7a: {  	[sflag:s28] =	ssyncadd.s32 $0xFFFFFFB0  }
0x7b: {  	[tilespmem:s29], [sflag:$0x5] =	stream.indirect.gather [hbm4b:s2+s21], $0x88, s21, s21, $0xb8;
	[tilespmem:$0x10040] =	vst v63  }
0x7c: {  	_ =	swait.ge [sflag:s19], $0x2A80  }
0x7d: {  	[sflag:s19] =	ssyncset.done $0x0  }
0x7e: {  	[sflag:s19] =	ssyncadd.s32 $0xFFFFD580  }
0x7f: {  	[spmem:s3] =	stream.indirect.scatter.add.f32 [tilespmem:s29], [sflag:$0x5], $0x88, s22, s21, $0xb8;
	[tilespmem:$0x10040] =	vst v63  }
0x80: {  	_ =	swait.ge [sflag:s19], $0x2A80  }
0x81: {  	s30 =	sadd.s32 $0x1, s30;
	[sflag:s19] =	ssyncset.done $0x0  }
0x82: {  	p0 =	sne.s32 s30, s14;
	[sflag:s19] =	ssyncadd.s32 $0xFFFFD580  }
.Ltmp1:
0x83: {  	[bflag:$0x0] =	sbarrier.arrive $0xFFFF;
	(pc) =	sbr.rel @p0 .LBB2_1-.Ltmp1, $4  }
0x84: {  	[hbm:s13], [sflag:s8] =	dma.local [spmem:s18], $0x1540  }
0x85: {  	_ =	swait.ge [sflag:s19], $0x1540  }
0x86: {  	[sflag:s19] =	ssyncset.done $0x0  }
0x87: {  	[sflag:s19] =	ssyncadd.s32 $0xFFFFEAC0  }
0x88: {  	_ =	sfence.sel $0x180000  }
0x89: {  	[bflag:$0x0] =	sbarrier.arrive $0xFFFF  }
0x8a: {  	_ =	strace $0x90000053  }
0x8b: {  	s0 =	stileid.u32;
	[bflag:$0x2] =	sbarrier.arrive $0xFFFF  }
0x8c: {  	p0 =	sne.s32 s0, $0x0;
	s0 =	rddreg [dreg:$0x2]  }
0x8d: {  	s0 =	sadd.s32 @!p0 $0x100000, s0  }
0x8e: {  	[sflag:s0] =	ssyncadd.tile.s32 @!p0 $0x1;
	_ =	shalt  }
.Lfunc_end2:
_tile_overlayer_lowered:
.L_overlay_start_2:
0x8f: {  	(tag) =	ssettag $0x2  }
0x90: {  	s0 =	rddreg [dreg:$0x0];
	s2 =	stileid.u32  }
0x91: {  	s1 =	rddreg [dreg:$0x1];
	p0 =	sne.s32 s2, $0x0  }
0x92: {  	s3 =	rddreg [dreg:$0x2];
	[bflag:$0x3] =	sbarrier.arrive $0xFFFF;
	s2 =	simm.s32 @!p0 $0x1C05  }
0x93: {  	[timem:s3], [sflag:s2] =	dma.local @!p0 [hbm:s0], s1  }
0x94: {  	s0 =	simm.s32 @!p0 $0x5  }
0x95: {  	_ =	swait.ge @!p0 [sflag:s0], s1  }
0x96: {  	s1 =	ssub.s32 @!p0 $0x0, s1;
	[sflag:s0] =	ssyncset.done @!p0 $0x0  }
0x97: {  	[sflag:s0] =	ssyncadd.s32 @!p0 s1  }
0x98: {  	[bflag:$0x3] =	sbarrier.arrive $0xFFFF  }
0x99: {  	_ =	shalt  }

// kernel: kernel.20.cloned.1.call-start
scs
__scs_entry_jumppad:
0x0: {  	(pc) =	sbr.rel $0x88, $3  }
0x1: {  	(tag) =	ssettag $0x0;
	lr =	simm.s32 $0x1  }
0x2: {  	[smem:$0x3F94] =	sst lr;
	_ =	strace $0xD0000000  }
0x3: {  	_ = 	snop  }
0x4: {  	_ = 	snop  }
0x5: {  	_ = 	snop  }
0x6: {  	_ = 	snop  }
0x7: {  	_ = 	snop  }
__scs_overlays_trampoline_lowered:
0x8: {  	[smem:$0x3FA3] =	sst s0  }
0x9: {  	[smem:$0x3FA4] =	sst s1  }
0xa: {  	[smem:$0x3FA5] =	sst s2  }
0xb: {  	[smem:$0x3FA6] =	sst s3  }
0xc: {  	[smem:$0x3FA7] =	sst s4  }
0xd: {  	[smem:$0x3FA8] =	sst s5  }
0xe: {  	[smem:$0x3FA9] =	sst s6  }
0xf: {  	[smem:$0x3FAA] =	sst s7  }
0x10: {  	[smem:$0x3FAB] =	sst s8  }
0x11: {  	[smem:$0x3FAC] =	sst s9;
	s0 =	simm.s32 @!p0 $0x0  }
0x12: {  	s1 =	sld [smem:$0x3F92];
	s0 =	simm.s32 @p0 $0x1  }
0x13: {  	[smem:$0x3FAD] =	sst s0;
	s0 =	simm.s32 @!p1 $0x0  }
0x14: {  	s2 =	sld [smem:$0x3F91];
	s0 =	simm.s32 @p1 $0x1  }
0x15: {  	[smem:$0x3FAE] =	sst s0;
	s0 =	simm.s32 @!p2 $0x0  }
0x16: {  	s3 =	sld [smem:$0x3FDB];
	s0 =	simm.s32 @p2 $0x1  }
0x17: {  	s4 =	simm.s32 $0x1BF5;
	[smem:$0x3FB0] =	sst s0  }
0x18: {  	s0 =	sld [smem:$0x3F93];
	_ =	swait.ge [sflag:s4], $0x0  }
0x19: {  	s7 =	sld [smem:$0x3F94]  }
0x1a: {  	s8 =	sadd.s32 $0xFFFFE003, lr  }
0x1b: {  	s9 =	sadd.s32 $0xFFFFFEF7, lr;
	s5 =	simm.s32 $0xFFFFFFFF;
	p2 =	slt.u32 s8, $0xFFFFF086  }
0x1c: {  	p1 =	slt.u32 s9, $0xF7A;
	s5 =	simm.s32 @!p2 $0x0  }
0x1d: {  	s5 =	simm.s32 @p1 $0x1;
	p0 =	seq.s32 s7, s2  }
0x1e: {  	s7 =	smul.u32 @!p0 $0xF7A, s2;
	p2 =	seq.s32 @!p0 s5, $0x0  }
0x1f: {  	s9 =	smul.u32 $0xF7A, s1;
	s8 =	simm.s32 @!p0 $0x1BF5;
	p2 =	por !p2, p0  }
0x20: {  	[sflag:s8] =	ssyncset.s32 @!p0 $0xFFFFF086;
	s6 =	sadd.s32 @!p0 s3, s7;
	s7 =	simm.s32 @!p0 $0x108  }
0x21: {  	s3 =	sadd.s32 s3, s9;
	s6 =	sadd.s32 @!p0 $0x88, s6;
	s7 =	simm.s32 @p2 $0x1082  }
0x22: {  	[simem:s7], [sflag:s8] =	dma.local @!p0 [hbm:s6], $0xF7A  }
0x23: {  	s9 =	sor.u32 $0xD0000000, s2;
	s6 =	simm.s32 $0x108;
	_ =	swait.ge @!p0 [sflag:s8], $0x0  }
0x24: {  	s3 =	sadd.s32 $0x88, s3;
	s6 =	simm.s32 @!p1 $0x1082;
	[sflag:s4] =	ssyncset.s32 $0xFFFFF086  }
0x25: {  	[simem:s6], [sflag:s4] =	dma.local [hbm:s3], $0xF7A  }
0x26: {  	[smem:$0x3F94] =	sst s1;
	(tag) =	ssettag s2;
	_ =	strace s9  }
0x27: {  	s1 =	sld [smem:$0x3FA4]  }
0x28: {  	s2 =	sld [smem:$0x3FA5]  }
0x29: {  	s4 =	sld [smem:$0x3FA7]  }
0x2a: {  	p0 =	seq.s32 s5, $0x0;
	s5 =	sld [smem:$0x3FA8]  }
0x2b: {  	s6 =	sld [smem:$0x3FA9]  }
0x2c: {  	s7 =	sld [smem:$0x3FAA]  }
0x2d: {  	s3 =	simm.s32 $0x108;
	s8 =	sld [smem:$0x3FAB]  }
0x2e: {  	s3 =	simm.s32 @!p0 $0x1082;
	s9 =	sld [smem:$0x3FAC]  }
0x2f: {  	lr =	sadd.s32 s0, s3;
	s0 =	sld [smem:$0x3FA3]  }
0x30: {  	s3 =	sld [smem:$0x3FA6]  }
0x31: {  	[smem:$0x3FAF] =	sst s10  }
0x32: {  	s10 =	sld [smem:$0x3FAD];
	_ =	sdelay $0x3  }
0x33: {  	p0 =	seq.s32 s10, $0x1;
	s10 =	sld [smem:$0x3FAF];
	_ =	sdelay $0x3  }
0x34: {  	[smem:$0x3FAF] =	sst s10  }
0x35: {  	s10 =	sld [smem:$0x3FAE];
	_ =	sdelay $0x3  }
0x36: {  	p1 =	seq.s32 s10, $0x1;
	s10 =	sld [smem:$0x3FAF];
	_ =	sdelay $0x3  }
0x37: {  	[smem:$0x3FAF] =	sst s10  }
0x38: {  	s10 =	sld [smem:$0x3FB0]  }
0x39: {  	_ = 	snop;
	(pc) =	sbr.ind lr, $3  }
0x3a: {  	_ = 	snop  }
0x3b: {  	_ = 	snop  }
0x3c: {  	p2 =	seq.s32 s10, $0x1;
	s10 =	sld [smem:$0x3FAF]  }
0x3d: {  	_ =	shalt  }
0x3e: {  	_ =	shalt  }
0x3f: {  	_ =	shalt  }
0x40: {  	_ =	shalt  }
0x41: {  	_ =	shalt  }
0x42: {  	_ =	shalt  }
0x43: {  	_ =	shalt  }
0x44: {  	_ =	shalt  }
0x45: {  	_ =	shalt  }
0x46: {  	_ =	shalt  }
0x47: {  	_ =	shalt  }
0x48: {  	_ =	shalt  }
0x49: {  	_ =	shalt  }
0x4a: {  	_ =	shalt  }
0x4b: {  	_ =	shalt  }
0x4c: {  	_ =	shalt  }
0x4d: {  	_ =	shalt  }
0x4e: {  	_ =	shalt  }
0x4f: {  	_ =	shalt  }
0x50: {  	_ =	shalt  }
0x51: {  	_ =	shalt  }
0x52: {  	_ =	shalt  }
0x53: {  	_ =	shalt  }
0x54: {  	_ =	shalt  }
0x55: {  	_ =	shalt  }
0x56: {  	_ =	shalt  }
0x57: {  	_ =	shalt  }
0x58: {  	_ =	shalt  }
0x59: {  	_ =	shalt  }
0x5a: {  	_ =	shalt  }
0x5b: {  	_ =	shalt  }
0x5c: {  	_ =	shalt  }
0x5d: {  	_ =	shalt  }
0x5e: {  	_ =	shalt  }
0x5f: {  	_ =	shalt  }
0x60: {  	_ =	shalt  }
0x61: {  	_ =	shalt  }
0x62: {  	_ =	shalt  }
0x63: {  	_ =	shalt  }
0x64: {  	_ =	shalt  }
0x65: {  	_ =	shalt  }
0x66: {  	_ =	shalt  }
0x67: {  	_ =	shalt  }
0x68: {  	_ =	shalt  }
0x69: {  	_ =	shalt  }
0x6a: {  	_ =	shalt  }
0x6b: {  	_ =	shalt  }
0x6c: {  	_ =	shalt  }
0x6d: {  	_ =	shalt  }
0x6e: {  	_ =	shalt  }
0x6f: {  	_ =	shalt  }
0x70: {  	_ =	shalt  }
0x71: {  	_ =	shalt  }
0x72: {  	_ =	shalt  }
0x73: {  	_ =	shalt  }
0x74: {  	_ =	shalt  }
0x75: {  	_ =	shalt  }
0x76: {  	_ =	shalt  }
0x77: {  	_ =	shalt  }
0x78: {  	_ =	shalt  }
0x79: {  	_ =	shalt  }
0x7a: {  	_ =	shalt  }
0x7b: {  	_ =	shalt  }
0x7c: {  	_ =	shalt  }
0x7d: {  	_ =	shalt  }
0x7e: {  	_ =	shalt  }
0x7f: {  	_ =	shalt  }
0x80: {  	_ =	shalt  }
0x81: {  	_ =	shalt  }
0x82: {  	_ =	shalt  }
0x83: {  	_ =	shalt  }
0x84: {  	_ =	shalt  }
0x85: {  	_ =	shalt  }
0x86: {  	_ =	shalt  }
0x87: {  	_ =	shalt  }
.Lfunc_end0:
.L_simem_size_0:
called_computation.5_lowered:
.L_overlay_start_0:
0x88: {  	s2 =	sld [smem:$0x3FD9]  }
0x89: {  	s3 =	sld [smem:$0x3FFE];
	_ =	sdelay $0x1  }
0x8a: {  	s1 =	srdreg.scid  }
0x8b: {  	s0 =	sand.u32 $0x1, s1  }
0x8c: {  	s16 =	sshll.u32 s0, $0xA;
	s2 =	sadd.s32 s3, s2  }
0x8d: {  	s2 =	sadd.s32 s2, s16  }
0x8e: {  	[smem:$0x3FBB] =	sst s2  }
0x8f: {  	_ = 	snop  }
0x90: {  	(tm) =	ssettm $0x1  }
0x91: {  	s17 =	sld [smem:$0x3FFB];
	_ =	sdelay $0x3  }
0x92: {  	_ =	strace s17  }
0x93: {  	s2 =	sld [smem:$0x3FFC];
	_ =	sdelay $0x3  }
0x94: {  	_ =	strace s2  }
0x95: {  	s2 =	sld [smem:$0x3FFD];
	_ =	sdelay $0x3  }
0x96: {  	_ =	strace s2  }
0x97: {  	_ =	strace $0x8FFFFFFF  }
0x98: {  	s18 =	sld [smem:$0x3FDB];
	_ =	sdelay $0x1  }
0x99: {  	s19 =	simm.s32 $_scs_section_size  }
0x9a: {  	s4 =	simm.s32 $_size__tile_overlayer_lowered;
	s5 =	simm.s32 $_tile_overlayer_lowered  }
0x9b: {  	s22 =	simm.s32 $0x1BFF;
	s21 =	sshll.u32 s5, $0x1;
	s2 =	sadd.s32 s19, s18  }
0x9c: {  	s6 =	simm.s32 $0x0;
	s20 =	sshll.u32 s4, $0x1;
	s4 =	sadd.s32 s21, s2  }
0x9d: {  	[timem:s6], [sflag:s22] =	dma.local [hbm:s4], s20  }
0x9e: {  	_ =	swait.ge [sflag:s22], s20  }
0x9f: {  	s3 =	ssub.s32 $0x0, s20;
	[sflag:s22] =	ssyncset.done $0x0  }
0xa0: {  	[sflag:s22] =	ssyncadd.s32 s3;
	_ =	sdelay $0x1  }
0xa1: {  	s23 =	simm.s32 $0x1B8B  }
0xa2: {  	_ =	swait.ge [sflag:s23], $0x1  }
0xa3: {  	[sflag:s23] =	ssyncset.done $0x0  }
0xa4: {  	s25 =	simm.s32 $0x1B8E;
	s24 =	sld [smem:$0x3FFE];
	[sflag:s23] =	ssyncadd.s32 $0xFFFFFFFF  }
0xa5: {  	s26 =	simm.s32 $execute0_lowered;
	[smem:$0x3FD2] =	sst s25  }
0xa6: {  	s4 =	sshll.u32 s26, $0x1;
	_ =	strace $0x80000055;
	[dreg:$0x1] =	wrdreg $0xFFFFFFFF  }
0xa7: {  	s28 =	simm.s32 $_size_execute0_lowered;
	s2 =	sadd.s32 s2, s4;
	[dreg:$0x0] =	wrdreg $0x0  }
0xa8: {  	s4 =	sshll.u32 s28, $0x1;
	[dreg:$0x2] =	wrdreg s2  }
0xa9: {  	[dreg:$0x3] =	wrdreg s4  }
0xaa: {  	[dreg:$0x4] =	wrdreg $0xC0  }
0xab: {  	_ =	task [dreg:s6], $0x5FFFF  }
0xac: {  	[dreg:$0x1] =	wrdreg $0xFFFFFFFF  }
0xad: {  	[dreg:$0x0] =	wrdreg $0x60  }
0xae: {  	[dreg:$0x2] =	wrdreg s24  }
0xaf: {  	[dreg:$0x3] =	wrdreg $0xB400  }
0xb0: {  	[dreg:$0x4] =	wrdreg $0x9  }
0xb1: {  	_ =	task.clear_ibuf [dreg:s6], $0x5FFFF;
	_ =	strace $0x90000055  }
0xb2: {  	s29 =	simm.s32 $0x9;
	_ =	strace $0x80000057  }
0xb3: {  	_ =	swait.ge [sflag:s29], $0x1  }
0xb4: {  	[sflag:s29] =	ssyncadd.s32 $0xFFFFFFFF  }
0xb5: {  	_ =	strace $0x90000057  }
0xb6: {  	_ =	sfence  }
0xb7: {  	s30 =	sld [smem:$0x0];
	_ =	sdelay $0x2  }
0xb8: {  	s31 =	sshll.u32 s1, $0xD;
	s1 =	sshrl.u32 s1, $0x2  }
0xb9: {  	s3 =	sand.u32 $0x4000, s31;
	s1 =	sadd.s32 s1, s30  }
0xba: {  	s0 =	sor.u32 s3, s0;
	s1 =	sshll.u32 s1, $0x11  }
0xbb: {  	s0 =	sor.u32 s1, s0  }
0xbc: {  	s0 =	sadd.s32 $0x8F2B, s0  }
0xbd: {  	[sflag:s0] =	ssyncadd.remote.s32 $0x1  }
0xbe: {  	_ =	sfence.sel $0xFFFF  }
0xbf: {  	[dreg:$0x0] =	wrdreg $0xFFFFFFFF;
	(pc) =	sbr.abs _section_cstart, $3  }
0xc0: {  	[dreg:$0x1] =	wrdreg $0xFFFFFFFF  }
0xc1: {  	_ =	task.clear_ibuf [dreg:s6], $0x2FFFF;
	_ =	strace $0x9FFFFFFF  }
0xc2: {  	(tm) =	ssettm $0x7FFFFFFF  }
0xc3: {  	_ =	shalt  }
tec
execute0_lowered:
.L_overlay_start_1:
0x0: {  	(tag) =	ssettag $0x1  }
0x1: {  	s0 =	rddreg [dreg:$0x0]  }
0x2: {  	s2 =	rddreg [dreg:$0x1];
	s3 =	simm.s32 $0x0  }
0x3: {  	s1 =	srdreg.scid;
	s7 =	stileid.u32;
	s19 =	simm.s32 $0x5  }
0x4: {  	s28 =	simm.s32 $0x4;
	s29 =	simm.s32 $0x640;
	s30 =	simm.s32 $0x0  }
0x5: {  	[smem:$0x7FF] =	sst s3;
	s1 =	sand.u32 $0x1, s1;
	s8 =	smul.u32 $0x280, s7  }
0x6: {  	s4 =	sadd.s32 $0x28E00, s0;
	s5 =	sadd.s32 $0x3C800, s0;
	s11 =	smul.u32 $0x5000, s7  }
0x7: {  	s6 =	sadd.s32 $0x27800, s0;
	s10 =	sadd.s32 $0x2B600, s0;
	s24 =	smul.u32 $0x780, s7  }
0x8: {  	s20 =	sshll.u32 s7, $0x1;
	s25 =	sshll.u32 s7, $0x6;
	s9 =	smul.u32 $0x2800, s1  }
0x9: {  	_ =	strace $0x80000056;
	[dreg:$0x3] =	wrdreg s10;
	s21 =	ssub.s32 $0x2, s1  }
0xa: {  	s22 =	sshrl.u32 s21, $0x1;
	s23 =	sshrl.u32 s11, $0x2;
	s8 =	sadd.s32 s8, s9  }
0xb: {  	s9 =	sor.u32 s1, s20;
	s14 =	ssub.s32 s21, s22;
	s1 =	smul.u32 $0x3C0, s1  }
0xc: {  	s18 =	sadd.s32 s23, s2;
	s20 =	simm.s32 $0xA0;
	s21 =	simm.s32 $0x50  }
0xd: {  	s22 =	simm.s32 $0xF0;
	s23 =	simm.s32 $0x1;
	s0 =	sadd.s32 s8, s0  }
0xe: {  	s9 =	smul.u32 $0x3C0, s9;
	s8 =	sor.u32 $0x1C05, s25;
	s14 =	smax.u32 s14, $0x1  }
0xf: {  	s18 =	sshrl.u32 s18, $0x3;
	s25 =	simm.s32 $0x140;
	s1 =	sadd.s32 s1, s24  }
0x10: {  	s13 =	sadd.s32 $0x2BA00, s0;
	s24 =	simm.s32 $0x3;
	s12 =	sshrl.u32 s9, $0x3  }
0x11: {  	s15 =	sadd.s32 $0xF0, s1;
	s17 =	sadd.s32 $0xA0, s1;
	s26 =	sadd.s32 s5, s12  }
0x12: {  	s10 =	sadd.s32 s6, s12;
	s12 =	sadd.s32 $0xA, s12;
	s31 =	sshrl.u32 s15, $0x3  }
0x13: {  	[dreg:$0x4] =	wrdreg s26;
	s11 =	sadd.s32 s5, s12;
	s12 =	sadd.s32 s6, s12  }
0x14: {  	s15 =	sadd.s32 s31, s6;
	s16 =	sadd.s32 s31, s5;
	s26 =	simm.s32 $0x2  }
.LBB2_1:
0x15: {  	s0 =	rddreg [dreg:$0x3]  }
0x16: {  	[spmem:s18], [sflag:s8] =	dma.local [hbm:s0], $0x280  }
0x17: {  	_ =	swait.ge [sflag:s19], $0x280  }
0x18: {  	[sflag:s19] =	ssyncset.done $0x0  }
0x19: {  	[sflag:s19] =	ssyncadd.s32 $0xFFFFFD80  }
0x1a: {  	[bflag:$0x0] =	sbarrier.arrive $0xFFFF  }
0x1b: {  	s1 =	rddreg [dreg:$0x4]  }
0x1c: {  	[tilespmem:s3], [sflag:$0x1] =	stream.linear.gather [hbm4b:s1+s3], $0x50, $0x38;
	[tilespmem:$0x1F40] =	vst v63  }
0x1d: {  	_ = 	snop  }
0x1e: {  	[tilespmem:s20], [sflag:$0x3] =	stream.linear.gather [hbm4b:s10+s3], $0x50, $0x38;
	[tilespmem:$0x1F40] =	vst v63  }
0x1f: {  	_ = 	snop  }
0x20: {  	[tilespmem:s21], [sflag:$0x2] =	stream.linear.gather [hbm4b:s11+s3], $0x50, $0x38;
	[tilespmem:$0x1F40] =	vst v63  }
0x21: {  	_ = 	snop  }
0x22: {  	[tilespmem:s22], [sflag:$0x4] =	stream.linear.gather [hbm4b:s12+s3], $0x50, $0x38;
	[tilespmem:$0x1F40] =	vst v63  }
0x23: {  	_ =	swait.ge [sflag:s23], $0x50  }
0x24: {  	[sflag:s23] =	ssyncset.done $0x0  }
0x25: {  	[sflag:s23] =	ssyncadd.s32 $0xFFFFFFB0  }
0x26: {  	_ =	swait.ge [sflag:s24], $0x50  }
0x27: {  	[sflag:s24] =	ssyncset.done $0x0  }
0x28: {  	[sflag:s24] =	ssyncadd.s32 $0xFFFFFFB0  }
0x29: {  	[tilespmem:s25], [sflag:$0x5] =	stream.indirect.gather [hbm4b:s4+s21], $0x10, s3, s21, $0xb8;
	[tilespmem:$0x1F40] =	vst v63  }
0x2a: {  	_ =	swait.ge [sflag:s19], $0x500  }
0x2b: {  	[sflag:s19] =	ssyncset.done $0x0  }
0x2c: {  	[sflag:s19] =	ssyncadd.s32 $0xFFFFFB00  }
0x2d: {  	[spmem:s2] =	stream.indirect.scatter.add.f32 [tilespmem:s25], [sflag:$0x5], $0x10, s20, s21, $0xb8;
	[tilespmem:$0x1F40] =	vst v63  }
0x2e: {  	_ =	swait.ge [sflag:s19], $0x500  }
0x2f: {  	s7 =	sshrl.u32 s17, $0x3;
	[sflag:s19] =	ssyncset.done $0x0  }
0x30: {  	s1 =	sadd.s32 s5, s7;
	[sflag:s19] =	ssyncadd.s32 $0xFFFFFB00  }
0x31: {  	[tilespmem:s3], [sflag:$0x1] =	stream.linear.gather [hbm4b:s1+s3], $0x50, $0x38;
	[tilespmem:$0x1F40] =	vst v63  }
0x32: {  	s0 =	sadd.s32 s6, s7  }
0x33: {  	[tilespmem:s20], [sflag:$0x3] =	stream.linear.gather [hbm4b:s0+s3], $0x50, $0x38;
	[tilespmem:$0x1F40] =	vst v63  }
0x34: {  	_ =	swait.ge [sflag:s26], $0x50  }
0x35: {  	[sflag:s26] =	ssyncset.done $0x0  }
0x36: {  	[sflag:s26] =	ssyncadd.s32 $0xFFFFFFB0  }
0x37: {  	_ =	swait.ge [sflag:s28], $0x50  }
0x38: {  	[sflag:s28] =	ssyncset.done $0x0  }
0x39: {  	[sflag:s28] =	ssyncadd.s32 $0xFFFFFFB0  }
0x3a: {  	[tilespmem:s29], [sflag:$0x5] =	stream.indirect.gather [hbm4b:s4+s21], $0x10, s21, s21, $0xb8;
	[tilespmem:$0x1F40] =	vst v63  }
0x3b: {  	_ =	swait.ge [sflag:s19], $0x500  }
0x3c: {  	[sflag:s19] =	ssyncset.done $0x0  }
0x3d: {  	[sflag:s19] =	ssyncadd.s32 $0xFFFFFB00  }
0x3e: {  	[spmem:s2] =	stream.indirect.scatter.add.f32 [tilespmem:s29], [sflag:$0x5], $0x10, s22, s21, $0xb8;
	[tilespmem:$0x1F40] =	vst v63  }
0x3f: {  	_ =	swait.ge [sflag:s19], $0x500  }
0x40: {  	s9 =	sadd.s32 $0x0, s16;
	s31 =	simm.s32 $0x14;
	[sflag:s19] =	ssyncset.done $0x0  }
0x41: {  	s1 =	sadd.s32 $0x0, s15;
	s0 =	sadd.s32 $0xA0, s17;
	[sflag:s19] =	ssyncadd.s32 $0xFFFFFB00  }
0x42: {  	[tilespmem:s21], [sflag:$0x2] =	stream.linear.gather [hbm4b:s9+s3], $0x50, $0x38;
	[tilespmem:$0x1F40] =	vst v63  }
.LBB2_2:
0x43: {  	[tilespmem:s22], [sflag:$0x4] =	stream.linear.gather [hbm4b:s1+s3], $0x50, $0x38;
	[tilespmem:$0x1F40] =	vst v63  }
0x44: {  	s1 =	smov.u32 s31  }
0x45: {  	p0 =	sne.s32 s31, $0x50;
	s31 =	sadd.s32 $0x14, s31;
	_ =	swait.ge [sflag:s23], $0x50  }
0x46: {  	[sflag:s23] =	ssyncset.done $0x0  }
0x47: {  	[sflag:s23] =	ssyncadd.s32 $0xFFFFFFB0  }
0x48: {  	_ =	swait.ge [sflag:s24], $0x50  }
0x49: {  	[sflag:s24] =	ssyncset.done $0x0  }
0x4a: {  	[sflag:s24] =	ssyncadd.s32 $0xFFFFFFB0  }
0x4b: {  	[tilespmem:s25], [sflag:$0x5] =	stream.indirect.gather [hbm4b:s4+s21], $0x10, s3, s21, $0xb8;
	[tilespmem:$0x1F40] =	vst v63  }
0x4c: {  	_ =	swait.ge [sflag:s19], $0x500  }
0x4d: {  	[sflag:s19] =	ssyncset.done $0x0  }
0x4e: {  	[sflag:s19] =	ssyncadd.s32 $0xFFFFFB00  }
0x4f: {  	[spmem:s2] =	stream.indirect.scatter.add.f32 [tilespmem:s25], [sflag:$0x5], $0x10, s20, s21, $0xb8;
	[tilespmem:$0x1F40] =	vst v63  }
0x50: {  	_ =	swait.ge [sflag:s19], $0x500  }
0x51: {  	s7 =	sshrl.u32 s0, $0x3;
	[sflag:s19] =	ssyncset.done $0x0  }
0x52: {  	s9 =	sadd.s32 s5, s7;
	[sflag:s19] =	ssyncadd.s32 $0xFFFFFB00  }
0x53: {  	[tilespmem:s3], [sflag:$0x1] =	stream.linear.gather [hbm4b:s9+s3], $0x50, $0x38;
	[tilespmem:$0x1F40] =	vst v63  }
0x54: {  	s7 =	sadd.s32 s6, s7  }
0x55: {  	[tilespmem:s20], [sflag:$0x3] =	stream.linear.gather [hbm4b:s7+s3], $0x50, $0x38;
	[tilespmem:$0x1F40] =	vst v63  }
0x56: {  	_ =	swait.ge [sflag:s26], $0x50  }
0x57: {  	[sflag:s26] =	ssyncset.done $0x0  }
0x58: {  	[sflag:s26] =	ssyncadd.s32 $0xFFFFFFB0  }
0x59: {  	_ =	swait.ge [sflag:s28], $0x50  }
0x5a: {  	[sflag:s28] =	ssyncset.done $0x0  }
0x5b: {  	[sflag:s28] =	ssyncadd.s32 $0xFFFFFFB0  }
0x5c: {  	[tilespmem:s29], [sflag:$0x5] =	stream.indirect.gather [hbm4b:s4+s21], $0x10, s21, s21, $0xb8;
	[tilespmem:$0x1F40] =	vst v63  }
0x5d: {  	_ =	swait.ge [sflag:s19], $0x500  }
0x5e: {  	[sflag:s19] =	ssyncset.done $0x0  }
0x5f: {  	[sflag:s19] =	ssyncadd.s32 $0xFFFFFB00  }
0x60: {  	[spmem:s2] =	stream.indirect.scatter.add.f32 [tilespmem:s29], [sflag:$0x5], $0x10, s22, s21, $0xb8;
	[tilespmem:$0x1F40] =	vst v63  }
.Ltmp0:
0x61: {  	_ =	swait.ge [sflag:s19], $0x500;
	(pc) =	sbr.rel @p0 .LBB2_2-.Ltmp0, $4  }
0x62: {  	[sflag:s19] =	ssyncset.done $0x0  }
0x63: {  	s7 =	sadd.s32 s1, s16;
	[sflag:s19] =	ssyncadd.s32 $0xFFFFFB00  }
0x64: {  	[tilespmem:s21], [sflag:$0x2] =	stream.linear.gather [hbm4b:s7+s3], $0x50, $0x38;
	[tilespmem:$0x1F40] =	vst v63  }
0x65: {  	s0 =	sadd.s32 $0xA0, s0;
	s1 =	sadd.s32 s1, s15  }
0x66: {  	[tilespmem:s22], [sflag:$0x4] =	stream.linear.gather [hbm4b:s1+s3], $0x50, $0x38;
	[tilespmem:$0x1F40] =	vst v63  }
0x67: {  	_ =	swait.ge [sflag:s23], $0x50  }
0x68: {  	[sflag:s23] =	ssyncset.done $0x0  }
0x69: {  	[sflag:s23] =	ssyncadd.s32 $0xFFFFFFB0  }
0x6a: {  	_ =	swait.ge [sflag:s24], $0x50  }
0x6b: {  	[sflag:s24] =	ssyncset.done $0x0  }
0x6c: {  	[sflag:s24] =	ssyncadd.s32 $0xFFFFFFB0  }
0x6d: {  	[tilespmem:s25], [sflag:$0x5] =	stream.indirect.gather [hbm4b:s4+s21], $0x10, s3, s21, $0xb8;
	[tilespmem:$0x1F40] =	vst v63  }
0x6e: {  	_ =	swait.ge [sflag:s19], $0x500  }
0x6f: {  	[sflag:s19] =	ssyncset.done $0x0  }
0x70: {  	[sflag:s19] =	ssyncadd.s32 $0xFFFFFB00  }
0x71: {  	[spmem:s2] =	stream.indirect.scatter.add.f32 [tilespmem:s25], [sflag:$0x5], $0x10, s20, s21, $0xb8;
	[tilespmem:$0x1F40] =	vst v63  }
0x72: {  	_ =	swait.ge [sflag:s19], $0x500  }
0x73: {  	[sflag:s19] =	ssyncset.done $0x0  }
0x74: {  	[sflag:s19] =	ssyncadd.s32 $0xFFFFFB00  }
0x75: {  	_ =	swait.ge [sflag:s26], $0x50  }
0x76: {  	[sflag:s26] =	ssyncset.done $0x0  }
0x77: {  	[sflag:s26] =	ssyncadd.s32 $0xFFFFFFB0  }
0x78: {  	_ =	swait.ge [sflag:s28], $0x50  }
0x79: {  	[sflag:s28] =	ssyncset.done $0x0  }
0x7a: {  	[sflag:s28] =	ssyncadd.s32 $0xFFFFFFB0  }
0x7b: {  	[tilespmem:s29], [sflag:$0x5] =	stream.indirect.gather [hbm4b:s4+s21], $0x10, s21, s21, $0xb8;
	[tilespmem:$0x1F40] =	vst v63  }
0x7c: {  	_ =	swait.ge [sflag:s19], $0x500  }
0x7d: {  	[sflag:s19] =	ssyncset.done $0x0  }
0x7e: {  	[sflag:s19] =	ssyncadd.s32 $0xFFFFFB00  }
0x7f: {  	[spmem:s2] =	stream.indirect.scatter.add.f32 [tilespmem:s29], [sflag:$0x5], $0x10, s22, s21, $0xb8;
	[tilespmem:$0x1F40] =	vst v63  }
0x80: {  	_ =	swait.ge [sflag:s19], $0x500  }
0x81: {  	s30 =	sadd.s32 $0x1, s30;
	[sflag:s19] =	ssyncset.done $0x0  }
0x82: {  	p0 =	sne.s32 s30, s14;
	[sflag:s19] =	ssyncadd.s32 $0xFFFFFB00  }
.Ltmp1:
0x83: {  	[bflag:$0x0] =	sbarrier.arrive $0xFFFF;
	(pc) =	sbr.rel @p0 .LBB2_1-.Ltmp1, $4  }
0x84: {  	[hbm:s13], [sflag:s8] =	dma.local [spmem:s18], $0x280  }
0x85: {  	_ =	swait.ge [sflag:s19], $0x280  }
0x86: {  	[sflag:s19] =	ssyncset.done $0x0  }
0x87: {  	[sflag:s19] =	ssyncadd.s32 $0xFFFFFD80  }
0x88: {  	_ =	sfence.sel $0x180000  }
0x89: {  	[bflag:$0x0] =	sbarrier.arrive $0xFFFF  }
0x8a: {  	_ =	strace $0x90000056  }
0x8b: {  	s0 =	stileid.u32;
	[bflag:$0x2] =	sbarrier.arrive $0xFFFF  }
0x8c: {  	p0 =	sne.s32 s0, $0x0;
	s0 =	rddreg [dreg:$0x2]  }
0x8d: {  	s0 =	sadd.s32 @!p0 $0x100000, s0  }
0x8e: {  	[sflag:s0] =	ssyncadd.tile.s32 @!p0 $0x1;
	_ =	shalt  }
.Lfunc_end2:
_tile_overlayer_lowered:
.L_overlay_start_2:
0x8f: {  	(tag) =	ssettag $0x2  }
0x90: {  	s0 =	rddreg [dreg:$0x0];
	s2 =	stileid.u32  }
0x91: {  	s1 =	rddreg [dreg:$0x1];
	p0 =	sne.s32 s2, $0x0  }
0x92: {  	s3 =	rddreg [dreg:$0x2];
	[bflag:$0x3] =	sbarrier.arrive $0xFFFF;
	s2 =	simm.s32 @!p0 $0x1C05  }
0x93: {  	[timem:s3], [sflag:s2] =	dma.local @!p0 [hbm:s0], s1  }
0x94: {  	s0 =	simm.s32 @!p0 $0x5  }
0x95: {  	_ =	swait.ge @!p0 [sflag:s0], s1  }
0x96: {  	s1 =	ssub.s32 @!p0 $0x0, s1;
	[sflag:s0] =	ssyncset.done @!p0 $0x0  }
0x97: {  	[sflag:s0] =	ssyncadd.s32 @!p0 s1  }
0x98: {  	[bflag:$0x3] =	sbarrier.arrive $0xFFFF  }
0x99: {  	_ =	shalt  }

// kernel: kernel.23.cloned.1.call-start
scs
__scs_entry_jumppad:
0x0: {  	(pc) =	sbr.rel $0x88, $3  }
0x1: {  	(tag) =	ssettag $0x0;
	lr =	simm.s32 $0x1  }
0x2: {  	[smem:$0x3F94] =	sst lr;
	_ =	strace $0xD0000000  }
0x3: {  	_ = 	snop  }
0x4: {  	_ = 	snop  }
0x5: {  	_ = 	snop  }
0x6: {  	_ = 	snop  }
0x7: {  	_ = 	snop  }
__scs_overlays_trampoline_lowered:
0x8: {  	[smem:$0x3FA3] =	sst s0  }
0x9: {  	[smem:$0x3FA4] =	sst s1  }
0xa: {  	[smem:$0x3FA5] =	sst s2  }
0xb: {  	[smem:$0x3FA6] =	sst s3  }
0xc: {  	[smem:$0x3FA7] =	sst s4  }
0xd: {  	[smem:$0x3FA8] =	sst s5  }
0xe: {  	[smem:$0x3FA9] =	sst s6  }
0xf: {  	[smem:$0x3FAA] =	sst s7  }
0x10: {  	[smem:$0x3FAB] =	sst s8  }
0x11: {  	[smem:$0x3FAC] =	sst s9;
	s0 =	simm.s32 @!p0 $0x0  }
0x12: {  	s1 =	sld [smem:$0x3F92];
	s0 =	simm.s32 @p0 $0x1  }
0x13: {  	[smem:$0x3FAD] =	sst s0;
	s0 =	simm.s32 @!p1 $0x0  }
0x14: {  	s2 =	sld [smem:$0x3F91];
	s0 =	simm.s32 @p1 $0x1  }
0x15: {  	[smem:$0x3FAE] =	sst s0;
	s0 =	simm.s32 @!p2 $0x0  }
0x16: {  	s3 =	sld [smem:$0x3FDB];
	s0 =	simm.s32 @p2 $0x1  }
0x17: {  	s4 =	simm.s32 $0x1BF5;
	[smem:$0x3FB0] =	sst s0  }
0x18: {  	s0 =	sld [smem:$0x3F93];
	_ =	swait.ge [sflag:s4], $0x0  }
0x19: {  	s7 =	sld [smem:$0x3F94]  }
0x1a: {  	s8 =	sadd.s32 $0xFFFFE003, lr  }
0x1b: {  	s9 =	sadd.s32 $0xFFFFFEF7, lr;
	s5 =	simm.s32 $0xFFFFFFFF;
	p2 =	slt.u32 s8, $0xFFFFF086  }
0x1c: {  	p1 =	slt.u32 s9, $0xF7A;
	s5 =	simm.s32 @!p2 $0x0  }
0x1d: {  	s5 =	simm.s32 @p1 $0x1;
	p0 =	seq.s32 s7, s2  }
0x1e: {  	s7 =	smul.u32 @!p0 $0xF7A, s2;
	p2 =	seq.s32 @!p0 s5, $0x0  }
0x1f: {  	s9 =	smul.u32 $0xF7A, s1;
	s8 =	simm.s32 @!p0 $0x1BF5;
	p2 =	por !p2, p0  }
0x20: {  	[sflag:s8] =	ssyncset.s32 @!p0 $0xFFFFF086;
	s6 =	sadd.s32 @!p0 s3, s7;
	s7 =	simm.s32 @!p0 $0x108  }
0x21: {  	s3 =	sadd.s32 s3, s9;
	s6 =	sadd.s32 @!p0 $0x88, s6;
	s7 =	simm.s32 @p2 $0x1082  }
0x22: {  	[simem:s7], [sflag:s8] =	dma.local @!p0 [hbm:s6], $0xF7A  }
0x23: {  	s9 =	sor.u32 $0xD0000000, s2;
	s6 =	simm.s32 $0x108;
	_ =	swait.ge @!p0 [sflag:s8], $0x0  }
0x24: {  	s3 =	sadd.s32 $0x88, s3;
	s6 =	simm.s32 @!p1 $0x1082;
	[sflag:s4] =	ssyncset.s32 $0xFFFFF086  }
0x25: {  	[simem:s6], [sflag:s4] =	dma.local [hbm:s3], $0xF7A  }
0x26: {  	[smem:$0x3F94] =	sst s1;
	(tag) =	ssettag s2;
	_ =	strace s9  }
0x27: {  	s1 =	sld [smem:$0x3FA4]  }
0x28: {  	s2 =	sld [smem:$0x3FA5]  }
0x29: {  	s4 =	sld [smem:$0x3FA7]  }
0x2a: {  	p0 =	seq.s32 s5, $0x0;
	s5 =	sld [smem:$0x3FA8]  }
0x2b: {  	s6 =	sld [smem:$0x3FA9]  }
0x2c: {  	s7 =	sld [smem:$0x3FAA]  }
0x2d: {  	s3 =	simm.s32 $0x108;
	s8 =	sld [smem:$0x3FAB]  }
0x2e: {  	s3 =	simm.s32 @!p0 $0x1082;
	s9 =	sld [smem:$0x3FAC]  }
0x2f: {  	lr =	sadd.s32 s0, s3;
	s0 =	sld [smem:$0x3FA3]  }
0x30: {  	s3 =	sld [smem:$0x3FA6]  }
0x31: {  	[smem:$0x3FAF] =	sst s10  }
0x32: {  	s10 =	sld [smem:$0x3FAD];
	_ =	sdelay $0x3  }
0x33: {  	p0 =	seq.s32 s10, $0x1;
	s10 =	sld [smem:$0x3FAF];
	_ =	sdelay $0x3  }
0x34: {  	[smem:$0x3FAF] =	sst s10  }
0x35: {  	s10 =	sld [smem:$0x3FAE];
	_ =	sdelay $0x3  }
0x36: {  	p1 =	seq.s32 s10, $0x1;
	s10 =	sld [smem:$0x3FAF];
	_ =	sdelay $0x3  }
0x37: {  	[smem:$0x3FAF] =	sst s10  }
0x38: {  	s10 =	sld [smem:$0x3FB0]  }
0x39: {  	_ = 	snop;
	(pc) =	sbr.ind lr, $3  }
0x3a: {  	_ = 	snop  }
0x3b: {  	_ = 	snop  }
0x3c: {  	p2 =	seq.s32 s10, $0x1;
	s10 =	sld [smem:$0x3FAF]  }
0x3d: {  	_ =	shalt  }
0x3e: {  	_ =	shalt  }
0x3f: {  	_ =	shalt  }
0x40: {  	_ =	shalt  }
0x41: {  	_ =	shalt  }
0x42: {  	_ =	shalt  }
0x43: {  	_ =	shalt  }
0x44: {  	_ =	shalt  }
0x45: {  	_ =	shalt  }
0x46: {  	_ =	shalt  }
0x47: {  	_ =	shalt  }
0x48: {  	_ =	shalt  }
0x49: {  	_ =	shalt  }
0x4a: {  	_ =	shalt  }
0x4b: {  	_ =	shalt  }
0x4c: {  	_ =	shalt  }
0x4d: {  	_ =	shalt  }
0x4e: {  	_ =	shalt  }
0x4f: {  	_ =	shalt  }
0x50: {  	_ =	shalt  }
0x51: {  	_ =	shalt  }
0x52: {  	_ =	shalt  }
0x53: {  	_ =	shalt  }
0x54: {  	_ =	shalt  }
0x55: {  	_ =	shalt  }
0x56: {  	_ =	shalt  }
0x57: {  	_ =	shalt  }
0x58: {  	_ =	shalt  }
0x59: {  	_ =	shalt  }
0x5a: {  	_ =	shalt  }
0x5b: {  	_ =	shalt  }
0x5c: {  	_ =	shalt  }
0x5d: {  	_ =	shalt  }
0x5e: {  	_ =	shalt  }
0x5f: {  	_ =	shalt  }
0x60: {  	_ =	shalt  }
0x61: {  	_ =	shalt  }
0x62: {  	_ =	shalt  }
0x63: {  	_ =	shalt  }
0x64: {  	_ =	shalt  }
0x65: {  	_ =	shalt  }
0x66: {  	_ =	shalt  }
0x67: {  	_ =	shalt  }
0x68: {  	_ =	shalt  }
0x69: {  	_ =	shalt  }
0x6a: {  	_ =	shalt  }
0x6b: {  	_ =	shalt  }
0x6c: {  	_ =	shalt  }
0x6d: {  	_ =	shalt  }
0x6e: {  	_ =	shalt  }
0x6f: {  	_ =	shalt  }
0x70: {  	_ =	shalt  }
0x71: {  	_ =	shalt  }
0x72: {  	_ =	shalt  }
0x73: {  	_ =	shalt  }
0x74: {  	_ =	shalt  }
0x75: {  	_ =	shalt  }
0x76: {  	_ =	shalt  }
0x77: {  	_ =	shalt  }
0x78: {  	_ =	shalt  }
0x79: {  	_ =	shalt  }
0x7a: {  	_ =	shalt  }
0x7b: {  	_ =	shalt  }
0x7c: {  	_ =	shalt  }
0x7d: {  	_ =	shalt  }
0x7e: {  	_ =	shalt  }
0x7f: {  	_ =	shalt  }
0x80: {  	_ =	shalt  }
0x81: {  	_ =	shalt  }
0x82: {  	_ =	shalt  }
0x83: {  	_ =	shalt  }
0x84: {  	_ =	shalt  }
0x85: {  	_ =	shalt  }
0x86: {  	_ =	shalt  }
0x87: {  	_ =	shalt  }
.Lfunc_end0:
.L_simem_size_0:
called_computation.6_lowered:
.L_overlay_start_0:
0x88: {  	s2 =	sld [smem:$0x3FD9]  }
0x89: {  	s3 =	sld [smem:$0x3FFE];
	_ =	sdelay $0x1  }
0x8a: {  	s1 =	srdreg.scid  }
0x8b: {  	s0 =	sand.u32 $0x1, s1  }
0x8c: {  	s16 =	sshll.u32 s0, $0xA;
	s2 =	sadd.s32 s3, s2  }
0x8d: {  	s2 =	sadd.s32 s2, s16  }
0x8e: {  	[smem:$0x3FBB] =	sst s2  }
0x8f: {  	_ = 	snop  }
0x90: {  	(tm) =	ssettm $0x1  }
0x91: {  	s17 =	sld [smem:$0x3FFB];
	_ =	sdelay $0x3  }
0x92: {  	_ =	strace s17  }
0x93: {  	s2 =	sld [smem:$0x3FFC];
	_ =	sdelay $0x3  }
0x94: {  	_ =	strace s2  }
0x95: {  	s2 =	sld [smem:$0x3FFD];
	_ =	sdelay $0x3  }
0x96: {  	_ =	strace s2  }
0x97: {  	_ =	strace $0x8FFFFFFF  }
0x98: {  	s18 =	sld [smem:$0x3FDB];
	_ =	sdelay $0x1  }
0x99: {  	s19 =	simm.s32 $_scs_section_size  }
0x9a: {  	s4 =	simm.s32 $_size__tile_overlayer_lowered;
	s5 =	simm.s32 $_tile_overlayer_lowered  }
0x9b: {  	s22 =	simm.s32 $0x1BFF;
	s21 =	sshll.u32 s5, $0x1;
	s2 =	sadd.s32 s19, s18  }
0x9c: {  	s6 =	simm.s32 $0x0;
	s20 =	sshll.u32 s4, $0x1;
	s4 =	sadd.s32 s21, s2  }
0x9d: {  	[timem:s6], [sflag:s22] =	dma.local [hbm:s4], s20  }
0x9e: {  	_ =	swait.ge [sflag:s22], s20  }
0x9f: {  	s3 =	ssub.s32 $0x0, s20;
	[sflag:s22] =	ssyncset.done $0x0  }
0xa0: {  	[sflag:s22] =	ssyncadd.s32 s3;
	_ =	sdelay $0x1  }
0xa1: {  	s23 =	simm.s32 $0x1B8B  }
0xa2: {  	_ =	swait.ge [sflag:s23], $0x1  }
0xa3: {  	[sflag:s23] =	ssyncset.done $0x0  }
0xa4: {  	s25 =	simm.s32 $0x1B8E;
	s24 =	sld [smem:$0x3FFE];
	[sflag:s23] =	ssyncadd.s32 $0xFFFFFFFF  }
0xa5: {  	s26 =	simm.s32 $execute0_lowered;
	[smem:$0x3FD2] =	sst s25  }
0xa6: {  	s4 =	sshll.u32 s26, $0x1;
	_ =	strace $0x80000058;
	[dreg:$0x1] =	wrdreg $0xFFFFFFFF  }
0xa7: {  	s28 =	simm.s32 $_size_execute0_lowered;
	s2 =	sadd.s32 s2, s4;
	[dreg:$0x0] =	wrdreg $0x0  }
0xa8: {  	s4 =	sshll.u32 s28, $0x1;
	[dreg:$0x2] =	wrdreg s2  }
0xa9: {  	[dreg:$0x3] =	wrdreg s4  }
0xaa: {  	[dreg:$0x4] =	wrdreg $0xC0  }
0xab: {  	_ =	task [dreg:s6], $0x5FFFF  }
0xac: {  	[dreg:$0x1] =	wrdreg $0xFFFFFFFF  }
0xad: {  	[dreg:$0x0] =	wrdreg $0x60  }
0xae: {  	[dreg:$0x2] =	wrdreg s24  }
0xaf: {  	[dreg:$0x3] =	wrdreg $0x56400  }
0xb0: {  	[dreg:$0x4] =	wrdreg $0x9  }
0xb1: {  	_ =	task.clear_ibuf [dreg:s6], $0x5FFFF;
	_ =	strace $0x90000058  }
0xb2: {  	s29 =	simm.s32 $0x9;
	_ =	strace $0x8000005A  }
0xb3: {  	_ =	swait.ge [sflag:s29], $0x1  }
0xb4: {  	[sflag:s29] =	ssyncadd.s32 $0xFFFFFFFF  }
0xb5: {  	_ =	strace $0x9000005A  }
0xb6: {  	_ =	sfence  }
0xb7: {  	s30 =	sld [smem:$0x0];
	_ =	sdelay $0x2  }
0xb8: {  	s31 =	sshll.u32 s1, $0xD;
	s1 =	sshrl.u32 s1, $0x2  }
0xb9: {  	s3 =	sand.u32 $0x4000, s31;
	s1 =	sadd.s32 s1, s30  }
0xba: {  	s0 =	sor.u32 s3, s0;
	s1 =	sshll.u32 s1, $0x11  }
0xbb: {  	s0 =	sor.u32 s1, s0  }
0xbc: {  	s0 =	sadd.s32 $0x8F2B, s0  }
0xbd: {  	[sflag:s0] =	ssyncadd.remote.s32 $0x1  }
0xbe: {  	_ =	sfence.sel $0xFFFF  }
0xbf: {  	[dreg:$0x0] =	wrdreg $0xFFFFFFFF;
	(pc) =	sbr.abs _section_cstart, $3  }
0xc0: {  	[dreg:$0x1] =	wrdreg $0xFFFFFFFF  }
0xc1: {  	_ =	task.clear_ibuf [dreg:s6], $0x2FFFF;
	_ =	strace $0x9FFFFFFF  }
0xc2: {  	(tm) =	ssettm $0x7FFFFFFF  }
0xc3: {  	_ =	shalt  }
tec
execute0_lowered:
.L_overlay_start_1:
0x0: {  	(tag) =	ssettag $0x1  }
0x1: {  	s2 =	rddreg [dreg:$0x0];
	s1 =	srdreg.scid  }
0x2: {  	s0 =	stileid.u32;
	s3 =	rddreg [dreg:$0x1]  }
0x3: {  	s4 =	simm.s32 $0x0;
	s1 =	sand.u32 $0x1, s1;
	s5 =	sshll.u32 s0, $0x1  }
0x4: {  	[smem:$0x7FF] =	sst s4;
	s6 =	smul.u32 $0x15400, s0;
	s5 =	sor.u32 s1, s5  }
0x5: {  	s29 =	sadd.s32 $0x28E00, s2;
	s30 =	sadd.s32 $0x30A00, s2;
	s5 =	smul.u32 $0x280, s5  }
0x6: {  	s7 =	sadd.s32 $0x29800, s2;
	s23 =	sshll.u32 s0, $0x6;
	_ =	strace $0x80000059  }
0x7: {  	[dreg:$0x3] =	wrdreg s7;
	s20 =	sshrl.u32 s6, $0x2;
	s31 =	sshrl.u32 s5, $0x3  }
0x8: {  	s8 =	rddreg [dreg:$0x3];
	s6 =	simm.s32 $0x5;
	s21 =	sadd.s32 s29, s31  }
0x9: {  	s24 =	sadd.s32 s30, s31;
	s10 =	sor.u32 $0xA, s31;
	[dreg:$0x4] =	wrdreg s21  }
0xa: {  	s22 =	sadd.s32 s20, s3;
	[dreg:$0x5] =	wrdreg s24;
	s25 =	sadd.s32 s29, s10  }
0xb: {  	s5 =	sor.u32 $0x1C05, s23;
	s7 =	sshrl.u32 s22, $0x3;
	[dreg:$0x6] =	wrdreg s25  }
0xc: {  	[spmem:s7], [sflag:s5] =	dma.local [hbm:s8], $0xAA0  }
0xd: {  	_ =	swait.ge [sflag:s6], $0xAA0  }
0xe: {  	[sflag:s6] =	ssyncset.done $0x0  }
0xf: {  	[sflag:s6] =	ssyncadd.s32 $0xFFFFF560  }
0x10: {  	[bflag:$0x0] =	sbarrier.arrive $0xFFFF  }
0x11: {  	s26 =	rddreg [dreg:$0x4]  }
0x12: {  	[tilespmem:s4], [sflag:$0x1] =	stream.linear.gather [hbm4b:s26+s4], $0x50, $0x38;
	[tilespmem:$0xAB40] =	vst v63  }
0x13: {  	s8 =	simm.s32 $0xA0;
	s9 =	rddreg [dreg:$0x5]  }
0x14: {  	[tilespmem:s8], [sflag:$0x3] =	stream.linear.gather [hbm4b:s9+s4], $0x50, $0x38;
	[tilespmem:$0xAB40] =	vst v63  }
0x15: {  	s10 =	sadd.s32 s30, s10;
	s11 =	rddreg [dreg:$0x6];
	s9 =	simm.s32 $0x50  }
0x16: {  	[tilespmem:s9], [sflag:$0x2] =	stream.linear.gather [hbm4b:s11+s4], $0x50, $0x38;
	[tilespmem:$0xAB40] =	vst v63  }
0x17: {  	s12 =	simm.s32 $0x1;
	[dreg:$0x7] =	wrdreg s10;
	s11 =	simm.s32 $0xF0  }
0x18: {  	[tilespmem:s11], [sflag:$0x4] =	stream.linear.gather [hbm4b:s10+s4], $0x50, $0x38;
	[tilespmem:$0xAB40] =	vst v63  }
0x19: {  	_ =	swait.ge [sflag:s12], $0x50  }
0x1a: {  	[sflag:s12] =	ssyncset.done $0x0  }
0x1b: {  	s13 =	simm.s32 $0x3;
	[sflag:s12] =	ssyncadd.s32 $0xFFFFFFB0  }
0x1c: {  	_ =	swait.ge [sflag:s13], $0x50  }
0x1d: {  	[sflag:s13] =	ssyncset.done $0x0  }
0x1e: {  	s14 =	simm.s32 $0x140;
	[sflag:s13] =	ssyncadd.s32 $0xFFFFFFB0  }
0x1f: {  	[tilespmem:s14], [sflag:$0x5] =	stream.indirect.gather [hbm4b:s2+s9], $0x88, s4, s9, $0xb8;
	[tilespmem:$0xAB40] =	vst v63  }
0x20: {  	_ =	swait.ge [sflag:s6], $0x2A80  }
0x21: {  	[sflag:s6] =	ssyncset.done $0x0  }
0x22: {  	[sflag:s6] =	ssyncadd.s32 $0xFFFFD580  }
0x23: {  	[spmem:s3] =	stream.indirect.scatter.add.f32 [tilespmem:s14], [sflag:$0x5], $0x88, s8, s9, $0xb8;
	[tilespmem:$0xAB40] =	vst v63  }
0x24: {  	_ =	swait.ge [sflag:s6], $0x2A80  }
0x25: {  	s16 =	sadd.s32 $0x14, s31;
	[sflag:s6] =	ssyncset.done $0x0  }
0x26: {  	s15 =	sadd.s32 s29, s16;
	[sflag:s6] =	ssyncadd.s32 $0xFFFFD580  }
0x27: {  	[tilespmem:s4], [sflag:$0x1] =	stream.linear.gather [hbm4b:s15+s4], $0x50, $0x38;
	[tilespmem:$0xAB40] =	vst v63  }
0x28: {  	s17 =	simm.s32 $0x2;
	s16 =	sadd.s32 s30, s16  }
0x29: {  	[tilespmem:s8], [sflag:$0x3] =	stream.linear.gather [hbm4b:s16+s4], $0x50, $0x38;
	[tilespmem:$0xAB40] =	vst v63  }
0x2a: {  	_ =	swait.ge [sflag:s17], $0x50  }
0x2b: {  	[sflag:s17] =	ssyncset.done $0x0  }
0x2c: {  	s18 =	simm.s32 $0x4;
	[sflag:s17] =	ssyncadd.s32 $0xFFFFFFB0  }
0x2d: {  	_ =	swait.ge [sflag:s18], $0x50  }
0x2e: {  	[sflag:s18] =	ssyncset.done $0x0  }
0x2f: {  	s19 =	simm.s32 $0x2BC0;
	[sflag:s18] =	ssyncadd.s32 $0xFFFFFFB0  }
0x30: {  	[tilespmem:s19], [sflag:$0x5] =	stream.indirect.gather [hbm4b:s2+s9], $0x88, s9, s9, $0xb8;
	[tilespmem:$0xAB40] =	vst v63  }
0x31: {  	_ =	swait.ge [sflag:s6], $0x2A80  }
0x32: {  	[sflag:s6] =	ssyncset.done $0x0  }
0x33: {  	[sflag:s6] =	ssyncadd.s32 $0xFFFFD580  }
0x34: {  	[spmem:s3] =	stream.indirect.scatter.add.f32 [tilespmem:s19], [sflag:$0x5], $0x88, s11, s9, $0xb8;
	[tilespmem:$0xAB40] =	vst v63  }
0x35: {  	_ =	swait.ge [sflag:s6], $0x2A80  }
0x36: {  	s21 =	sadd.s32 $0x1E, s31;
	[sflag:s6] =	ssyncset.done $0x0  }
0x37: {  	s20 =	sadd.s32 s29, s21;
	[sflag:s6] =	ssyncadd.s32 $0xFFFFD580  }
0x38: {  	[tilespmem:s9], [sflag:$0x2] =	stream.linear.gather [hbm4b:s20+s4], $0x50, $0x38;
	[tilespmem:$0xAB40] =	vst v63  }
0x39: {  	s21 =	sadd.s32 s30, s21  }
0x3a: {  	[tilespmem:s11], [sflag:$0x4] =	stream.linear.gather [hbm4b:s21+s4], $0x50, $0x38;
	[tilespmem:$0xAB40] =	vst v63  }
0x3b: {  	_ =	swait.ge [sflag:s12], $0x50  }
0x3c: {  	[sflag:s12] =	ssyncset.done $0x0  }
0x3d: {  	[sflag:s12] =	ssyncadd.s32 $0xFFFFFFB0  }
0x3e: {  	_ =	swait.ge [sflag:s13], $0x50  }
0x3f: {  	[sflag:s13] =	ssyncset.done $0x0  }
0x40: {  	[sflag:s13] =	ssyncadd.s32 $0xFFFFFFB0  }
0x41: {  	[tilespmem:s14], [sflag:$0x5] =	stream.indirect.gather [hbm4b:s2+s9], $0x88, s4, s9, $0xb8;
	[tilespmem:$0xAB40] =	vst v63  }
0x42: {  	_ =	swait.ge [sflag:s6], $0x2A80  }
0x43: {  	[sflag:s6] =	ssyncset.done $0x0  }
0x44: {  	[sflag:s6] =	ssyncadd.s32 $0xFFFFD580  }
0x45: {  	[spmem:s3] =	stream.indirect.scatter.add.f32 [tilespmem:s14], [sflag:$0x5], $0x88, s8, s9, $0xb8;
	[tilespmem:$0xAB40] =	vst v63  }
0x46: {  	_ =	swait.ge [sflag:s6], $0x2A80  }
0x47: {  	s23 =	sadd.s32 $0x28, s31;
	[sflag:s6] =	ssyncset.done $0x0  }
0x48: {  	s22 =	sadd.s32 s29, s23;
	[sflag:s6] =	ssyncadd.s32 $0xFFFFD580  }
0x49: {  	[tilespmem:s4], [sflag:$0x1] =	stream.linear.gather [hbm4b:s22+s4], $0x50, $0x38;
	[tilespmem:$0xAB40] =	vst v63  }
0x4a: {  	s23 =	sadd.s32 s30, s23  }
0x4b: {  	[tilespmem:s8], [sflag:$0x3] =	stream.linear.gather [hbm4b:s23+s4], $0x50, $0x38;
	[tilespmem:$0xAB40] =	vst v63  }
0x4c: {  	_ =	swait.ge [sflag:s17], $0x50  }
0x4d: {  	[sflag:s17] =	ssyncset.done $0x0  }
0x4e: {  	[sflag:s17] =	ssyncadd.s32 $0xFFFFFFB0  }
0x4f: {  	_ =	swait.ge [sflag:s18], $0x50  }
0x50: {  	[sflag:s18] =	ssyncset.done $0x0  }
0x51: {  	[sflag:s18] =	ssyncadd.s32 $0xFFFFFFB0  }
0x52: {  	[tilespmem:s19], [sflag:$0x5] =	stream.indirect.gather [hbm4b:s2+s9], $0x88, s9, s9, $0xb8;
	[tilespmem:$0xAB40] =	vst v63  }
0x53: {  	_ =	swait.ge [sflag:s6], $0x2A80  }
0x54: {  	[sflag:s6] =	ssyncset.done $0x0  }
0x55: {  	[sflag:s6] =	ssyncadd.s32 $0xFFFFD580  }
0x56: {  	[spmem:s3] =	stream.indirect.scatter.add.f32 [tilespmem:s19], [sflag:$0x5], $0x88, s11, s9, $0xb8;
	[tilespmem:$0xAB40] =	vst v63  }
0x57: {  	_ =	swait.ge [sflag:s6], $0x2A80  }
0x58: {  	s25 =	sadd.s32 $0x32, s31;
	[sflag:s6] =	ssyncset.done $0x0  }
0x59: {  	s24 =	sadd.s32 s29, s25;
	[sflag:s6] =	ssyncadd.s32 $0xFFFFD580  }
0x5a: {  	[tilespmem:s9], [sflag:$0x2] =	stream.linear.gather [hbm4b:s24+s4], $0x50, $0x38;
	[tilespmem:$0xAB40] =	vst v63  }
0x5b: {  	s25 =	sadd.s32 s30, s25  }
0x5c: {  	[tilespmem:s11], [sflag:$0x4] =	stream.linear.gather [hbm4b:s25+s4], $0x50, $0x38;
	[tilespmem:$0xAB40] =	vst v63  }
0x5d: {  	_ =	swait.ge [sflag:s12], $0x50  }
0x5e: {  	[sflag:s12] =	ssyncset.done $0x0  }
0x5f: {  	[sflag:s12] =	ssyncadd.s32 $0xFFFFFFB0  }
0x60: {  	_ =	swait.ge [sflag:s13], $0x50  }
0x61: {  	[sflag:s13] =	ssyncset.done $0x0  }
0x62: {  	[sflag:s13] =	ssyncadd.s32 $0xFFFFFFB0  }
0x63: {  	[tilespmem:s14], [sflag:$0x5] =	stream.indirect.gather [hbm4b:s2+s9], $0x88, s4, s9, $0xb8;
	[tilespmem:$0xAB40] =	vst v63  }
0x64: {  	_ =	swait.ge [sflag:s6], $0x2A80  }
0x65: {  	[sflag:s6] =	ssyncset.done $0x0  }
0x66: {  	[sflag:s6] =	ssyncadd.s32 $0xFFFFD580  }
0x67: {  	[spmem:s3] =	stream.indirect.scatter.add.f32 [tilespmem:s14], [sflag:$0x5], $0x88, s8, s9, $0xb8;
	[tilespmem:$0xAB40] =	vst v63  }
0x68: {  	_ =	swait.ge [sflag:s6], $0x2A80  }
0x69: {  	s28 =	sadd.s32 $0x3C, s31;
	[sflag:s6] =	ssyncset.done $0x0  }
0x6a: {  	s26 =	sadd.s32 s29, s28;
	[sflag:s6] =	ssyncadd.s32 $0xFFFFD580  }
0x6b: {  	[tilespmem:s4], [sflag:$0x1] =	stream.linear.gather [hbm4b:s26+s4], $0x50, $0x38;
	[tilespmem:$0xAB40] =	vst v63  }
0x6c: {  	s28 =	sadd.s32 s30, s28  }
0x6d: {  	[tilespmem:s8], [sflag:$0x3] =	stream.linear.gather [hbm4b:s28+s4], $0x50, $0x38;
	[tilespmem:$0xAB40] =	vst v63  }
0x6e: {  	_ =	swait.ge [sflag:s17], $0x50  }
0x6f: {  	[sflag:s17] =	ssyncset.done $0x0  }
0x70: {  	[sflag:s17] =	ssyncadd.s32 $0xFFFFFFB0  }
0x71: {  	_ =	swait.ge [sflag:s18], $0x50  }
0x72: {  	[sflag:s18] =	ssyncset.done $0x0  }
0x73: {  	[sflag:s18] =	ssyncadd.s32 $0xFFFFFFB0  }
0x74: {  	[tilespmem:s19], [sflag:$0x5] =	stream.indirect.gather [hbm4b:s2+s9], $0x88, s9, s9, $0xb8;
	[tilespmem:$0xAB40] =	vst v63  }
0x75: {  	_ =	swait.ge [sflag:s6], $0x2A80  }
0x76: {  	[sflag:s6] =	ssyncset.done $0x0  }
0x77: {  	[sflag:s6] =	ssyncadd.s32 $0xFFFFD580  }
0x78: {  	[spmem:s3] =	stream.indirect.scatter.add.f32 [tilespmem:s19], [sflag:$0x5], $0x88, s11, s9, $0xb8;
	[tilespmem:$0xAB40] =	vst v63  }
0x79: {  	_ =	swait.ge [sflag:s6], $0x2A80  }
0x7a: {  	s31 =	sadd.s32 $0x46, s31;
	[sflag:s6] =	ssyncset.done $0x0  }
0x7b: {  	s29 =	sadd.s32 s29, s31;
	[sflag:s6] =	ssyncadd.s32 $0xFFFFD580  }
0x7c: {  	[tilespmem:s9], [sflag:$0x2] =	stream.linear.gather [hbm4b:s29+s4], $0x50, $0x38;
	[tilespmem:$0xAB40] =	vst v63  }
0x7d: {  	s30 =	sadd.s32 s30, s31  }
0x7e: {  	[tilespmem:s11], [sflag:$0x4] =	stream.linear.gather [hbm4b:s30+s4], $0x50, $0x38;
	[tilespmem:$0xAB40] =	vst v63  }
0x7f: {  	_ =	swait.ge [sflag:s12], $0x50  }
0x80: {  	[sflag:s12] =	ssyncset.done $0x0  }
0x81: {  	[sflag:s12] =	ssyncadd.s32 $0xFFFFFFB0  }
0x82: {  	_ =	swait.ge [sflag:s13], $0x50  }
0x83: {  	[sflag:s13] =	ssyncset.done $0x0  }
0x84: {  	[sflag:s13] =	ssyncadd.s32 $0xFFFFFFB0  }
0x85: {  	[tilespmem:s14], [sflag:$0x5] =	stream.indirect.gather [hbm4b:s2+s9], $0x88, s4, s9, $0xb8;
	[tilespmem:$0xAB40] =	vst v63  }
0x86: {  	_ =	swait.ge [sflag:s6], $0x2A80  }
0x87: {  	[sflag:s6] =	ssyncset.done $0x0  }
0x88: {  	[sflag:s6] =	ssyncadd.s32 $0xFFFFD580  }
0x89: {  	[spmem:s3] =	stream.indirect.scatter.add.f32 [tilespmem:s14], [sflag:$0x5], $0x88, s8, s9, $0xb8;
	[tilespmem:$0xAB40] =	vst v63  }
0x8a: {  	_ =	swait.ge [sflag:s6], $0x2A80  }
0x8b: {  	[sflag:s6] =	ssyncset.done $0x0  }
0x8c: {  	[sflag:s6] =	ssyncadd.s32 $0xFFFFD580  }
0x8d: {  	_ =	swait.ge [sflag:s17], $0x50  }
0x8e: {  	[sflag:s17] =	ssyncset.done $0x0  }
0x8f: {  	[sflag:s17] =	ssyncadd.s32 $0xFFFFFFB0  }
0x90: {  	_ =	swait.ge [sflag:s18], $0x50  }
0x91: {  	s31 =	smul.u32 $0xAA0, s0;
	[sflag:s18] =	ssyncset.done $0x0  }
0x92: {  	s10 =	smul.u32 $0xAA00, s1;
	s1 =	ssub.s32 $0x2, s1;
	[sflag:s18] =	ssyncadd.s32 $0xFFFFFFB0  }
0x93: {  	[tilespmem:s19], [sflag:$0x5] =	stream.indirect.gather [hbm4b:s2+s9], $0x88, s9, s9, $0xb8;
	[tilespmem:$0xAB40] =	vst v63  }
0x94: {  	s0 =	sadd.s32 s31, s10;
	s31 =	sshrl.u32 s1, $0x1;
	_ =	swait.ge [sflag:s6], $0x2A80  }
0x95: {  	s1 =	ssub.s32 s1, s31;
	[sflag:s6] =	ssyncset.done $0x0  }
0x96: {  	s10 =	smax.u32 s1, $0x1;
	[sflag:s6] =	ssyncadd.s32 $0xFFFFD580  }
0x97: {  	[spmem:s3] =	stream.indirect.scatter.add.f32 [tilespmem:s19], [sflag:$0x5], $0x88, s11, s9, $0xb8;
	[tilespmem:$0xAB40] =	vst v63  }
0x98: {  	p0 =	sne.s32 s10, $0x1;
	_ =	swait.ge [sflag:s6], $0x2A80  }
.Ltmp0:
0x99: {  	[sflag:s6] =	ssyncset.done $0x0;
	(pc) =	sbr.rel @!p0 .LBB2_2-.Ltmp0, $4  }
0x9a: {  	s0 =	sadd.s32 s0, s2;
	[sflag:s6] =	ssyncadd.s32 $0xFFFFD580  }
0x9b: {  	s31 =	sadd.s32 $0xA800, s0;
	[bflag:$0x0] =	sbarrier.arrive $0xFFFF  }
0x9c: {  	[hbm:s31], [sflag:s5] =	dma.local [spmem:s7], $0xAA0  }
0x9d: {  	s1 =	sadd.s32 $0xFFFFFFFF, s10;
	_ =	swait.ge [sflag:s6], $0xAA0  }
.LBB2_1:
0x9e: {  	[sflag:s6] =	ssyncset.done $0x0  }
0x9f: {  	s0 =	rddreg [dreg:$0x3];
	[sflag:s6] =	ssyncadd.s32 $0xFFFFF560  }
0xa0: {  	[spmem:s7], [sflag:s5] =	dma.local [hbm:s0], $0xAA0  }
0xa1: {  	_ =	swait.ge [sflag:s6], $0xAA0  }
0xa2: {  	[sflag:s6] =	ssyncset.done $0x0  }
0xa3: {  	[sflag:s6] =	ssyncadd.s32 $0xFFFFF560  }
0xa4: {  	[bflag:$0x0] =	sbarrier.arrive $0xFFFF  }
0xa5: {  	s0 =	rddreg [dreg:$0x4]  }
0xa6: {  	[tilespmem:s4], [sflag:$0x1] =	stream.linear.gather [hbm4b:s0+s4], $0x50, $0x38;
	[tilespmem:$0xAB40] =	vst v63  }
0xa7: {  	s10 =	rddreg [dreg:$0x5]  }
0xa8: {  	[tilespmem:s8], [sflag:$0x3] =	stream.linear.gather [hbm4b:s10+s4], $0x50, $0x38;
	[tilespmem:$0xAB40] =	vst v63  }
0xa9: {  	s0 =	rddreg [dreg:$0x6]  }
0xaa: {  	[tilespmem:s9], [sflag:$0x2] =	stream.linear.gather [hbm4b:s0+s4], $0x50, $0x38;
	[tilespmem:$0xAB40] =	vst v63  }
0xab: {  	s10 =	rddreg [dreg:$0x7]  }
0xac: {  	[tilespmem:s11], [sflag:$0x4] =	stream.linear.gather [hbm4b:s10+s4], $0x50, $0x38;
	[tilespmem:$0xAB40] =	vst v63  }
0xad: {  	_ =	swait.ge [sflag:s12], $0x50  }
0xae: {  	[sflag:s12] =	ssyncset.done $0x0  }
0xaf: {  	[sflag:s12] =	ssyncadd.s32 $0xFFFFFFB0  }
0xb0: {  	_ =	swait.ge [sflag:s13], $0x50  }
0xb1: {  	[sflag:s13] =	ssyncset.done $0x0  }
0xb2: {  	[sflag:s13] =	ssyncadd.s32 $0xFFFFFFB0  }
0xb3: {  	[tilespmem:s14], [sflag:$0x5] =	stream.indirect.gather [hbm4b:s2+s9], $0x88, s4, s9, $0xb8;
	[tilespmem:$0xAB40] =	vst v63  }
0xb4: {  	_ =	swait.ge [sflag:s6], $0x2A80  }
0xb5: {  	[sflag:s6] =	ssyncset.done $0x0  }
0xb6: {  	[sflag:s6] =	ssyncadd.s32 $0xFFFFD580  }
0xb7: {  	[spmem:s3] =	stream.indirect.scatter.add.f32 [tilespmem:s14], [sflag:$0x5], $0x88, s8, s9, $0xb8;
	[tilespmem:$0xAB40] =	vst v63  }
0xb8: {  	_ =	swait.ge [sflag:s6], $0x2A80  }
0xb9: {  	[sflag:s6] =	ssyncset.done $0x0  }
0xba: {  	[sflag:s6] =	ssyncadd.s32 $0xFFFFD580  }
0xbb: {  	[tilespmem:s4], [sflag:$0x1] =	stream.linear.gather [hbm4b:s15+s4], $0x50, $0x38;
	[tilespmem:$0xAB40] =	vst v63  }
0xbc: {  	_ = 	snop  }
0xbd: {  	[tilespmem:s8], [sflag:$0x3] =	stream.linear.gather [hbm4b:s16+s4], $0x50, $0x38;
	[tilespmem:$0xAB40] =	vst v63  }
0xbe: {  	_ =	swait.ge [sflag:s17], $0x50  }
0xbf: {  	[sflag:s17] =	ssyncset.done $0x0  }
0xc0: {  	[sflag:s17] =	ssyncadd.s32 $0xFFFFFFB0  }
0xc1: {  	_ =	swait.ge [sflag:s18], $0x50  }
0xc2: {  	[sflag:s18] =	ssyncset.done $0x0  }
0xc3: {  	[sflag:s18] =	ssyncadd.s32 $0xFFFFFFB0  }
0xc4: {  	[tilespmem:s19], [sflag:$0x5] =	stream.indirect.gather [hbm4b:s2+s9], $0x88, s9, s9, $0xb8;
	[tilespmem:$0xAB40] =	vst v63  }
0xc5: {  	_ =	swait.ge [sflag:s6], $0x2A80  }
0xc6: {  	[sflag:s6] =	ssyncset.done $0x0  }
0xc7: {  	[sflag:s6] =	ssyncadd.s32 $0xFFFFD580  }
0xc8: {  	[spmem:s3] =	stream.indirect.scatter.add.f32 [tilespmem:s19], [sflag:$0x5], $0x88, s11, s9, $0xb8;
	[tilespmem:$0xAB40] =	vst v63  }
0xc9: {  	_ =	swait.ge [sflag:s6], $0x2A80  }
0xca: {  	[sflag:s6] =	ssyncset.done $0x0  }
0xcb: {  	[sflag:s6] =	ssyncadd.s32 $0xFFFFD580  }
0xcc: {  	[tilespmem:s9], [sflag:$0x2] =	stream.linear.gather [hbm4b:s20+s4], $0x50, $0x38;
	[tilespmem:$0xAB40] =	vst v63  }
0xcd: {  	_ = 	snop  }
0xce: {  	[tilespmem:s11], [sflag:$0x4] =	stream.linear.gather [hbm4b:s21+s4], $0x50, $0x38;
	[tilespmem:$0xAB40] =	vst v63  }
0xcf: {  	_ =	swait.ge [sflag:s12], $0x50  }
0xd0: {  	[sflag:s12] =	ssyncset.done $0x0  }
0xd1: {  	[sflag:s12] =	ssyncadd.s32 $0xFFFFFFB0  }
0xd2: {  	_ =	swait.ge [sflag:s13], $0x50  }
0xd3: {  	[sflag:s13] =	ssyncset.done $0x0  }
0xd4: {  	[sflag:s13] =	ssyncadd.s32 $0xFFFFFFB0  }
0xd5: {  	[tilespmem:s14], [sflag:$0x5] =	stream.indirect.gather [hbm4b:s2+s9], $0x88, s4, s9, $0xb8;
	[tilespmem:$0xAB40] =	vst v63  }
0xd6: {  	_ =	swait.ge [sflag:s6], $0x2A80  }
0xd7: {  	[sflag:s6] =	ssyncset.done $0x0  }
0xd8: {  	[sflag:s6] =	ssyncadd.s32 $0xFFFFD580  }
0xd9: {  	[spmem:s3] =	stream.indirect.scatter.add.f32 [tilespmem:s14], [sflag:$0x5], $0x88, s8, s9, $0xb8;
	[tilespmem:$0xAB40] =	vst v63  }
0xda: {  	_ =	swait.ge [sflag:s6], $0x2A80  }
0xdb: {  	[sflag:s6] =	ssyncset.done $0x0  }
0xdc: {  	[sflag:s6] =	ssyncadd.s32 $0xFFFFD580  }
0xdd: {  	[tilespmem:s4], [sflag:$0x1] =	stream.linear.gather [hbm4b:s22+s4], $0x50, $0x38;
	[tilespmem:$0xAB40] =	vst v63  }
0xde: {  	_ = 	snop  }
0xdf: {  	[tilespmem:s8], [sflag:$0x3] =	stream.linear.gather [hbm4b:s23+s4], $0x50, $0x38;
	[tilespmem:$0xAB40] =	vst v63  }
0xe0: {  	_ =	swait.ge [sflag:s17], $0x50  }
0xe1: {  	[sflag:s17] =	ssyncset.done $0x0  }
0xe2: {  	[sflag:s17] =	ssyncadd.s32 $0xFFFFFFB0  }
0xe3: {  	_ =	swait.ge [sflag:s18], $0x50  }
0xe4: {  	[sflag:s18] =	ssyncset.done $0x0  }
0xe5: {  	[sflag:s18] =	ssyncadd.s32 $0xFFFFFFB0  }
0xe6: {  	[tilespmem:s19], [sflag:$0x5] =	stream.indirect.gather [hbm4b:s2+s9], $0x88, s9, s9, $0xb8;
	[tilespmem:$0xAB40] =	vst v63  }
0xe7: {  	_ =	swait.ge [sflag:s6], $0x2A80  }
0xe8: {  	[sflag:s6] =	ssyncset.done $0x0  }
0xe9: {  	[sflag:s6] =	ssyncadd.s32 $0xFFFFD580  }
0xea: {  	[spmem:s3] =	stream.indirect.scatter.add.f32 [tilespmem:s19], [sflag:$0x5], $0x88, s11, s9, $0xb8;
	[tilespmem:$0xAB40] =	vst v63  }
0xeb: {  	_ =	swait.ge [sflag:s6], $0x2A80  }
0xec: {  	[sflag:s6] =	ssyncset.done $0x0  }
0xed: {  	[sflag:s6] =	ssyncadd.s32 $0xFFFFD580  }
0xee: {  	[tilespmem:s9], [sflag:$0x2] =	stream.linear.gather [hbm4b:s24+s4], $0x50, $0x38;
	[tilespmem:$0xAB40] =	vst v63  }
0xef: {  	_ = 	snop  }
0xf0: {  	[tilespmem:s11], [sflag:$0x4] =	stream.linear.gather [hbm4b:s25+s4], $0x50, $0x38;
	[tilespmem:$0xAB40] =	vst v63  }
0xf1: {  	_ =	swait.ge [sflag:s12], $0x50  }
0xf2: {  	[sflag:s12] =	ssyncset.done $0x0  }
0xf3: {  	[sflag:s12] =	ssyncadd.s32 $0xFFFFFFB0  }
0xf4: {  	_ =	swait.ge [sflag:s13], $0x50  }
0xf5: {  	[sflag:s13] =	ssyncset.done $0x0  }
0xf6: {  	[sflag:s13] =	ssyncadd.s32 $0xFFFFFFB0  }
0xf7: {  	[tilespmem:s14], [sflag:$0x5] =	stream.indirect.gather [hbm4b:s2+s9], $0x88, s4, s9, $0xb8;
	[tilespmem:$0xAB40] =	vst v63  }
0xf8: {  	_ =	swait.ge [sflag:s6], $0x2A80  }
0xf9: {  	[sflag:s6] =	ssyncset.done $0x0  }
0xfa: {  	[sflag:s6] =	ssyncadd.s32 $0xFFFFD580  }
0xfb: {  	[spmem:s3] =	stream.indirect.scatter.add.f32 [tilespmem:s14], [sflag:$0x5], $0x88, s8, s9, $0xb8;
	[tilespmem:$0xAB40] =	vst v63  }
0xfc: {  	_ =	swait.ge [sflag:s6], $0x2A80  }
0xfd: {  	[sflag:s6] =	ssyncset.done $0x0  }
0xfe: {  	[sflag:s6] =	ssyncadd.s32 $0xFFFFD580  }
0xff: {  	[tilespmem:s4], [sflag:$0x1] =	stream.linear.gather [hbm4b:s26+s4], $0x50, $0x38;
	[tilespmem:$0xAB40] =	vst v63  }
0x100: {  	_ = 	snop  }
0x101: {  	[tilespmem:s8], [sflag:$0x3] =	stream.linear.gather [hbm4b:s28+s4], $0x50, $0x38;
	[tilespmem:$0xAB40] =	vst v63  }
0x102: {  	_ =	swait.ge [sflag:s17], $0x50  }
0x103: {  	[sflag:s17] =	ssyncset.done $0x0  }
0x104: {  	[sflag:s17] =	ssyncadd.s32 $0xFFFFFFB0  }
0x105: {  	_ =	swait.ge [sflag:s18], $0x50  }
0x106: {  	[sflag:s18] =	ssyncset.done $0x0  }
0x107: {  	[sflag:s18] =	ssyncadd.s32 $0xFFFFFFB0  }
0x108: {  	[tilespmem:s19], [sflag:$0x5] =	stream.indirect.gather [hbm4b:s2+s9], $0x88, s9, s9, $0xb8;
	[tilespmem:$0xAB40] =	vst v63  }
0x109: {  	_ =	swait.ge [sflag:s6], $0x2A80  }
0x10a: {  	[sflag:s6] =	ssyncset.done $0x0  }
0x10b: {  	[sflag:s6] =	ssyncadd.s32 $0xFFFFD580  }
0x10c: {  	[spmem:s3] =	stream.indirect.scatter.add.f32 [tilespmem:s19], [sflag:$0x5], $0x88, s11, s9, $0xb8;
	[tilespmem:$0xAB40] =	vst v63  }
0x10d: {  	_ =	swait.ge [sflag:s6], $0x2A80  }
0x10e: {  	[sflag:s6] =	ssyncset.done $0x0  }
0x10f: {  	[sflag:s6] =	ssyncadd.s32 $0xFFFFD580  }
0x110: {  	[tilespmem:s9], [sflag:$0x2] =	stream.linear.gather [hbm4b:s29+s4], $0x50, $0x38;
	[tilespmem:$0xAB40] =	vst v63  }
0x111: {  	_ = 	snop  }
0x112: {  	[tilespmem:s11], [sflag:$0x4] =	stream.linear.gather [hbm4b:s30+s4], $0x50, $0x38;
	[tilespmem:$0xAB40] =	vst v63  }
0x113: {  	_ =	swait.ge [sflag:s12], $0x50  }
0x114: {  	[sflag:s12] =	ssyncset.done $0x0  }
0x115: {  	[sflag:s12] =	ssyncadd.s32 $0xFFFFFFB0  }
0x116: {  	_ =	swait.ge [sflag:s13], $0x50  }
0x117: {  	[sflag:s13] =	ssyncset.done $0x0  }
0x118: {  	[sflag:s13] =	ssyncadd.s32 $0xFFFFFFB0  }
0x119: {  	[tilespmem:s14], [sflag:$0x5] =	stream.indirect.gather [hbm4b:s2+s9], $0x88, s4, s9, $0xb8;
	[tilespmem:$0xAB40] =	vst v63  }
0x11a: {  	_ =	swait.ge [sflag:s6], $0x2A80  }
0x11b: {  	[sflag:s6] =	ssyncset.done $0x0  }
0x11c: {  	[sflag:s6] =	ssyncadd.s32 $0xFFFFD580  }
0x11d: {  	[spmem:s3] =	stream.indirect.scatter.add.f32 [tilespmem:s14], [sflag:$0x5], $0x88, s8, s9, $0xb8;
	[tilespmem:$0xAB40] =	vst v63  }
0x11e: {  	_ =	swait.ge [sflag:s6], $0x2A80  }
0x11f: {  	[sflag:s6] =	ssyncset.done $0x0  }
0x120: {  	[sflag:s6] =	ssyncadd.s32 $0xFFFFD580  }
0x121: {  	_ =	swait.ge [sflag:s17], $0x50  }
0x122: {  	[sflag:s17] =	ssyncset.done $0x0  }
0x123: {  	[sflag:s17] =	ssyncadd.s32 $0xFFFFFFB0  }
0x124: {  	_ =	swait.ge [sflag:s18], $0x50  }
0x125: {  	[sflag:s18] =	ssyncset.done $0x0  }
0x126: {  	[sflag:s18] =	ssyncadd.s32 $0xFFFFFFB0  }
0x127: {  	[tilespmem:s19], [sflag:$0x5] =	stream.indirect.gather [hbm4b:s2+s9], $0x88, s9, s9, $0xb8;
	[tilespmem:$0xAB40] =	vst v63  }
0x128: {  	_ =	swait.ge [sflag:s6], $0x2A80  }
0x129: {  	[sflag:s6] =	ssyncset.done $0x0  }
0x12a: {  	[sflag:s6] =	ssyncadd.s32 $0xFFFFD580  }
0x12b: {  	[spmem:s3] =	stream.indirect.scatter.add.f32 [tilespmem:s19], [sflag:$0x5], $0x88, s11, s9, $0xb8;
	[tilespmem:$0xAB40] =	vst v63  }
0x12c: {  	p0 =	sne.s32 s1, $0x1;
	_ =	swait.ge [sflag:s6], $0x2A80  }
.Ltmp1:
0x12d: {  	[sflag:s6] =	ssyncset.done $0x0;
	(pc) =	sbr.rel @p0 .LBB2_1-.Ltmp1, $4  }
0x12e: {  	[sflag:s6] =	ssyncadd.s32 $0xFFFFD580  }
0x12f: {  	[bflag:$0x0] =	sbarrier.arrive $0xFFFF  }
0x130: {  	[hbm:s31], [sflag:s5] =	dma.local [spmem:s7], $0xAA0  }
0x131: {  	s1 =	sadd.s32 $0xFFFFFFFF, s1;
	_ =	swait.ge [sflag:s6], $0xAA0  }
.LBB2_2:
0x132: {  	[sflag:s6] =	ssyncset.done $0x0  }
0x133: {  	[sflag:s6] =	ssyncadd.s32 $0xFFFFF560  }
0x134: {  	_ =	sfence.sel $0x180000  }
0x135: {  	[bflag:$0x0] =	sbarrier.arrive $0xFFFF  }
0x136: {  	_ =	strace $0x90000059  }
0x137: {  	s0 =	stileid.u32;
	[bflag:$0x2] =	sbarrier.arrive $0xFFFF  }
0x138: {  	p0 =	sne.s32 s0, $0x0;
	s0 =	rddreg [dreg:$0x2]  }
0x139: {  	s0 =	sadd.s32 @!p0 $0x100000, s0  }
0x13a: {  	[sflag:s0] =	ssyncadd.tile.s32 @!p0 $0x1;
	_ =	shalt  }
.Lfunc_end2:
_tile_overlayer_lowered:
.L_overlay_start_2:
0x13b: {  	(tag) =	ssettag $0x2  }
0x13c: {  	s0 =	rddreg [dreg:$0x0];
	s2 =	stileid.u32  }
0x13d: {  	s1 =	rddreg [dreg:$0x1];
	p0 =	sne.s32 s2, $0x0  }
0x13e: {  	s3 =	rddreg [dreg:$0x2];
	[bflag:$0x3] =	sbarrier.arrive $0xFFFF;
	s2 =	simm.s32 @!p0 $0x1C05  }
0x13f: {  	[timem:s3], [sflag:s2] =	dma.local @!p0 [hbm:s0], s1  }
0x140: {  	s0 =	simm.s32 @!p0 $0x5  }
0x141: {  	_ =	swait.ge @!p0 [sflag:s0], s1  }
0x142: {  	s1 =	ssub.s32 @!p0 $0x0, s1;
	[sflag:s0] =	ssyncset.done @!p0 $0x0  }
0x143: {  	[sflag:s0] =	ssyncadd.s32 @!p0 s1  }
0x144: {  	[bflag:$0x3] =	sbarrier.arrive $0xFFFF  }
0x145: {  	_ =	shalt  }

// kernel: kernel.26.cloned.1.call-start
scs
__scs_entry_jumppad:
0x0: {  	(pc) =	sbr.rel $0x88, $3  }
0x1: {  	(tag) =	ssettag $0x0;
	lr =	simm.s32 $0x1  }
0x2: {  	[smem:$0x3F94] =	sst lr;
	_ =	strace $0xD0000000  }
0x3: {  	_ = 	snop  }
0x4: {  	_ = 	snop  }
0x5: {  	_ = 	snop  }
0x6: {  	_ = 	snop  }
0x7: {  	_ = 	snop  }
__scs_overlays_trampoline_lowered:
0x8: {  	[smem:$0x3FA3] =	sst s0  }
0x9: {  	[smem:$0x3FA4] =	sst s1  }
0xa: {  	[smem:$0x3FA5] =	sst s2  }
0xb: {  	[smem:$0x3FA6] =	sst s3  }
0xc: {  	[smem:$0x3FA7] =	sst s4  }
0xd: {  	[smem:$0x3FA8] =	sst s5  }
0xe: {  	[smem:$0x3FA9] =	sst s6  }
0xf: {  	[smem:$0x3FAA] =	sst s7  }
0x10: {  	[smem:$0x3FAB] =	sst s8  }
0x11: {  	[smem:$0x3FAC] =	sst s9;
	s0 =	simm.s32 @!p0 $0x0  }
0x12: {  	s1 =	sld [smem:$0x3F92];
	s0 =	simm.s32 @p0 $0x1  }
0x13: {  	[smem:$0x3FAD] =	sst s0;
	s0 =	simm.s32 @!p1 $0x0  }
0x14: {  	s2 =	sld [smem:$0x3F91];
	s0 =	simm.s32 @p1 $0x1  }
0x15: {  	[smem:$0x3FAE] =	sst s0;
	s0 =	simm.s32 @!p2 $0x0  }
0x16: {  	s3 =	sld [smem:$0x3FDB];
	s0 =	simm.s32 @p2 $0x1  }
0x17: {  	s4 =	simm.s32 $0x1BF5;
	[smem:$0x3FB0] =	sst s0  }
0x18: {  	s0 =	sld [smem:$0x3F93];
	_ =	swait.ge [sflag:s4], $0x0  }
0x19: {  	s7 =	sld [smem:$0x3F94]  }
0x1a: {  	s8 =	sadd.s32 $0xFFFFE003, lr  }
0x1b: {  	s9 =	sadd.s32 $0xFFFFFEF7, lr;
	s5 =	simm.s32 $0xFFFFFFFF;
	p2 =	slt.u32 s8, $0xFFFFF086  }
0x1c: {  	p1 =	slt.u32 s9, $0xF7A;
	s5 =	simm.s32 @!p2 $0x0  }
0x1d: {  	s5 =	simm.s32 @p1 $0x1;
	p0 =	seq.s32 s7, s2  }
0x1e: {  	s7 =	smul.u32 @!p0 $0xF7A, s2;
	p2 =	seq.s32 @!p0 s5, $0x0  }
0x1f: {  	s9 =	smul.u32 $0xF7A, s1;
	s8 =	simm.s32 @!p0 $0x1BF5;
	p2 =	por !p2, p0  }
0x20: {  	[sflag:s8] =	ssyncset.s32 @!p0 $0xFFFFF086;
	s6 =	sadd.s32 @!p0 s3, s7;
	s7 =	simm.s32 @!p0 $0x108  }
0x21: {  	s3 =	sadd.s32 s3, s9;
	s6 =	sadd.s32 @!p0 $0x88, s6;
	s7 =	simm.s32 @p2 $0x1082  }
0x22: {  	[simem:s7], [sflag:s8] =	dma.local @!p0 [hbm:s6], $0xF7A  }
0x23: {  	s9 =	sor.u32 $0xD0000000, s2;
	s6 =	simm.s32 $0x108;
	_ =	swait.ge @!p0 [sflag:s8], $0x0  }
0x24: {  	s3 =	sadd.s32 $0x88, s3;
	s6 =	simm.s32 @!p1 $0x1082;
	[sflag:s4] =	ssyncset.s32 $0xFFFFF086  }
0x25: {  	[simem:s6], [sflag:s4] =	dma.local [hbm:s3], $0xF7A  }
0x26: {  	[smem:$0x3F94] =	sst s1;
	(tag) =	ssettag s2;
	_ =	strace s9  }
0x27: {  	s1 =	sld [smem:$0x3FA4]  }
0x28: {  	s2 =	sld [smem:$0x3FA5]  }
0x29: {  	s4 =	sld [smem:$0x3FA7]  }
0x2a: {  	p0 =	seq.s32 s5, $0x0;
	s5 =	sld [smem:$0x3FA8]  }
0x2b: {  	s6 =	sld [smem:$0x3FA9]  }
0x2c: {  	s7 =	sld [smem:$0x3FAA]  }
0x2d: {  	s3 =	simm.s32 $0x108;
	s8 =	sld [smem:$0x3FAB]  }
0x2e: {  	s3 =	simm.s32 @!p0 $0x1082;
	s9 =	sld [smem:$0x3FAC]  }
0x2f: {  	lr =	sadd.s32 s0, s3;
	s0 =	sld [smem:$0x3FA3]  }
0x30: {  	s3 =	sld [smem:$0x3FA6]  }
0x31: {  	[smem:$0x3FAF] =	sst s10  }
0x32: {  	s10 =	sld [smem:$0x3FAD];
	_ =	sdelay $0x3  }
0x33: {  	p0 =	seq.s32 s10, $0x1;
	s10 =	sld [smem:$0x3FAF];
	_ =	sdelay $0x3  }
0x34: {  	[smem:$0x3FAF] =	sst s10  }
0x35: {  	s10 =	sld [smem:$0x3FAE];
	_ =	sdelay $0x3  }
0x36: {  	p1 =	seq.s32 s10, $0x1;
	s10 =	sld [smem:$0x3FAF];
	_ =	sdelay $0x3  }
0x37: {  	[smem:$0x3FAF] =	sst s10  }
0x38: {  	s10 =	sld [smem:$0x3FB0]  }
0x39: {  	_ = 	snop;
	(pc) =	sbr.ind lr, $3  }
0x3a: {  	_ = 	snop  }
0x3b: {  	_ = 	snop  }
0x3c: {  	p2 =	seq.s32 s10, $0x1;
	s10 =	sld [smem:$0x3FAF]  }
0x3d: {  	_ =	shalt  }
0x3e: {  	_ =	shalt  }
0x3f: {  	_ =	shalt  }
0x40: {  	_ =	shalt  }
0x41: {  	_ =	shalt  }
0x42: {  	_ =	shalt  }
0x43: {  	_ =	shalt  }
0x44: {  	_ =	shalt  }
0x45: {  	_ =	shalt  }
0x46: {  	_ =	shalt  }
0x47: {  	_ =	shalt  }
0x48: {  	_ =	shalt  }
0x49: {  	_ =	shalt  }
0x4a: {  	_ =	shalt  }
0x4b: {  	_ =	shalt  }
0x4c: {  	_ =	shalt  }
0x4d: {  	_ =	shalt  }
0x4e: {  	_ =	shalt  }
0x4f: {  	_ =	shalt  }
0x50: {  	_ =	shalt  }
0x51: {  	_ =	shalt  }
0x52: {  	_ =	shalt  }
0x53: {  	_ =	shalt  }
0x54: {  	_ =	shalt  }
0x55: {  	_ =	shalt  }
0x56: {  	_ =	shalt  }
0x57: {  	_ =	shalt  }
0x58: {  	_ =	shalt  }
0x59: {  	_ =	shalt  }
0x5a: {  	_ =	shalt  }
0x5b: {  	_ =	shalt  }
0x5c: {  	_ =	shalt  }
0x5d: {  	_ =	shalt  }
0x5e: {  	_ =	shalt  }
0x5f: {  	_ =	shalt  }
0x60: {  	_ =	shalt  }
0x61: {  	_ =	shalt  }
0x62: {  	_ =	shalt  }
0x63: {  	_ =	shalt  }
0x64: {  	_ =	shalt  }
0x65: {  	_ =	shalt  }
0x66: {  	_ =	shalt  }
0x67: {  	_ =	shalt  }
0x68: {  	_ =	shalt  }
0x69: {  	_ =	shalt  }
0x6a: {  	_ =	shalt  }
0x6b: {  	_ =	shalt  }
0x6c: {  	_ =	shalt  }
0x6d: {  	_ =	shalt  }
0x6e: {  	_ =	shalt  }
0x6f: {  	_ =	shalt  }
0x70: {  	_ =	shalt  }
0x71: {  	_ =	shalt  }
0x72: {  	_ =	shalt  }
0x73: {  	_ =	shalt  }
0x74: {  	_ =	shalt  }
0x75: {  	_ =	shalt  }
0x76: {  	_ =	shalt  }
0x77: {  	_ =	shalt  }
0x78: {  	_ =	shalt  }
0x79: {  	_ =	shalt  }
0x7a: {  	_ =	shalt  }
0x7b: {  	_ =	shalt  }
0x7c: {  	_ =	shalt  }
0x7d: {  	_ =	shalt  }
0x7e: {  	_ =	shalt  }
0x7f: {  	_ =	shalt  }
0x80: {  	_ =	shalt  }
0x81: {  	_ =	shalt  }
0x82: {  	_ =	shalt  }
0x83: {  	_ =	shalt  }
0x84: {  	_ =	shalt  }
0x85: {  	_ =	shalt  }
0x86: {  	_ =	shalt  }
0x87: {  	_ =	shalt  }
.Lfunc_end0:
.L_simem_size_0:
called_computation.7_lowered:
.L_overlay_start_0:
0x88: {  	s2 =	sld [smem:$0x3FD9]  }
0x89: {  	s3 =	sld [smem:$0x3FFE];
	_ =	sdelay $0x1  }
0x8a: {  	s1 =	srdreg.scid  }
0x8b: {  	s0 =	sand.u32 $0x1, s1  }
0x8c: {  	s16 =	sshll.u32 s0, $0xA;
	s2 =	sadd.s32 s3, s2  }
0x8d: {  	s2 =	sadd.s32 s2, s16  }
0x8e: {  	[smem:$0x3FBB] =	sst s2  }
0x8f: {  	_ = 	snop  }
0x90: {  	(tm) =	ssettm $0x1  }
0x91: {  	s17 =	sld [smem:$0x3FFB];
	_ =	sdelay $0x3  }
0x92: {  	_ =	strace s17  }
0x93: {  	s2 =	sld [smem:$0x3FFC];
	_ =	sdelay $0x3  }
0x94: {  	_ =	strace s2  }
0x95: {  	s2 =	sld [smem:$0x3FFD];
	_ =	sdelay $0x3  }
0x96: {  	_ =	strace s2  }
0x97: {  	_ =	strace $0x8FFFFFFF  }
0x98: {  	s18 =	sld [smem:$0x3FDB];
	_ =	sdelay $0x1  }
0x99: {  	s19 =	simm.s32 $_scs_section_size  }
0x9a: {  	s4 =	simm.s32 $_size__tile_overlayer_lowered;
	s5 =	simm.s32 $_tile_overlayer_lowered  }
0x9b: {  	s22 =	simm.s32 $0x1BFF;
	s21 =	sshll.u32 s5, $0x1;
	s2 =	sadd.s32 s19, s18  }
0x9c: {  	s6 =	simm.s32 $0x0;
	s20 =	sshll.u32 s4, $0x1;
	s4 =	sadd.s32 s21, s2  }
0x9d: {  	[timem:s6], [sflag:s22] =	dma.local [hbm:s4], s20  }
0x9e: {  	_ =	swait.ge [sflag:s22], s20  }
0x9f: {  	s3 =	ssub.s32 $0x0, s20;
	[sflag:s22] =	ssyncset.done $0x0  }
0xa0: {  	[sflag:s22] =	ssyncadd.s32 s3;
	_ =	sdelay $0x1  }
0xa1: {  	s23 =	simm.s32 $0x1B8B  }
0xa2: {  	_ =	swait.ge [sflag:s23], $0x1  }
0xa3: {  	[sflag:s23] =	ssyncset.done $0x0  }
0xa4: {  	s25 =	simm.s32 $0x1B8E;
	s24 =	sld [smem:$0x3FFE];
	[sflag:s23] =	ssyncadd.s32 $0xFFFFFFFF  }
0xa5: {  	s26 =	simm.s32 $execute0_lowered;
	[smem:$0x3FD2] =	sst s25  }
0xa6: {  	s4 =	sshll.u32 s26, $0x1;
	_ =	strace $0x8000005B;
	[dreg:$0x1] =	wrdreg $0xFFFFFFFF  }
0xa7: {  	s28 =	simm.s32 $_size_execute0_lowered;
	s2 =	sadd.s32 s2, s4;
	[dreg:$0x0] =	wrdreg $0x0  }
0xa8: {  	s4 =	sshll.u32 s28, $0x1;
	[dreg:$0x2] =	wrdreg s2  }
0xa9: {  	[dreg:$0x3] =	wrdreg s4  }
0xaa: {  	[dreg:$0x4] =	wrdreg $0xC0  }
0xab: {  	_ =	task [dreg:s6], $0x5FFFF  }
0xac: {  	[dreg:$0x1] =	wrdreg $0xFFFFFFFF  }
0xad: {  	[dreg:$0x0] =	wrdreg $0x60  }
0xae: {  	[dreg:$0x2] =	wrdreg s24  }
0xaf: {  	[dreg:$0x3] =	wrdreg $0xB400  }
0xb0: {  	[dreg:$0x4] =	wrdreg $0x9  }
0xb1: {  	_ =	task.clear_ibuf [dreg:s6], $0x5FFFF;
	_ =	strace $0x9000005B  }
0xb2: {  	s29 =	simm.s32 $0x9;
	_ =	strace $0x8000005D  }
0xb3: {  	_ =	swait.ge [sflag:s29], $0x1  }
0xb4: {  	[sflag:s29] =	ssyncadd.s32 $0xFFFFFFFF  }
0xb5: {  	_ =	strace $0x9000005D  }
0xb6: {  	_ =	sfence  }
0xb7: {  	s30 =	sld [smem:$0x0];
	_ =	sdelay $0x2  }
0xb8: {  	s31 =	sshll.u32 s1, $0xD;
	s1 =	sshrl.u32 s1, $0x2  }
0xb9: {  	s3 =	sand.u32 $0x4000, s31;
	s1 =	sadd.s32 s1, s30  }
0xba: {  	s0 =	sor.u32 s3, s0;
	s1 =	sshll.u32 s1, $0x11  }
0xbb: {  	s0 =	sor.u32 s1, s0  }
0xbc: {  	s0 =	sadd.s32 $0x8F2B, s0  }
0xbd: {  	[sflag:s0] =	ssyncadd.remote.s32 $0x1  }
0xbe: {  	_ =	sfence.sel $0xFFFF  }
0xbf: {  	[dreg:$0x0] =	wrdreg $0xFFFFFFFF;
	(pc) =	sbr.abs _section_cstart, $3  }
0xc0: {  	[dreg:$0x1] =	wrdreg $0xFFFFFFFF  }
0xc1: {  	_ =	task.clear_ibuf [dreg:s6], $0x2FFFF;
	_ =	strace $0x9FFFFFFF  }
0xc2: {  	(tm) =	ssettm $0x7FFFFFFF  }
0xc3: {  	_ =	shalt  }
tec
execute0_lowered:
.L_overlay_start_1:
0x0: {  	(tag) =	ssettag $0x1  }
0x1: {  	s14 =	rddreg [dreg:$0x0];
	s0 =	srdreg.scid  }
0x2: {  	s1 =	stileid.u32;
	s2 =	rddreg [dreg:$0x1]  }
0x3: {  	s3 =	simm.s32 $0x0;
	s31 =	sand.u32 $0x1, s0;
	s21 =	sshll.u32 s1, $0x1  }
0x4: {  	[smem:$0x7FF] =	sst s3;
	s4 =	smul.u32 $0x2800, s1;
	s0 =	sor.u32 s31, s21  }
0x5: {  	s29 =	sadd.s32 $0x28E00, s14;
	s30 =	sadd.s32 $0x30A00, s14;
	s0 =	smul.u32 $0x280, s0  }
0x6: {  	s5 =	sadd.s32 $0x2AC00, s14;
	s23 =	sshll.u32 s1, $0x6;
	_ =	strace $0x8000005C  }
0x7: {  	[dreg:$0x3] =	wrdreg s5;
	s5 =	simm.s32 $0x5;
	s0 =	sshrl.u32 s0, $0x3  }
0x8: {  	s4 =	sshrl.u32 s4, $0x2;
	s7 =	rddreg [dreg:$0x3];
	s22 =	sadd.s32 s29, s0  }
0x9: {  	s24 =	sadd.s32 s30, s0;
	s9 =	sor.u32 $0xA, s0;
	[dreg:$0x4] =	wrdreg s22  }
0xa: {  	s6 =	sadd.s32 s4, s2;
	[dreg:$0x5] =	wrdreg s24;
	s25 =	sadd.s32 s29, s9  }
0xb: {  	s4 =	sor.u32 $0x1C05, s23;
	s6 =	sshrl.u32 s6, $0x3;
	[dreg:$0x6] =	wrdreg s25  }
0xc: {  	[spmem:s6], [sflag:s4] =	dma.local [hbm:s7], $0x140  }
0xd: {  	_ =	swait.ge [sflag:s5], $0x140  }
0xe: {  	[sflag:s5] =	ssyncset.done $0x0  }
0xf: {  	[sflag:s5] =	ssyncadd.s32 $0xFFFFFEC0  }
0x10: {  	[bflag:$0x0] =	sbarrier.arrive $0xFFFF  }
0x11: {  	s26 =	rddreg [dreg:$0x4]  }
0x12: {  	[tilespmem:s3], [sflag:$0x1] =	stream.linear.gather [hbm4b:s26+s3], $0x50, $0x38;
	[tilespmem:$0x1540] =	vst v63  }
0x13: {  	s7 =	simm.s32 $0xA0;
	s8 =	rddreg [dreg:$0x5]  }
0x14: {  	[tilespmem:s7], [sflag:$0x3] =	stream.linear.gather [hbm4b:s8+s3], $0x50, $0x38;
	[tilespmem:$0x1540] =	vst v63  }
0x15: {  	s9 =	sadd.s32 s30, s9;
	s10 =	rddreg [dreg:$0x6];
	s8 =	simm.s32 $0x50  }
0x16: {  	[tilespmem:s8], [sflag:$0x2] =	stream.linear.gather [hbm4b:s10+s3], $0x50, $0x38;
	[tilespmem:$0x1540] =	vst v63  }
0x17: {  	s11 =	simm.s32 $0x1;
	[dreg:$0x7] =	wrdreg s9;
	s10 =	simm.s32 $0xF0  }
0x18: {  	[tilespmem:s10], [sflag:$0x4] =	stream.linear.gather [hbm4b:s9+s3], $0x50, $0x38;
	[tilespmem:$0x1540] =	vst v63  }
0x19: {  	_ =	swait.ge [sflag:s11], $0x50  }
0x1a: {  	[sflag:s11] =	ssyncset.done $0x0  }
0x1b: {  	s12 =	simm.s32 $0x3;
	[sflag:s11] =	ssyncadd.s32 $0xFFFFFFB0  }
0x1c: {  	_ =	swait.ge [sflag:s12], $0x50  }
0x1d: {  	s13 =	sadd.s32 $0x29800, s14;
	[sflag:s12] =	ssyncset.done $0x0  }
0x1e: {  	s9 =	smov.u32 s14;
	s14 =	simm.s32 $0x140;
	[sflag:s12] =	ssyncadd.s32 $0xFFFFFFB0  }
0x1f: {  	[tilespmem:s14], [sflag:$0x5] =	stream.indirect.gather [hbm4b:s13+s8], $0x10, s3, s8, $0xb8;
	[tilespmem:$0x1540] =	vst v63  }
0x20: {  	_ =	swait.ge [sflag:s5], $0x500  }
0x21: {  	[sflag:s5] =	ssyncset.done $0x0  }
0x22: {  	[sflag:s5] =	ssyncadd.s32 $0xFFFFFB00  }
0x23: {  	[spmem:s2] =	stream.indirect.scatter.add.f32 [tilespmem:s14], [sflag:$0x5], $0x10, s7, s8, $0xb8;
	[tilespmem:$0x1540] =	vst v63  }
0x24: {  	_ =	swait.ge [sflag:s5], $0x500  }
0x25: {  	s16 =	sadd.s32 $0x14, s0;
	[sflag:s5] =	ssyncset.done $0x0  }
0x26: {  	s15 =	sadd.s32 s29, s16;
	[sflag:s5] =	ssyncadd.s32 $0xFFFFFB00  }
0x27: {  	[tilespmem:s3], [sflag:$0x1] =	stream.linear.gather [hbm4b:s15+s3], $0x50, $0x38;
	[tilespmem:$0x1540] =	vst v63  }
0x28: {  	s17 =	simm.s32 $0x2;
	s16 =	sadd.s32 s30, s16  }
0x29: {  	[tilespmem:s7], [sflag:$0x3] =	stream.linear.gather [hbm4b:s16+s3], $0x50, $0x38;
	[tilespmem:$0x1540] =	vst v63  }
0x2a: {  	_ =	swait.ge [sflag:s17], $0x50  }
0x2b: {  	[sflag:s17] =	ssyncset.done $0x0  }
0x2c: {  	s18 =	simm.s32 $0x4;
	[sflag:s17] =	ssyncadd.s32 $0xFFFFFFB0  }
0x2d: {  	_ =	swait.ge [sflag:s18], $0x50  }
0x2e: {  	[sflag:s18] =	ssyncset.done $0x0  }
0x2f: {  	s19 =	simm.s32 $0x640;
	[sflag:s18] =	ssyncadd.s32 $0xFFFFFFB0  }
0x30: {  	[tilespmem:s19], [sflag:$0x5] =	stream.indirect.gather [hbm4b:s13+s8], $0x10, s8, s8, $0xb8;
	[tilespmem:$0x1540] =	vst v63  }
0x31: {  	_ =	swait.ge [sflag:s5], $0x500  }
0x32: {  	[sflag:s5] =	ssyncset.done $0x0  }
0x33: {  	[sflag:s5] =	ssyncadd.s32 $0xFFFFFB00  }
0x34: {  	[spmem:s2] =	stream.indirect.scatter.add.f32 [tilespmem:s19], [sflag:$0x5], $0x10, s10, s8, $0xb8;
	[tilespmem:$0x1540] =	vst v63  }
0x35: {  	_ =	swait.ge [sflag:s5], $0x500  }
0x36: {  	s21 =	sadd.s32 $0x1E, s0;
	[sflag:s5] =	ssyncset.done $0x0  }
0x37: {  	s20 =	sadd.s32 s29, s21;
	[sflag:s5] =	ssyncadd.s32 $0xFFFFFB00  }
0x38: {  	[tilespmem:s8], [sflag:$0x2] =	stream.linear.gather [hbm4b:s20+s3], $0x50, $0x38;
	[tilespmem:$0x1540] =	vst v63  }
0x39: {  	s21 =	sadd.s32 s30, s21  }
0x3a: {  	[tilespmem:s10], [sflag:$0x4] =	stream.linear.gather [hbm4b:s21+s3], $0x50, $0x38;
	[tilespmem:$0x1540] =	vst v63  }
0x3b: {  	_ =	swait.ge [sflag:s11], $0x50  }
0x3c: {  	[sflag:s11] =	ssyncset.done $0x0  }
0x3d: {  	[sflag:s11] =	ssyncadd.s32 $0xFFFFFFB0  }
0x3e: {  	_ =	swait.ge [sflag:s12], $0x50  }
0x3f: {  	[sflag:s12] =	ssyncset.done $0x0  }
0x40: {  	[sflag:s12] =	ssyncadd.s32 $0xFFFFFFB0  }
0x41: {  	[tilespmem:s14], [sflag:$0x5] =	stream.indirect.gather [hbm4b:s13+s8], $0x10, s3, s8, $0xb8;
	[tilespmem:$0x1540] =	vst v63  }
0x42: {  	_ =	swait.ge [sflag:s5], $0x500  }
0x43: {  	[sflag:s5] =	ssyncset.done $0x0  }
0x44: {  	[sflag:s5] =	ssyncadd.s32 $0xFFFFFB00  }
0x45: {  	[spmem:s2] =	stream.indirect.scatter.add.f32 [tilespmem:s14], [sflag:$0x5], $0x10, s7, s8, $0xb8;
	[tilespmem:$0x1540] =	vst v63  }
0x46: {  	_ =	swait.ge [sflag:s5], $0x500  }
0x47: {  	s23 =	sadd.s32 $0x28, s0;
	[sflag:s5] =	ssyncset.done $0x0  }
0x48: {  	s22 =	sadd.s32 s29, s23;
	[sflag:s5] =	ssyncadd.s32 $0xFFFFFB00  }
0x49: {  	[tilespmem:s3], [sflag:$0x1] =	stream.linear.gather [hbm4b:s22+s3], $0x50, $0x38;
	[tilespmem:$0x1540] =	vst v63  }
0x4a: {  	s23 =	sadd.s32 s30, s23  }
0x4b: {  	[tilespmem:s7], [sflag:$0x3] =	stream.linear.gather [hbm4b:s23+s3], $0x50, $0x38;
	[tilespmem:$0x1540] =	vst v63  }
0x4c: {  	_ =	swait.ge [sflag:s17], $0x50  }
0x4d: {  	[sflag:s17] =	ssyncset.done $0x0  }
0x4e: {  	[sflag:s17] =	ssyncadd.s32 $0xFFFFFFB0  }
0x4f: {  	_ =	swait.ge [sflag:s18], $0x50  }
0x50: {  	[sflag:s18] =	ssyncset.done $0x0  }
0x51: {  	[sflag:s18] =	ssyncadd.s32 $0xFFFFFFB0  }
0x52: {  	[tilespmem:s19], [sflag:$0x5] =	stream.indirect.gather [hbm4b:s13+s8], $0x10, s8, s8, $0xb8;
	[tilespmem:$0x1540] =	vst v63  }
0x53: {  	_ =	swait.ge [sflag:s5], $0x500  }
0x54: {  	[sflag:s5] =	ssyncset.done $0x0  }
0x55: {  	[sflag:s5] =	ssyncadd.s32 $0xFFFFFB00  }
0x56: {  	[spmem:s2] =	stream.indirect.scatter.add.f32 [tilespmem:s19], [sflag:$0x5], $0x10, s10, s8, $0xb8;
	[tilespmem:$0x1540] =	vst v63  }
0x57: {  	_ =	swait.ge [sflag:s5], $0x500  }
0x58: {  	s25 =	sadd.s32 $0x32, s0;
	[sflag:s5] =	ssyncset.done $0x0  }
0x59: {  	s24 =	sadd.s32 s29, s25;
	[sflag:s5] =	ssyncadd.s32 $0xFFFFFB00  }
0x5a: {  	[tilespmem:s8], [sflag:$0x2] =	stream.linear.gather [hbm4b:s24+s3], $0x50, $0x38;
	[tilespmem:$0x1540] =	vst v63  }
0x5b: {  	s25 =	sadd.s32 s30, s25  }
0x5c: {  	[tilespmem:s10], [sflag:$0x4] =	stream.linear.gather [hbm4b:s25+s3], $0x50, $0x38;
	[tilespmem:$0x1540] =	vst v63  }
0x5d: {  	_ =	swait.ge [sflag:s11], $0x50  }
0x5e: {  	[sflag:s11] =	ssyncset.done $0x0  }
0x5f: {  	[sflag:s11] =	ssyncadd.s32 $0xFFFFFFB0  }
0x60: {  	_ =	swait.ge [sflag:s12], $0x50  }
0x61: {  	[sflag:s12] =	ssyncset.done $0x0  }
0x62: {  	[sflag:s12] =	ssyncadd.s32 $0xFFFFFFB0  }
0x63: {  	[tilespmem:s14], [sflag:$0x5] =	stream.indirect.gather [hbm4b:s13+s8], $0x10, s3, s8, $0xb8;
	[tilespmem:$0x1540] =	vst v63  }
0x64: {  	_ =	swait.ge [sflag:s5], $0x500  }
0x65: {  	[sflag:s5] =	ssyncset.done $0x0  }
0x66: {  	[sflag:s5] =	ssyncadd.s32 $0xFFFFFB00  }
0x67: {  	[spmem:s2] =	stream.indirect.scatter.add.f32 [tilespmem:s14], [sflag:$0x5], $0x10, s7, s8, $0xb8;
	[tilespmem:$0x1540] =	vst v63  }
0x68: {  	_ =	swait.ge [sflag:s5], $0x500  }
0x69: {  	s28 =	sadd.s32 $0x3C, s0;
	[sflag:s5] =	ssyncset.done $0x0  }
0x6a: {  	s26 =	sadd.s32 s29, s28;
	[sflag:s5] =	ssyncadd.s32 $0xFFFFFB00  }
0x6b: {  	[tilespmem:s3], [sflag:$0x1] =	stream.linear.gather [hbm4b:s26+s3], $0x50, $0x38;
	[tilespmem:$0x1540] =	vst v63  }
0x6c: {  	s28 =	sadd.s32 s30, s28  }
0x6d: {  	[tilespmem:s7], [sflag:$0x3] =	stream.linear.gather [hbm4b:s28+s3], $0x50, $0x38;
	[tilespmem:$0x1540] =	vst v63  }
0x6e: {  	_ =	swait.ge [sflag:s17], $0x50  }
0x6f: {  	[sflag:s17] =	ssyncset.done $0x0  }
0x70: {  	[sflag:s17] =	ssyncadd.s32 $0xFFFFFFB0  }
0x71: {  	_ =	swait.ge [sflag:s18], $0x50  }
0x72: {  	[sflag:s18] =	ssyncset.done $0x0  }
0x73: {  	[sflag:s18] =	ssyncadd.s32 $0xFFFFFFB0  }
0x74: {  	[tilespmem:s19], [sflag:$0x5] =	stream.indirect.gather [hbm4b:s13+s8], $0x10, s8, s8, $0xb8;
	[tilespmem:$0x1540] =	vst v63  }
0x75: {  	_ =	swait.ge [sflag:s5], $0x500  }
0x76: {  	[sflag:s5] =	ssyncset.done $0x0  }
0x77: {  	[sflag:s5] =	ssyncadd.s32 $0xFFFFFB00  }
0x78: {  	[spmem:s2] =	stream.indirect.scatter.add.f32 [tilespmem:s19], [sflag:$0x5], $0x10, s10, s8, $0xb8;
	[tilespmem:$0x1540] =	vst v63  }
0x79: {  	_ =	swait.ge [sflag:s5], $0x500  }
0x7a: {  	s0 =	sadd.s32 $0x46, s0;
	[sflag:s5] =	ssyncset.done $0x0  }
0x7b: {  	s29 =	sadd.s32 s29, s0;
	[sflag:s5] =	ssyncadd.s32 $0xFFFFFB00  }
0x7c: {  	[tilespmem:s8], [sflag:$0x2] =	stream.linear.gather [hbm4b:s29+s3], $0x50, $0x38;
	[tilespmem:$0x1540] =	vst v63  }
0x7d: {  	s30 =	sadd.s32 s30, s0  }
0x7e: {  	[tilespmem:s10], [sflag:$0x4] =	stream.linear.gather [hbm4b:s30+s3], $0x50, $0x38;
	[tilespmem:$0x1540] =	vst v63  }
0x7f: {  	_ =	swait.ge [sflag:s11], $0x50  }
0x80: {  	[sflag:s11] =	ssyncset.done $0x0  }
0x81: {  	[sflag:s11] =	ssyncadd.s32 $0xFFFFFFB0  }
0x82: {  	_ =	swait.ge [sflag:s12], $0x50  }
0x83: {  	[sflag:s12] =	ssyncset.done $0x0  }
0x84: {  	[sflag:s12] =	ssyncadd.s32 $0xFFFFFFB0  }
0x85: {  	[tilespmem:s14], [sflag:$0x5] =	stream.indirect.gather [hbm4b:s13+s8], $0x10, s3, s8, $0xb8;
	[tilespmem:$0x1540] =	vst v63  }
0x86: {  	_ =	swait.ge [sflag:s5], $0x500  }
0x87: {  	[sflag:s5] =	ssyncset.done $0x0  }
0x88: {  	[sflag:s5] =	ssyncadd.s32 $0xFFFFFB00  }
0x89: {  	[spmem:s2] =	stream.indirect.scatter.add.f32 [tilespmem:s14], [sflag:$0x5], $0x10, s7, s8, $0xb8;
	[tilespmem:$0x1540] =	vst v63  }
0x8a: {  	_ =	swait.ge [sflag:s5], $0x500  }
0x8b: {  	[sflag:s5] =	ssyncset.done $0x0  }
0x8c: {  	[sflag:s5] =	ssyncadd.s32 $0xFFFFFB00  }
0x8d: {  	_ =	swait.ge [sflag:s17], $0x50  }
0x8e: {  	[sflag:s17] =	ssyncset.done $0x0  }
0x8f: {  	[sflag:s17] =	ssyncadd.s32 $0xFFFFFFB0  }
0x90: {  	_ =	swait.ge [sflag:s18], $0x50  }
0x91: {  	s1 =	smul.u32 $0x140, s1;
	[sflag:s18] =	ssyncset.done $0x0  }
0x92: {  	s0 =	smul.u32 $0x1400, s31;
	s31 =	ssub.s32 $0x2, s31;
	[sflag:s18] =	ssyncadd.s32 $0xFFFFFFB0  }
0x93: {  	[tilespmem:s19], [sflag:$0x5] =	stream.indirect.gather [hbm4b:s13+s8], $0x10, s8, s8, $0xb8;
	[tilespmem:$0x1540] =	vst v63  }
0x94: {  	s0 =	sadd.s32 s1, s0;
	s1 =	sshrl.u32 s31, $0x1;
	_ =	swait.ge [sflag:s5], $0x500  }
0x95: {  	s1 =	ssub.s32 s31, s1;
	[sflag:s5] =	ssyncset.done $0x0  }
0x96: {  	s0 =	sadd.s32 s0, s9;
	s9 =	smax.u32 s1, $0x1;
	[sflag:s5] =	ssyncadd.s32 $0xFFFFFB00  }
0x97: {  	[spmem:s2] =	stream.indirect.scatter.add.f32 [tilespmem:s19], [sflag:$0x5], $0x10, s10, s8, $0xb8;
	[tilespmem:$0x1540] =	vst v63  }
0x98: {  	p0 =	sne.s32 s9, $0x1;
	_ =	swait.ge [sflag:s5], $0x500  }
.Ltmp0:
0x99: {  	[sflag:s5] =	ssyncset.done $0x0;
	(pc) =	sbr.rel @!p0 .LBB2_2-.Ltmp0, $4  }
0x9a: {  	[sflag:s5] =	ssyncadd.s32 $0xFFFFFB00  }
0x9b: {  	s31 =	sadd.s32 $0x2AE00, s0;
	[bflag:$0x0] =	sbarrier.arrive $0xFFFF  }
0x9c: {  	[hbm:s31], [sflag:s4] =	dma.local [spmem:s6], $0x140  }
0x9d: {  	s1 =	sadd.s32 $0xFFFFFFFF, s9;
	_ =	swait.ge [sflag:s5], $0x140  }
.LBB2_1:
0x9e: {  	[sflag:s5] =	ssyncset.done $0x0  }
0x9f: {  	s0 =	rddreg [dreg:$0x3];
	[sflag:s5] =	ssyncadd.s32 $0xFFFFFEC0  }
0xa0: {  	[spmem:s6], [sflag:s4] =	dma.local [hbm:s0], $0x140  }
0xa1: {  	_ =	swait.ge [sflag:s5], $0x140  }
0xa2: {  	[sflag:s5] =	ssyncset.done $0x0  }
0xa3: {  	[sflag:s5] =	ssyncadd.s32 $0xFFFFFEC0  }
0xa4: {  	[bflag:$0x0] =	sbarrier.arrive $0xFFFF  }
0xa5: {  	s0 =	rddreg [dreg:$0x4]  }
0xa6: {  	[tilespmem:s3], [sflag:$0x1] =	stream.linear.gather [hbm4b:s0+s3], $0x50, $0x38;
	[tilespmem:$0x1540] =	vst v63  }
0xa7: {  	s9 =	rddreg [dreg:$0x5]  }
0xa8: {  	[tilespmem:s7], [sflag:$0x3] =	stream.linear.gather [hbm4b:s9+s3], $0x50, $0x38;
	[tilespmem:$0x1540] =	vst v63  }
0xa9: {  	s0 =	rddreg [dreg:$0x6]  }
0xaa: {  	[tilespmem:s8], [sflag:$0x2] =	stream.linear.gather [hbm4b:s0+s3], $0x50, $0x38;
	[tilespmem:$0x1540] =	vst v63  }
0xab: {  	s9 =	rddreg [dreg:$0x7]  }
0xac: {  	[tilespmem:s10], [sflag:$0x4] =	stream.linear.gather [hbm4b:s9+s3], $0x50, $0x38;
	[tilespmem:$0x1540] =	vst v63  }
0xad: {  	_ =	swait.ge [sflag:s11], $0x50  }
0xae: {  	[sflag:s11] =	ssyncset.done $0x0  }
0xaf: {  	[sflag:s11] =	ssyncadd.s32 $0xFFFFFFB0  }
0xb0: {  	_ =	swait.ge [sflag:s12], $0x50  }
0xb1: {  	[sflag:s12] =	ssyncset.done $0x0  }
0xb2: {  	[sflag:s12] =	ssyncadd.s32 $0xFFFFFFB0  }
0xb3: {  	[tilespmem:s14], [sflag:$0x5] =	stream.indirect.gather [hbm4b:s13+s8], $0x10, s3, s8, $0xb8;
	[tilespmem:$0x1540] =	vst v63  }
0xb4: {  	_ =	swait.ge [sflag:s5], $0x500  }
0xb5: {  	[sflag:s5] =	ssyncset.done $0x0  }
0xb6: {  	[sflag:s5] =	ssyncadd.s32 $0xFFFFFB00  }
0xb7: {  	[spmem:s2] =	stream.indirect.scatter.add.f32 [tilespmem:s14], [sflag:$0x5], $0x10, s7, s8, $0xb8;
	[tilespmem:$0x1540] =	vst v63  }
0xb8: {  	_ =	swait.ge [sflag:s5], $0x500  }
0xb9: {  	[sflag:s5] =	ssyncset.done $0x0  }
0xba: {  	[sflag:s5] =	ssyncadd.s32 $0xFFFFFB00  }
0xbb: {  	[tilespmem:s3], [sflag:$0x1] =	stream.linear.gather [hbm4b:s15+s3], $0x50, $0x38;
	[tilespmem:$0x1540] =	vst v63  }
0xbc: {  	_ = 	snop  }
0xbd: {  	[tilespmem:s7], [sflag:$0x3] =	stream.linear.gather [hbm4b:s16+s3], $0x50, $0x38;
	[tilespmem:$0x1540] =	vst v63  }
0xbe: {  	_ =	swait.ge [sflag:s17], $0x50  }
0xbf: {  	[sflag:s17] =	ssyncset.done $0x0  }
0xc0: {  	[sflag:s17] =	ssyncadd.s32 $0xFFFFFFB0  }
0xc1: {  	_ =	swait.ge [sflag:s18], $0x50  }
0xc2: {  	[sflag:s18] =	ssyncset.done $0x0  }
0xc3: {  	[sflag:s18] =	ssyncadd.s32 $0xFFFFFFB0  }
0xc4: {  	[tilespmem:s19], [sflag:$0x5] =	stream.indirect.gather [hbm4b:s13+s8], $0x10, s8, s8, $0xb8;
	[tilespmem:$0x1540] =	vst v63  }
0xc5: {  	_ =	swait.ge [sflag:s5], $0x500  }
0xc6: {  	[sflag:s5] =	ssyncset.done $0x0  }
0xc7: {  	[sflag:s5] =	ssyncadd.s32 $0xFFFFFB00  }
0xc8: {  	[spmem:s2] =	stream.indirect.scatter.add.f32 [tilespmem:s19], [sflag:$0x5], $0x10, s10, s8, $0xb8;
	[tilespmem:$0x1540] =	vst v63  }
0xc9: {  	_ =	swait.ge [sflag:s5], $0x500  }
0xca: {  	[sflag:s5] =	ssyncset.done $0x0  }
0xcb: {  	[sflag:s5] =	ssyncadd.s32 $0xFFFFFB00  }
0xcc: {  	[tilespmem:s8], [sflag:$0x2] =	stream.linear.gather [hbm4b:s20+s3], $0x50, $0x38;
	[tilespmem:$0x1540] =	vst v63  }
0xcd: {  	_ = 	snop  }
0xce: {  	[tilespmem:s10], [sflag:$0x4] =	stream.linear.gather [hbm4b:s21+s3], $0x50, $0x38;
	[tilespmem:$0x1540] =	vst v63  }
0xcf: {  	_ =	swait.ge [sflag:s11], $0x50  }
0xd0: {  	[sflag:s11] =	ssyncset.done $0x0  }
0xd1: {  	[sflag:s11] =	ssyncadd.s32 $0xFFFFFFB0  }
0xd2: {  	_ =	swait.ge [sflag:s12], $0x50  }
0xd3: {  	[sflag:s12] =	ssyncset.done $0x0  }
0xd4: {  	[sflag:s12] =	ssyncadd.s32 $0xFFFFFFB0  }
0xd5: {  	[tilespmem:s14], [sflag:$0x5] =	stream.indirect.gather [hbm4b:s13+s8], $0x10, s3, s8, $0xb8;
	[tilespmem:$0x1540] =	vst v63  }
0xd6: {  	_ =	swait.ge [sflag:s5], $0x500  }
0xd7: {  	[sflag:s5] =	ssyncset.done $0x0  }
0xd8: {  	[sflag:s5] =	ssyncadd.s32 $0xFFFFFB00  }
0xd9: {  	[spmem:s2] =	stream.indirect.scatter.add.f32 [tilespmem:s14], [sflag:$0x5], $0x10, s7, s8, $0xb8;
	[tilespmem:$0x1540] =	vst v63  }
0xda: {  	_ =	swait.ge [sflag:s5], $0x500  }
0xdb: {  	[sflag:s5] =	ssyncset.done $0x0  }
0xdc: {  	[sflag:s5] =	ssyncadd.s32 $0xFFFFFB00  }
0xdd: {  	[tilespmem:s3], [sflag:$0x1] =	stream.linear.gather [hbm4b:s22+s3], $0x50, $0x38;
	[tilespmem:$0x1540] =	vst v63  }
0xde: {  	_ = 	snop  }
0xdf: {  	[tilespmem:s7], [sflag:$0x3] =	stream.linear.gather [hbm4b:s23+s3], $0x50, $0x38;
	[tilespmem:$0x1540] =	vst v63  }
0xe0: {  	_ =	swait.ge [sflag:s17], $0x50  }
0xe1: {  	[sflag:s17] =	ssyncset.done $0x0  }
0xe2: {  	[sflag:s17] =	ssyncadd.s32 $0xFFFFFFB0  }
0xe3: {  	_ =	swait.ge [sflag:s18], $0x50  }
0xe4: {  	[sflag:s18] =	ssyncset.done $0x0  }
0xe5: {  	[sflag:s18] =	ssyncadd.s32 $0xFFFFFFB0  }
0xe6: {  	[tilespmem:s19], [sflag:$0x5] =	stream.indirect.gather [hbm4b:s13+s8], $0x10, s8, s8, $0xb8;
	[tilespmem:$0x1540] =	vst v63  }
0xe7: {  	_ =	swait.ge [sflag:s5], $0x500  }
0xe8: {  	[sflag:s5] =	ssyncset.done $0x0  }
0xe9: {  	[sflag:s5] =	ssyncadd.s32 $0xFFFFFB00  }
0xea: {  	[spmem:s2] =	stream.indirect.scatter.add.f32 [tilespmem:s19], [sflag:$0x5], $0x10, s10, s8, $0xb8;
	[tilespmem:$0x1540] =	vst v63  }
0xeb: {  	_ =	swait.ge [sflag:s5], $0x500  }
0xec: {  	[sflag:s5] =	ssyncset.done $0x0  }
0xed: {  	[sflag:s5] =	ssyncadd.s32 $0xFFFFFB00  }
0xee: {  	[tilespmem:s8], [sflag:$0x2] =	stream.linear.gather [hbm4b:s24+s3], $0x50, $0x38;
	[tilespmem:$0x1540] =	vst v63  }
0xef: {  	_ = 	snop  }
0xf0: {  	[tilespmem:s10], [sflag:$0x4] =	stream.linear.gather [hbm4b:s25+s3], $0x50, $0x38;
	[tilespmem:$0x1540] =	vst v63  }
0xf1: {  	_ =	swait.ge [sflag:s11], $0x50  }
0xf2: {  	[sflag:s11] =	ssyncset.done $0x0  }
0xf3: {  	[sflag:s11] =	ssyncadd.s32 $0xFFFFFFB0  }
0xf4: {  	_ =	swait.ge [sflag:s12], $0x50  }
0xf5: {  	[sflag:s12] =	ssyncset.done $0x0  }
0xf6: {  	[sflag:s12] =	ssyncadd.s32 $0xFFFFFFB0  }
0xf7: {  	[tilespmem:s14], [sflag:$0x5] =	stream.indirect.gather [hbm4b:s13+s8], $0x10, s3, s8, $0xb8;
	[tilespmem:$0x1540] =	vst v63  }
0xf8: {  	_ =	swait.ge [sflag:s5], $0x500  }
0xf9: {  	[sflag:s5] =	ssyncset.done $0x0  }
0xfa: {  	[sflag:s5] =	ssyncadd.s32 $0xFFFFFB00  }
0xfb: {  	[spmem:s2] =	stream.indirect.scatter.add.f32 [tilespmem:s14], [sflag:$0x5], $0x10, s7, s8, $0xb8;
	[tilespmem:$0x1540] =	vst v63  }
0xfc: {  	_ =	swait.ge [sflag:s5], $0x500  }
0xfd: {  	[sflag:s5] =	ssyncset.done $0x0  }
0xfe: {  	[sflag:s5] =	ssyncadd.s32 $0xFFFFFB00  }
0xff: {  	[tilespmem:s3], [sflag:$0x1] =	stream.linear.gather [hbm4b:s26+s3], $0x50, $0x38;
	[tilespmem:$0x1540] =	vst v63  }
0x100: {  	_ = 	snop  }
0x101: {  	[tilespmem:s7], [sflag:$0x3] =	stream.linear.gather [hbm4b:s28+s3], $0x50, $0x38;
	[tilespmem:$0x1540] =	vst v63  }
0x102: {  	_ =	swait.ge [sflag:s17], $0x50  }
0x103: {  	[sflag:s17] =	ssyncset.done $0x0  }
0x104: {  	[sflag:s17] =	ssyncadd.s32 $0xFFFFFFB0  }
0x105: {  	_ =	swait.ge [sflag:s18], $0x50  }
0x106: {  	[sflag:s18] =	ssyncset.done $0x0  }
0x107: {  	[sflag:s18] =	ssyncadd.s32 $0xFFFFFFB0  }
0x108: {  	[tilespmem:s19], [sflag:$0x5] =	stream.indirect.gather [hbm4b:s13+s8], $0x10, s8, s8, $0xb8;
	[tilespmem:$0x1540] =	vst v63  }
0x109: {  	_ =	swait.ge [sflag:s5], $0x500  }
0x10a: {  	[sflag:s5] =	ssyncset.done $0x0  }
0x10b: {  	[sflag:s5] =	ssyncadd.s32 $0xFFFFFB00  }
0x10c: {  	[spmem:s2] =	stream.indirect.scatter.add.f32 [tilespmem:s19], [sflag:$0x5], $0x10, s10, s8, $0xb8;
	[tilespmem:$0x1540] =	vst v63  }
0x10d: {  	_ =	swait.ge [sflag:s5], $0x500  }
0x10e: {  	[sflag:s5] =	ssyncset.done $0x0  }
0x10f: {  	[sflag:s5] =	ssyncadd.s32 $0xFFFFFB00  }
0x110: {  	[tilespmem:s8], [sflag:$0x2] =	stream.linear.gather [hbm4b:s29+s3], $0x50, $0x38;
	[tilespmem:$0x1540] =	vst v63  }
0x111: {  	_ = 	snop  }
0x112: {  	[tilespmem:s10], [sflag:$0x4] =	stream.linear.gather [hbm4b:s30+s3], $0x50, $0x38;
	[tilespmem:$0x1540] =	vst v63  }
0x113: {  	_ =	swait.ge [sflag:s11], $0x50  }
0x114: {  	[sflag:s11] =	ssyncset.done $0x0  }
0x115: {  	[sflag:s11] =	ssyncadd.s32 $0xFFFFFFB0  }
0x116: {  	_ =	swait.ge [sflag:s12], $0x50  }
0x117: {  	[sflag:s12] =	ssyncset.done $0x0  }
0x118: {  	[sflag:s12] =	ssyncadd.s32 $0xFFFFFFB0  }
0x119: {  	[tilespmem:s14], [sflag:$0x5] =	stream.indirect.gather [hbm4b:s13+s8], $0x10, s3, s8, $0xb8;
	[tilespmem:$0x1540] =	vst v63  }
0x11a: {  	_ =	swait.ge [sflag:s5], $0x500  }
0x11b: {  	[sflag:s5] =	ssyncset.done $0x0  }
0x11c: {  	[sflag:s5] =	ssyncadd.s32 $0xFFFFFB00  }
0x11d: {  	[spmem:s2] =	stream.indirect.scatter.add.f32 [tilespmem:s14], [sflag:$0x5], $0x10, s7, s8, $0xb8;
	[tilespmem:$0x1540] =	vst v63  }
0x11e: {  	_ =	swait.ge [sflag:s5], $0x500  }
0x11f: {  	[sflag:s5] =	ssyncset.done $0x0  }
0x120: {  	[sflag:s5] =	ssyncadd.s32 $0xFFFFFB00  }
0x121: {  	_ =	swait.ge [sflag:s17], $0x50  }
0x122: {  	[sflag:s17] =	ssyncset.done $0x0  }
0x123: {  	[sflag:s17] =	ssyncadd.s32 $0xFFFFFFB0  }
0x124: {  	_ =	swait.ge [sflag:s18], $0x50  }
0x125: {  	[sflag:s18] =	ssyncset.done $0x0  }
0x126: {  	[sflag:s18] =	ssyncadd.s32 $0xFFFFFFB0  }
0x127: {  	[tilespmem:s19], [sflag:$0x5] =	stream.indirect.gather [hbm4b:s13+s8], $0x10, s8, s8, $0xb8;
	[tilespmem:$0x1540] =	vst v63  }
0x128: {  	_ =	swait.ge [sflag:s5], $0x500  }
0x129: {  	[sflag:s5] =	ssyncset.done $0x0  }
0x12a: {  	[sflag:s5] =	ssyncadd.s32 $0xFFFFFB00  }
0x12b: {  	[spmem:s2] =	stream.indirect.scatter.add.f32 [tilespmem:s19], [sflag:$0x5], $0x10, s10, s8, $0xb8;
	[tilespmem:$0x1540] =	vst v63  }
0x12c: {  	p0 =	sne.s32 s1, $0x1;
	_ =	swait.ge [sflag:s5], $0x500  }
.Ltmp1:
0x12d: {  	[sflag:s5] =	ssyncset.done $0x0;
	(pc) =	sbr.rel @p0 .LBB2_1-.Ltmp1, $4  }
0x12e: {  	[sflag:s5] =	ssyncadd.s32 $0xFFFFFB00  }
0x12f: {  	[bflag:$0x0] =	sbarrier.arrive $0xFFFF  }
0x130: {  	[hbm:s31], [sflag:s4] =	dma.local [spmem:s6], $0x140  }
0x131: {  	s1 =	sadd.s32 $0xFFFFFFFF, s1;
	_ =	swait.ge [sflag:s5], $0x140  }
.LBB2_2:
0x132: {  	[sflag:s5] =	ssyncset.done $0x0  }
0x133: {  	[sflag:s5] =	ssyncadd.s32 $0xFFFFFEC0  }
0x134: {  	_ =	sfence.sel $0x180000  }
0x135: {  	[bflag:$0x0] =	sbarrier.arrive $0xFFFF  }
0x136: {  	_ =	strace $0x9000005C  }
0x137: {  	s0 =	stileid.u32;
	[bflag:$0x2] =	sbarrier.arrive $0xFFFF  }
0x138: {  	p0 =	sne.s32 s0, $0x0;
	s0 =	rddreg [dreg:$0x2]  }
0x139: {  	s0 =	sadd.s32 @!p0 $0x100000, s0  }
0x13a: {  	[sflag:s0] =	ssyncadd.tile.s32 @!p0 $0x1;
	_ =	shalt  }
.Lfunc_end2:
_tile_overlayer_lowered:
.L_overlay_start_2:
0x13b: {  	(tag) =	ssettag $0x2  }
0x13c: {  	s0 =	rddreg [dreg:$0x0];
	s2 =	stileid.u32  }
0x13d: {  	s1 =	rddreg [dreg:$0x1];
	p0 =	sne.s32 s2, $0x0  }
0x13e: {  	s3 =	rddreg [dreg:$0x2];
	[bflag:$0x3] =	sbarrier.arrive $0xFFFF;
	s2 =	simm.s32 @!p0 $0x1C05  }
0x13f: {  	[timem:s3], [sflag:s2] =	dma.local @!p0 [hbm:s0], s1  }
0x140: {  	s0 =	simm.s32 @!p0 $0x5  }
0x141: {  	_ =	swait.ge @!p0 [sflag:s0], s1  }
0x142: {  	s1 =	ssub.s32 @!p0 $0x0, s1;
	[sflag:s0] =	ssyncset.done @!p0 $0x0  }
0x143: {  	[sflag:s0] =	ssyncadd.s32 @!p0 s1  }
0x144: {  	[bflag:$0x3] =	sbarrier.arrive $0xFFFF  }
0x145: {  	_ =	shalt  }

</sc_bundles>
